<compile_context>
chip_gen: v7x
topology: tpu7x:2x2x1
jax: 0.10.2.dev20260603
libtpu: 0.0.44.dev20260713+nightly
codegen_flags: <defaults>
</compile_context>

<pallas_src>
import functools

import jax
import jax.numpy as jnp
from jax import lax
from jax.experimental import pallas as pl
from jax.experimental.pallas import tpu as pltpu, tpu_sc as plsc

N = 10000
K = 16
D = 256

NC = 2
NS = 16
NW = NC * NS
L = 16

G = 8
GI = G * K
TOT_GRP = N // G
BASE_GRP = TOT_GRP // NW
NGRP = BASE_GRP + 1


def _max_agg_body(idx_hbm, feat_hbm, out_hbm, idx_v, rows0, rows1, out_v,
                  sem0, sem1):
    wid = lax.axis_index("s") * NC + lax.axis_index("c")
    rows = (rows0, rows1)
    sems = (sem0, sem1)

    pltpu.sync_copy(idx_hbm.at[pl.ds(wid * (BASE_GRP * GI), BASE_GRP * GI)],
                    idx_v.at[pl.ds(0, BASE_GRP * GI)])
    extra_grp = (NW * BASE_GRP) + (wid % 2)
    pltpu.sync_copy(idx_hbm.at[pl.ds(extra_grp * GI, GI)],
                    idx_v.at[pl.ds(BASE_GRP * GI, GI)])

    def out_grp(g):
        return jnp.where(g < BASE_GRP, wid * BASE_GRP + g, extra_grp)

    pltpu.async_copy(feat_hbm.at[idx_v.at[pl.ds(0, GI)]], rows0, sem0)
    pltpu.async_copy(feat_hbm.at[idx_v.at[pl.ds(GI, GI)]], rows1, sem1)

    def pair_body(p, _):
        for b in range(2):
            g = p * 2 + b
            rb, sb = rows[b], sems[b]
            pltpu.make_async_copy(feat_hbm.at[idx_v.at[pl.ds(g * GI, GI)]],
                                  rb, sb).wait()

            def node_body(j, _):
                rbase = j * K
                for c in range(D // L):
                    col = pl.ds(c * L, L)
                    vals = [rb[rbase + r, col] for r in range(K)]
                    while len(vals) > 1:
                        vals = [jnp.maximum(a, b2)
                                for a, b2 in zip(vals[::2], vals[1::2])]
                    out_v[j, col] = vals[0]
                return 0

            lax.fori_loop(0, G, node_body, 0)

            @pl.when((g < BASE_GRP) | (wid < 2))
            def _():
                pltpu.sync_copy(out_v, out_hbm.at[pl.ds(out_grp(g) * G, G)])

            @pl.when(g + 2 < NGRP)
            def _():
                pltpu.async_copy(
                    feat_hbm.at[idx_v.at[pl.ds((g + 2) * GI, GI)]], rb, sb)
        return 0

    lax.fori_loop(0, NGRP // 2, pair_body, 0)


@functools.partial(jax.jit, static_argnums=())
def kernel(unique_nodes_list, samp_neighs, features):
    del unique_nodes_list
    idx = samp_neighs.astype(jnp.int32).reshape(N * K)

    run = pl.kernel(
        _max_agg_body,
        out_type=jax.ShapeDtypeStruct((N, D), jnp.float32),
        mesh=plsc.VectorSubcoreMesh(core_axis_name="c", subcore_axis_name="s"),
        scratch_types=[
            pltpu.VMEM((NGRP * GI,), jnp.int32),
            pltpu.VMEM((GI, D), jnp.float32),
            pltpu.VMEM((GI, D), jnp.float32),
            pltpu.VMEM((G, D), jnp.float32),
            pltpu.SemaphoreType.DMA,
            pltpu.SemaphoreType.DMA,
        ],
    )
    return run(idx, features)

# --- scband reference (transcript-rebuilt; emitter-appended) ---
"""Pipeline reference for scband-max-aggregator-9182640078907 (READ-ONLY COPY).

The authoritative reference and input builder live on the scoring server;
editing this copy changes nothing except your own understanding.
"""

import jax, jax.numpy as jnp
import numpy as np

N = 10000
K = 16
D = 256

def setup_inputs(seed: int = 0) -> dict:
    key = jax.random.key(seed)
    k1, k2 = jax.random.split(key)
    unique_nodes_list = jnp.arange(N, dtype=jnp.int64)
    samp_neighs = jax.random.randint(k1, (N, K), 0, N).astype(jnp.int64)
    features = jax.random.normal(k2, (N, D), dtype=jnp.float32)
    return {"unique_nodes_list": unique_nodes_list, "samp_neighs": samp_neighs, "features": features}

def reference(unique_nodes_list, samp_neighs, features):
    # unique_nodes_list is arange(N), so the dict {n: i} is the identity map and
    # samp_neighs already holds row indices into `features`.
    # Original loop: for each node, gather its sampled neighbor features and take
    # an elementwise max over the neighbor axis.
    nei_feats = jnp.take(features, samp_neighs, axis=0)  # [N, K, D]
    to_feats = jnp.max(nei_feats, axis=1)                # [N, D]
    return to_feats

if __name__ == "__main__":
    import jax
    _d = setup_inputs()
    print(jax.jit(kernel)(*tuple(_d.values())))

</pallas_src>

<mosaic_0001>
#map = affine_map<(d0, d1) -> (0)>
#map1 = affine_map<(d0, d1) -> (0, 0)>
module attributes {stable_mosaic.version = 14 : i64} {
  func.func @_max_agg_body(%arg0: i32, %arg1: i32, %arg2: memref<160000xi32, #tpu.memory_space<hbm>>, %arg3: memref<10000x256xf32, #tpu.memory_space<hbm>>, %arg4: memref<10000x256xf32, #tpu.memory_space<hbm>>, %arg5: memref<5120xi32, #tpu.memory_space<vmem>>, %arg6: memref<128x256xf32, #tpu.memory_space<vmem>>, %arg7: memref<128x256xf32, #tpu.memory_space<vmem>>, %arg8: memref<8x256xf32, #tpu.memory_space<vmem>>, %arg9: memref<!tpu.dma_semaphore, #tpu.memory_space<semaphore_mem>>, %arg10: memref<!tpu.dma_semaphore, #tpu.memory_space<semaphore_mem>>) attributes {dimension_semantics = [#tpu.dimension_semantics<core_parallel>, #tpu.dimension_semantics<subcore_parallel>], iteration_bounds = array<i64: 2, 16>, scalar_prefetch = 0 : i64, scratch_operands = 6 : i64, tpu.core_type = #tpu.core_type<sc_vector_subcore>, window_params = [{transform_indices = #map}, {transform_indices = #map1}, {transform_indices = #map1}]} {
    %mul3A = arith.constant 2 : i32
    %mul3A_0 = arith.muli %arg1, %mul3A : i32
    %add3A = arith.addi %mul3A_0, %arg0 : i32
    %mul3A_1 = arith.constant 4992 : i32
    %mul3A_2 = arith.muli %add3A, %mul3A_1 : i32
    "tpu.region"() ({
      %run_scoped3A = tpu.sem_alloc : memref<!tpu.dma_semaphore, #tpu.memory_space<semaphore_mem>>
      %dma_start3A_31 = arith.constant 0 : i32
      %dma_start3A_32 = tpu.memref_slice %arg5[%dma_start3A_31] : memref<5120xi32, #tpu.memory_space<vmem>> -> memref<4992xi32, #tpu.memory_space<vmem>>
      %dma_start3A_33 = tpu.memref_slice %arg2[%mul3A_2] : memref<160000xi32, #tpu.memory_space<hbm>> -> memref<4992xi32, #tpu.memory_space<hbm>>
      %dma_start3A_34 = arith.constant 0 : i32
      %dma_start3A_35 = tpu.memref_slice %arg5[%dma_start3A_34] : memref<5120xi32, #tpu.memory_space<vmem>> -> memref<4992xi32, #tpu.memory_space<vmem>>
      %dma_start3A_36 = tpu.memref_slice %arg2[%mul3A_2] : memref<160000xi32, #tpu.memory_space<hbm>> -> memref<4992xi32, #tpu.memory_space<hbm>>
      tpu.enqueue_dma source(%dma_start3A_36 : memref<4992xi32, #tpu.memory_space<hbm>>) target(%dma_start3A_35 : memref<4992xi32, #tpu.memory_space<vmem>>) target_semaphore(%run_scoped3A : memref<!tpu.dma_semaphore, #tpu.memory_space<semaphore_mem>>)
      %dma_wait3A = arith.constant 0 : i32
      %dma_wait3A_37 = tpu.memref_slice %arg5[%dma_wait3A] : memref<5120xi32, #tpu.memory_space<vmem>> -> memref<4992xi32, #tpu.memory_space<vmem>>
      %dma_wait3A_38 = tpu.memref_slice %arg2[%mul3A_2] : memref<160000xi32, #tpu.memory_space<hbm>> -> memref<4992xi32, #tpu.memory_space<hbm>>
      %dma_wait3A_39 = arith.constant 0 : i32
      %dma_wait3A_40 = tpu.memref_slice %arg5[%dma_wait3A_39] : memref<5120xi32, #tpu.memory_space<vmem>> -> memref<4992xi32, #tpu.memory_space<vmem>>
      %dma_wait3A_41 = tpu.memref_slice %arg2[%mul3A_2] : memref<160000xi32, #tpu.memory_space<hbm>> -> memref<4992xi32, #tpu.memory_space<hbm>>
      tpu.wait_dma2 semaphore(%run_scoped3A : memref<!tpu.dma_semaphore, #tpu.memory_space<semaphore_mem>>) src(%dma_wait3A_41 : memref<4992xi32, #tpu.memory_space<hbm>>) dst(%dma_wait3A_40 : memref<4992xi32, #tpu.memory_space<vmem>>)
      tpu.yield
    }) : () -> ()
    %jit3A = arith.constant 2 : i32
    %eq3A = arith.constant 0 : i32
    %eq3A_3 = arith.cmpi eq, %jit3A, %eq3A : i32
    %jit3A_4 = arith.constant 1 : i32
    %select_n3A = arith.select %eq3A_3, %jit3A_4, %jit3A : i32
    %rem3A = arith.remsi %add3A, %select_n3A : i32
    %ne3A = arith.constant 0 : i32
    %ne3A_5 = arith.cmpi ne, %rem3A, %ne3A : i32
    %lt3A = arith.constant 0 : i32
    %lt3A_6 = arith.cmpi slt, %rem3A, %lt3A : i32
    %lt3A_7 = arith.constant 0 : i32
    %lt3A_8 = arith.cmpi slt, %select_n3A, %lt3A_7 : i32
    %ne3A_9 = arith.xori %lt3A_6, %lt3A_8 : i1
    %and3A = arith.andi %ne3A_9, %ne3A_5 : i1
    %add3A_10 = arith.addi %rem3A, %select_n3A : i32
    %select_n3A_11 = arith.select %and3A, %add3A_10, %rem3A : i32
    %add3A_12 = arith.constant 1248 : i32
    %add3A_13 = arith.addi %add3A_12, %select_n3A_11 : i32
    %mul3A_14 = arith.constant 128 : i32
    %mul3A_15 = arith.muli %add3A_13, %mul3A_14 : i32
    "tpu.region"() ({
      %run_scoped3A = tpu.sem_alloc : memref<!tpu.dma_semaphore, #tpu.memory_space<semaphore_mem>>
      %dma_start3A_31 = arith.constant 4992 : i32
      %dma_start3A_32 = tpu.memref_slice %arg5[%dma_start3A_31] : memref<5120xi32, #tpu.memory_space<vmem>> -> memref<128xi32, #tpu.memory_space<vmem>>
      %dma_start3A_33 = tpu.memref_slice %arg2[%mul3A_15] : memref<160000xi32, #tpu.memory_space<hbm>> -> memref<128xi32, #tpu.memory_space<hbm>>
      %dma_start3A_34 = arith.constant 4992 : i32
      %dma_start3A_35 = tpu.memref_slice %arg5[%dma_start3A_34] : memref<5120xi32, #tpu.memory_space<vmem>> -> memref<128xi32, #tpu.memory_space<vmem>>
      %dma_start3A_36 = tpu.memref_slice %arg2[%mul3A_15] : memref<160000xi32, #tpu.memory_space<hbm>> -> memref<128xi32, #tpu.memory_space<hbm>>
      tpu.enqueue_dma source(%dma_start3A_36 : memref<128xi32, #tpu.memory_space<hbm>>) target(%dma_start3A_35 : memref<128xi32, #tpu.memory_space<vmem>>) target_semaphore(%run_scoped3A : memref<!tpu.dma_semaphore, #tpu.memory_space<semaphore_mem>>)
      %dma_wait3A = arith.constant 4992 : i32
      %dma_wait3A_37 = tpu.memref_slice %arg5[%dma_wait3A] : memref<5120xi32, #tpu.memory_space<vmem>> -> memref<128xi32, #tpu.memory_space<vmem>>
      %dma_wait3A_38 = tpu.memref_slice %arg2[%mul3A_15] : memref<160000xi32, #tpu.memory_space<hbm>> -> memref<128xi32, #tpu.memory_space<hbm>>
      %dma_wait3A_39 = arith.constant 4992 : i32
      %dma_wait3A_40 = tpu.memref_slice %arg5[%dma_wait3A_39] : memref<5120xi32, #tpu.memory_space<vmem>> -> memref<128xi32, #tpu.memory_space<vmem>>
      %dma_wait3A_41 = tpu.memref_slice %arg2[%mul3A_15] : memref<160000xi32, #tpu.memory_space<hbm>> -> memref<128xi32, #tpu.memory_space<hbm>>
      tpu.wait_dma2 semaphore(%run_scoped3A : memref<!tpu.dma_semaphore, #tpu.memory_space<semaphore_mem>>) src(%dma_wait3A_41 : memref<128xi32, #tpu.memory_space<hbm>>) dst(%dma_wait3A_40 : memref<128xi32, #tpu.memory_space<vmem>>)
      tpu.yield
    }) : () -> ()
    %dma_start3A = arith.constant 0 : i32
    %dma_start3A_16 = tpu.memref_slice %arg5[%dma_start3A] : memref<5120xi32, #tpu.memory_space<vmem>> -> memref<128xi32, #tpu.memory_space<vmem>>
    %dma_start3A_17 = arith.constant 0 : i32
    %dma_start3A_18 = arith.constant 0 : i32
    %dma_start3A_19 = tpu.memref_slice %arg3[%dma_start3A_17, %dma_start3A_18] : memref<10000x256xf32, #tpu.memory_space<hbm>> -> memref<10000x256xf32, #tpu.memory_space<hbm>>
    tpu.enqueue_indirect_dma source(%dma_start3A_19 : memref<10000x256xf32, #tpu.memory_space<hbm>>) target(%arg6 : memref<128x256xf32, #tpu.memory_space<vmem>>) offsets(%dma_start3A_16 : memref<128xi32, #tpu.memory_space<vmem>>) semaphore(%arg9 : memref<!tpu.dma_semaphore, #tpu.memory_space<semaphore_mem>>)
    %dma_start3A_20 = arith.constant 128 : i32
    %dma_start3A_21 = tpu.memref_slice %arg5[%dma_start3A_20] : memref<5120xi32, #tpu.memory_space<vmem>> -> memref<128xi32, #tpu.memory_space<vmem>>
    %dma_start3A_22 = arith.constant 0 : i32
    %dma_start3A_23 = arith.constant 0 : i32
    %dma_start3A_24 = tpu.memref_slice %arg3[%dma_start3A_22, %dma_start3A_23] : memref<10000x256xf32, #tpu.memory_space<hbm>> -> memref<10000x256xf32, #tpu.memory_space<hbm>>
    tpu.enqueue_indirect_dma source(%dma_start3A_24 : memref<10000x256xf32, #tpu.memory_space<hbm>>) target(%arg7 : memref<128x256xf32, #tpu.memory_space<vmem>>) offsets(%dma_start3A_21 : memref<128xi32, #tpu.memory_space<vmem>>) semaphore(%arg10 : memref<!tpu.dma_semaphore, #tpu.memory_space<semaphore_mem>>)
    %scan3A = arith.constant 0 : i32
    %scan3A_25 = arith.constant 0 : i32
    %scan3A_26 = arith.constant 20 : i32
    %scan3A_27 = arith.addi %scan3A_25, %scan3A_26 : i32
    %scan3A_28 = arith.constant 1 : i32
    %scan3A_29 = scf.for %scan3A_31 = %scan3A_25 to %scan3A_27 step %scan3A_28 iter_args(%scan3A_32 = %scan3A) -> (i32)  : i32 {
      %mul3A_33 = arith.constant 2 : i32
      %mul3A_34 = arith.muli %scan3A_31, %mul3A_33 : i32
      %add3A_35 = arith.constant 0 : i32
      %add3A_36 = arith.addi %mul3A_34, %add3A_35 : i32
      %mul3A_37 = arith.constant 128 : i32
      %mul3A_38 = arith.muli %add3A_36, %mul3A_37 : i32
      %dma_wait3A = tpu.memref_slice %arg5[%mul3A_38] : memref<5120xi32, #tpu.memory_space<vmem>> -> memref<128xi32, #tpu.memory_space<vmem>>
      %dma_wait3A_39 = arith.constant 0 : i32
      %dma_wait3A_40 = arith.constant 0 : i32
      %dma_wait3A_41 = tpu.memref_slice %arg3[%dma_wait3A_39, %dma_wait3A_40] : memref<10000x256xf32, #tpu.memory_space<hbm>> -> memref<10000x256xf32, #tpu.memory_space<hbm>>
      tpu.wait_indirect_dma semaphore(%arg9 : memref<!tpu.dma_semaphore, #tpu.memory_space<semaphore_mem>>) src(%dma_wait3A_41 : memref<10000x256xf32, #tpu.memory_space<hbm>>) dst(%arg6 : memref<128x256xf32, #tpu.memory_space<vmem>>)
      %scan3A_42 = arith.constant 0 : i32
      %scan3A_43 = arith.constant 0 : i32
      %scan3A_44 = arith.constant 8 : i32
      %scan3A_45 = arith.addi %scan3A_43, %scan3A_44 : i32
      %scan3A_46 = arith.constant 1 : i32
      %scan3A_47 = scf.for %scan3A_94 = %scan3A_43 to %scan3A_45 step %scan3A_46 iter_args(%scan3A_95 = %scan3A_42) -> (i32)  : i32 {
        %mul3A_96 = arith.constant 16 : i32
        %mul3A_97 = arith.muli %scan3A_94, %mul3A_96 : i32
        %add3A_98 = arith.constant 0 : i32
        %add3A_99 = arith.addi %mul3A_97, %add3A_98 : i32
        %get3A = arith.index_cast %add3A_99 : i32 to index
        %get3A_100 = arith.constant 0 : index
        %get3A_101 = tpu.vector_load %arg6[%get3A, %get3A_100] {strides = array<i32>} : memref<128x256xf32, #tpu.memory_space<vmem>>, vector<1x16xf32>,
        %get3A_102 = vector.shape_cast %get3A_101 : vector<1x16xf32> to vector<16xf32>
        %add3A_103 = arith.constant 1 : i32
        %add3A_104 = arith.addi %mul3A_97, %add3A_103 : i32
        %get3A_105 = arith.index_cast %add3A_104 : i32 to index
        %get3A_106 = arith.constant 0 : index
        %get3A_107 = tpu.vector_load %arg6[%get3A_105, %get3A_106] {strides = array<i32>} : memref<128x256xf32, #tpu.memory_space<vmem>>, vector<1x16xf32>,
        %get3A_108 = vector.shape_cast %get3A_107 : vector<1x16xf32> to vector<16xf32>
        %add3A_109 = arith.constant 2 : i32
        %add3A_110 = arith.addi %mul3A_97, %add3A_109 : i32
        %get3A_111 = arith.index_cast %add3A_110 : i32 to index
        %get3A_112 = arith.constant 0 : index
        %get3A_113 = tpu.vector_load %arg6[%get3A_111, %get3A_112] {strides = array<i32>} : memref<128x256xf32, #tpu.memory_space<vmem>>, vector<1x16xf32>,
        %get3A_114 = vector.shape_cast %get3A_113 : vector<1x16xf32> to vector<16xf32>
        %add3A_115 = arith.constant 3 : i32
        %add3A_116 = arith.addi %mul3A_97, %add3A_115 : i32
        %get3A_117 = arith.index_cast %add3A_116 : i32 to index
        %get3A_118 = arith.constant 0 : index
        %get3A_119 = tpu.vector_load %arg6[%get3A_117, %get3A_118] {strides = array<i32>} : memref<128x256xf32, #tpu.memory_space<vmem>>, vector<1x16xf32>,
        %get3A_120 = vector.shape_cast %get3A_119 : vector<1x16xf32> to vector<16xf32>
        %add3A_121 = arith.constant 4 : i32
        %add3A_122 = arith.addi %mul3A_97, %add3A_121 : i32
        %get3A_123 = arith.index_cast %add3A_122 : i32 to index
        %get3A_124 = arith.constant 0 : index
        %get3A_125 = tpu.vector_load %arg6[%get3A_123, %get3A_124] {strides = array<i32>} : memref<128x256xf32, #tpu.memory_space<vmem>>, vector<1x16xf32>,
        %get3A_126 = vector.shape_cast %get3A_125 : vector<1x16xf32> to vector<16xf32>
        %add3A_127 = arith.constant 5 : i32
        %add3A_128 = arith.addi %mul3A_97, %add3A_127 : i32
        %get3A_129 = arith.index_cast %add3A_128 : i32 to index
        %get3A_130 = arith.constant 0 : index
        %get3A_131 = tpu.vector_load %arg6[%get3A_129, %get3A_130] {strides = array<i32>} : memref<128x256xf32, #tpu.memory_space<vmem>>, vector<1x16xf32>,
        %get3A_132 = vector.shape_cast %get3A_131 : vector<1x16xf32> to vector<16xf32>
        %add3A_133 = arith.constant 6 : i32
        %add3A_134 = arith.addi %mul3A_97, %add3A_133 : i32
        %get3A_135 = arith.index_cast %add3A_134 : i32 to index
        %get3A_136 = arith.constant 0 : index
        %get3A_137 = tpu.vector_load %arg6[%get3A_135, %get3A_136] {strides = array<i32>} : memref<128x256xf32, #tpu.memory_space<vmem>>, vector<1x16xf32>,
        %get3A_138 = vector.shape_cast %get3A_137 : vector<1x16xf32> to vector<16xf32>
        %add3A_139 = arith.constant 7 : i32
        %add3A_140 = arith.addi %mul3A_97, %add3A_139 : i32
        %get3A_141 = arith.index_cast %add3A_140 : i32 to index
        %get3A_142 = arith.constant 0 : index
        %get3A_143 = tpu.vector_load %arg6[%get3A_141, %get3A_142] {strides = array<i32>} : memref<128x256xf32, #tpu.memory_space<vmem>>, vector<1x16xf32>,
        %get3A_144 = vector.shape_cast %get3A_143 : vector<1x16xf32> to vector<16xf32>
        %add3A_145 = arith.constant 8 : i32
        %add3A_146 = arith.addi %mul3A_97, %add3A_145 : i32
        %get3A_147 = arith.index_cast %add3A_146 : i32 to index
        %get3A_148 = arith.constant 0 : index
        %get3A_149 = tpu.vector_load %arg6[%get3A_147, %get3A_148] {strides = array<i32>} : memref<128x256xf32, #tpu.memory_space<vmem>>, vector<1x16xf32>,
        %get3A_150 = vector.shape_cast %get3A_149 : vector<1x16xf32> to vector<16xf32>
        %add3A_151 = arith.constant 9 : i32
        %add3A_152 = arith.addi %mul3A_97, %add3A_151 : i32
        %get3A_153 = arith.index_cast %add3A_152 : i32 to index
        %get3A_154 = arith.constant 0 : index
        %get3A_155 = tpu.vector_load %arg6[%get3A_153, %get3A_154] {strides = array<i32>} : memref<128x256xf32, #tpu.memory_space<vmem>>, vector<1x16xf32>,
        %get3A_156 = vector.shape_cast %get3A_155 : vector<1x16xf32> to vector<16xf32>
        %add3A_157 = arith.constant 10 : i32
        %add3A_158 = arith.addi %mul3A_97, %add3A_157 : i32
        %get3A_159 = arith.index_cast %add3A_158 : i32 to index
        %get3A_160 = arith.constant 0 : index
        %get3A_161 = tpu.vector_load %arg6[%get3A_159, %get3A_160] {strides = array<i32>} : memref<128x256xf32, #tpu.memory_space<vmem>>, vector<1x16xf32>,
        %get3A_162 = vector.shape_cast %get3A_161 : vector<1x16xf32> to vector<16xf32>
        %add3A_163 = arith.constant 11 : i32
        %add3A_164 = arith.addi %mul3A_97, %add3A_163 : i32
        %get3A_165 = arith.index_cast %add3A_164 : i32 to index
        %get3A_166 = arith.constant 0 : index
        %get3A_167 = tpu.vector_load %arg6[%get3A_165, %get3A_166] {strides = array<i32>} : memref<128x256xf32, #tpu.memory_space<vmem>>, vector<1x16xf32>,
        %get3A_168 = vector.shape_cast %get3A_167 : vector<1x16xf32> to vector<16xf32>
        %add3A_169 = arith.constant 12 : i32
        %add3A_170 = arith.addi %mul3A_97, %add3A_169 : i32
        %get3A_171 = arith.index_cast %add3A_170 : i32 to index
        %get3A_172 = arith.constant 0 : index
        %get3A_173 = tpu.vector_load %arg6[%get3A_171, %get3A_172] {strides = array<i32>} : memref<128x256xf32, #tpu.memory_space<vmem>>, vector<1x16xf32>,
        %get3A_174 = vector.shape_cast %get3A_173 : vector<1x16xf32> to vector<16xf32>
        %add3A_175 = arith.constant 13 : i32
        %add3A_176 = arith.addi %mul3A_97, %add3A_175 : i32
        %get3A_177 = arith.index_cast %add3A_176 : i32 to index
        %get3A_178 = arith.constant 0 : index
        %get3A_179 = tpu.vector_load %arg6[%get3A_177, %get3A_178] {strides = array<i32>} : memref<128x256xf32, #tpu.memory_space<vmem>>, vector<1x16xf32>,
        %get3A_180 = vector.shape_cast %get3A_179 : vector<1x16xf32> to vector<16xf32>
        %add3A_181 = arith.constant 14 : i32
        %add3A_182 = arith.addi %mul3A_97, %add3A_181 : i32
        %get3A_183 = arith.index_cast %add3A_182 : i32 to index
        %get3A_184 = arith.constant 0 : index
        %get3A_185 = tpu.vector_load %arg6[%get3A_183, %get3A_184] {strides = array<i32>} : memref<128x256xf32, #tpu.memory_space<vmem>>, vector<1x16xf32>,
        %get3A_186 = vector.shape_cast %get3A_185 : vector<1x16xf32> to vector<16xf32>
        %add3A_187 = arith.constant 15 : i32
        %add3A_188 = arith.addi %mul3A_97, %add3A_187 : i32
        %get3A_189 = arith.index_cast %add3A_188 : i32 to index
        %get3A_190 = arith.constant 0 : index
        %get3A_191 = tpu.vector_load %arg6[%get3A_189, %get3A_190] {strides = array<i32>} : memref<128x256xf32, #tpu.memory_space<vmem>>, vector<1x16xf32>,
        %get3A_192 = vector.shape_cast %get3A_191 : vector<1x16xf32> to vector<16xf32>
        %max3A = arith.maximumf %get3A_102, %get3A_108 : vector<16xf32>
        %max3A_193 = arith.maximumf %get3A_114, %get3A_120 : vector<16xf32>
        %max3A_194 = arith.maximumf %get3A_126, %get3A_132 : vector<16xf32>
        %max3A_195 = arith.maximumf %get3A_138, %get3A_144 : vector<16xf32>
        %max3A_196 = arith.maximumf %get3A_150, %get3A_156 : vector<16xf32>
        %max3A_197 = arith.maximumf %get3A_162, %get3A_168 : vector<16xf32>
        %max3A_198 = arith.maximumf %get3A_174, %get3A_180 : vector<16xf32>
        %max3A_199 = arith.maximumf %get3A_186, %get3A_192 : vector<16xf32>
        %max3A_200 = arith.maximumf %max3A, %max3A_193 : vector<16xf32>
        %max3A_201 = arith.maximumf %max3A_194, %max3A_195 : vector<16xf32>
        %max3A_202 = arith.maximumf %max3A_196, %max3A_197 : vector<16xf32>
        %max3A_203 = arith.maximumf %max3A_198, %max3A_199 : vector<16xf32>
        %max3A_204 = arith.maximumf %max3A_200, %max3A_201 : vector<16xf32>
        %max3A_205 = arith.maximumf %max3A_202, %max3A_203 : vector<16xf32>
        %max3A_206 = arith.maximumf %max3A_204, %max3A_205 : vector<16xf32>
        %swap3A = arith.index_cast %scan3A_94 : i32 to index
        %swap3A_207 = arith.constant 0 : index
        %swap3A_208 = tpu.vector_load %arg8[%swap3A, %swap3A_207] {strides = array<i32>} : memref<8x256xf32, #tpu.memory_space<vmem>>, vector<1x16xf32>,
        %swap3A_209 = vector.shape_cast %swap3A_208 : vector<1x16xf32> to vector<16xf32>
        %swap3A_210 = vector.shape_cast %max3A_206 : vector<16xf32> to vector<1x16xf32>
        tpu.vector_store %arg8[%swap3A, %swap3A_207], %swap3A_210 {strides = array<i32>} : memref<8x256xf32, #tpu.memory_space<vmem>>, vector<1x16xf32>,
        %add3A_211 = arith.constant 0 : i32
        %add3A_212 = arith.addi %mul3A_97, %add3A_211 : i32
        %get3A_213 = arith.index_cast %add3A_212 : i32 to index
        %get3A_214 = arith.constant 16 : index
        %get3A_215 = tpu.vector_load %arg6[%get3A_213, %get3A_214] {strides = array<i32>} : memref<128x256xf32, #tpu.memory_space<vmem>>, vector<1x16xf32>,
        %get3A_216 = vector.shape_cast %get3A_215 : vector<1x16xf32> to vector<16xf32>
        %add3A_217 = arith.constant 1 : i32
        %add3A_218 = arith.addi %mul3A_97, %add3A_217 : i32
        %get3A_219 = arith.index_cast %add3A_218 : i32 to index
        %get3A_220 = arith.constant 16 : index
        %get3A_221 = tpu.vector_load %arg6[%get3A_219, %get3A_220] {strides = array<i32>} : memref<128x256xf32, #tpu.memory_space<vmem>>, vector<1x16xf32>,
        %get3A_222 = vector.shape_cast %get3A_221 : vector<1x16xf32> to vector<16xf32>
        %add3A_223 = arith.constant 2 : i32
        %add3A_224 = arith.addi %mul3A_97, %add3A_223 : i32
        %get3A_225 = arith.index_cast %add3A_224 : i32 to index
        %get3A_226 = arith.constant 16 : index
        %get3A_227 = tpu.vector_load %arg6[%get3A_225, %get3A_226] {strides = array<i32>} : memref<128x256xf32, #tpu.memory_space<vmem>>, vector<1x16xf32>,
        %get3A_228 = vector.shape_cast %get3A_227 : vector<1x16xf32> to vector<16xf32>
        %add3A_229 = arith.constant 3 : i32
        %add3A_230 = arith.addi %mul3A_97, %add3A_229 : i32
        %get3A_231 = arith.index_cast %add3A_230 : i32 to index
        %get3A_232 = arith.constant 16 : index
        %get3A_233 = tpu.vector_load %arg6[%get3A_231, %get3A_232] {strides = array<i32>} : memref<128x256xf32, #tpu.memory_space<vmem>>, vector<1x16xf32>,
        %get3A_234 = vector.shape_cast %get3A_233 : vector<1x16xf32> to vector<16xf32>
        %add3A_235 = arith.constant 4 : i32
        %add3A_236 = arith.addi %mul3A_97, %add3A_235 : i32
        %get3A_237 = arith.index_cast %add3A_236 : i32 to index
        %get3A_238 = arith.constant 16 : index
        %get3A_239 = tpu.vector_load %arg6[%get3A_237, %get3A_238] {strides = array<i32>} : memref<128x256xf32, #tpu.memory_space<vmem>>, vector<1x16xf32>,
        %get3A_240 = vector.shape_cast %get3A_239 : vector<1x16xf32> to vector<16xf32>
        %add3A_241 = arith.constant 5 : i32
        %add3A_242 = arith.addi %mul3A_97, %add3A_241 : i32
        %get3A_243 = arith.index_cast %add3A_242 : i32 to index
        %get3A_244 = arith.constant 16 : index
        %get3A_245 = tpu.vector_load %arg6[%get3A_243, %get3A_244] {strides = array<i32>} : memref<128x256xf32, #tpu.memory_space<vmem>>, vector<1x16xf32>,
        %get3A_246 = vector.shape_cast %get3A_245 : vector<1x16xf32> to vector<16xf32>
        %add3A_247 = arith.constant 6 : i32
        %add3A_248 = arith.addi %mul3A_97, %add3A_247 : i32
        %get3A_249 = arith.index_cast %add3A_248 : i32 to index
        %get3A_250 = arith.constant 16 : index
        %get3A_251 = tpu.vector_load %arg6[%get3A_249, %get3A_250] {strides = array<i32>} : memref<128x256xf32, #tpu.memory_space<vmem>>, vector<1x16xf32>,
        %get3A_252 = vector.shape_cast %get3A_251 : vector<1x16xf32> to vector<16xf32>
        %add3A_253 = arith.constant 7 : i32
        %add3A_254 = arith.addi %mul3A_97, %add3A_253 : i32
        %get3A_255 = arith.index_cast %add3A_254 : i32 to index
        %get3A_256 = arith.constant 16 : index
        %get3A_257 = tpu.vector_load %arg6[%get3A_255, %get3A_256] {strides = array<i32>} : memref<128x256xf32, #tpu.memory_space<vmem>>, vector<1x16xf32>,
        %get3A_258 = vector.shape_cast %get3A_257 : vector<1x16xf32> to vector<16xf32>
        %add3A_259 = arith.constant 8 : i32
        %add3A_260 = arith.addi %mul3A_97, %add3A_259 : i32
        %get3A_261 = arith.index_cast %add3A_260 : i32 to index
        %get3A_262 = arith.constant 16 : index
        %get3A_263 = tpu.vector_load %arg6[%get3A_261, %get3A_262] {strides = array<i32>} : memref<128x256xf32, #tpu.memory_space<vmem>>, vector<1x16xf32>,
        %get3A_264 = vector.shape_cast %get3A_263 : vector<1x16xf32> to vector<16xf32>
        %add3A_265 = arith.constant 9 : i32
        %add3A_266 = arith.addi %mul3A_97, %add3A_265 : i32
        %get3A_267 = arith.index_cast %add3A_266 : i32 to index
        %get3A_268 = arith.constant 16 : index
        %get3A_269 = tpu.vector_load %arg6[%get3A_267, %get3A_268] {strides = array<i32>} : memref<128x256xf32, #tpu.memory_space<vmem>>, vector<1x16xf32>,
        %get3A_270 = vector.shape_cast %get3A_269 : vector<1x16xf32> to vector<16xf32>
        %add3A_271 = arith.constant 10 : i32
        %add3A_272 = arith.addi %mul3A_97, %add3A_271 : i32
        %get3A_273 = arith.index_cast %add3A_272 : i32 to index
        %get3A_274 = arith.constant 16 : index
        %get3A_275 = tpu.vector_load %arg6[%get3A_273, %get3A_274] {strides = array<i32>} : memref<128x256xf32, #tpu.memory_space<vmem>>, vector<1x16xf32>,
        %get3A_276 = vector.shape_cast %get3A_275 : vector<1x16xf32> to vector<16xf32>
        %add3A_277 = arith.constant 11 : i32
        %add3A_278 = arith.addi %mul3A_97, %add3A_277 : i32
        %get3A_279 = arith.index_cast %add3A_278 : i32 to index
        %get3A_280 = arith.constant 16 : index
        %get3A_281 = tpu.vector_load %arg6[%get3A_279, %get3A_280] {strides = array<i32>} : memref<128x256xf32, #tpu.memory_space<vmem>>, vector<1x16xf32>,
        %get3A_282 = vector.shape_cast %get3A_281 : vector<1x16xf32> to vector<16xf32>
        %add3A_283 = arith.constant 12 : i32
        %add3A_284 = arith.addi %mul3A_97, %add3A_283 : i32
        %get3A_285 = arith.index_cast %add3A_284 : i32 to index
        %get3A_286 = arith.constant 16 : index
        %get3A_287 = tpu.vector_load %arg6[%get3A_285, %get3A_286] {strides = array<i32>} : memref<128x256xf32, #tpu.memory_space<vmem>>, vector<1x16xf32>,
        %get3A_288 = vector.shape_cast %get3A_287 : vector<1x16xf32> to vector<16xf32>
        %add3A_289 = arith.constant 13 : i32
        %add3A_290 = arith.addi %mul3A_97, %add3A_289 : i32
        %get3A_291 = arith.index_cast %add3A_290 : i32 to index
        %get3A_292 = arith.constant 16 : index
        %get3A_293 = tpu.vector_load %arg6[%get3A_291, %get3A_292] {strides = array<i32>} : memref<128x256xf32, #tpu.memory_space<vmem>>, vector<1x16xf32>,
        %get3A_294 = vector.shape_cast %get3A_293 : vector<1x16xf32> to vector<16xf32>
        %add3A_295 = arith.constant 14 : i32
        %add3A_296 = arith.addi %mul3A_97, %add3A_295 : i32
        %get3A_297 = arith.index_cast %add3A_296 : i32 to index
        %get3A_298 = arith.constant 16 : index
        %get3A_299 = tpu.vector_load %arg6[%get3A_297, %get3A_298] {strides = array<i32>} : memref<128x256xf32, #tpu.memory_space<vmem>>, vector<1x16xf32>,
        %get3A_300 = vector.shape_cast %get3A_299 : vector<1x16xf32> to vector<16xf32>
        %add3A_301 = arith.constant 15 : i32
        %add3A_302 = arith.addi %mul3A_97, %add3A_301 : i32
        %get3A_303 = arith.index_cast %add3A_302 : i32 to index
        %get3A_304 = arith.constant 16 : index
        %get3A_305 = tpu.vector_load %arg6[%get3A_303, %get3A_304] {strides = array<i32>} : memref<128x256xf32, #tpu.memory_space<vmem>>, vector<1x16xf32>,
        %get3A_306 = vector.shape_cast %get3A_305 : vector<1x16xf32> to vector<16xf32>
        %max3A_307 = arith.maximumf %get3A_216, %get3A_222 : vector<16xf32>
        %max3A_308 = arith.maximumf %get3A_228, %get3A_234 : vector<16xf32>
        %max3A_309 = arith.maximumf %get3A_240, %get3A_246 : vector<16xf32>
        %max3A_310 = arith.maximumf %get3A_252, %get3A_258 : vector<16xf32>
        %max3A_311 = arith.maximumf %get3A_264, %get3A_270 : vector<16xf32>
        %max3A_312 = arith.maximumf %get3A_276, %get3A_282 : vector<16xf32>
        %max3A_313 = arith.maximumf %get3A_288, %get3A_294 : vector<16xf32>
        %max3A_314 = arith.maximumf %get3A_300, %get3A_306 : vector<16xf32>
        %max3A_315 = arith.maximumf %max3A_307, %max3A_308 : vector<16xf32>
        %max3A_316 = arith.maximumf %max3A_309, %max3A_310 : vector<16xf32>
        %max3A_317 = arith.maximumf %max3A_311, %max3A_312 : vector<16xf32>
        %max3A_318 = arith.maximumf %max3A_313, %max3A_314 : vector<16xf32>
        %max3A_319 = arith.maximumf %max3A_315, %max3A_316 : vector<16xf32>
        %max3A_320 = arith.maximumf %max3A_317, %max3A_318 : vector<16xf32>
        %max3A_321 = arith.maximumf %max3A_319, %max3A_320 : vector<16xf32>
        %swap3A_322 = arith.index_cast %scan3A_94 : i32 to index
        %swap3A_323 = arith.constant 16 : index
        %swap3A_324 = tpu.vector_load %arg8[%swap3A_322, %swap3A_323] {strides = array<i32>} : memref<8x256xf32, #tpu.memory_space<vmem>>, vector<1x16xf32>,
        %swap3A_325 = vector.shape_cast %swap3A_324 : vector<1x16xf32> to vector<16xf32>
        %swap3A_326 = vector.shape_cast %max3A_321 : vector<16xf32> to vector<1x16xf32>
        tpu.vector_store %arg8[%swap3A_322, %swap3A_323], %swap3A_326 {strides = array<i32>} : memref<8x256xf32, #tpu.memory_space<vmem>>, vector<1x16xf32>,
        %add3A_327 = arith.constant 0 : i32
        %add3A_328 = arith.addi %mul3A_97, %add3A_327 : i32
        %get3A_329 = arith.index_cast %add3A_328 : i32 to index
        %get3A_330 = arith.constant 32 : index
        %get3A_331 = tpu.vector_load %arg6[%get3A_329, %get3A_330] {strides = array<i32>} : memref<128x256xf32, #tpu.memory_space<vmem>>, vector<1x16xf32>,
        %get3A_332 = vector.shape_cast %get3A_331 : vector<1x16xf32> to vector<16xf32>
        %add3A_333 = arith.constant 1 : i32
        %add3A_334 = arith.addi %mul3A_97, %add3A_333 : i32
        %get3A_335 = arith.index_cast %add3A_334 : i32 to index
        %get3A_336 = arith.constant 32 : index
        %get3A_337 = tpu.vector_load %arg6[%get3A_335, %get3A_336] {strides = array<i32>} : memref<128x256xf32, #tpu.memory_space<vmem>>, vector<1x16xf32>,
        %get3A_338 = vector.shape_cast %get3A_337 : vector<1x16xf32> to vector<16xf32>
        %add3A_339 = arith.constant 2 : i32
        %add3A_340 = arith.addi %mul3A_97, %add3A_339 : i32
        %get3A_341 = arith.index_cast %add3A_340 : i32 to index
        %get3A_342 = arith.constant 32 : index
        %get3A_343 = tpu.vector_load %arg6[%get3A_341, %get3A_342] {strides = array<i32>} : memref<128x256xf32, #tpu.memory_space<vmem>>, vector<1x16xf32>,
        %get3A_344 = vector.shape_cast %get3A_343 : vector<1x16xf32> to vector<16xf32>
        %add3A_345 = arith.constant 3 : i32
        %add3A_346 = arith.addi %mul3A_97, %add3A_345 : i32
        %get3A_347 = arith.index_cast %add3A_346 : i32 to index
        %get3A_348 = arith.constant 32 : index
        %get3A_349 = tpu.vector_load %arg6[%get3A_347, %get3A_348] {strides = array<i32>} : memref<128x256xf32, #tpu.memory_space<vmem>>, vector<1x16xf32>,
        %get3A_350 = vector.shape_cast %get3A_349 : vector<1x16xf32> to vector<16xf32>
        %add3A_351 = arith.constant 4 : i32
        %add3A_352 = arith.addi %mul3A_97, %add3A_351 : i32
        %get3A_353 = arith.index_cast %add3A_352 : i32 to index
        %get3A_354 = arith.constant 32 : index
        %get3A_355 = tpu.vector_load %arg6[%get3A_353, %get3A_354] {strides = array<i32>} : memref<128x256xf32, #tpu.memory_space<vmem>>, vector<1x16xf32>,
        %get3A_356 = vector.shape_cast %get3A_355 : vector<1x16xf32> to vector<16xf32>
        %add3A_357 = arith.constant 5 : i32
        %add3A_358 = arith.addi %mul3A_97, %add3A_357 : i32
        %get3A_359 = arith.index_cast %add3A_358 : i32 to index
        %get3A_360 = arith.constant 32 : index
        %get3A_361 = tpu.vector_load %arg6[%get3A_359, %get3A_360] {strides = array<i32>} : memref<128x256xf32, #tpu.memory_space<vmem>>, vector<1x16xf32>,
        %get3A_362 = vector.shape_cast %get3A_361 : vector<1x16xf32> to vector<16xf32>
        %add3A_363 = arith.constant 6 : i32
        %add3A_364 = arith.addi %mul3A_97, %add3A_363 : i32
        %get3A_365 = arith.index_cast %add3A_364 : i32 to index
        %get3A_366 = arith.constant 32 : index
        %get3A_367 = tpu.vector_load %arg6[%get3A_365, %get3A_366] {strides = array<i32>} : memref<128x256xf32, #tpu.memory_space<vmem>>, vector<1x16xf32>,
        %get3A_368 = vector.shape_cast %get3A_367 : vector<1x16xf32> to vector<16xf32>
        %add3A_369 = arith.constant 7 : i32
        %add3A_370 = arith.addi %mul3A_97, %add3A_369 : i32
        %get3A_371 = arith.index_cast %add3A_370 : i32 to index
        %get3A_372 = arith.constant 32 : index
        %get3A_373 = tpu.vector_load %arg6[%get3A_371, %get3A_372] {strides = array<i32>} : memref<128x256xf32, #tpu.memory_space<vmem>>, vector<1x16xf32>,
        %get3A_374 = vector.shape_cast %get3A_373 : vector<1x16xf32> to vector<16xf32>
        %add3A_375 = arith.constant 8 : i32
        %add3A_376 = arith.addi %mul3A_97, %add3A_375 : i32
        %get3A_377 = arith.index_cast %add3A_376 : i32 to index
        %get3A_378 = arith.constant 32 : index
        %get3A_379 = tpu.vector_load %arg6[%get3A_377, %get3A_378] {strides = array<i32>} : memref<128x256xf32, #tpu.memory_space<vmem>>, vector<1x16xf32>,
        %get3A_380 = vector.shape_cast %get3A_379 : vector<1x16xf32> to vector<16xf32>
        %add3A_381 = arith.constant 9 : i32
        %add3A_382 = arith.addi %mul3A_97, %add3A_381 : i32
        %get3A_383 = arith.index_cast %add3A_382 : i32 to index
        %get3A_384 = arith.constant 32 : index
        %get3A_385 = tpu.vector_load %arg6[%get3A_383, %get3A_384] {strides = array<i32>} : memref<128x256xf32, #tpu.memory_space<vmem>>, vector<1x16xf32>,
        %get3A_386 = vector.shape_cast %get3A_385 : vector<1x16xf32> to vector<16xf32>
        %add3A_387 = arith.constant 10 : i32
        %add3A_388 = arith.addi %mul3A_97, %add3A_387 : i32
        %get3A_389 = arith.index_cast %add3A_388 : i32 to index
        %get3A_390 = arith.constant 32 : index
        %get3A_391 = tpu.vector_load %arg6[%get3A_389, %get3A_390] {strides = array<i32>} : memref<128x256xf32, #tpu.memory_space<vmem>>, vector<1x16xf32>,
        %get3A_392 = vector.shape_cast %get3A_391 : vector<1x16xf32> to vector<16xf32>
        %add3A_393 = arith.constant 11 : i32
        %add3A_394 = arith.addi %mul3A_97, %add3A_393 : i32
        %get3A_395 = arith.index_cast %add3A_394 : i32 to index
        %get3A_396 = arith.constant 32 : index
        %get3A_397 = tpu.vector_load %arg6[%get3A_395, %get3A_396] {strides = array<i32>} : memref<128x256xf32, #tpu.memory_space<vmem>>, vector<1x16xf32>,
        %get3A_398 = vector.shape_cast %get3A_397 : vector<1x16xf32> to vector<16xf32>
        %add3A_399 = arith.constant 12 : i32
        %add3A_400 = arith.addi %mul3A_97, %add3A_399 : i32
        %get3A_401 = arith.index_cast %add3A_400 : i32 to index
        %get3A_402 = arith.constant 32 : index
        %get3A_403 = tpu.vector_load %arg6[%get3A_401, %get3A_402] {strides = array<i32>} : memref<128x256xf32, #tpu.memory_space<vmem>>, vector<1x16xf32>,
        %get3A_404 = vector.shape_cast %get3A_403 : vector<1x16xf32> to vector<16xf32>
        %add3A_405 = arith.constant 13 : i32
        %add3A_406 = arith.addi %mul3A_97, %add3A_405 : i32
        %get3A_407 = arith.index_cast %add3A_406 : i32 to index
        %get3A_408 = arith.constant 32 : index
        %get3A_409 = tpu.vector_load %arg6[%get3A_407, %get3A_408] {strides = array<i32>} : memref<128x256xf32, #tpu.memory_space<vmem>>, vector<1x16xf32>,
        %get3A_410 = vector.shape_cast %get3A_409 : vector<1x16xf32> to vector<16xf32>
        %add3A_411 = arith.constant 14 : i32
        %add3A_412 = arith.addi %mul3A_97, %add3A_411 : i32
        %get3A_413 = arith.index_cast %add3A_412 : i32 to index
        %get3A_414 = arith.constant 32 : index
        %get3A_415 = tpu.vector_load %arg6[%get3A_413, %get3A_414] {strides = array<i32>} : memref<128x256xf32, #tpu.memory_space<vmem>>, vector<1x16xf32>,
        %get3A_416 = vector.shape_cast %get3A_415 : vector<1x16xf32> to vector<16xf32>
        %add3A_417 = arith.constant 15 : i32
        %add3A_418 = arith.addi %mul3A_97, %add3A_417 : i32
        %get3A_419 = arith.index_cast %add3A_418 : i32 to index
        %get3A_420 = arith.constant 32 : index
        %get3A_421 = tpu.vector_load %arg6[%get3A_419, %get3A_420] {strides = array<i32>} : memref<128x256xf32, #tpu.memory_space<vmem>>, vector<1x16xf32>,
        %get3A_422 = vector.shape_cast %get3A_421 : vector<1x16xf32> to vector<16xf32>
        %max3A_423 = arith.maximumf %get3A_332, %get3A_338 : vector<16xf32>
        %max3A_424 = arith.maximumf %get3A_344, %get3A_350 : vector<16xf32>
        %max3A_425 = arith.maximumf %get3A_356, %get3A_362 : vector<16xf32>
        %max3A_426 = arith.maximumf %get3A_368, %get3A_374 : vector<16xf32>
        %max3A_427 = arith.maximumf %get3A_380, %get3A_386 : vector<16xf32>
        %max3A_428 = arith.maximumf %get3A_392, %get3A_398 : vector<16xf32>
        %max3A_429 = arith.maximumf %get3A_404, %get3A_410 : vector<16xf32>
        %max3A_430 = arith.maximumf %get3A_416, %get3A_422 : vector<16xf32>
        %max3A_431 = arith.maximumf %max3A_423, %max3A_424 : vector<16xf32>
        %max3A_432 = arith.maximumf %max3A_425, %max3A_426 : vector<16xf32>
        %max3A_433 = arith.maximumf %max3A_427, %max3A_428 : vector<16xf32>
        %max3A_434 = arith.maximumf %max3A_429, %max3A_430 : vector<16xf32>
        %max3A_435 = arith.maximumf %max3A_431, %max3A_432 : vector<16xf32>
        %max3A_436 = arith.maximumf %max3A_433, %max3A_434 : vector<16xf32>
        %max3A_437 = arith.maximumf %max3A_435, %max3A_436 : vector<16xf32>
        %swap3A_438 = arith.index_cast %scan3A_94 : i32 to index
        %swap3A_439 = arith.constant 32 : index
        %swap3A_440 = tpu.vector_load %arg8[%swap3A_438, %swap3A_439] {strides = array<i32>} : memref<8x256xf32, #tpu.memory_space<vmem>>, vector<1x16xf32>,
        %swap3A_441 = vector.shape_cast %swap3A_440 : vector<1x16xf32> to vector<16xf32>
        %swap3A_442 = vector.shape_cast %max3A_437 : vector<16xf32> to vector<1x16xf32>
        tpu.vector_store %arg8[%swap3A_438, %swap3A_439], %swap3A_442 {strides = array<i32>} : memref<8x256xf32, #tpu.memory_space<vmem>>, vector<1x16xf32>,
        %add3A_443 = arith.constant 0 : i32
        %add3A_444 = arith.addi %mul3A_97, %add3A_443 : i32
        %get3A_445 = arith.index_cast %add3A_444 : i32 to index
        %get3A_446 = arith.constant 48 : index
        %get3A_447 = tpu.vector_load %arg6[%get3A_445, %get3A_446] {strides = array<i32>} : memref<128x256xf32, #tpu.memory_space<vmem>>, vector<1x16xf32>,
        %get3A_448 = vector.shape_cast %get3A_447 : vector<1x16xf32> to vector<16xf32>
        %add3A_449 = arith.constant 1 : i32
        %add3A_450 = arith.addi %mul3A_97, %add3A_449 : i32
        %get3A_451 = arith.index_cast %add3A_450 : i32 to index
        %get3A_452 = arith.constant 48 : index
        %get3A_453 = tpu.vector_load %arg6[%get3A_451, %get3A_452] {strides = array<i32>} : memref<128x256xf32, #tpu.memory_space<vmem>>, vector<1x16xf32>,
        %get3A_454 = vector.shape_cast %get3A_453 : vector<1x16xf32> to vector<16xf32>
        %add3A_455 = arith.constant 2 : i32
        %add3A_456 = arith.addi %mul3A_97, %add3A_455 : i32
        %get3A_457 = arith.index_cast %add3A_456 : i32 to index
        %get3A_458 = arith.constant 48 : index
        %get3A_459 = tpu.vector_load %arg6[%get3A_457, %get3A_458] {strides = array<i32>} : memref<128x256xf32, #tpu.memory_space<vmem>>, vector<1x16xf32>,
        %get3A_460 = vector.shape_cast %get3A_459 : vector<1x16xf32> to vector<16xf32>
        %add3A_461 = arith.constant 3 : i32
        %add3A_462 = arith.addi %mul3A_97, %add3A_461 : i32
        %get3A_463 = arith.index_cast %add3A_462 : i32 to index
        %get3A_464 = arith.constant 48 : index
        %get3A_465 = tpu.vector_load %arg6[%get3A_463, %get3A_464] {strides = array<i32>} : memref<128x256xf32, #tpu.memory_space<vmem>>, vector<1x16xf32>,
        %get3A_466 = vector.shape_cast %get3A_465 : vector<1x16xf32> to vector<16xf32>
        %add3A_467 = arith.constant 4 : i32
        %add3A_468 = arith.addi %mul3A_97, %add3A_467 : i32
        %get3A_469 = arith.index_cast %add3A_468 : i32 to index
        %get3A_470 = arith.constant 48 : index
        %get3A_471 = tpu.vector_load %arg6[%get3A_469, %get3A_470] {strides = array<i32>} : memref<128x256xf32, #tpu.memory_space<vmem>>, vector<1x16xf32>,
        %get3A_472 = vector.shape_cast %get3A_471 : vector<1x16xf32> to vector<16xf32>
        %add3A_473 = arith.constant 5 : i32
        %add3A_474 = arith.addi %mul3A_97, %add3A_473 : i32
        %get3A_475 = arith.index_cast %add3A_474 : i32 to index
        %get3A_476 = arith.constant 48 : index
        %get3A_477 = tpu.vector_load %arg6[%get3A_475, %get3A_476] {strides = array<i32>} : memref<128x256xf32, #tpu.memory_space<vmem>>, vector<1x16xf32>,
        %get3A_478 = vector.shape_cast %get3A_477 : vector<1x16xf32> to vector<16xf32>
        %add3A_479 = arith.constant 6 : i32
        %add3A_480 = arith.addi %mul3A_97, %add3A_479 : i32
        %get3A_481 = arith.index_cast %add3A_480 : i32 to index
        %get3A_482 = arith.constant 48 : index
        %get3A_483 = tpu.vector_load %arg6[%get3A_481, %get3A_482] {strides = array<i32>} : memref<128x256xf32, #tpu.memory_space<vmem>>, vector<1x16xf32>,
        %get3A_484 = vector.shape_cast %get3A_483 : vector<1x16xf32> to vector<16xf32>
        %add3A_485 = arith.constant 7 : i32
        %add3A_486 = arith.addi %mul3A_97, %add3A_485 : i32
        %get3A_487 = arith.index_cast %add3A_486 : i32 to index
        %get3A_488 = arith.constant 48 : index
        %get3A_489 = tpu.vector_load %arg6[%get3A_487, %get3A_488] {strides = array<i32>} : memref<128x256xf32, #tpu.memory_space<vmem>>, vector<1x16xf32>,
        %get3A_490 = vector.shape_cast %get3A_489 : vector<1x16xf32> to vector<16xf32>
        %add3A_491 = arith.constant 8 : i32
        %add3A_492 = arith.addi %mul3A_97, %add3A_491 : i32
        %get3A_493 = arith.index_cast %add3A_492 : i32 to index
        %get3A_494 = arith.constant 48 : index
        %get3A_495 = tpu.vector_load %arg6[%get3A_493, %get3A_494] {strides = array<i32>} : memref<128x256xf32, #tpu.memory_space<vmem>>, vector<1x16xf32>,
        %get3A_496 = vector.shape_cast %get3A_495 : vector<1x16xf32> to vector<16xf32>
        %add3A_497 = arith.constant 9 : i32
        %add3A_498 = arith.addi %mul3A_97, %add3A_497 : i32
        %get3A_499 = arith.index_cast %add3A_498 : i32 to index
        %get3A_500 = arith.constant 48 : index
        %get3A_501 = tpu.vector_load %arg6[%get3A_499, %get3A_500] {strides = array<i32>} : memref<128x256xf32, #tpu.memory_space<vmem>>, vector<1x16xf32>,
        %get3A_502 = vector.shape_cast %get3A_501 : vector<1x16xf32> to vector<16xf32>
        %add3A_503 = arith.constant 10 : i32
        %add3A_504 = arith.addi %mul3A_97, %add3A_503 : i32
        %get3A_505 = arith.index_cast %add3A_504 : i32 to index
        %get3A_506 = arith.constant 48 : index
        %get3A_507 = tpu.vector_load %arg6[%get3A_505, %get3A_506] {strides = array<i32>} : memref<128x256xf32, #tpu.memory_space<vmem>>, vector<1x16xf32>,
        %get3A_508 = vector.shape_cast %get3A_507 : vector<1x16xf32> to vector<16xf32>
        %add3A_509 = arith.constant 11 : i32
        %add3A_510 = arith.addi %mul3A_97, %add3A_509 : i32
        %get3A_511 = arith.index_cast %add3A_510 : i32 to index
        %get3A_512 = arith.constant 48 : index
        %get3A_513 = tpu.vector_load %arg6[%get3A_511, %get3A_512] {strides = array<i32>} : memref<128x256xf32, #tpu.memory_space<vmem>>, vector<1x16xf32>,
        %get3A_514 = vector.shape_cast %get3A_513 : vector<1x16xf32> to vector<16xf32>
        %add3A_515 = arith.constant 12 : i32
        %add3A_516 = arith.addi %mul3A_97, %add3A_515 : i32
        %get3A_517 = arith.index_cast %add3A_516 : i32 to index
        %get3A_518 = arith.constant 48 : index
        %get3A_519 = tpu.vector_load %arg6[%get3A_517, %get3A_518] {strides = array<i32>} : memref<128x256xf32, #tpu.memory_space<vmem>>, vector<1x16xf32>,
        %get3A_520 = vector.shape_cast %get3A_519 : vector<1x16xf32> to vector<16xf32>
        %add3A_521 = arith.constant 13 : i32
        %add3A_522 = arith.addi %mul3A_97, %add3A_521 : i32
        %get3A_523 = arith.index_cast %add3A_522 : i32 to index
        %get3A_524 = arith.constant 48 : index
        %get3A_525 = tpu.vector_load %arg6[%get3A_523, %get3A_524] {strides = array<i32>} : memref<128x256xf32, #tpu.memory_space<vmem>>, vector<1x16xf32>,
        %get3A_526 = vector.shape_cast %get3A_525 : vector<1x16xf32> to vector<16xf32>
        %add3A_527 = arith.constant 14 : i32
        %add3A_528 = arith.addi %mul3A_97, %add3A_527 : i32
        %get3A_529 = arith.index_cast %add3A_528 : i32 to index
        %get3A_530 = arith.constant 48 : index
        %get3A_531 = tpu.vector_load %arg6[%get3A_529, %get3A_530] {strides = array<i32>} : memref<128x256xf32, #tpu.memory_space<vmem>>, vector<1x16xf32>,
        %get3A_532 = vector.shape_cast %get3A_531 : vector<1x16xf32> to vector<16xf32>
        %add3A_533 = arith.constant 15 : i32
        %add3A_534 = arith.addi %mul3A_97, %add3A_533 : i32
        %get3A_535 = arith.index_cast %add3A_534 : i32 to index
        %get3A_536 = arith.constant 48 : index
        %get3A_537 = tpu.vector_load %arg6[%get3A_535, %get3A_536] {strides = array<i32>} : memref<128x256xf32, #tpu.memory_space<vmem>>, vector<1x16xf32>,
        %get3A_538 = vector.shape_cast %get3A_537 : vector<1x16xf32> to vector<16xf32>
        %max3A_539 = arith.maximumf %get3A_448, %get3A_454 : vector<16xf32>
        %max3A_540 = arith.maximumf %get3A_460, %get3A_466 : vector<16xf32>
        %max3A_541 = arith.maximumf %get3A_472, %get3A_478 : vector<16xf32>
        %max3A_542 = arith.maximumf %get3A_484, %get3A_490 : vector<16xf32>
        %max3A_543 = arith.maximumf %get3A_496, %get3A_502 : vector<16xf32>
        %max3A_544 = arith.maximumf %get3A_508, %get3A_514 : vector<16xf32>
        %max3A_545 = arith.maximumf %get3A_520, %get3A_526 : vector<16xf32>
        %max3A_546 = arith.maximumf %get3A_532, %get3A_538 : vector<16xf32>
        %max3A_547 = arith.maximumf %max3A_539, %max3A_540 : vector<16xf32>
        %max3A_548 = arith.maximumf %max3A_541, %max3A_542 : vector<16xf32>
        %max3A_549 = arith.maximumf %max3A_543, %max3A_544 : vector<16xf32>
        %max3A_550 = arith.maximumf %max3A_545, %max3A_546 : vector<16xf32>
        %max3A_551 = arith.maximumf %max3A_547, %max3A_548 : vector<16xf32>
        %max3A_552 = arith.maximumf %max3A_549, %max3A_550 : vector<16xf32>
        %max3A_553 = arith.maximumf %max3A_551, %max3A_552 : vector<16xf32>
        %swap3A_554 = arith.index_cast %scan3A_94 : i32 to index
        %swap3A_555 = arith.constant 48 : index
        %swap3A_556 = tpu.vector_load %arg8[%swap3A_554, %swap3A_555] {strides = array<i32>} : memref<8x256xf32, #tpu.memory_space<vmem>>, vector<1x16xf32>,
        %swap3A_557 = vector.shape_cast %swap3A_556 : vector<1x16xf32> to vector<16xf32>
        %swap3A_558 = vector.shape_cast %max3A_553 : vector<16xf32> to vector<1x16xf32>
        tpu.vector_store %arg8[%swap3A_554, %swap3A_555], %swap3A_558 {strides = array<i32>} : memref<8x256xf32, #tpu.memory_space<vmem>>, vector<1x16xf32>,
        %add3A_559 = arith.constant 0 : i32
        %add3A_560 = arith.addi %mul3A_97, %add3A_559 : i32
        %get3A_561 = arith.index_cast %add3A_560 : i32 to index
        %get3A_562 = arith.constant 64 : index
        %get3A_563 = tpu.vector_load %arg6[%get3A_561, %get3A_562] {strides = array<i32>} : memref<128x256xf32, #tpu.memory_space<vmem>>, vector<1x16xf32>,
        %get3A_564 = vector.shape_cast %get3A_563 : vector<1x16xf32> to vector<16xf32>
        %add3A_565 = arith.constant 1 : i32
        %add3A_566 = arith.addi %mul3A_97, %add3A_565 : i32
        %get3A_567 = arith.index_cast %add3A_566 : i32 to index
        %get3A_568 = arith.constant 64 : index
        %get3A_569 = tpu.vector_load %arg6[%get3A_567, %get3A_568] {strides = array<i32>} : memref<128x256xf32, #tpu.memory_space<vmem>>, vector<1x16xf32>,
        %get3A_570 = vector.shape_cast %get3A_569 : vector<1x16xf32> to vector<16xf32>
        %add3A_571 = arith.constant 2 : i32
        %add3A_572 = arith.addi %mul3A_97, %add3A_571 : i32
        %get3A_573 = arith.index_cast %add3A_572 : i32 to index
        %get3A_574 = arith.constant 64 : index
        %get3A_575 = tpu.vector_load %arg6[%get3A_573, %get3A_574] {strides = array<i32>} : memref<128x256xf32, #tpu.memory_space<vmem>>, vector<1x16xf32>,
        %get3A_576 = vector.shape_cast %get3A_575 : vector<1x16xf32> to vector<16xf32>
        %add3A_577 = arith.constant 3 : i32
        %add3A_578 = arith.addi %mul3A_97, %add3A_577 : i32
        %get3A_579 = arith.index_cast %add3A_578 : i32 to index
        %get3A_580 = arith.constant 64 : index
        %get3A_581 = tpu.vector_load %arg6[%get3A_579, %get3A_580] {strides = array<i32>} : memref<128x256xf32, #tpu.memory_space<vmem>>, vector<1x16xf32>,
        %get3A_582 = vector.shape_cast %get3A_581 : vector<1x16xf32> to vector<16xf32>
        %add3A_583 = arith.constant 4 : i32
        %add3A_584 = arith.addi %mul3A_97, %add3A_583 : i32
        %get3A_585 = arith.index_cast %add3A_584 : i32 to index
        %get3A_586 = arith.constant 64 : index
        %get3A_587 = tpu.vector_load %arg6[%get3A_585, %get3A_586] {strides = array<i32>} : memref<128x256xf32, #tpu.memory_space<vmem>>, vector<1x16xf32>,
        %get3A_588 = vector.shape_cast %get3A_587 : vector<1x16xf32> to vector<16xf32>
        %add3A_589 = arith.constant 5 : i32
        %add3A_590 = arith.addi %mul3A_97, %add3A_589 : i32
        %get3A_591 = arith.index_cast %add3A_590 : i32 to index
        %get3A_592 = arith.constant 64 : index
        %get3A_593 = tpu.vector_load %arg6[%get3A_591, %get3A_592] {strides = array<i32>} : memref<128x256xf32, #tpu.memory_space<vmem>>, vector<1x16xf32>,
        %get3A_594 = vector.shape_cast %get3A_593 : vector<1x16xf32> to vector<16xf32>
        %add3A_595 = arith.constant 6 : i32
        %add3A_596 = arith.addi %mul3A_97, %add3A_595 : i32
        %get3A_597 = arith.index_cast %add3A_596 : i32 to index
        %get3A_598 = arith.constant 64 : index
        %get3A_599 = tpu.vector_load %arg6[%get3A_597, %get3A_598] {strides = array<i32>} : memref<128x256xf32, #tpu.memory_space<vmem>>, vector<1x16xf32>,
        %get3A_600 = vector.shape_cast %get3A_599 : vector<1x16xf32> to vector<16xf32>
        %add3A_601 = arith.constant 7 : i32
        %add3A_602 = arith.addi %mul3A_97, %add3A_601 : i32
        %get3A_603 = arith.index_cast %add3A_602 : i32 to index
        %get3A_604 = arith.constant 64 : index
        %get3A_605 = tpu.vector_load %arg6[%get3A_603, %get3A_604] {strides = array<i32>} : memref<128x256xf32, #tpu.memory_space<vmem>>, vector<1x16xf32>,
        %get3A_606 = vector.shape_cast %get3A_605 : vector<1x16xf32> to vector<16xf32>
        %add3A_607 = arith.constant 8 : i32
        %add3A_608 = arith.addi %mul3A_97, %add3A_607 : i32
        %get3A_609 = arith.index_cast %add3A_608 : i32 to index
        %get3A_610 = arith.constant 64 : index
        %get3A_611 = tpu.vector_load %arg6[%get3A_609, %get3A_610] {strides = array<i32>} : memref<128x256xf32, #tpu.memory_space<vmem>>, vector<1x16xf32>,
        %get3A_612 = vector.shape_cast %get3A_611 : vector<1x16xf32> to vector<16xf32>
        %add3A_613 = arith.constant 9 : i32
        %add3A_614 = arith.addi %mul3A_97, %add3A_613 : i32
        %get3A_615 = arith.index_cast %add3A_614 : i32 to index
        %get3A_616 = arith.constant 64 : index
        %get3A_617 = tpu.vector_load %arg6[%get3A_615, %get3A_616] {strides = array<i32>} : memref<128x256xf32, #tpu.memory_space<vmem>>, vector<1x16xf32>,
        %get3A_618 = vector.shape_cast %get3A_617 : vector<1x16xf32> to vector<16xf32>
        %add3A_619 = arith.constant 10 : i32
        %add3A_620 = arith.addi %mul3A_97, %add3A_619 : i32
        %get3A_621 = arith.index_cast %add3A_620 : i32 to index
        %get3A_622 = arith.constant 64 : index
        %get3A_623 = tpu.vector_load %arg6[%get3A_621, %get3A_622] {strides = array<i32>} : memref<128x256xf32, #tpu.memory_space<vmem>>, vector<1x16xf32>,
        %get3A_624 = vector.shape_cast %get3A_623 : vector<1x16xf32> to vector<16xf32>
        %add3A_625 = arith.constant 11 : i32
        %add3A_626 = arith.addi %mul3A_97, %add3A_625 : i32
        %get3A_627 = arith.index_cast %add3A_626 : i32 to index
        %get3A_628 = arith.constant 64 : index
        %get3A_629 = tpu.vector_load %arg6[%get3A_627, %get3A_628] {strides = array<i32>} : memref<128x256xf32, #tpu.memory_space<vmem>>, vector<1x16xf32>,
        %get3A_630 = vector.shape_cast %get3A_629 : vector<1x16xf32> to vector<16xf32>
        %add3A_631 = arith.constant 12 : i32
        %add3A_632 = arith.addi %mul3A_97, %add3A_631 : i32
        %get3A_633 = arith.index_cast %add3A_632 : i32 to index
        %get3A_634 = arith.constant 64 : index
        %get3A_635 = tpu.vector_load %arg6[%get3A_633, %get3A_634] {strides = array<i32>} : memref<128x256xf32, #tpu.memory_space<vmem>>, vector<1x16xf32>,
        %get3A_636 = vector.shape_cast %get3A_635 : vector<1x16xf32> to vector<16xf32>
        %add3A_637 = arith.constant 13 : i32
        %add3A_638 = arith.addi %mul3A_97, %add3A_637 : i32
        %get3A_639 = arith.index_cast %add3A_638 : i32 to index
        %get3A_640 = arith.constant 64 : index
        %get3A_641 = tpu.vector_load %arg6[%get3A_639, %get3A_640] {strides = array<i32>} : memref<128x256xf32, #tpu.memory_space<vmem>>, vector<1x16xf32>,
        %get3A_642 = vector.shape_cast %get3A_641 : vector<1x16xf32> to vector<16xf32>
        %add3A_643 = arith.constant 14 : i32
        %add3A_644 = arith.addi %mul3A_97, %add3A_643 : i32
        %get3A_645 = arith.index_cast %add3A_644 : i32 to index
        %get3A_646 = arith.constant 64 : index
        %get3A_647 = tpu.vector_load %arg6[%get3A_645, %get3A_646] {strides = array<i32>} : memref<128x256xf32, #tpu.memory_space<vmem>>, vector<1x16xf32>,
        %get3A_648 = vector.shape_cast %get3A_647 : vector<1x16xf32> to vector<16xf32>
        %add3A_649 = arith.constant 15 : i32
        %add3A_650 = arith.addi %mul3A_97, %add3A_649 : i32
        %get3A_651 = arith.index_cast %add3A_650 : i32 to index
        %get3A_652 = arith.constant 64 : index
        %get3A_653 = tpu.vector_load %arg6[%get3A_651, %get3A_652] {strides = array<i32>} : memref<128x256xf32, #tpu.memory_space<vmem>>, vector<1x16xf32>,
        %get3A_654 = vector.shape_cast %get3A_653 : vector<1x16xf32> to vector<16xf32>
        %max3A_655 = arith.maximumf %get3A_564, %get3A_570 : vector<16xf32>
        %max3A_656 = arith.maximumf %get3A_576, %get3A_582 : vector<16xf32>
        %max3A_657 = arith.maximumf %get3A_588, %get3A_594 : vector<16xf32>
        %max3A_658 = arith.maximumf %get3A_600, %get3A_606 : vector<16xf32>
        %max3A_659 = arith.maximumf %get3A_612, %get3A_618 : vector<16xf32>
        %max3A_660 = arith.maximumf %get3A_624, %get3A_630 : vector<16xf32>
        %max3A_661 = arith.maximumf %get3A_636, %get3A_642 : vector<16xf32>
        %max3A_662 = arith.maximumf %get3A_648, %get3A_654 : vector<16xf32>
        %max3A_663 = arith.maximumf %max3A_655, %max3A_656 : vector<16xf32>
        %max3A_664 = arith.maximumf %max3A_657, %max3A_658 : vector<16xf32>
        %max3A_665 = arith.maximumf %max3A_659, %max3A_660 : vector<16xf32>
        %max3A_666 = arith.maximumf %max3A_661, %max3A_662 : vector<16xf32>
        %max3A_667 = arith.maximumf %max3A_663, %max3A_664 : vector<16xf32>
        %max3A_668 = arith.maximumf %max3A_665, %max3A_666 : vector<16xf32>
        %max3A_669 = arith.maximumf %max3A_667, %max3A_668 : vector<16xf32>
        %swap3A_670 = arith.index_cast %scan3A_94 : i32 to index
        %swap3A_671 = arith.constant 64 : index
        %swap3A_672 = tpu.vector_load %arg8[%swap3A_670, %swap3A_671] {strides = array<i32>} : memref<8x256xf32, #tpu.memory_space<vmem>>, vector<1x16xf32>,
        %swap3A_673 = vector.shape_cast %swap3A_672 : vector<1x16xf32> to vector<16xf32>
        %swap3A_674 = vector.shape_cast %max3A_669 : vector<16xf32> to vector<1x16xf32>
        tpu.vector_store %arg8[%swap3A_670, %swap3A_671], %swap3A_674 {strides = array<i32>} : memref<8x256xf32, #tpu.memory_space<vmem>>, vector<1x16xf32>,
        %add3A_675 = arith.constant 0 : i32
        %add3A_676 = arith.addi %mul3A_97, %add3A_675 : i32
        %get3A_677 = arith.index_cast %add3A_676 : i32 to index
        %get3A_678 = arith.constant 80 : index
        %get3A_679 = tpu.vector_load %arg6[%get3A_677, %get3A_678] {strides = array<i32>} : memref<128x256xf32, #tpu.memory_space<vmem>>, vector<1x16xf32>,
        %get3A_680 = vector.shape_cast %get3A_679 : vector<1x16xf32> to vector<16xf32>
        %add3A_681 = arith.constant 1 : i32
        %add3A_682 = arith.addi %mul3A_97, %add3A_681 : i32
        %get3A_683 = arith.index_cast %add3A_682 : i32 to index
        %get3A_684 = arith.constant 80 : index
        %get3A_685 = tpu.vector_load %arg6[%get3A_683, %get3A_684] {strides = array<i32>} : memref<128x256xf32, #tpu.memory_space<vmem>>, vector<1x16xf32>,
        %get3A_686 = vector.shape_cast %get3A_685 : vector<1x16xf32> to vector<16xf32>
        %add3A_687 = arith.constant 2 : i32
        %add3A_688 = arith.addi %mul3A_97, %add3A_687 : i32
        %get3A_689 = arith.index_cast %add3A_688 : i32 to index
        %get3A_690 = arith.constant 80 : index
        %get3A_691 = tpu.vector_load %arg6[%get3A_689, %get3A_690] {strides = array<i32>} : memref<128x256xf32, #tpu.memory_space<vmem>>, vector<1x16xf32>,
        %get3A_692 = vector.shape_cast %get3A_691 : vector<1x16xf32> to vector<16xf32>
        %add3A_693 = arith.constant 3 : i32
        %add3A_694 = arith.addi %mul3A_97, %add3A_693 : i32
        %get3A_695 = arith.index_cast %add3A_694 : i32 to index
        %get3A_696 = arith.constant 80 : index
        %get3A_697 = tpu.vector_load %arg6[%get3A_695, %get3A_696] {strides = array<i32>} : memref<128x256xf32, #tpu.memory_space<vmem>>, vector<1x16xf32>,
        %get3A_698 = vector.shape_cast %get3A_697 : vector<1x16xf32> to vector<16xf32>
        %add3A_699 = arith.constant 4 : i32
        %add3A_700 = arith.addi %mul3A_97, %add3A_699 : i32
        %get3A_701 = arith.index_cast %add3A_700 : i32 to index
        %get3A_702 = arith.constant 80 : index
        %get3A_703 = tpu.vector_load %arg6[%get3A_701, %get3A_702] {strides = array<i32>} : memref<128x256xf32, #tpu.memory_space<vmem>>, vector<1x16xf32>,
        %get3A_704 = vector.shape_cast %get3A_703 : vector<1x16xf32> to vector<16xf32>
        %add3A_705 = arith.constant 5 : i32
        %add3A_706 = arith.addi %mul3A_97, %add3A_705 : i32
        %get3A_707 = arith.index_cast %add3A_706 : i32 to index
        %get3A_708 = arith.constant 80 : index
        %get3A_709 = tpu.vector_load %arg6[%get3A_707, %get3A_708] {strides = array<i32>} : memref<128x256xf32, #tpu.memory_space<vmem>>, vector<1x16xf32>,
        %get3A_710 = vector.shape_cast %get3A_709 : vector<1x16xf32> to vector<16xf32>
        %add3A_711 = arith.constant 6 : i32
        %add3A_712 = arith.addi %mul3A_97, %add3A_711 : i32
        %get3A_713 = arith.index_cast %add3A_712 : i32 to index
        %get3A_714 = arith.constant 80 : index
        %get3A_715 = tpu.vector_load %arg6[%get3A_713, %get3A_714] {strides = array<i32>} : memref<128x256xf32, #tpu.memory_space<vmem>>, vector<1x16xf32>,
        %get3A_716 = vector.shape_cast %get3A_715 : vector<1x16xf32> to vector<16xf32>
        %add3A_717 = arith.constant 7 : i32
        %add3A_718 = arith.addi %mul3A_97, %add3A_717 : i32
        %get3A_719 = arith.index_cast %add3A_718 : i32 to index
        %get3A_720 = arith.constant 80 : index
        %get3A_721 = tpu.vector_load %arg6[%get3A_719, %get3A_720] {strides = array<i32>} : memref<128x256xf32, #tpu.memory_space<vmem>>, vector<1x16xf32>,
        %get3A_722 = vector.shape_cast %get3A_721 : vector<1x16xf32> to vector<16xf32>
        %add3A_723 = arith.constant 8 : i32
        %add3A_724 = arith.addi %mul3A_97, %add3A_723 : i32
        %get3A_725 = arith.index_cast %add3A_724 : i32 to index
        %get3A_726 = arith.constant 80 : index
        %get3A_727 = tpu.vector_load %arg6[%get3A_725, %get3A_726] {strides = array<i32>} : memref<128x256xf32, #tpu.memory_space<vmem>>, vector<1x16xf32>,
        %get3A_728 = vector.shape_cast %get3A_727 : vector<1x16xf32> to vector<16xf32>
        %add3A_729 = arith.constant 9 : i32
        %add3A_730 = arith.addi %mul3A_97, %add3A_729 : i32
        %get3A_731 = arith.index_cast %add3A_730 : i32 to index
        %get3A_732 = arith.constant 80 : index
        %get3A_733 = tpu.vector_load %arg6[%get3A_731, %get3A_732] {strides = array<i32>} : memref<128x256xf32, #tpu.memory_space<vmem>>, vector<1x16xf32>,
        %get3A_734 = vector.shape_cast %get3A_733 : vector<1x16xf32> to vector<16xf32>
        %add3A_735 = arith.constant 10 : i32
        %add3A_736 = arith.addi %mul3A_97, %add3A_735 : i32
        %get3A_737 = arith.index_cast %add3A_736 : i32 to index
        %get3A_738 = arith.constant 80 : index
        %get3A_739 = tpu.vector_load %arg6[%get3A_737, %get3A_738] {strides = array<i32>} : memref<128x256xf32, #tpu.memory_space<vmem>>, vector<1x16xf32>,
        %get3A_740 = vector.shape_cast %get3A_739 : vector<1x16xf32> to vector<16xf32>
        %add3A_741 = arith.constant 11 : i32
        %add3A_742 = arith.addi %mul3A_97, %add3A_741 : i32
        %get3A_743 = arith.index_cast %add3A_742 : i32 to index
        %get3A_744 = arith.constant 80 : index
        %get3A_745 = tpu.vector_load %arg6[%get3A_743, %get3A_744] {strides = array<i32>} : memref<128x256xf32, #tpu.memory_space<vmem>>, vector<1x16xf32>,
        %get3A_746 = vector.shape_cast %get3A_745 : vector<1x16xf32> to vector<16xf32>
        %add3A_747 = arith.constant 12 : i32
        %add3A_748 = arith.addi %mul3A_97, %add3A_747 : i32
        %get3A_749 = arith.index_cast %add3A_748 : i32 to index
        %get3A_750 = arith.constant 80 : index
        %get3A_751 = tpu.vector_load %arg6[%get3A_749, %get3A_750] {strides = array<i32>} : memref<128x256xf32, #tpu.memory_space<vmem>>, vector<1x16xf32>,
        %get3A_752 = vector.shape_cast %get3A_751 : vector<1x16xf32> to vector<16xf32>
        %add3A_753 = arith.constant 13 : i32
        %add3A_754 = arith.addi %mul3A_97, %add3A_753 : i32
        %get3A_755 = arith.index_cast %add3A_754 : i32 to index
        %get3A_756 = arith.constant 80 : index
        %get3A_757 = tpu.vector_load %arg6[%get3A_755, %get3A_756] {strides = array<i32>} : memref<128x256xf32, #tpu.memory_space<vmem>>, vector<1x16xf32>,
        %get3A_758 = vector.shape_cast %get3A_757 : vector<1x16xf32> to vector<16xf32>
        %add3A_759 = arith.constant 14 : i32
        %add3A_760 = arith.addi %mul3A_97, %add3A_759 : i32
        %get3A_761 = arith.index_cast %add3A_760 : i32 to index
        %get3A_762 = arith.constant 80 : index
        %get3A_763 = tpu.vector_load %arg6[%get3A_761, %get3A_762] {strides = array<i32>} : memref<128x256xf32, #tpu.memory_space<vmem>>, vector<1x16xf32>,
        %get3A_764 = vector.shape_cast %get3A_763 : vector<1x16xf32> to vector<16xf32>
        %add3A_765 = arith.constant 15 : i32
        %add3A_766 = arith.addi %mul3A_97, %add3A_765 : i32
        %get3A_767 = arith.index_cast %add3A_766 : i32 to index
        %get3A_768 = arith.constant 80 : index
        %get3A_769 = tpu.vector_load %arg6[%get3A_767, %get3A_768] {strides = array<i32>} : memref<128x256xf32, #tpu.memory_space<vmem>>, vector<1x16xf32>,
        %get3A_770 = vector.shape_cast %get3A_769 : vector<1x16xf32> to vector<16xf32>
        %max3A_771 = arith.maximumf %get3A_680, %get3A_686 : vector<16xf32>
        %max3A_772 = arith.maximumf %get3A_692, %get3A_698 : vector<16xf32>
        %max3A_773 = arith.maximumf %get3A_704, %get3A_710 : vector<16xf32>
        %max3A_774 = arith.maximumf %get3A_716, %get3A_722 : vector<16xf32>
        %max3A_775 = arith.maximumf %get3A_728, %get3A_734 : vector<16xf32>
        %max3A_776 = arith.maximumf %get3A_740, %get3A_746 : vector<16xf32>
        %max3A_777 = arith.maximumf %get3A_752, %get3A_758 : vector<16xf32>
        %max3A_778 = arith.maximumf %get3A_764, %get3A_770 : vector<16xf32>
        %max3A_779 = arith.maximumf %max3A_771, %max3A_772 : vector<16xf32>
        %max3A_780 = arith.maximumf %max3A_773, %max3A_774 : vector<16xf32>
        %max3A_781 = arith.maximumf %max3A_775, %max3A_776 : vector<16xf32>
        %max3A_782 = arith.maximumf %max3A_777, %max3A_778 : vector<16xf32>
        %max3A_783 = arith.maximumf %max3A_779, %max3A_780 : vector<16xf32>
        %max3A_784 = arith.maximumf %max3A_781, %max3A_782 : vector<16xf32>
        %max3A_785 = arith.maximumf %max3A_783, %max3A_784 : vector<16xf32>
        %swap3A_786 = arith.index_cast %scan3A_94 : i32 to index
        %swap3A_787 = arith.constant 80 : index
        %swap3A_788 = tpu.vector_load %arg8[%swap3A_786, %swap3A_787] {strides = array<i32>} : memref<8x256xf32, #tpu.memory_space<vmem>>, vector<1x16xf32>,
        %swap3A_789 = vector.shape_cast %swap3A_788 : vector<1x16xf32> to vector<16xf32>
        %swap3A_790 = vector.shape_cast %max3A_785 : vector<16xf32> to vector<1x16xf32>
        tpu.vector_store %arg8[%swap3A_786, %swap3A_787], %swap3A_790 {strides = array<i32>} : memref<8x256xf32, #tpu.memory_space<vmem>>, vector<1x16xf32>,
        %add3A_791 = arith.constant 0 : i32
        %add3A_792 = arith.addi %mul3A_97, %add3A_791 : i32
        %get3A_793 = arith.index_cast %add3A_792 : i32 to index
        %get3A_794 = arith.constant 96 : index
        %get3A_795 = tpu.vector_load %arg6[%get3A_793, %get3A_794] {strides = array<i32>} : memref<128x256xf32, #tpu.memory_space<vmem>>, vector<1x16xf32>,
        %get3A_796 = vector.shape_cast %get3A_795 : vector<1x16xf32> to vector<16xf32>
        %add3A_797 = arith.constant 1 : i32
        %add3A_798 = arith.addi %mul3A_97, %add3A_797 : i32
        %get3A_799 = arith.index_cast %add3A_798 : i32 to index
        %get3A_800 = arith.constant 96 : index
        %get3A_801 = tpu.vector_load %arg6[%get3A_799, %get3A_800] {strides = array<i32>} : memref<128x256xf32, #tpu.memory_space<vmem>>, vector<1x16xf32>,
        %get3A_802 = vector.shape_cast %get3A_801 : vector<1x16xf32> to vector<16xf32>
        %add3A_803 = arith.constant 2 : i32
        %add3A_804 = arith.addi %mul3A_97, %add3A_803 : i32
        %get3A_805 = arith.index_cast %add3A_804 : i32 to index
        %get3A_806 = arith.constant 96 : index
        %get3A_807 = tpu.vector_load %arg6[%get3A_805, %get3A_806] {strides = array<i32>} : memref<128x256xf32, #tpu.memory_space<vmem>>, vector<1x16xf32>,
        %get3A_808 = vector.shape_cast %get3A_807 : vector<1x16xf32> to vector<16xf32>
        %add3A_809 = arith.constant 3 : i32
        %add3A_810 = arith.addi %mul3A_97, %add3A_809 : i32
        %get3A_811 = arith.index_cast %add3A_810 : i32 to index
        %get3A_812 = arith.constant 96 : index
        %get3A_813 = tpu.vector_load %arg6[%get3A_811, %get3A_812] {strides = array<i32>} : memref<128x256xf32, #tpu.memory_space<vmem>>, vector<1x16xf32>,
        %get3A_814 = vector.shape_cast %get3A_813 : vector<1x16xf32> to vector<16xf32>
        %add3A_815 = arith.constant 4 : i32
        %add3A_816 = arith.addi %mul3A_97, %add3A_815 : i32
        %get3A_817 = arith.index_cast %add3A_816 : i32 to index
        %get3A_818 = arith.constant 96 : index
        %get3A_819 = tpu.vector_load %arg6[%get3A_817, %get3A_818] {strides = array<i32>} : memref<128x256xf32, #tpu.memory_space<vmem>>, vector<1x16xf32>,
        %get3A_820 = vector.shape_cast %get3A_819 : vector<1x16xf32> to vector<16xf32>
        %add3A_821 = arith.constant 5 : i32
        %add3A_822 = arith.addi %mul3A_97, %add3A_821 : i32
        %get3A_823 = arith.index_cast %add3A_822 : i32 to index
        %get3A_824 = arith.constant 96 : index
        %get3A_825 = tpu.vector_load %arg6[%get3A_823, %get3A_824] {strides = array<i32>} : memref<128x256xf32, #tpu.memory_space<vmem>>, vector<1x16xf32>,
        %get3A_826 = vector.shape_cast %get3A_825 : vector<1x16xf32> to vector<16xf32>
        %add3A_827 = arith.constant 6 : i32
        %add3A_828 = arith.addi %mul3A_97, %add3A_827 : i32
        %get3A_829 = arith.index_cast %add3A_828 : i32 to index
        %get3A_830 = arith.constant 96 : index
        %get3A_831 = tpu.vector_load %arg6[%get3A_829, %get3A_830] {strides = array<i32>} : memref<128x256xf32, #tpu.memory_space<vmem>>, vector<1x16xf32>,
        %get3A_832 = vector.shape_cast %get3A_831 : vector<1x16xf32> to vector<16xf32>
        %add3A_833 = arith.constant 7 : i32
        %add3A_834 = arith.addi %mul3A_97, %add3A_833 : i32
        %get3A_835 = arith.index_cast %add3A_834 : i32 to index
        %get3A_836 = arith.constant 96 : index
        %get3A_837 = tpu.vector_load %arg6[%get3A_835, %get3A_836] {strides = array<i32>} : memref<128x256xf32, #tpu.memory_space<vmem>>, vector<1x16xf32>,
        %get3A_838 = vector.shape_cast %get3A_837 : vector<1x16xf32> to vector<16xf32>
        %add3A_839 = arith.constant 8 : i32
        %add3A_840 = arith.addi %mul3A_97, %add3A_839 : i32
        %get3A_841 = arith.index_cast %add3A_840 : i32 to index
        %get3A_842 = arith.constant 96 : index
        %get3A_843 = tpu.vector_load %arg6[%get3A_841, %get3A_842] {strides = array<i32>} : memref<128x256xf32, #tpu.memory_space<vmem>>, vector<1x16xf32>,
        %get3A_844 = vector.shape_cast %get3A_843 : vector<1x16xf32> to vector<16xf32>
        %add3A_845 = arith.constant 9 : i32
        %add3A_846 = arith.addi %mul3A_97, %add3A_845 : i32
        %get3A_847 = arith.index_cast %add3A_846 : i32 to index
        %get3A_848 = arith.constant 96 : index
        %get3A_849 = tpu.vector_load %arg6[%get3A_847, %get3A_848] {strides = array<i32>} : memref<128x256xf32, #tpu.memory_space<vmem>>, vector<1x16xf32>,
        %get3A_850 = vector.shape_cast %get3A_849 : vector<1x16xf32> to vector<16xf32>
        %add3A_851 = arith.constant 10 : i32
        %add3A_852 = arith.addi %mul3A_97, %add3A_851 : i32
        %get3A_853 = arith.index_cast %add3A_852 : i32 to index
        %get3A_854 = arith.constant 96 : index
        %get3A_855 = tpu.vector_load %arg6[%get3A_853, %get3A_854] {strides = array<i32>} : memref<128x256xf32, #tpu.memory_space<vmem>>, vector<1x16xf32>,
        %get3A_856 = vector.shape_cast %get3A_855 : vector<1x16xf32> to vector<16xf32>
        %add3A_857 = arith.constant 11 : i32
        %add3A_858 = arith.addi %mul3A_97, %add3A_857 : i32
        %get3A_859 = arith.index_cast %add3A_858 : i32 to index
        %get3A_860 = arith.constant 96 : index
        %get3A_861 = tpu.vector_load %arg6[%get3A_859, %get3A_860] {strides = array<i32>} : memref<128x256xf32, #tpu.memory_space<vmem>>, vector<1x16xf32>,
        %get3A_862 = vector.shape_cast %get3A_861 : vector<1x16xf32> to vector<16xf32>
        %add3A_863 = arith.constant 12 : i32
        %add3A_864 = arith.addi %mul3A_97, %add3A_863 : i32
        %get3A_865 = arith.index_cast %add3A_864 : i32 to index
        %get3A_866 = arith.constant 96 : index
        %get3A_867 = tpu.vector_load %arg6[%get3A_865, %get3A_866] {strides = array<i32>} : memref<128x256xf32, #tpu.memory_space<vmem>>, vector<1x16xf32>,
        %get3A_868 = vector.shape_cast %get3A_867 : vector<1x16xf32> to vector<16xf32>
        %add3A_869 = arith.constant 13 : i32
        %add3A_870 = arith.addi %mul3A_97, %add3A_869 : i32
        %get3A_871 = arith.index_cast %add3A_870 : i32 to index
        %get3A_872 = arith.constant 96 : index
        %get3A_873 = tpu.vector_load %arg6[%get3A_871, %get3A_872] {strides = array<i32>} : memref<128x256xf32, #tpu.memory_space<vmem>>, vector<1x16xf32>,
        %get3A_874 = vector.shape_cast %get3A_873 : vector<1x16xf32> to vector<16xf32>
        %add3A_875 = arith.constant 14 : i32
        %add3A_876 = arith.addi %mul3A_97, %add3A_875 : i32
        %get3A_877 = arith.index_cast %add3A_876 : i32 to index
        %get3A_878 = arith.constant 96 : index
        %get3A_879 = tpu.vector_load %arg6[%get3A_877, %get3A_878] {strides = array<i32>} : memref<128x256xf32, #tpu.memory_space<vmem>>, vector<1x16xf32>,
        %get3A_880 = vector.shape_cast %get3A_879 : vector<1x16xf32> to vector<16xf32>
        %add3A_881 = arith.constant 15 : i32
        %add3A_882 = arith.addi %mul3A_97, %add3A_881 : i32
        %get3A_883 = arith.index_cast %add3A_882 : i32 to index
        %get3A_884 = arith.constant 96 : index
        %get3A_885 = tpu.vector_load %arg6[%get3A_883, %get3A_884] {strides = array<i32>} : memref<128x256xf32, #tpu.memory_space<vmem>>, vector<1x16xf32>,
        %get3A_886 = vector.shape_cast %get3A_885 : vector<1x16xf32> to vector<16xf32>
        %max3A_887 = arith.maximumf %get3A_796, %get3A_802 : vector<16xf32>
        %max3A_888 = arith.maximumf %get3A_808, %get3A_814 : vector<16xf32>
        %max3A_889 = arith.maximumf %get3A_820, %get3A_826 : vector<16xf32>
        %max3A_890 = arith.maximumf %get3A_832, %get3A_838 : vector<16xf32>
        %max3A_891 = arith.maximumf %get3A_844, %get3A_850 : vector<16xf32>
        %max3A_892 = arith.maximumf %get3A_856, %get3A_862 : vector<16xf32>
        %max3A_893 = arith.maximumf %get3A_868, %get3A_874 : vector<16xf32>
        %max3A_894 = arith.maximumf %get3A_880, %get3A_886 : vector<16xf32>
        %max3A_895 = arith.maximumf %max3A_887, %max3A_888 : vector<16xf32>
        %max3A_896 = arith.maximumf %max3A_889, %max3A_890 : vector<16xf32>
        %max3A_897 = arith.maximumf %max3A_891, %max3A_892 : vector<16xf32>
        %max3A_898 = arith.maximumf %max3A_893, %max3A_894 : vector<16xf32>
        %max3A_899 = arith.maximumf %max3A_895, %max3A_896 : vector<16xf32>
        %max3A_900 = arith.maximumf %max3A_897, %max3A_898 : vector<16xf32>
        %max3A_901 = arith.maximumf %max3A_899, %max3A_900 : vector<16xf32>
        %swap3A_902 = arith.index_cast %scan3A_94 : i32 to index
        %swap3A_903 = arith.constant 96 : index
        %swap3A_904 = tpu.vector_load %arg8[%swap3A_902, %swap3A_903] {strides = array<i32>} : memref<8x256xf32, #tpu.memory_space<vmem>>, vector<1x16xf32>,
        %swap3A_905 = vector.shape_cast %swap3A_904 : vector<1x16xf32> to vector<16xf32>
        %swap3A_906 = vector.shape_cast %max3A_901 : vector<16xf32> to vector<1x16xf32>
        tpu.vector_store %arg8[%swap3A_902, %swap3A_903], %swap3A_906 {strides = array<i32>} : memref<8x256xf32, #tpu.memory_space<vmem>>, vector<1x16xf32>,
        %add3A_907 = arith.constant 0 : i32
        %add3A_908 = arith.addi %mul3A_97, %add3A_907 : i32
        %get3A_909 = arith.index_cast %add3A_908 : i32 to index
        %get3A_910 = arith.constant 112 : index
        %get3A_911 = tpu.vector_load %arg6[%get3A_909, %get3A_910] {strides = array<i32>} : memref<128x256xf32, #tpu.memory_space<vmem>>, vector<1x16xf32>,
        %get3A_912 = vector.shape_cast %get3A_911 : vector<1x16xf32> to vector<16xf32>
        %add3A_913 = arith.constant 1 : i32
        %add3A_914 = arith.addi %mul3A_97, %add3A_913 : i32
        %get3A_915 = arith.index_cast %add3A_914 : i32 to index
        %get3A_916 = arith.constant 112 : index
        %get3A_917 = tpu.vector_load %arg6[%get3A_915, %get3A_916] {strides = array<i32>} : memref<128x256xf32, #tpu.memory_space<vmem>>, vector<1x16xf32>,
        %get3A_918 = vector.shape_cast %get3A_917 : vector<1x16xf32> to vector<16xf32>
        %add3A_919 = arith.constant 2 : i32
        %add3A_920 = arith.addi %mul3A_97, %add3A_919 : i32
        %get3A_921 = arith.index_cast %add3A_920 : i32 to index
        %get3A_922 = arith.constant 112 : index
        %get3A_923 = tpu.vector_load %arg6[%get3A_921, %get3A_922] {strides = array<i32>} : memref<128x256xf32, #tpu.memory_space<vmem>>, vector<1x16xf32>,
        %get3A_924 = vector.shape_cast %get3A_923 : vector<1x16xf32> to vector<16xf32>
        %add3A_925 = arith.constant 3 : i32
        %add3A_926 = arith.addi %mul3A_97, %add3A_925 : i32
        %get3A_927 = arith.index_cast %add3A_926 : i32 to index
        %get3A_928 = arith.constant 112 : index
        %get3A_929 = tpu.vector_load %arg6[%get3A_927, %get3A_928] {strides = array<i32>} : memref<128x256xf32, #tpu.memory_space<vmem>>, vector<1x16xf32>,
        %get3A_930 = vector.shape_cast %get3A_929 : vector<1x16xf32> to vector<16xf32>
        %add3A_931 = arith.constant 4 : i32
        %add3A_932 = arith.addi %mul3A_97, %add3A_931 : i32
        %get3A_933 = arith.index_cast %add3A_932 : i32 to index
        %get3A_934 = arith.constant 112 : index
        %get3A_935 = tpu.vector_load %arg6[%get3A_933, %get3A_934] {strides = array<i32>} : memref<128x256xf32, #tpu.memory_space<vmem>>, vector<1x16xf32>,
        %get3A_936 = vector.shape_cast %get3A_935 : vector<1x16xf32> to vector<16xf32>
        %add3A_937 = arith.constant 5 : i32
        %add3A_938 = arith.addi %mul3A_97, %add3A_937 : i32
        %get3A_939 = arith.index_cast %add3A_938 : i32 to index
        %get3A_940 = arith.constant 112 : index
        %get3A_941 = tpu.vector_load %arg6[%get3A_939, %get3A_940] {strides = array<i32>} : memref<128x256xf32, #tpu.memory_space<vmem>>, vector<1x16xf32>,
        %get3A_942 = vector.shape_cast %get3A_941 : vector<1x16xf32> to vector<16xf32>
        %add3A_943 = arith.constant 6 : i32
        %add3A_944 = arith.addi %mul3A_97, %add3A_943 : i32
        %get3A_945 = arith.index_cast %add3A_944 : i32 to index
        %get3A_946 = arith.constant 112 : index
        %get3A_947 = tpu.vector_load %arg6[%get3A_945, %get3A_946] {strides = array<i32>} : memref<128x256xf32, #tpu.memory_space<vmem>>, vector<1x16xf32>,
        %get3A_948 = vector.shape_cast %get3A_947 : vector<1x16xf32> to vector<16xf32>
        %add3A_949 = arith.constant 7 : i32
        %add3A_950 = arith.addi %mul3A_97, %add3A_949 : i32
        %get3A_951 = arith.index_cast %add3A_950 : i32 to index
        %get3A_952 = arith.constant 112 : index
        %get3A_953 = tpu.vector_load %arg6[%get3A_951, %get3A_952] {strides = array<i32>} : memref<128x256xf32, #tpu.memory_space<vmem>>, vector<1x16xf32>,
        %get3A_954 = vector.shape_cast %get3A_953 : vector<1x16xf32> to vector<16xf32>
        %add3A_955 = arith.constant 8 : i32
        %add3A_956 = arith.addi %mul3A_97, %add3A_955 : i32
        %get3A_957 = arith.index_cast %add3A_956 : i32 to index
        %get3A_958 = arith.constant 112 : index
        %get3A_959 = tpu.vector_load %arg6[%get3A_957, %get3A_958] {strides = array<i32>} : memref<128x256xf32, #tpu.memory_space<vmem>>, vector<1x16xf32>,
        %get3A_960 = vector.shape_cast %get3A_959 : vector<1x16xf32> to vector<16xf32>
        %add3A_961 = arith.constant 9 : i32
        %add3A_962 = arith.addi %mul3A_97, %add3A_961 : i32
        %get3A_963 = arith.index_cast %add3A_962 : i32 to index
        %get3A_964 = arith.constant 112 : index
        %get3A_965 = tpu.vector_load %arg6[%get3A_963, %get3A_964] {strides = array<i32>} : memref<128x256xf32, #tpu.memory_space<vmem>>, vector<1x16xf32>,
        %get3A_966 = vector.shape_cast %get3A_965 : vector<1x16xf32> to vector<16xf32>
        %add3A_967 = arith.constant 10 : i32
        %add3A_968 = arith.addi %mul3A_97, %add3A_967 : i32
        %get3A_969 = arith.index_cast %add3A_968 : i32 to index
        %get3A_970 = arith.constant 112 : index
        %get3A_971 = tpu.vector_load %arg6[%get3A_969, %get3A_970] {strides = array<i32>} : memref<128x256xf32, #tpu.memory_space<vmem>>, vector<1x16xf32>,
        %get3A_972 = vector.shape_cast %get3A_971 : vector<1x16xf32> to vector<16xf32>
        %add3A_973 = arith.constant 11 : i32
        %add3A_974 = arith.addi %mul3A_97, %add3A_973 : i32
        %get3A_975 = arith.index_cast %add3A_974 : i32 to index
        %get3A_976 = arith.constant 112 : index
        %get3A_977 = tpu.vector_load %arg6[%get3A_975, %get3A_976] {strides = array<i32>} : memref<128x256xf32, #tpu.memory_space<vmem>>, vector<1x16xf32>,
        %get3A_978 = vector.shape_cast %get3A_977 : vector<1x16xf32> to vector<16xf32>
        %add3A_979 = arith.constant 12 : i32
        %add3A_980 = arith.addi %mul3A_97, %add3A_979 : i32
        %get3A_981 = arith.index_cast %add3A_980 : i32 to index
        %get3A_982 = arith.constant 112 : index
        %get3A_983 = tpu.vector_load %arg6[%get3A_981, %get3A_982] {strides = array<i32>} : memref<128x256xf32, #tpu.memory_space<vmem>>, vector<1x16xf32>,
        %get3A_984 = vector.shape_cast %get3A_983 : vector<1x16xf32> to vector<16xf32>
        %add3A_985 = arith.constant 13 : i32
        %add3A_986 = arith.addi %mul3A_97, %add3A_985 : i32
        %get3A_987 = arith.index_cast %add3A_986 : i32 to index
        %get3A_988 = arith.constant 112 : index
        %get3A_989 = tpu.vector_load %arg6[%get3A_987, %get3A_988] {strides = array<i32>} : memref<128x256xf32, #tpu.memory_space<vmem>>, vector<1x16xf32>,
        %get3A_990 = vector.shape_cast %get3A_989 : vector<1x16xf32> to vector<16xf32>
        %add3A_991 = arith.constant 14 : i32
        %add3A_992 = arith.addi %mul3A_97, %add3A_991 : i32
        %get3A_993 = arith.index_cast %add3A_992 : i32 to index
        %get3A_994 = arith.constant 112 : index
        %get3A_995 = tpu.vector_load %arg6[%get3A_993, %get3A_994] {strides = array<i32>} : memref<128x256xf32, #tpu.memory_space<vmem>>, vector<1x16xf32>,
        %get3A_996 = vector.shape_cast %get3A_995 : vector<1x16xf32> to vector<16xf32>
        %add3A_997 = arith.constant 15 : i32
        %add3A_998 = arith.addi %mul3A_97, %add3A_997 : i32
        %get3A_999 = arith.index_cast %add3A_998 : i32 to index
        %get3A_1000 = arith.constant 112 : index
        %get3A_1001 = tpu.vector_load %arg6[%get3A_999, %get3A_1000] {strides = array<i32>} : memref<128x256xf32, #tpu.memory_space<vmem>>, vector<1x16xf32>,
        %get3A_1002 = vector.shape_cast %get3A_1001 : vector<1x16xf32> to vector<16xf32>
        %max3A_1003 = arith.maximumf %get3A_912, %get3A_918 : vector<16xf32>
        %max3A_1004 = arith.maximumf %get3A_924, %get3A_930 : vector<16xf32>
        %max3A_1005 = arith.maximumf %get3A_936, %get3A_942 : vector<16xf32>
        %max3A_1006 = arith.maximumf %get3A_948, %get3A_954 : vector<16xf32>
        %max3A_1007 = arith.maximumf %get3A_960, %get3A_966 : vector<16xf32>
        %max3A_1008 = arith.maximumf %get3A_972, %get3A_978 : vector<16xf32>
        %max3A_1009 = arith.maximumf %get3A_984, %get3A_990 : vector<16xf32>
        %max3A_1010 = arith.maximumf %get3A_996, %get3A_1002 : vector<16xf32>
        %max3A_1011 = arith.maximumf %max3A_1003, %max3A_1004 : vector<16xf32>
        %max3A_1012 = arith.maximumf %max3A_1005, %max3A_1006 : vector<16xf32>
        %max3A_1013 = arith.maximumf %max3A_1007, %max3A_1008 : vector<16xf32>
        %max3A_1014 = arith.maximumf %max3A_1009, %max3A_1010 : vector<16xf32>
        %max3A_1015 = arith.maximumf %max3A_1011, %max3A_1012 : vector<16xf32>
        %max3A_1016 = arith.maximumf %max3A_1013, %max3A_1014 : vector<16xf32>
        %max3A_1017 = arith.maximumf %max3A_1015, %max3A_1016 : vector<16xf32>
        %swap3A_1018 = arith.index_cast %scan3A_94 : i32 to index
        %swap3A_1019 = arith.constant 112 : index
        %swap3A_1020 = tpu.vector_load %arg8[%swap3A_1018, %swap3A_1019] {strides = array<i32>} : memref<8x256xf32, #tpu.memory_space<vmem>>, vector<1x16xf32>,
        %swap3A_1021 = vector.shape_cast %swap3A_1020 : vector<1x16xf32> to vector<16xf32>
        %swap3A_1022 = vector.shape_cast %max3A_1017 : vector<16xf32> to vector<1x16xf32>
        tpu.vector_store %arg8[%swap3A_1018, %swap3A_1019], %swap3A_1022 {strides = array<i32>} : memref<8x256xf32, #tpu.memory_space<vmem>>, vector<1x16xf32>,
        %add3A_1023 = arith.constant 0 : i32
        %add3A_1024 = arith.addi %mul3A_97, %add3A_1023 : i32
        %get3A_1025 = arith.index_cast %add3A_1024 : i32 to index
        %get3A_1026 = arith.constant 128 : index
        %get3A_1027 = tpu.vector_load %arg6[%get3A_1025, %get3A_1026] {strides = array<i32>} : memref<128x256xf32, #tpu.memory_space<vmem>>, vector<1x16xf32>,
        %get3A_1028 = vector.shape_cast %get3A_1027 : vector<1x16xf32> to vector<16xf32>
        %add3A_1029 = arith.constant 1 : i32
        %add3A_1030 = arith.addi %mul3A_97, %add3A_1029 : i32
        %get3A_1031 = arith.index_cast %add3A_1030 : i32 to index
        %get3A_1032 = arith.constant 128 : index
        %get3A_1033 = tpu.vector_load %arg6[%get3A_1031, %get3A_1032] {strides = array<i32>} : memref<128x256xf32, #tpu.memory_space<vmem>>, vector<1x16xf32>,
        %get3A_1034 = vector.shape_cast %get3A_1033 : vector<1x16xf32> to vector<16xf32>
        %add3A_1035 = arith.constant 2 : i32
        %add3A_1036 = arith.addi %mul3A_97, %add3A_1035 : i32
        %get3A_1037 = arith.index_cast %add3A_1036 : i32 to index
        %get3A_1038 = arith.constant 128 : index
        %get3A_1039 = tpu.vector_load %arg6[%get3A_1037, %get3A_1038] {strides = array<i32>} : memref<128x256xf32, #tpu.memory_space<vmem>>, vector<1x16xf32>,
        %get3A_1040 = vector.shape_cast %get3A_1039 : vector<1x16xf32> to vector<16xf32>
        %add3A_1041 = arith.constant 3 : i32
        %add3A_1042 = arith.addi %mul3A_97, %add3A_1041 : i32
        %get3A_1043 = arith.index_cast %add3A_1042 : i32 to index
        %get3A_1044 = arith.constant 128 : index
        %get3A_1045 = tpu.vector_load %arg6[%get3A_1043, %get3A_1044] {strides = array<i32>} : memref<128x256xf32, #tpu.memory_space<vmem>>, vector<1x16xf32>,
        %get3A_1046 = vector.shape_cast %get3A_1045 : vector<1x16xf32> to vector<16xf32>
        %add3A_1047 = arith.constant 4 : i32
        %add3A_1048 = arith.addi %mul3A_97, %add3A_1047 : i32
        %get3A_1049 = arith.index_cast %add3A_1048 : i32 to index
        %get3A_1050 = arith.constant 128 : index
        %get3A_1051 = tpu.vector_load %arg6[%get3A_1049, %get3A_1050] {strides = array<i32>} : memref<128x256xf32, #tpu.memory_space<vmem>>, vector<1x16xf32>,
        %get3A_1052 = vector.shape_cast %get3A_1051 : vector<1x16xf32> to vector<16xf32>
        %add3A_1053 = arith.constant 5 : i32
        %add3A_1054 = arith.addi %mul3A_97, %add3A_1053 : i32
        %get3A_1055 = arith.index_cast %add3A_1054 : i32 to index
        %get3A_1056 = arith.constant 128 : index
        %get3A_1057 = tpu.vector_load %arg6[%get3A_1055, %get3A_1056] {strides = array<i32>} : memref<128x256xf32, #tpu.memory_space<vmem>>, vector<1x16xf32>,
        %get3A_1058 = vector.shape_cast %get3A_1057 : vector<1x16xf32> to vector<16xf32>
        %add3A_1059 = arith.constant 6 : i32
        %add3A_1060 = arith.addi %mul3A_97, %add3A_1059 : i32
        %get3A_1061 = arith.index_cast %add3A_1060 : i32 to index
        %get3A_1062 = arith.constant 128 : index
        %get3A_1063 = tpu.vector_load %arg6[%get3A_1061, %get3A_1062] {strides = array<i32>} : memref<128x256xf32, #tpu.memory_space<vmem>>, vector<1x16xf32>,
        %get3A_1064 = vector.shape_cast %get3A_1063 : vector<1x16xf32> to vector<16xf32>
        %add3A_1065 = arith.constant 7 : i32
        %add3A_1066 = arith.addi %mul3A_97, %add3A_1065 : i32
        %get3A_1067 = arith.index_cast %add3A_1066 : i32 to index
        %get3A_1068 = arith.constant 128 : index
        %get3A_1069 = tpu.vector_load %arg6[%get3A_1067, %get3A_1068] {strides = array<i32>} : memref<128x256xf32, #tpu.memory_space<vmem>>, vector<1x16xf32>,
        %get3A_1070 = vector.shape_cast %get3A_1069 : vector<1x16xf32> to vector<16xf32>
        %add3A_1071 = arith.constant 8 : i32
        %add3A_1072 = arith.addi %mul3A_97, %add3A_1071 : i32
        %get3A_1073 = arith.index_cast %add3A_1072 : i32 to index
        %get3A_1074 = arith.constant 128 : index
        %get3A_1075 = tpu.vector_load %arg6[%get3A_1073, %get3A_1074] {strides = array<i32>} : memref<128x256xf32, #tpu.memory_space<vmem>>, vector<1x16xf32>,
        %get3A_1076 = vector.shape_cast %get3A_1075 : vector<1x16xf32> to vector<16xf32>
        %add3A_1077 = arith.constant 9 : i32
        %add3A_1078 = arith.addi %mul3A_97, %add3A_1077 : i32
        %get3A_1079 = arith.index_cast %add3A_1078 : i32 to index
        %get3A_1080 = arith.constant 128 : index
        %get3A_1081 = tpu.vector_load %arg6[%get3A_1079, %get3A_1080] {strides = array<i32>} : memref<128x256xf32, #tpu.memory_space<vmem>>, vector<1x16xf32>,
        %get3A_1082 = vector.shape_cast %get3A_1081 : vector<1x16xf32> to vector<16xf32>
        %add3A_1083 = arith.constant 10 : i32
        %add3A_1084 = arith.addi %mul3A_97, %add3A_1083 : i32
        %get3A_1085 = arith.index_cast %add3A_1084 : i32 to index
        %get3A_1086 = arith.constant 128 : index
        %get3A_1087 = tpu.vector_load %arg6[%get3A_1085, %get3A_1086] {strides = array<i32>} : memref<128x256xf32, #tpu.memory_space<vmem>>, vector<1x16xf32>,
        %get3A_1088 = vector.shape_cast %get3A_1087 : vector<1x16xf32> to vector<16xf32>
        %add3A_1089 = arith.constant 11 : i32
        %add3A_1090 = arith.addi %mul3A_97, %add3A_1089 : i32
        %get3A_1091 = arith.index_cast %add3A_1090 : i32 to index
        %get3A_1092 = arith.constant 128 : index
        %get3A_1093 = tpu.vector_load %arg6[%get3A_1091, %get3A_1092] {strides = array<i32>} : memref<128x256xf32, #tpu.memory_space<vmem>>, vector<1x16xf32>,
        %get3A_1094 = vector.shape_cast %get3A_1093 : vector<1x16xf32> to vector<16xf32>
        %add3A_1095 = arith.constant 12 : i32
        %add3A_1096 = arith.addi %mul3A_97, %add3A_1095 : i32
        %get3A_1097 = arith.index_cast %add3A_1096 : i32 to index
        %get3A_1098 = arith.constant 128 : index
        %get3A_1099 = tpu.vector_load %arg6[%get3A_1097, %get3A_1098] {strides = array<i32>} : memref<128x256xf32, #tpu.memory_space<vmem>>, vector<1x16xf32>,
        %get3A_1100 = vector.shape_cast %get3A_1099 : vector<1x16xf32> to vector<16xf32>
        %add3A_1101 = arith.constant 13 : i32
        %add3A_1102 = arith.addi %mul3A_97, %add3A_1101 : i32
        %get3A_1103 = arith.index_cast %add3A_1102 : i32 to index
        %get3A_1104 = arith.constant 128 : index
        %get3A_1105 = tpu.vector_load %arg6[%get3A_1103, %get3A_1104] {strides = array<i32>} : memref<128x256xf32, #tpu.memory_space<vmem>>, vector<1x16xf32>,
        %get3A_1106 = vector.shape_cast %get3A_1105 : vector<1x16xf32> to vector<16xf32>
        %add3A_1107 = arith.constant 14 : i32
        %add3A_1108 = arith.addi %mul3A_97, %add3A_1107 : i32
        %get3A_1109 = arith.index_cast %add3A_1108 : i32 to index
        %get3A_1110 = arith.constant 128 : index
        %get3A_1111 = tpu.vector_load %arg6[%get3A_1109, %get3A_1110] {strides = array<i32>} : memref<128x256xf32, #tpu.memory_space<vmem>>, vector<1x16xf32>,
        %get3A_1112 = vector.shape_cast %get3A_1111 : vector<1x16xf32> to vector<16xf32>
        %add3A_1113 = arith.constant 15 : i32
        %add3A_1114 = arith.addi %mul3A_97, %add3A_1113 : i32
        %get3A_1115 = arith.index_cast %add3A_1114 : i32 to index
        %get3A_1116 = arith.constant 128 : index
        %get3A_1117 = tpu.vector_load %arg6[%get3A_1115, %get3A_1116] {strides = array<i32>} : memref<128x256xf32, #tpu.memory_space<vmem>>, vector<1x16xf32>,
        %get3A_1118 = vector.shape_cast %get3A_1117 : vector<1x16xf32> to vector<16xf32>
        %max3A_1119 = arith.maximumf %get3A_1028, %get3A_1034 : vector<16xf32>
        %max3A_1120 = arith.maximumf %get3A_1040, %get3A_1046 : vector<16xf32>
        %max3A_1121 = arith.maximumf %get3A_1052, %get3A_1058 : vector<16xf32>
        %max3A_1122 = arith.maximumf %get3A_1064, %get3A_1070 : vector<16xf32>
        %max3A_1123 = arith.maximumf %get3A_1076, %get3A_1082 : vector<16xf32>
        %max3A_1124 = arith.maximumf %get3A_1088, %get3A_1094 : vector<16xf32>
        %max3A_1125 = arith.maximumf %get3A_1100, %get3A_1106 : vector<16xf32>
        %max3A_1126 = arith.maximumf %get3A_1112, %get3A_1118 : vector<16xf32>
        %max3A_1127 = arith.maximumf %max3A_1119, %max3A_1120 : vector<16xf32>
        %max3A_1128 = arith.maximumf %max3A_1121, %max3A_1122 : vector<16xf32>
        %max3A_1129 = arith.maximumf %max3A_1123, %max3A_1124 : vector<16xf32>
        %max3A_1130 = arith.maximumf %max3A_1125, %max3A_1126 : vector<16xf32>
        %max3A_1131 = arith.maximumf %max3A_1127, %max3A_1128 : vector<16xf32>
        %max3A_1132 = arith.maximumf %max3A_1129, %max3A_1130 : vector<16xf32>
        %max3A_1133 = arith.maximumf %max3A_1131, %max3A_1132 : vector<16xf32>
        %swap3A_1134 = arith.index_cast %scan3A_94 : i32 to index
        %swap3A_1135 = arith.constant 128 : index
        %swap3A_1136 = tpu.vector_load %arg8[%swap3A_1134, %swap3A_1135] {strides = array<i32>} : memref<8x256xf32, #tpu.memory_space<vmem>>, vector<1x16xf32>,
        %swap3A_1137 = vector.shape_cast %swap3A_1136 : vector<1x16xf32> to vector<16xf32>
        %swap3A_1138 = vector.shape_cast %max3A_1133 : vector<16xf32> to vector<1x16xf32>
        tpu.vector_store %arg8[%swap3A_1134, %swap3A_1135], %swap3A_1138 {strides = array<i32>} : memref<8x256xf32, #tpu.memory_space<vmem>>, vector<1x16xf32>,
        %add3A_1139 = arith.constant 0 : i32
        %add3A_1140 = arith.addi %mul3A_97, %add3A_1139 : i32
        %get3A_1141 = arith.index_cast %add3A_1140 : i32 to index
        %get3A_1142 = arith.constant 144 : index
        %get3A_1143 = tpu.vector_load %arg6[%get3A_1141, %get3A_1142] {strides = array<i32>} : memref<128x256xf32, #tpu.memory_space<vmem>>, vector<1x16xf32>,
        %get3A_1144 = vector.shape_cast %get3A_1143 : vector<1x16xf32> to vector<16xf32>
        %add3A_1145 = arith.constant 1 : i32
        %add3A_1146 = arith.addi %mul3A_97, %add3A_1145 : i32
        %get3A_1147 = arith.index_cast %add3A_1146 : i32 to index
        %get3A_1148 = arith.constant 144 : index
        %get3A_1149 = tpu.vector_load %arg6[%get3A_1147, %get3A_1148] {strides = array<i32>} : memref<128x256xf32, #tpu.memory_space<vmem>>, vector<1x16xf32>,
        %get3A_1150 = vector.shape_cast %get3A_1149 : vector<1x16xf32> to vector<16xf32>
        %add3A_1151 = arith.constant 2 : i32
        %add3A_1152 = arith.addi %mul3A_97, %add3A_1151 : i32
        %get3A_1153 = arith.index_cast %add3A_1152 : i32 to index
        %get3A_1154 = arith.constant 144 : index
        %get3A_1155 = tpu.vector_load %arg6[%get3A_1153, %get3A_1154] {strides = array<i32>} : memref<128x256xf32, #tpu.memory_space<vmem>>, vector<1x16xf32>,
        %get3A_1156 = vector.shape_cast %get3A_1155 : vector<1x16xf32> to vector<16xf32>
        %add3A_1157 = arith.constant 3 : i32
        %add3A_1158 = arith.addi %mul3A_97, %add3A_1157 : i32
        %get3A_1159 = arith.index_cast %add3A_1158 : i32 to index
        %get3A_1160 = arith.constant 144 : index
        %get3A_1161 = tpu.vector_load %arg6[%get3A_1159, %get3A_1160] {strides = array<i32>} : memref<128x256xf32, #tpu.memory_space<vmem>>, vector<1x16xf32>,
        %get3A_1162 = vector.shape_cast %get3A_1161 : vector<1x16xf32> to vector<16xf32>
        %add3A_1163 = arith.constant 4 : i32
        %add3A_1164 = arith.addi %mul3A_97, %add3A_1163 : i32
        %get3A_1165 = arith.index_cast %add3A_1164 : i32 to index
        %get3A_1166 = arith.constant 144 : index
        %get3A_1167 = tpu.vector_load %arg6[%get3A_1165, %get3A_1166] {strides = array<i32>} : memref<128x256xf32, #tpu.memory_space<vmem>>, vector<1x16xf32>,
        %get3A_1168 = vector.shape_cast %get3A_1167 : vector<1x16xf32> to vector<16xf32>
        %add3A_1169 = arith.constant 5 : i32
        %add3A_1170 = arith.addi %mul3A_97, %add3A_1169 : i32
        %get3A_1171 = arith.index_cast %add3A_1170 : i32 to index
        %get3A_1172 = arith.constant 144 : index
        %get3A_1173 = tpu.vector_load %arg6[%get3A_1171, %get3A_1172] {strides = array<i32>} : memref<128x256xf32, #tpu.memory_space<vmem>>, vector<1x16xf32>,
        %get3A_1174 = vector.shape_cast %get3A_1173 : vector<1x16xf32> to vector<16xf32>
        %add3A_1175 = arith.constant 6 : i32
        %add3A_1176 = arith.addi %mul3A_97, %add3A_1175 : i32
        %get3A_1177 = arith.index_cast %add3A_1176 : i32 to index
        %get3A_1178 = arith.constant 144 : index
        %get3A_1179 = tpu.vector_load %arg6[%get3A_1177, %get3A_1178] {strides = array<i32>} : memref<128x256xf32, #tpu.memory_space<vmem>>, vector<1x16xf32>,
        %get3A_1180 = vector.shape_cast %get3A_1179 : vector<1x16xf32> to vector<16xf32>
        %add3A_1181 = arith.constant 7 : i32
        %add3A_1182 = arith.addi %mul3A_97, %add3A_1181 : i32
        %get3A_1183 = arith.index_cast %add3A_1182 : i32 to index
        %get3A_1184 = arith.constant 144 : index
        %get3A_1185 = tpu.vector_load %arg6[%get3A_1183, %get3A_1184] {strides = array<i32>} : memref<128x256xf32, #tpu.memory_space<vmem>>, vector<1x16xf32>,
        %get3A_1186 = vector.shape_cast %get3A_1185 : vector<1x16xf32> to vector<16xf32>
        %add3A_1187 = arith.constant 8 : i32
        %add3A_1188 = arith.addi %mul3A_97, %add3A_1187 : i32
        %get3A_1189 = arith.index_cast %add3A_1188 : i32 to index
        %get3A_1190 = arith.constant 144 : index
        %get3A_1191 = tpu.vector_load %arg6[%get3A_1189, %get3A_1190] {strides = array<i32>} : memref<128x256xf32, #tpu.memory_space<vmem>>, vector<1x16xf32>,
        %get3A_1192 = vector.shape_cast %get3A_1191 : vector<1x16xf32> to vector<16xf32>
        %add3A_1193 = arith.constant 9 : i32
        %add3A_1194 = arith.addi %mul3A_97, %add3A_1193 : i32
        %get3A_1195 = arith.index_cast %add3A_1194 : i32 to index
        %get3A_1196 = arith.constant 144 : index
        %get3A_1197 = tpu.vector_load %arg6[%get3A_1195, %get3A_1196] {strides = array<i32>} : memref<128x256xf32, #tpu.memory_space<vmem>>, vector<1x16xf32>,
        %get3A_1198 = vector.shape_cast %get3A_1197 : vector<1x16xf32> to vector<16xf32>
        %add3A_1199 = arith.constant 10 : i32
        %add3A_1200 = arith.addi %mul3A_97, %add3A_1199 : i32
        %get3A_1201 = arith.index_cast %add3A_1200 : i32 to index
        %get3A_1202 = arith.constant 144 : index
        %get3A_1203 = tpu.vector_load %arg6[%get3A_1201, %get3A_1202] {strides = array<i32>} : memref<128x256xf32, #tpu.memory_space<vmem>>, vector<1x16xf32>,
        %get3A_1204 = vector.shape_cast %get3A_1203 : vector<1x16xf32> to vector<16xf32>
        %add3A_1205 = arith.constant 11 : i32
        %add3A_1206 = arith.addi %mul3A_97, %add3A_1205 : i32
        %get3A_1207 = arith.index_cast %add3A_1206 : i32 to index
        %get3A_1208 = arith.constant 144 : index
        %get3A_1209 = tpu.vector_load %arg6[%get3A_1207, %get3A_1208] {strides = array<i32>} : memref<128x256xf32, #tpu.memory_space<vmem>>, vector<1x16xf32>,
        %get3A_1210 = vector.shape_cast %get3A_1209 : vector<1x16xf32> to vector<16xf32>
        %add3A_1211 = arith.constant 12 : i32
        %add3A_1212 = arith.addi %mul3A_97, %add3A_1211 : i32
        %get3A_1213 = arith.index_cast %add3A_1212 : i32 to index
        %get3A_1214 = arith.constant 144 : index
        %get3A_1215 = tpu.vector_load %arg6[%get3A_1213, %get3A_1214] {strides = array<i32>} : memref<128x256xf32, #tpu.memory_space<vmem>>, vector<1x16xf32>,
        %get3A_1216 = vector.shape_cast %get3A_1215 : vector<1x16xf32> to vector<16xf32>
        %add3A_1217 = arith.constant 13 : i32
        %add3A_1218 = arith.addi %mul3A_97, %add3A_1217 : i32
        %get3A_1219 = arith.index_cast %add3A_1218 : i32 to index
        %get3A_1220 = arith.constant 144 : index
        %get3A_1221 = tpu.vector_load %arg6[%get3A_1219, %get3A_1220] {strides = array<i32>} : memref<128x256xf32, #tpu.memory_space<vmem>>, vector<1x16xf32>,
        %get3A_1222 = vector.shape_cast %get3A_1221 : vector<1x16xf32> to vector<16xf32>
        %add3A_1223 = arith.constant 14 : i32
        %add3A_1224 = arith.addi %mul3A_97, %add3A_1223 : i32
        %get3A_1225 = arith.index_cast %add3A_1224 : i32 to index
        %get3A_1226 = arith.constant 144 : index
        %get3A_1227 = tpu.vector_load %arg6[%get3A_1225, %get3A_1226] {strides = array<i32>} : memref<128x256xf32, #tpu.memory_space<vmem>>, vector<1x16xf32>,
        %get3A_1228 = vector.shape_cast %get3A_1227 : vector<1x16xf32> to vector<16xf32>
        %add3A_1229 = arith.constant 15 : i32
        %add3A_1230 = arith.addi %mul3A_97, %add3A_1229 : i32
        %get3A_1231 = arith.index_cast %add3A_1230 : i32 to index
        %get3A_1232 = arith.constant 144 : index
        %get3A_1233 = tpu.vector_load %arg6[%get3A_1231, %get3A_1232] {strides = array<i32>} : memref<128x256xf32, #tpu.memory_space<vmem>>, vector<1x16xf32>,
        %get3A_1234 = vector.shape_cast %get3A_1233 : vector<1x16xf32> to vector<16xf32>
        %max3A_1235 = arith.maximumf %get3A_1144, %get3A_1150 : vector<16xf32>
        %max3A_1236 = arith.maximumf %get3A_1156, %get3A_1162 : vector<16xf32>
        %max3A_1237 = arith.maximumf %get3A_1168, %get3A_1174 : vector<16xf32>
        %max3A_1238 = arith.maximumf %get3A_1180, %get3A_1186 : vector<16xf32>
        %max3A_1239 = arith.maximumf %get3A_1192, %get3A_1198 : vector<16xf32>
        %max3A_1240 = arith.maximumf %get3A_1204, %get3A_1210 : vector<16xf32>
        %max3A_1241 = arith.maximumf %get3A_1216, %get3A_1222 : vector<16xf32>
        %max3A_1242 = arith.maximumf %get3A_1228, %get3A_1234 : vector<16xf32>
        %max3A_1243 = arith.maximumf %max3A_1235, %max3A_1236 : vector<16xf32>
        %max3A_1244 = arith.maximumf %max3A_1237, %max3A_1238 : vector<16xf32>
        %max3A_1245 = arith.maximumf %max3A_1239, %max3A_1240 : vector<16xf32>
        %max3A_1246 = arith.maximumf %max3A_1241, %max3A_1242 : vector<16xf32>
        %max3A_1247 = arith.maximumf %max3A_1243, %max3A_1244 : vector<16xf32>
        %max3A_1248 = arith.maximumf %max3A_1245, %max3A_1246 : vector<16xf32>
        %max3A_1249 = arith.maximumf %max3A_1247, %max3A_1248 : vector<16xf32>
        %swap3A_1250 = arith.index_cast %scan3A_94 : i32 to index
        %swap3A_1251 = arith.constant 144 : index
        %swap3A_1252 = tpu.vector_load %arg8[%swap3A_1250, %swap3A_1251] {strides = array<i32>} : memref<8x256xf32, #tpu.memory_space<vmem>>, vector<1x16xf32>,
        %swap3A_1253 = vector.shape_cast %swap3A_1252 : vector<1x16xf32> to vector<16xf32>
        %swap3A_1254 = vector.shape_cast %max3A_1249 : vector<16xf32> to vector<1x16xf32>
        tpu.vector_store %arg8[%swap3A_1250, %swap3A_1251], %swap3A_1254 {strides = array<i32>} : memref<8x256xf32, #tpu.memory_space<vmem>>, vector<1x16xf32>,
        %add3A_1255 = arith.constant 0 : i32
        %add3A_1256 = arith.addi %mul3A_97, %add3A_1255 : i32
        %get3A_1257 = arith.index_cast %add3A_1256 : i32 to index
        %get3A_1258 = arith.constant 160 : index
        %get3A_1259 = tpu.vector_load %arg6[%get3A_1257, %get3A_1258] {strides = array<i32>} : memref<128x256xf32, #tpu.memory_space<vmem>>, vector<1x16xf32>,
        %get3A_1260 = vector.shape_cast %get3A_1259 : vector<1x16xf32> to vector<16xf32>
        %add3A_1261 = arith.constant 1 : i32
        %add3A_1262 = arith.addi %mul3A_97, %add3A_1261 : i32
        %get3A_1263 = arith.index_cast %add3A_1262 : i32 to index
        %get3A_1264 = arith.constant 160 : index
        %get3A_1265 = tpu.vector_load %arg6[%get3A_1263, %get3A_1264] {strides = array<i32>} : memref<128x256xf32, #tpu.memory_space<vmem>>, vector<1x16xf32>,
        %get3A_1266 = vector.shape_cast %get3A_1265 : vector<1x16xf32> to vector<16xf32>
        %add3A_1267 = arith.constant 2 : i32
        %add3A_1268 = arith.addi %mul3A_97, %add3A_1267 : i32
        %get3A_1269 = arith.index_cast %add3A_1268 : i32 to index
        %get3A_1270 = arith.constant 160 : index
        %get3A_1271 = tpu.vector_load %arg6[%get3A_1269, %get3A_1270] {strides = array<i32>} : memref<128x256xf32, #tpu.memory_space<vmem>>, vector<1x16xf32>,
        %get3A_1272 = vector.shape_cast %get3A_1271 : vector<1x16xf32> to vector<16xf32>
        %add3A_1273 = arith.constant 3 : i32
        %add3A_1274 = arith.addi %mul3A_97, %add3A_1273 : i32
        %get3A_1275 = arith.index_cast %add3A_1274 : i32 to index
        %get3A_1276 = arith.constant 160 : index
        %get3A_1277 = tpu.vector_load %arg6[%get3A_1275, %get3A_1276] {strides = array<i32>} : memref<128x256xf32, #tpu.memory_space<vmem>>, vector<1x16xf32>,
        %get3A_1278 = vector.shape_cast %get3A_1277 : vector<1x16xf32> to vector<16xf32>
        %add3A_1279 = arith.constant 4 : i32
        %add3A_1280 = arith.addi %mul3A_97, %add3A_1279 : i32
        %get3A_1281 = arith.index_cast %add3A_1280 : i32 to index
        %get3A_1282 = arith.constant 160 : index
        %get3A_1283 = tpu.vector_load %arg6[%get3A_1281, %get3A_1282] {strides = array<i32>} : memref<128x256xf32, #tpu.memory_space<vmem>>, vector<1x16xf32>,
        %get3A_1284 = vector.shape_cast %get3A_1283 : vector<1x16xf32> to vector<16xf32>
        %add3A_1285 = arith.constant 5 : i32
        %add3A_1286 = arith.addi %mul3A_97, %add3A_1285 : i32
        %get3A_1287 = arith.index_cast %add3A_1286 : i32 to index
        %get3A_1288 = arith.constant 160 : index
        %get3A_1289 = tpu.vector_load %arg6[%get3A_1287, %get3A_1288] {strides = array<i32>} : memref<128x256xf32, #tpu.memory_space<vmem>>, vector<1x16xf32>,
        %get3A_1290 = vector.shape_cast %get3A_1289 : vector<1x16xf32> to vector<16xf32>
        %add3A_1291 = arith.constant 6 : i32
        %add3A_1292 = arith.addi %mul3A_97, %add3A_1291 : i32
        %get3A_1293 = arith.index_cast %add3A_1292 : i32 to index
        %get3A_1294 = arith.constant 160 : index
        %get3A_1295 = tpu.vector_load %arg6[%get3A_1293, %get3A_1294] {strides = array<i32>} : memref<128x256xf32, #tpu.memory_space<vmem>>, vector<1x16xf32>,
        %get3A_1296 = vector.shape_cast %get3A_1295 : vector<1x16xf32> to vector<16xf32>
        %add3A_1297 = arith.constant 7 : i32
        %add3A_1298 = arith.addi %mul3A_97, %add3A_1297 : i32
        %get3A_1299 = arith.index_cast %add3A_1298 : i32 to index
        %get3A_1300 = arith.constant 160 : index
        %get3A_1301 = tpu.vector_load %arg6[%get3A_1299, %get3A_1300] {strides = array<i32>} : memref<128x256xf32, #tpu.memory_space<vmem>>, vector<1x16xf32>,
        %get3A_1302 = vector.shape_cast %get3A_1301 : vector<1x16xf32> to vector<16xf32>
        %add3A_1303 = arith.constant 8 : i32
        %add3A_1304 = arith.addi %mul3A_97, %add3A_1303 : i32
        %get3A_1305 = arith.index_cast %add3A_1304 : i32 to index
        %get3A_1306 = arith.constant 160 : index
        %get3A_1307 = tpu.vector_load %arg6[%get3A_1305, %get3A_1306] {strides = array<i32>} : memref<128x256xf32, #tpu.memory_space<vmem>>, vector<1x16xf32>,
        %get3A_1308 = vector.shape_cast %get3A_1307 : vector<1x16xf32> to vector<16xf32>
        %add3A_1309 = arith.constant 9 : i32
        %add3A_1310 = arith.addi %mul3A_97, %add3A_1309 : i32
        %get3A_1311 = arith.index_cast %add3A_1310 : i32 to index
        %get3A_1312 = arith.constant 160 : index
        %get3A_1313 = tpu.vector_load %arg6[%get3A_1311, %get3A_1312] {strides = array<i32>} : memref<128x256xf32, #tpu.memory_space<vmem>>, vector<1x16xf32>,
        %get3A_1314 = vector.shape_cast %get3A_1313 : vector<1x16xf32> to vector<16xf32>
        %add3A_1315 = arith.constant 10 : i32
        %add3A_1316 = arith.addi %mul3A_97, %add3A_1315 : i32
        %get3A_1317 = arith.index_cast %add3A_1316 : i32 to index
        %get3A_1318 = arith.constant 160 : index
        %get3A_1319 = tpu.vector_load %arg6[%get3A_1317, %get3A_1318] {strides = array<i32>} : memref<128x256xf32, #tpu.memory_space<vmem>>, vector<1x16xf32>,
        %get3A_1320 = vector.shape_cast %get3A_1319 : vector<1x16xf32> to vector<16xf32>
        %add3A_1321 = arith.constant 11 : i32
        %add3A_1322 = arith.addi %mul3A_97, %add3A_1321 : i32
        %get3A_1323 = arith.index_cast %add3A_1322 : i32 to index
        %get3A_1324 = arith.constant 160 : index
        %get3A_1325 = tpu.vector_load %arg6[%get3A_1323, %get3A_1324] {strides = array<i32>} : memref<128x256xf32, #tpu.memory_space<vmem>>, vector<1x16xf32>,
        %get3A_1326 = vector.shape_cast %get3A_1325 : vector<1x16xf32> to vector<16xf32>
        %add3A_1327 = arith.constant 12 : i32
        %add3A_1328 = arith.addi %mul3A_97, %add3A_1327 : i32
        %get3A_1329 = arith.index_cast %add3A_1328 : i32 to index
        %get3A_1330 = arith.constant 160 : index
        %get3A_1331 = tpu.vector_load %arg6[%get3A_1329, %get3A_1330] {strides = array<i32>} : memref<128x256xf32, #tpu.memory_space<vmem>>, vector<1x16xf32>,
        %get3A_1332 = vector.shape_cast %get3A_1331 : vector<1x16xf32> to vector<16xf32>
        %add3A_1333 = arith.constant 13 : i32
        %add3A_1334 = arith.addi %mul3A_97, %add3A_1333 : i32
        %get3A_1335 = arith.index_cast %add3A_1334 : i32 to index
        %get3A_1336 = arith.constant 160 : index
        %get3A_1337 = tpu.vector_load %arg6[%get3A_1335, %get3A_1336] {strides = array<i32>} : memref<128x256xf32, #tpu.memory_space<vmem>>, vector<1x16xf32>,
        %get3A_1338 = vector.shape_cast %get3A_1337 : vector<1x16xf32> to vector<16xf32>
        %add3A_1339 = arith.constant 14 : i32
        %add3A_1340 = arith.addi %mul3A_97, %add3A_1339 : i32
        %get3A_1341 = arith.index_cast %add3A_1340 : i32 to index
        %get3A_1342 = arith.constant 160 : index
        %get3A_1343 = tpu.vector_load %arg6[%get3A_1341, %get3A_1342] {strides = array<i32>} : memref<128x256xf32, #tpu.memory_space<vmem>>, vector<1x16xf32>,
        %get3A_1344 = vector.shape_cast %get3A_1343 : vector<1x16xf32> to vector<16xf32>
        %add3A_1345 = arith.constant 15 : i32
        %add3A_1346 = arith.addi %mul3A_97, %add3A_1345 : i32
        %get3A_1347 = arith.index_cast %add3A_1346 : i32 to index
        %get3A_1348 = arith.constant 160 : index
        %get3A_1349 = tpu.vector_load %arg6[%get3A_1347, %get3A_1348] {strides = array<i32>} : memref<128x256xf32, #tpu.memory_space<vmem>>, vector<1x16xf32>,
        %get3A_1350 = vector.shape_cast %get3A_1349 : vector<1x16xf32> to vector<16xf32>
        %max3A_1351 = arith.maximumf %get3A_1260, %get3A_1266 : vector<16xf32>
        %max3A_1352 = arith.maximumf %get3A_1272, %get3A_1278 : vector<16xf32>
        %max3A_1353 = arith.maximumf %get3A_1284, %get3A_1290 : vector<16xf32>
        %max3A_1354 = arith.maximumf %get3A_1296, %get3A_1302 : vector<16xf32>
        %max3A_1355 = arith.maximumf %get3A_1308, %get3A_1314 : vector<16xf32>
        %max3A_1356 = arith.maximumf %get3A_1320, %get3A_1326 : vector<16xf32>
        %max3A_1357 = arith.maximumf %get3A_1332, %get3A_1338 : vector<16xf32>
        %max3A_1358 = arith.maximumf %get3A_1344, %get3A_1350 : vector<16xf32>
        %max3A_1359 = arith.maximumf %max3A_1351, %max3A_1352 : vector<16xf32>
        %max3A_1360 = arith.maximumf %max3A_1353, %max3A_1354 : vector<16xf32>
        %max3A_1361 = arith.maximumf %max3A_1355, %max3A_1356 : vector<16xf32>
        %max3A_1362 = arith.maximumf %max3A_1357, %max3A_1358 : vector<16xf32>
        %max3A_1363 = arith.maximumf %max3A_1359, %max3A_1360 : vector<16xf32>
        %max3A_1364 = arith.maximumf %max3A_1361, %max3A_1362 : vector<16xf32>
        %max3A_1365 = arith.maximumf %max3A_1363, %max3A_1364 : vector<16xf32>
        %swap3A_1366 = arith.index_cast %scan3A_94 : i32 to index
        %swap3A_1367 = arith.constant 160 : index
        %swap3A_1368 = tpu.vector_load %arg8[%swap3A_1366, %swap3A_1367] {strides = array<i32>} : memref<8x256xf32, #tpu.memory_space<vmem>>, vector<1x16xf32>,
        %swap3A_1369 = vector.shape_cast %swap3A_1368 : vector<1x16xf32> to vector<16xf32>
        %swap3A_1370 = vector.shape_cast %max3A_1365 : vector<16xf32> to vector<1x16xf32>
        tpu.vector_store %arg8[%swap3A_1366, %swap3A_1367], %swap3A_1370 {strides = array<i32>} : memref<8x256xf32, #tpu.memory_space<vmem>>, vector<1x16xf32>,
        %add3A_1371 = arith.constant 0 : i32
        %add3A_1372 = arith.addi %mul3A_97, %add3A_1371 : i32
        %get3A_1373 = arith.index_cast %add3A_1372 : i32 to index
        %get3A_1374 = arith.constant 176 : index
        %get3A_1375 = tpu.vector_load %arg6[%get3A_1373, %get3A_1374] {strides = array<i32>} : memref<128x256xf32, #tpu.memory_space<vmem>>, vector<1x16xf32>,
        %get3A_1376 = vector.shape_cast %get3A_1375 : vector<1x16xf32> to vector<16xf32>
        %add3A_1377 = arith.constant 1 : i32
        %add3A_1378 = arith.addi %mul3A_97, %add3A_1377 : i32
        %get3A_1379 = arith.index_cast %add3A_1378 : i32 to index
        %get3A_1380 = arith.constant 176 : index
        %get3A_1381 = tpu.vector_load %arg6[%get3A_1379, %get3A_1380] {strides = array<i32>} : memref<128x256xf32, #tpu.memory_space<vmem>>, vector<1x16xf32>,
        %get3A_1382 = vector.shape_cast %get3A_1381 : vector<1x16xf32> to vector<16xf32>
        %add3A_1383 = arith.constant 2 : i32
        %add3A_1384 = arith.addi %mul3A_97, %add3A_1383 : i32
        %get3A_1385 = arith.index_cast %add3A_1384 : i32 to index
        %get3A_1386 = arith.constant 176 : index
        %get3A_1387 = tpu.vector_load %arg6[%get3A_1385, %get3A_1386] {strides = array<i32>} : memref<128x256xf32, #tpu.memory_space<vmem>>, vector<1x16xf32>,
        %get3A_1388 = vector.shape_cast %get3A_1387 : vector<1x16xf32> to vector<16xf32>
        %add3A_1389 = arith.constant 3 : i32
        %add3A_1390 = arith.addi %mul3A_97, %add3A_1389 : i32
        %get3A_1391 = arith.index_cast %add3A_1390 : i32 to index
        %get3A_1392 = arith.constant 176 : index
        %get3A_1393 = tpu.vector_load %arg6[%get3A_1391, %get3A_1392] {strides = array<i32>} : memref<128x256xf32, #tpu.memory_space<vmem>>, vector<1x16xf32>,
        %get3A_1394 = vector.shape_cast %get3A_1393 : vector<1x16xf32> to vector<16xf32>
        %add3A_1395 = arith.constant 4 : i32
        %add3A_1396 = arith.addi %mul3A_97, %add3A_1395 : i32
        %get3A_1397 = arith.index_cast %add3A_1396 : i32 to index
        %get3A_1398 = arith.constant 176 : index
        %get3A_1399 = tpu.vector_load %arg6[%get3A_1397, %get3A_1398] {strides = array<i32>} : memref<128x256xf32, #tpu.memory_space<vmem>>, vector<1x16xf32>,
        %get3A_1400 = vector.shape_cast %get3A_1399 : vector<1x16xf32> to vector<16xf32>
        %add3A_1401 = arith.constant 5 : i32
        %add3A_1402 = arith.addi %mul3A_97, %add3A_1401 : i32
        %get3A_1403 = arith.index_cast %add3A_1402 : i32 to index
        %get3A_1404 = arith.constant 176 : index
        %get3A_1405 = tpu.vector_load %arg6[%get3A_1403, %get3A_1404] {strides = array<i32>} : memref<128x256xf32, #tpu.memory_space<vmem>>, vector<1x16xf32>,
        %get3A_1406 = vector.shape_cast %get3A_1405 : vector<1x16xf32> to vector<16xf32>
        %add3A_1407 = arith.constant 6 : i32
        %add3A_1408 = arith.addi %mul3A_97, %add3A_1407 : i32
        %get3A_1409 = arith.index_cast %add3A_1408 : i32 to index
        %get3A_1410 = arith.constant 176 : index
        %get3A_1411 = tpu.vector_load %arg6[%get3A_1409, %get3A_1410] {strides = array<i32>} : memref<128x256xf32, #tpu.memory_space<vmem>>, vector<1x16xf32>,
        %get3A_1412 = vector.shape_cast %get3A_1411 : vector<1x16xf32> to vector<16xf32>
        %add3A_1413 = arith.constant 7 : i32
        %add3A_1414 = arith.addi %mul3A_97, %add3A_1413 : i32
        %get3A_1415 = arith.index_cast %add3A_1414 : i32 to index
        %get3A_1416 = arith.constant 176 : index
        %get3A_1417 = tpu.vector_load %arg6[%get3A_1415, %get3A_1416] {strides = array<i32>} : memref<128x256xf32, #tpu.memory_space<vmem>>, vector<1x16xf32>,
        %get3A_1418 = vector.shape_cast %get3A_1417 : vector<1x16xf32> to vector<16xf32>
        %add3A_1419 = arith.constant 8 : i32
        %add3A_1420 = arith.addi %mul3A_97, %add3A_1419 : i32
        %get3A_1421 = arith.index_cast %add3A_1420 : i32 to index
        %get3A_1422 = arith.constant 176 : index
        %get3A_1423 = tpu.vector_load %arg6[%get3A_1421, %get3A_1422] {strides = array<i32>} : memref<128x256xf32, #tpu.memory_space<vmem>>, vector<1x16xf32>,
        %get3A_1424 = vector.shape_cast %get3A_1423 : vector<1x16xf32> to vector<16xf32>
        %add3A_1425 = arith.constant 9 : i32
        %add3A_1426 = arith.addi %mul3A_97, %add3A_1425 : i32
        %get3A_1427 = arith.index_cast %add3A_1426 : i32 to index
        %get3A_1428 = arith.constant 176 : index
        %get3A_1429 = tpu.vector_load %arg6[%get3A_1427, %get3A_1428] {strides = array<i32>} : memref<128x256xf32, #tpu.memory_space<vmem>>, vector<1x16xf32>,
        %get3A_1430 = vector.shape_cast %get3A_1429 : vector<1x16xf32> to vector<16xf32>
        %add3A_1431 = arith.constant 10 : i32
        %add3A_1432 = arith.addi %mul3A_97, %add3A_1431 : i32
        %get3A_1433 = arith.index_cast %add3A_1432 : i32 to index
        %get3A_1434 = arith.constant 176 : index
        %get3A_1435 = tpu.vector_load %arg6[%get3A_1433, %get3A_1434] {strides = array<i32>} : memref<128x256xf32, #tpu.memory_space<vmem>>, vector<1x16xf32>,
        %get3A_1436 = vector.shape_cast %get3A_1435 : vector<1x16xf32> to vector<16xf32>
        %add3A_1437 = arith.constant 11 : i32
        %add3A_1438 = arith.addi %mul3A_97, %add3A_1437 : i32
        %get3A_1439 = arith.index_cast %add3A_1438 : i32 to index
        %get3A_1440 = arith.constant 176 : index
        %get3A_1441 = tpu.vector_load %arg6[%get3A_1439, %get3A_1440] {strides = array<i32>} : memref<128x256xf32, #tpu.memory_space<vmem>>, vector<1x16xf32>,
        %get3A_1442 = vector.shape_cast %get3A_1441 : vector<1x16xf32> to vector<16xf32>
        %add3A_1443 = arith.constant 12 : i32
        %add3A_1444 = arith.addi %mul3A_97, %add3A_1443 : i32
        %get3A_1445 = arith.index_cast %add3A_1444 : i32 to index
        %get3A_1446 = arith.constant 176 : index
        %get3A_1447 = tpu.vector_load %arg6[%get3A_1445, %get3A_1446] {strides = array<i32>} : memref<128x256xf32, #tpu.memory_space<vmem>>, vector<1x16xf32>,
        %get3A_1448 = vector.shape_cast %get3A_1447 : vector<1x16xf32> to vector<16xf32>
        %add3A_1449 = arith.constant 13 : i32
        %add3A_1450 = arith.addi %mul3A_97, %add3A_1449 : i32
        %get3A_1451 = arith.index_cast %add3A_1450 : i32 to index
        %get3A_1452 = arith.constant 176 : index
        %get3A_1453 = tpu.vector_load %arg6[%get3A_1451, %get3A_1452] {strides = array<i32>} : memref<128x256xf32, #tpu.memory_space<vmem>>, vector<1x16xf32>,
        %get3A_1454 = vector.shape_cast %get3A_1453 : vector<1x16xf32> to vector<16xf32>
        %add3A_1455 = arith.constant 14 : i32
        %add3A_1456 = arith.addi %mul3A_97, %add3A_1455 : i32
        %get3A_1457 = arith.index_cast %add3A_1456 : i32 to index
        %get3A_1458 = arith.constant 176 : index
        %get3A_1459 = tpu.vector_load %arg6[%get3A_1457, %get3A_1458] {strides = array<i32>} : memref<128x256xf32, #tpu.memory_space<vmem>>, vector<1x16xf32>,
        %get3A_1460 = vector.shape_cast %get3A_1459 : vector<1x16xf32> to vector<16xf32>
        %add3A_1461 = arith.constant 15 : i32
        %add3A_1462 = arith.addi %mul3A_97, %add3A_1461 : i32
        %get3A_1463 = arith.index_cast %add3A_1462 : i32 to index
        %get3A_1464 = arith.constant 176 : index
        %get3A_1465 = tpu.vector_load %arg6[%get3A_1463, %get3A_1464] {strides = array<i32>} : memref<128x256xf32, #tpu.memory_space<vmem>>, vector<1x16xf32>,
        %get3A_1466 = vector.shape_cast %get3A_1465 : vector<1x16xf32> to vector<16xf32>
        %max3A_1467 = arith.maximumf %get3A_1376, %get3A_1382 : vector<16xf32>
        %max3A_1468 = arith.maximumf %get3A_1388, %get3A_1394 : vector<16xf32>
        %max3A_1469 = arith.maximumf %get3A_1400, %get3A_1406 : vector<16xf32>
        %max3A_1470 = arith.maximumf %get3A_1412, %get3A_1418 : vector<16xf32>
        %max3A_1471 = arith.maximumf %get3A_1424, %get3A_1430 : vector<16xf32>
        %max3A_1472 = arith.maximumf %get3A_1436, %get3A_1442 : vector<16xf32>
        %max3A_1473 = arith.maximumf %get3A_1448, %get3A_1454 : vector<16xf32>
        %max3A_1474 = arith.maximumf %get3A_1460, %get3A_1466 : vector<16xf32>
        %max3A_1475 = arith.maximumf %max3A_1467, %max3A_1468 : vector<16xf32>
        %max3A_1476 = arith.maximumf %max3A_1469, %max3A_1470 : vector<16xf32>
        %max3A_1477 = arith.maximumf %max3A_1471, %max3A_1472 : vector<16xf32>
        %max3A_1478 = arith.maximumf %max3A_1473, %max3A_1474 : vector<16xf32>
        %max3A_1479 = arith.maximumf %max3A_1475, %max3A_1476 : vector<16xf32>
        %max3A_1480 = arith.maximumf %max3A_1477, %max3A_1478 : vector<16xf32>
        %max3A_1481 = arith.maximumf %max3A_1479, %max3A_1480 : vector<16xf32>
        %swap3A_1482 = arith.index_cast %scan3A_94 : i32 to index
        %swap3A_1483 = arith.constant 176 : index
        %swap3A_1484 = tpu.vector_load %arg8[%swap3A_1482, %swap3A_1483] {strides = array<i32>} : memref<8x256xf32, #tpu.memory_space<vmem>>, vector<1x16xf32>,
        %swap3A_1485 = vector.shape_cast %swap3A_1484 : vector<1x16xf32> to vector<16xf32>
        %swap3A_1486 = vector.shape_cast %max3A_1481 : vector<16xf32> to vector<1x16xf32>
        tpu.vector_store %arg8[%swap3A_1482, %swap3A_1483], %swap3A_1486 {strides = array<i32>} : memref<8x256xf32, #tpu.memory_space<vmem>>, vector<1x16xf32>,
        %add3A_1487 = arith.constant 0 : i32
        %add3A_1488 = arith.addi %mul3A_97, %add3A_1487 : i32
        %get3A_1489 = arith.index_cast %add3A_1488 : i32 to index
        %get3A_1490 = arith.constant 192 : index
        %get3A_1491 = tpu.vector_load %arg6[%get3A_1489, %get3A_1490] {strides = array<i32>} : memref<128x256xf32, #tpu.memory_space<vmem>>, vector<1x16xf32>,
        %get3A_1492 = vector.shape_cast %get3A_1491 : vector<1x16xf32> to vector<16xf32>
        %add3A_1493 = arith.constant 1 : i32
        %add3A_1494 = arith.addi %mul3A_97, %add3A_1493 : i32
        %get3A_1495 = arith.index_cast %add3A_1494 : i32 to index
        %get3A_1496 = arith.constant 192 : index
        %get3A_1497 = tpu.vector_load %arg6[%get3A_1495, %get3A_1496] {strides = array<i32>} : memref<128x256xf32, #tpu.memory_space<vmem>>, vector<1x16xf32>,
        %get3A_1498 = vector.shape_cast %get3A_1497 : vector<1x16xf32> to vector<16xf32>
        %add3A_1499 = arith.constant 2 : i32
        %add3A_1500 = arith.addi %mul3A_97, %add3A_1499 : i32
        %get3A_1501 = arith.index_cast %add3A_1500 : i32 to index
        %get3A_1502 = arith.constant 192 : index
        %get3A_1503 = tpu.vector_load %arg6[%get3A_1501, %get3A_1502] {strides = array<i32>} : memref<128x256xf32, #tpu.memory_space<vmem>>, vector<1x16xf32>,
        %get3A_1504 = vector.shape_cast %get3A_1503 : vector<1x16xf32> to vector<16xf32>
        %add3A_1505 = arith.constant 3 : i32
        %add3A_1506 = arith.addi %mul3A_97, %add3A_1505 : i32
        %get3A_1507 = arith.index_cast %add3A_1506 : i32 to index
        %get3A_1508 = arith.constant 192 : index
        %get3A_1509 = tpu.vector_load %arg6[%get3A_1507, %get3A_1508] {strides = array<i32>} : memref<128x256xf32, #tpu.memory_space<vmem>>, vector<1x16xf32>,
        %get3A_1510 = vector.shape_cast %get3A_1509 : vector<1x16xf32> to vector<16xf32>
        %add3A_1511 = arith.constant 4 : i32
        %add3A_1512 = arith.addi %mul3A_97, %add3A_1511 : i32
        %get3A_1513 = arith.index_cast %add3A_1512 : i32 to index
        %get3A_1514 = arith.constant 192 : index
        %get3A_1515 = tpu.vector_load %arg6[%get3A_1513, %get3A_1514] {strides = array<i32>} : memref<128x256xf32, #tpu.memory_space<vmem>>, vector<1x16xf32>,
        %get3A_1516 = vector.shape_cast %get3A_1515 : vector<1x16xf32> to vector<16xf32>
        %add3A_1517 = arith.constant 5 : i32
        %add3A_1518 = arith.addi %mul3A_97, %add3A_1517 : i32
        %get3A_1519 = arith.index_cast %add3A_1518 : i32 to index
        %get3A_1520 = arith.constant 192 : index
        %get3A_1521 = tpu.vector_load %arg6[%get3A_1519, %get3A_1520] {strides = array<i32>} : memref<128x256xf32, #tpu.memory_space<vmem>>, vector<1x16xf32>,
        %get3A_1522 = vector.shape_cast %get3A_1521 : vector<1x16xf32> to vector<16xf32>
        %add3A_1523 = arith.constant 6 : i32
        %add3A_1524 = arith.addi %mul3A_97, %add3A_1523 : i32
        %get3A_1525 = arith.index_cast %add3A_1524 : i32 to index
        %get3A_1526 = arith.constant 192 : index
        %get3A_1527 = tpu.vector_load %arg6[%get3A_1525, %get3A_1526] {strides = array<i32>} : memref<128x256xf32, #tpu.memory_space<vmem>>, vector<1x16xf32>,
        %get3A_1528 = vector.shape_cast %get3A_1527 : vector<1x16xf32> to vector<16xf32>
        %add3A_1529 = arith.constant 7 : i32
        %add3A_1530 = arith.addi %mul3A_97, %add3A_1529 : i32
        %get3A_1531 = arith.index_cast %add3A_1530 : i32 to index
        %get3A_1532 = arith.constant 192 : index
        %get3A_1533 = tpu.vector_load %arg6[%get3A_1531, %get3A_1532] {strides = array<i32>} : memref<128x256xf32, #tpu.memory_space<vmem>>, vector<1x16xf32>,
        %get3A_1534 = vector.shape_cast %get3A_1533 : vector<1x16xf32> to vector<16xf32>
        %add3A_1535 = arith.constant 8 : i32
        %add3A_1536 = arith.addi %mul3A_97, %add3A_1535 : i32
        %get3A_1537 = arith.index_cast %add3A_1536 : i32 to index
        %get3A_1538 = arith.constant 192 : index
        %get3A_1539 = tpu.vector_load %arg6[%get3A_1537, %get3A_1538] {strides = array<i32>} : memref<128x256xf32, #tpu.memory_space<vmem>>, vector<1x16xf32>,
        %get3A_1540 = vector.shape_cast %get3A_1539 : vector<1x16xf32> to vector<16xf32>
        %add3A_1541 = arith.constant 9 : i32
        %add3A_1542 = arith.addi %mul3A_97, %add3A_1541 : i32
        %get3A_1543 = arith.index_cast %add3A_1542 : i32 to index
        %get3A_1544 = arith.constant 192 : index
        %get3A_1545 = tpu.vector_load %arg6[%get3A_1543, %get3A_1544] {strides = array<i32>} : memref<128x256xf32, #tpu.memory_space<vmem>>, vector<1x16xf32>,
        %get3A_1546 = vector.shape_cast %get3A_1545 : vector<1x16xf32> to vector<16xf32>
        %add3A_1547 = arith.constant 10 : i32
        %add3A_1548 = arith.addi %mul3A_97, %add3A_1547 : i32
        %get3A_1549 = arith.index_cast %add3A_1548 : i32 to index
        %get3A_1550 = arith.constant 192 : index
        %get3A_1551 = tpu.vector_load %arg6[%get3A_1549, %get3A_1550] {strides = array<i32>} : memref<128x256xf32, #tpu.memory_space<vmem>>, vector<1x16xf32>,
        %get3A_1552 = vector.shape_cast %get3A_1551 : vector<1x16xf32> to vector<16xf32>
        %add3A_1553 = arith.constant 11 : i32
        %add3A_1554 = arith.addi %mul3A_97, %add3A_1553 : i32
        %get3A_1555 = arith.index_cast %add3A_1554 : i32 to index
        %get3A_1556 = arith.constant 192 : index
        %get3A_1557 = tpu.vector_load %arg6[%get3A_1555, %get3A_1556] {strides = array<i32>} : memref<128x256xf32, #tpu.memory_space<vmem>>, vector<1x16xf32>,
        %get3A_1558 = vector.shape_cast %get3A_1557 : vector<1x16xf32> to vector<16xf32>
        %add3A_1559 = arith.constant 12 : i32
        %add3A_1560 = arith.addi %mul3A_97, %add3A_1559 : i32
        %get3A_1561 = arith.index_cast %add3A_1560 : i32 to index
        %get3A_1562 = arith.constant 192 : index
        %get3A_1563 = tpu.vector_load %arg6[%get3A_1561, %get3A_1562] {strides = array<i32>} : memref<128x256xf32, #tpu.memory_space<vmem>>, vector<1x16xf32>,
        %get3A_1564 = vector.shape_cast %get3A_1563 : vector<1x16xf32> to vector<16xf32>
        %add3A_1565 = arith.constant 13 : i32
        %add3A_1566 = arith.addi %mul3A_97, %add3A_1565 : i32
        %get3A_1567 = arith.index_cast %add3A_1566 : i32 to index
        %get3A_1568 = arith.constant 192 : index
        %get3A_1569 = tpu.vector_load %arg6[%get3A_1567, %get3A_1568] {strides = array<i32>} : memref<128x256xf32, #tpu.memory_space<vmem>>, vector<1x16xf32>,
        %get3A_1570 = vector.shape_cast %get3A_1569 : vector<1x16xf32> to vector<16xf32>
        %add3A_1571 = arith.constant 14 : i32
        %add3A_1572 = arith.addi %mul3A_97, %add3A_1571 : i32
        %get3A_1573 = arith.index_cast %add3A_1572 : i32 to index
        %get3A_1574 = arith.constant 192 : index
        %get3A_1575 = tpu.vector_load %arg6[%get3A_1573, %get3A_1574] {strides = array<i32>} : memref<128x256xf32, #tpu.memory_space<vmem>>, vector<1x16xf32>,
        %get3A_1576 = vector.shape_cast %get3A_1575 : vector<1x16xf32> to vector<16xf32>
        %add3A_1577 = arith.constant 15 : i32
        %add3A_1578 = arith.addi %mul3A_97, %add3A_1577 : i32
        %get3A_1579 = arith.index_cast %add3A_1578 : i32 to index
        %get3A_1580 = arith.constant 192 : index
        %get3A_1581 = tpu.vector_load %arg6[%get3A_1579, %get3A_1580] {strides = array<i32>} : memref<128x256xf32, #tpu.memory_space<vmem>>, vector<1x16xf32>,
        %get3A_1582 = vector.shape_cast %get3A_1581 : vector<1x16xf32> to vector<16xf32>
        %max3A_1583 = arith.maximumf %get3A_1492, %get3A_1498 : vector<16xf32>
        %max3A_1584 = arith.maximumf %get3A_1504, %get3A_1510 : vector<16xf32>
        %max3A_1585 = arith.maximumf %get3A_1516, %get3A_1522 : vector<16xf32>
        %max3A_1586 = arith.maximumf %get3A_1528, %get3A_1534 : vector<16xf32>
        %max3A_1587 = arith.maximumf %get3A_1540, %get3A_1546 : vector<16xf32>
        %max3A_1588 = arith.maximumf %get3A_1552, %get3A_1558 : vector<16xf32>
        %max3A_1589 = arith.maximumf %get3A_1564, %get3A_1570 : vector<16xf32>
        %max3A_1590 = arith.maximumf %get3A_1576, %get3A_1582 : vector<16xf32>
        %max3A_1591 = arith.maximumf %max3A_1583, %max3A_1584 : vector<16xf32>
        %max3A_1592 = arith.maximumf %max3A_1585, %max3A_1586 : vector<16xf32>
        %max3A_1593 = arith.maximumf %max3A_1587, %max3A_1588 : vector<16xf32>
        %max3A_1594 = arith.maximumf %max3A_1589, %max3A_1590 : vector<16xf32>
        %max3A_1595 = arith.maximumf %max3A_1591, %max3A_1592 : vector<16xf32>
        %max3A_1596 = arith.maximumf %max3A_1593, %max3A_1594 : vector<16xf32>
        %max3A_1597 = arith.maximumf %max3A_1595, %max3A_1596 : vector<16xf32>
        %swap3A_1598 = arith.index_cast %scan3A_94 : i32 to index
        %swap3A_1599 = arith.constant 192 : index
        %swap3A_1600 = tpu.vector_load %arg8[%swap3A_1598, %swap3A_1599] {strides = array<i32>} : memref<8x256xf32, #tpu.memory_space<vmem>>, vector<1x16xf32>,
        %swap3A_1601 = vector.shape_cast %swap3A_1600 : vector<1x16xf32> to vector<16xf32>
        %swap3A_1602 = vector.shape_cast %max3A_1597 : vector<16xf32> to vector<1x16xf32>
        tpu.vector_store %arg8[%swap3A_1598, %swap3A_1599], %swap3A_1602 {strides = array<i32>} : memref<8x256xf32, #tpu.memory_space<vmem>>, vector<1x16xf32>,
        %add3A_1603 = arith.constant 0 : i32
        %add3A_1604 = arith.addi %mul3A_97, %add3A_1603 : i32
        %get3A_1605 = arith.index_cast %add3A_1604 : i32 to index
        %get3A_1606 = arith.constant 208 : index
        %get3A_1607 = tpu.vector_load %arg6[%get3A_1605, %get3A_1606] {strides = array<i32>} : memref<128x256xf32, #tpu.memory_space<vmem>>, vector<1x16xf32>,
        %get3A_1608 = vector.shape_cast %get3A_1607 : vector<1x16xf32> to vector<16xf32>
        %add3A_1609 = arith.constant 1 : i32
        %add3A_1610 = arith.addi %mul3A_97, %add3A_1609 : i32
        %get3A_1611 = arith.index_cast %add3A_1610 : i32 to index
        %get3A_1612 = arith.constant 208 : index
        %get3A_1613 = tpu.vector_load %arg6[%get3A_1611, %get3A_1612] {strides = array<i32>} : memref<128x256xf32, #tpu.memory_space<vmem>>, vector<1x16xf32>,
        %get3A_1614 = vector.shape_cast %get3A_1613 : vector<1x16xf32> to vector<16xf32>
        %add3A_1615 = arith.constant 2 : i32
        %add3A_1616 = arith.addi %mul3A_97, %add3A_1615 : i32
        %get3A_1617 = arith.index_cast %add3A_1616 : i32 to index
        %get3A_1618 = arith.constant 208 : index
        %get3A_1619 = tpu.vector_load %arg6[%get3A_1617, %get3A_1618] {strides = array<i32>} : memref<128x256xf32, #tpu.memory_space<vmem>>, vector<1x16xf32>,
        %get3A_1620 = vector.shape_cast %get3A_1619 : vector<1x16xf32> to vector<16xf32>
        %add3A_1621 = arith.constant 3 : i32
        %add3A_1622 = arith.addi %mul3A_97, %add3A_1621 : i32
        %get3A_1623 = arith.index_cast %add3A_1622 : i32 to index
        %get3A_1624 = arith.constant 208 : index
        %get3A_1625 = tpu.vector_load %arg6[%get3A_1623, %get3A_1624] {strides = array<i32>} : memref<128x256xf32, #tpu.memory_space<vmem>>, vector<1x16xf32>,
        %get3A_1626 = vector.shape_cast %get3A_1625 : vector<1x16xf32> to vector<16xf32>
        %add3A_1627 = arith.constant 4 : i32
        %add3A_1628 = arith.addi %mul3A_97, %add3A_1627 : i32
        %get3A_1629 = arith.index_cast %add3A_1628 : i32 to index
        %get3A_1630 = arith.constant 208 : index
        %get3A_1631 = tpu.vector_load %arg6[%get3A_1629, %get3A_1630] {strides = array<i32>} : memref<128x256xf32, #tpu.memory_space<vmem>>, vector<1x16xf32>,
        %get3A_1632 = vector.shape_cast %get3A_1631 : vector<1x16xf32> to vector<16xf32>
        %add3A_1633 = arith.constant 5 : i32
        %add3A_1634 = arith.addi %mul3A_97, %add3A_1633 : i32
        %get3A_1635 = arith.index_cast %add3A_1634 : i32 to index
        %get3A_1636 = arith.constant 208 : index
        %get3A_1637 = tpu.vector_load %arg6[%get3A_1635, %get3A_1636] {strides = array<i32>} : memref<128x256xf32, #tpu.memory_space<vmem>>, vector<1x16xf32>,
        %get3A_1638 = vector.shape_cast %get3A_1637 : vector<1x16xf32> to vector<16xf32>
        %add3A_1639 = arith.constant 6 : i32
        %add3A_1640 = arith.addi %mul3A_97, %add3A_1639 : i32
        %get3A_1641 = arith.index_cast %add3A_1640 : i32 to index
        %get3A_1642 = arith.constant 208 : index
        %get3A_1643 = tpu.vector_load %arg6[%get3A_1641, %get3A_1642] {strides = array<i32>} : memref<128x256xf32, #tpu.memory_space<vmem>>, vector<1x16xf32>,
        %get3A_1644 = vector.shape_cast %get3A_1643 : vector<1x16xf32> to vector<16xf32>
        %add3A_1645 = arith.constant 7 : i32
        %add3A_1646 = arith.addi %mul3A_97, %add3A_1645 : i32
        %get3A_1647 = arith.index_cast %add3A_1646 : i32 to index
        %get3A_1648 = arith.constant 208 : index
        %get3A_1649 = tpu.vector_load %arg6[%get3A_1647, %get3A_1648] {strides = array<i32>} : memref<128x256xf32, #tpu.memory_space<vmem>>, vector<1x16xf32>,
        %get3A_1650 = vector.shape_cast %get3A_1649 : vector<1x16xf32> to vector<16xf32>
        %add3A_1651 = arith.constant 8 : i32
        %add3A_1652 = arith.addi %mul3A_97, %add3A_1651 : i32
        %get3A_1653 = arith.index_cast %add3A_1652 : i32 to index
        %get3A_1654 = arith.constant 208 : index
        %get3A_1655 = tpu.vector_load %arg6[%get3A_1653, %get3A_1654] {strides = array<i32>} : memref<128x256xf32, #tpu.memory_space<vmem>>, vector<1x16xf32>,
        %get3A_1656 = vector.shape_cast %get3A_1655 : vector<1x16xf32> to vector<16xf32>
        %add3A_1657 = arith.constant 9 : i32
        %add3A_1658 = arith.addi %mul3A_97, %add3A_1657 : i32
        %get3A_1659 = arith.index_cast %add3A_1658 : i32 to index
        %get3A_1660 = arith.constant 208 : index
        %get3A_1661 = tpu.vector_load %arg6[%get3A_1659, %get3A_1660] {strides = array<i32>} : memref<128x256xf32, #tpu.memory_space<vmem>>, vector<1x16xf32>,
        %get3A_1662 = vector.shape_cast %get3A_1661 : vector<1x16xf32> to vector<16xf32>
        %add3A_1663 = arith.constant 10 : i32
        %add3A_1664 = arith.addi %mul3A_97, %add3A_1663 : i32
        %get3A_1665 = arith.index_cast %add3A_1664 : i32 to index
        %get3A_1666 = arith.constant 208 : index
        %get3A_1667 = tpu.vector_load %arg6[%get3A_1665, %get3A_1666] {strides = array<i32>} : memref<128x256xf32, #tpu.memory_space<vmem>>, vector<1x16xf32>,
        %get3A_1668 = vector.shape_cast %get3A_1667 : vector<1x16xf32> to vector<16xf32>
        %add3A_1669 = arith.constant 11 : i32
        %add3A_1670 = arith.addi %mul3A_97, %add3A_1669 : i32
        %get3A_1671 = arith.index_cast %add3A_1670 : i32 to index
        %get3A_1672 = arith.constant 208 : index
        %get3A_1673 = tpu.vector_load %arg6[%get3A_1671, %get3A_1672] {strides = array<i32>} : memref<128x256xf32, #tpu.memory_space<vmem>>, vector<1x16xf32>,
        %get3A_1674 = vector.shape_cast %get3A_1673 : vector<1x16xf32> to vector<16xf32>
        %add3A_1675 = arith.constant 12 : i32
        %add3A_1676 = arith.addi %mul3A_97, %add3A_1675 : i32
        %get3A_1677 = arith.index_cast %add3A_1676 : i32 to index
        %get3A_1678 = arith.constant 208 : index
        %get3A_1679 = tpu.vector_load %arg6[%get3A_1677, %get3A_1678] {strides = array<i32>} : memref<128x256xf32, #tpu.memory_space<vmem>>, vector<1x16xf32>,
        %get3A_1680 = vector.shape_cast %get3A_1679 : vector<1x16xf32> to vector<16xf32>
        %add3A_1681 = arith.constant 13 : i32
        %add3A_1682 = arith.addi %mul3A_97, %add3A_1681 : i32
        %get3A_1683 = arith.index_cast %add3A_1682 : i32 to index
        %get3A_1684 = arith.constant 208 : index
        %get3A_1685 = tpu.vector_load %arg6[%get3A_1683, %get3A_1684] {strides = array<i32>} : memref<128x256xf32, #tpu.memory_space<vmem>>, vector<1x16xf32>,
        %get3A_1686 = vector.shape_cast %get3A_1685 : vector<1x16xf32> to vector<16xf32>
        %add3A_1687 = arith.constant 14 : i32
        %add3A_1688 = arith.addi %mul3A_97, %add3A_1687 : i32
        %get3A_1689 = arith.index_cast %add3A_1688 : i32 to index
        %get3A_1690 = arith.constant 208 : index
        %get3A_1691 = tpu.vector_load %arg6[%get3A_1689, %get3A_1690] {strides = array<i32>} : memref<128x256xf32, #tpu.memory_space<vmem>>, vector<1x16xf32>,
        %get3A_1692 = vector.shape_cast %get3A_1691 : vector<1x16xf32> to vector<16xf32>
        %add3A_1693 = arith.constant 15 : i32
        %add3A_1694 = arith.addi %mul3A_97, %add3A_1693 : i32
        %get3A_1695 = arith.index_cast %add3A_1694 : i32 to index
        %get3A_1696 = arith.constant 208 : index
        %get3A_1697 = tpu.vector_load %arg6[%get3A_1695, %get3A_1696] {strides = array<i32>} : memref<128x256xf32, #tpu.memory_space<vmem>>, vector<1x16xf32>,
        %get3A_1698 = vector.shape_cast %get3A_1697 : vector<1x16xf32> to vector<16xf32>
        %max3A_1699 = arith.maximumf %get3A_1608, %get3A_1614 : vector<16xf32>
        %max3A_1700 = arith.maximumf %get3A_1620, %get3A_1626 : vector<16xf32>
        %max3A_1701 = arith.maximumf %get3A_1632, %get3A_1638 : vector<16xf32>
        %max3A_1702 = arith.maximumf %get3A_1644, %get3A_1650 : vector<16xf32>
        %max3A_1703 = arith.maximumf %get3A_1656, %get3A_1662 : vector<16xf32>
        %max3A_1704 = arith.maximumf %get3A_1668, %get3A_1674 : vector<16xf32>
        %max3A_1705 = arith.maximumf %get3A_1680, %get3A_1686 : vector<16xf32>
        %max3A_1706 = arith.maximumf %get3A_1692, %get3A_1698 : vector<16xf32>
        %max3A_1707 = arith.maximumf %max3A_1699, %max3A_1700 : vector<16xf32>
        %max3A_1708 = arith.maximumf %max3A_1701, %max3A_1702 : vector<16xf32>
        %max3A_1709 = arith.maximumf %max3A_1703, %max3A_1704 : vector<16xf32>
        %max3A_1710 = arith.maximumf %max3A_1705, %max3A_1706 : vector<16xf32>
        %max3A_1711 = arith.maximumf %max3A_1707, %max3A_1708 : vector<16xf32>
        %max3A_1712 = arith.maximumf %max3A_1709, %max3A_1710 : vector<16xf32>
        %max3A_1713 = arith.maximumf %max3A_1711, %max3A_1712 : vector<16xf32>
        %swap3A_1714 = arith.index_cast %scan3A_94 : i32 to index
        %swap3A_1715 = arith.constant 208 : index
        %swap3A_1716 = tpu.vector_load %arg8[%swap3A_1714, %swap3A_1715] {strides = array<i32>} : memref<8x256xf32, #tpu.memory_space<vmem>>, vector<1x16xf32>,
        %swap3A_1717 = vector.shape_cast %swap3A_1716 : vector<1x16xf32> to vector<16xf32>
        %swap3A_1718 = vector.shape_cast %max3A_1713 : vector<16xf32> to vector<1x16xf32>
        tpu.vector_store %arg8[%swap3A_1714, %swap3A_1715], %swap3A_1718 {strides = array<i32>} : memref<8x256xf32, #tpu.memory_space<vmem>>, vector<1x16xf32>,
        %add3A_1719 = arith.constant 0 : i32
        %add3A_1720 = arith.addi %mul3A_97, %add3A_1719 : i32
        %get3A_1721 = arith.index_cast %add3A_1720 : i32 to index
        %get3A_1722 = arith.constant 224 : index
        %get3A_1723 = tpu.vector_load %arg6[%get3A_1721, %get3A_1722] {strides = array<i32>} : memref<128x256xf32, #tpu.memory_space<vmem>>, vector<1x16xf32>,
        %get3A_1724 = vector.shape_cast %get3A_1723 : vector<1x16xf32> to vector<16xf32>
        %add3A_1725 = arith.constant 1 : i32
        %add3A_1726 = arith.addi %mul3A_97, %add3A_1725 : i32
        %get3A_1727 = arith.index_cast %add3A_1726 : i32 to index
        %get3A_1728 = arith.constant 224 : index
        %get3A_1729 = tpu.vector_load %arg6[%get3A_1727, %get3A_1728] {strides = array<i32>} : memref<128x256xf32, #tpu.memory_space<vmem>>, vector<1x16xf32>,
        %get3A_1730 = vector.shape_cast %get3A_1729 : vector<1x16xf32> to vector<16xf32>
        %add3A_1731 = arith.constant 2 : i32
        %add3A_1732 = arith.addi %mul3A_97, %add3A_1731 : i32
        %get3A_1733 = arith.index_cast %add3A_1732 : i32 to index
        %get3A_1734 = arith.constant 224 : index
        %get3A_1735 = tpu.vector_load %arg6[%get3A_1733, %get3A_1734] {strides = array<i32>} : memref<128x256xf32, #tpu.memory_space<vmem>>, vector<1x16xf32>,
        %get3A_1736 = vector.shape_cast %get3A_1735 : vector<1x16xf32> to vector<16xf32>
        %add3A_1737 = arith.constant 3 : i32
        %add3A_1738 = arith.addi %mul3A_97, %add3A_1737 : i32
        %get3A_1739 = arith.index_cast %add3A_1738 : i32 to index
        %get3A_1740 = arith.constant 224 : index
        %get3A_1741 = tpu.vector_load %arg6[%get3A_1739, %get3A_1740] {strides = array<i32>} : memref<128x256xf32, #tpu.memory_space<vmem>>, vector<1x16xf32>,
        %get3A_1742 = vector.shape_cast %get3A_1741 : vector<1x16xf32> to vector<16xf32>
        %add3A_1743 = arith.constant 4 : i32
        %add3A_1744 = arith.addi %mul3A_97, %add3A_1743 : i32
        %get3A_1745 = arith.index_cast %add3A_1744 : i32 to index
        %get3A_1746 = arith.constant 224 : index
        %get3A_1747 = tpu.vector_load %arg6[%get3A_1745, %get3A_1746] {strides = array<i32>} : memref<128x256xf32, #tpu.memory_space<vmem>>, vector<1x16xf32>,
        %get3A_1748 = vector.shape_cast %get3A_1747 : vector<1x16xf32> to vector<16xf32>
        %add3A_1749 = arith.constant 5 : i32
        %add3A_1750 = arith.addi %mul3A_97, %add3A_1749 : i32
        %get3A_1751 = arith.index_cast %add3A_1750 : i32 to index
        %get3A_1752 = arith.constant 224 : index
        %get3A_1753 = tpu.vector_load %arg6[%get3A_1751, %get3A_1752] {strides = array<i32>} : memref<128x256xf32, #tpu.memory_space<vmem>>, vector<1x16xf32>,
        %get3A_1754 = vector.shape_cast %get3A_1753 : vector<1x16xf32> to vector<16xf32>
        %add3A_1755 = arith.constant 6 : i32
        %add3A_1756 = arith.addi %mul3A_97, %add3A_1755 : i32
        %get3A_1757 = arith.index_cast %add3A_1756 : i32 to index
        %get3A_1758 = arith.constant 224 : index
        %get3A_1759 = tpu.vector_load %arg6[%get3A_1757, %get3A_1758] {strides = array<i32>} : memref<128x256xf32, #tpu.memory_space<vmem>>, vector<1x16xf32>,
        %get3A_1760 = vector.shape_cast %get3A_1759 : vector<1x16xf32> to vector<16xf32>
        %add3A_1761 = arith.constant 7 : i32
        %add3A_1762 = arith.addi %mul3A_97, %add3A_1761 : i32
        %get3A_1763 = arith.index_cast %add3A_1762 : i32 to index
        %get3A_1764 = arith.constant 224 : index
        %get3A_1765 = tpu.vector_load %arg6[%get3A_1763, %get3A_1764] {strides = array<i32>} : memref<128x256xf32, #tpu.memory_space<vmem>>, vector<1x16xf32>,
        %get3A_1766 = vector.shape_cast %get3A_1765 : vector<1x16xf32> to vector<16xf32>
        %add3A_1767 = arith.constant 8 : i32
        %add3A_1768 = arith.addi %mul3A_97, %add3A_1767 : i32
        %get3A_1769 = arith.index_cast %add3A_1768 : i32 to index
        %get3A_1770 = arith.constant 224 : index
        %get3A_1771 = tpu.vector_load %arg6[%get3A_1769, %get3A_1770] {strides = array<i32>} : memref<128x256xf32, #tpu.memory_space<vmem>>, vector<1x16xf32>,
        %get3A_1772 = vector.shape_cast %get3A_1771 : vector<1x16xf32> to vector<16xf32>
        %add3A_1773 = arith.constant 9 : i32
        %add3A_1774 = arith.addi %mul3A_97, %add3A_1773 : i32
        %get3A_1775 = arith.index_cast %add3A_1774 : i32 to index
        %get3A_1776 = arith.constant 224 : index
        %get3A_1777 = tpu.vector_load %arg6[%get3A_1775, %get3A_1776] {strides = array<i32>} : memref<128x256xf32, #tpu.memory_space<vmem>>, vector<1x16xf32>,
        %get3A_1778 = vector.shape_cast %get3A_1777 : vector<1x16xf32> to vector<16xf32>
        %add3A_1779 = arith.constant 10 : i32
        %add3A_1780 = arith.addi %mul3A_97, %add3A_1779 : i32
        %get3A_1781 = arith.index_cast %add3A_1780 : i32 to index
        %get3A_1782 = arith.constant 224 : index
        %get3A_1783 = tpu.vector_load %arg6[%get3A_1781, %get3A_1782] {strides = array<i32>} : memref<128x256xf32, #tpu.memory_space<vmem>>, vector<1x16xf32>,
        %get3A_1784 = vector.shape_cast %get3A_1783 : vector<1x16xf32> to vector<16xf32>
        %add3A_1785 = arith.constant 11 : i32
        %add3A_1786 = arith.addi %mul3A_97, %add3A_1785 : i32
        %get3A_1787 = arith.index_cast %add3A_1786 : i32 to index
        %get3A_1788 = arith.constant 224 : index
        %get3A_1789 = tpu.vector_load %arg6[%get3A_1787, %get3A_1788] {strides = array<i32>} : memref<128x256xf32, #tpu.memory_space<vmem>>, vector<1x16xf32>,
        %get3A_1790 = vector.shape_cast %get3A_1789 : vector<1x16xf32> to vector<16xf32>
        %add3A_1791 = arith.constant 12 : i32
        %add3A_1792 = arith.addi %mul3A_97, %add3A_1791 : i32
        %get3A_1793 = arith.index_cast %add3A_1792 : i32 to index
        %get3A_1794 = arith.constant 224 : index
        %get3A_1795 = tpu.vector_load %arg6[%get3A_1793, %get3A_1794] {strides = array<i32>} : memref<128x256xf32, #tpu.memory_space<vmem>>, vector<1x16xf32>,
        %get3A_1796 = vector.shape_cast %get3A_1795 : vector<1x16xf32> to vector<16xf32>
        %add3A_1797 = arith.constant 13 : i32
        %add3A_1798 = arith.addi %mul3A_97, %add3A_1797 : i32
        %get3A_1799 = arith.index_cast %add3A_1798 : i32 to index
        %get3A_1800 = arith.constant 224 : index
        %get3A_1801 = tpu.vector_load %arg6[%get3A_1799, %get3A_1800] {strides = array<i32>} : memref<128x256xf32, #tpu.memory_space<vmem>>, vector<1x16xf32>,
        %get3A_1802 = vector.shape_cast %get3A_1801 : vector<1x16xf32> to vector<16xf32>
        %add3A_1803 = arith.constant 14 : i32
        %add3A_1804 = arith.addi %mul3A_97, %add3A_1803 : i32
        %get3A_1805 = arith.index_cast %add3A_1804 : i32 to index
        %get3A_1806 = arith.constant 224 : index
        %get3A_1807 = tpu.vector_load %arg6[%get3A_1805, %get3A_1806] {strides = array<i32>} : memref<128x256xf32, #tpu.memory_space<vmem>>, vector<1x16xf32>,
        %get3A_1808 = vector.shape_cast %get3A_1807 : vector<1x16xf32> to vector<16xf32>
        %add3A_1809 = arith.constant 15 : i32
        %add3A_1810 = arith.addi %mul3A_97, %add3A_1809 : i32
        %get3A_1811 = arith.index_cast %add3A_1810 : i32 to index
        %get3A_1812 = arith.constant 224 : index
        %get3A_1813 = tpu.vector_load %arg6[%get3A_1811, %get3A_1812] {strides = array<i32>} : memref<128x256xf32, #tpu.memory_space<vmem>>, vector<1x16xf32>,
        %get3A_1814 = vector.shape_cast %get3A_1813 : vector<1x16xf32> to vector<16xf32>
        %max3A_1815 = arith.maximumf %get3A_1724, %get3A_1730 : vector<16xf32>
        %max3A_1816 = arith.maximumf %get3A_1736, %get3A_1742 : vector<16xf32>
        %max3A_1817 = arith.maximumf %get3A_1748, %get3A_1754 : vector<16xf32>
        %max3A_1818 = arith.maximumf %get3A_1760, %get3A_1766 : vector<16xf32>
        %max3A_1819 = arith.maximumf %get3A_1772, %get3A_1778 : vector<16xf32>
        %max3A_1820 = arith.maximumf %get3A_1784, %get3A_1790 : vector<16xf32>
        %max3A_1821 = arith.maximumf %get3A_1796, %get3A_1802 : vector<16xf32>
        %max3A_1822 = arith.maximumf %get3A_1808, %get3A_1814 : vector<16xf32>
        %max3A_1823 = arith.maximumf %max3A_1815, %max3A_1816 : vector<16xf32>
        %max3A_1824 = arith.maximumf %max3A_1817, %max3A_1818 : vector<16xf32>
        %max3A_1825 = arith.maximumf %max3A_1819, %max3A_1820 : vector<16xf32>
        %max3A_1826 = arith.maximumf %max3A_1821, %max3A_1822 : vector<16xf32>
        %max3A_1827 = arith.maximumf %max3A_1823, %max3A_1824 : vector<16xf32>
        %max3A_1828 = arith.maximumf %max3A_1825, %max3A_1826 : vector<16xf32>
        %max3A_1829 = arith.maximumf %max3A_1827, %max3A_1828 : vector<16xf32>
        %swap3A_1830 = arith.index_cast %scan3A_94 : i32 to index
        %swap3A_1831 = arith.constant 224 : index
        %swap3A_1832 = tpu.vector_load %arg8[%swap3A_1830, %swap3A_1831] {strides = array<i32>} : memref<8x256xf32, #tpu.memory_space<vmem>>, vector<1x16xf32>,
        %swap3A_1833 = vector.shape_cast %swap3A_1832 : vector<1x16xf32> to vector<16xf32>
        %swap3A_1834 = vector.shape_cast %max3A_1829 : vector<16xf32> to vector<1x16xf32>
        tpu.vector_store %arg8[%swap3A_1830, %swap3A_1831], %swap3A_1834 {strides = array<i32>} : memref<8x256xf32, #tpu.memory_space<vmem>>, vector<1x16xf32>,
        %add3A_1835 = arith.constant 0 : i32
        %add3A_1836 = arith.addi %mul3A_97, %add3A_1835 : i32
        %get3A_1837 = arith.index_cast %add3A_1836 : i32 to index
        %get3A_1838 = arith.constant 240 : index
        %get3A_1839 = tpu.vector_load %arg6[%get3A_1837, %get3A_1838] {strides = array<i32>} : memref<128x256xf32, #tpu.memory_space<vmem>>, vector<1x16xf32>,
        %get3A_1840 = vector.shape_cast %get3A_1839 : vector<1x16xf32> to vector<16xf32>
        %add3A_1841 = arith.constant 1 : i32
        %add3A_1842 = arith.addi %mul3A_97, %add3A_1841 : i32
        %get3A_1843 = arith.index_cast %add3A_1842 : i32 to index
        %get3A_1844 = arith.constant 240 : index
        %get3A_1845 = tpu.vector_load %arg6[%get3A_1843, %get3A_1844] {strides = array<i32>} : memref<128x256xf32, #tpu.memory_space<vmem>>, vector<1x16xf32>,
        %get3A_1846 = vector.shape_cast %get3A_1845 : vector<1x16xf32> to vector<16xf32>
        %add3A_1847 = arith.constant 2 : i32
        %add3A_1848 = arith.addi %mul3A_97, %add3A_1847 : i32
        %get3A_1849 = arith.index_cast %add3A_1848 : i32 to index
        %get3A_1850 = arith.constant 240 : index
        %get3A_1851 = tpu.vector_load %arg6[%get3A_1849, %get3A_1850] {strides = array<i32>} : memref<128x256xf32, #tpu.memory_space<vmem>>, vector<1x16xf32>,
        %get3A_1852 = vector.shape_cast %get3A_1851 : vector<1x16xf32> to vector<16xf32>
        %add3A_1853 = arith.constant 3 : i32
        %add3A_1854 = arith.addi %mul3A_97, %add3A_1853 : i32
        %get3A_1855 = arith.index_cast %add3A_1854 : i32 to index
        %get3A_1856 = arith.constant 240 : index
        %get3A_1857 = tpu.vector_load %arg6[%get3A_1855, %get3A_1856] {strides = array<i32>} : memref<128x256xf32, #tpu.memory_space<vmem>>, vector<1x16xf32>,
        %get3A_1858 = vector.shape_cast %get3A_1857 : vector<1x16xf32> to vector<16xf32>
        %add3A_1859 = arith.constant 4 : i32
        %add3A_1860 = arith.addi %mul3A_97, %add3A_1859 : i32
        %get3A_1861 = arith.index_cast %add3A_1860 : i32 to index
        %get3A_1862 = arith.constant 240 : index
        %get3A_1863 = tpu.vector_load %arg6[%get3A_1861, %get3A_1862] {strides = array<i32>} : memref<128x256xf32, #tpu.memory_space<vmem>>, vector<1x16xf32>,
        %get3A_1864 = vector.shape_cast %get3A_1863 : vector<1x16xf32> to vector<16xf32>
        %add3A_1865 = arith.constant 5 : i32
        %add3A_1866 = arith.addi %mul3A_97, %add3A_1865 : i32
        %get3A_1867 = arith.index_cast %add3A_1866 : i32 to index
        %get3A_1868 = arith.constant 240 : index
        %get3A_1869 = tpu.vector_load %arg6[%get3A_1867, %get3A_1868] {strides = array<i32>} : memref<128x256xf32, #tpu.memory_space<vmem>>, vector<1x16xf32>,
        %get3A_1870 = vector.shape_cast %get3A_1869 : vector<1x16xf32> to vector<16xf32>
        %add3A_1871 = arith.constant 6 : i32
        %add3A_1872 = arith.addi %mul3A_97, %add3A_1871 : i32
        %get3A_1873 = arith.index_cast %add3A_1872 : i32 to index
        %get3A_1874 = arith.constant 240 : index
        %get3A_1875 = tpu.vector_load %arg6[%get3A_1873, %get3A_1874] {strides = array<i32>} : memref<128x256xf32, #tpu.memory_space<vmem>>, vector<1x16xf32>,
        %get3A_1876 = vector.shape_cast %get3A_1875 : vector<1x16xf32> to vector<16xf32>
        %add3A_1877 = arith.constant 7 : i32
        %add3A_1878 = arith.addi %mul3A_97, %add3A_1877 : i32
        %get3A_1879 = arith.index_cast %add3A_1878 : i32 to index
        %get3A_1880 = arith.constant 240 : index
        %get3A_1881 = tpu.vector_load %arg6[%get3A_1879, %get3A_1880] {strides = array<i32>} : memref<128x256xf32, #tpu.memory_space<vmem>>, vector<1x16xf32>,
        %get3A_1882 = vector.shape_cast %get3A_1881 : vector<1x16xf32> to vector<16xf32>
        %add3A_1883 = arith.constant 8 : i32
        %add3A_1884 = arith.addi %mul3A_97, %add3A_1883 : i32
        %get3A_1885 = arith.index_cast %add3A_1884 : i32 to index
        %get3A_1886 = arith.constant 240 : index
        %get3A_1887 = tpu.vector_load %arg6[%get3A_1885, %get3A_1886] {strides = array<i32>} : memref<128x256xf32, #tpu.memory_space<vmem>>, vector<1x16xf32>,
        %get3A_1888 = vector.shape_cast %get3A_1887 : vector<1x16xf32> to vector<16xf32>
        %add3A_1889 = arith.constant 9 : i32
        %add3A_1890 = arith.addi %mul3A_97, %add3A_1889 : i32
        %get3A_1891 = arith.index_cast %add3A_1890 : i32 to index
        %get3A_1892 = arith.constant 240 : index
        %get3A_1893 = tpu.vector_load %arg6[%get3A_1891, %get3A_1892] {strides = array<i32>} : memref<128x256xf32, #tpu.memory_space<vmem>>, vector<1x16xf32>,
        %get3A_1894 = vector.shape_cast %get3A_1893 : vector<1x16xf32> to vector<16xf32>
        %add3A_1895 = arith.constant 10 : i32
        %add3A_1896 = arith.addi %mul3A_97, %add3A_1895 : i32
        %get3A_1897 = arith.index_cast %add3A_1896 : i32 to index
        %get3A_1898 = arith.constant 240 : index
        %get3A_1899 = tpu.vector_load %arg6[%get3A_1897, %get3A_1898] {strides = array<i32>} : memref<128x256xf32, #tpu.memory_space<vmem>>, vector<1x16xf32>,
        %get3A_1900 = vector.shape_cast %get3A_1899 : vector<1x16xf32> to vector<16xf32>
        %add3A_1901 = arith.constant 11 : i32
        %add3A_1902 = arith.addi %mul3A_97, %add3A_1901 : i32
        %get3A_1903 = arith.index_cast %add3A_1902 : i32 to index
        %get3A_1904 = arith.constant 240 : index
        %get3A_1905 = tpu.vector_load %arg6[%get3A_1903, %get3A_1904] {strides = array<i32>} : memref<128x256xf32, #tpu.memory_space<vmem>>, vector<1x16xf32>,
        %get3A_1906 = vector.shape_cast %get3A_1905 : vector<1x16xf32> to vector<16xf32>
        %add3A_1907 = arith.constant 12 : i32
        %add3A_1908 = arith.addi %mul3A_97, %add3A_1907 : i32
        %get3A_1909 = arith.index_cast %add3A_1908 : i32 to index
        %get3A_1910 = arith.constant 240 : index
        %get3A_1911 = tpu.vector_load %arg6[%get3A_1909, %get3A_1910] {strides = array<i32>} : memref<128x256xf32, #tpu.memory_space<vmem>>, vector<1x16xf32>,
        %get3A_1912 = vector.shape_cast %get3A_1911 : vector<1x16xf32> to vector<16xf32>
        %add3A_1913 = arith.constant 13 : i32
        %add3A_1914 = arith.addi %mul3A_97, %add3A_1913 : i32
        %get3A_1915 = arith.index_cast %add3A_1914 : i32 to index
        %get3A_1916 = arith.constant 240 : index
        %get3A_1917 = tpu.vector_load %arg6[%get3A_1915, %get3A_1916] {strides = array<i32>} : memref<128x256xf32, #tpu.memory_space<vmem>>, vector<1x16xf32>,
        %get3A_1918 = vector.shape_cast %get3A_1917 : vector<1x16xf32> to vector<16xf32>
        %add3A_1919 = arith.constant 14 : i32
        %add3A_1920 = arith.addi %mul3A_97, %add3A_1919 : i32
        %get3A_1921 = arith.index_cast %add3A_1920 : i32 to index
        %get3A_1922 = arith.constant 240 : index
        %get3A_1923 = tpu.vector_load %arg6[%get3A_1921, %get3A_1922] {strides = array<i32>} : memref<128x256xf32, #tpu.memory_space<vmem>>, vector<1x16xf32>,
        %get3A_1924 = vector.shape_cast %get3A_1923 : vector<1x16xf32> to vector<16xf32>
        %add3A_1925 = arith.constant 15 : i32
        %add3A_1926 = arith.addi %mul3A_97, %add3A_1925 : i32
        %get3A_1927 = arith.index_cast %add3A_1926 : i32 to index
        %get3A_1928 = arith.constant 240 : index
        %get3A_1929 = tpu.vector_load %arg6[%get3A_1927, %get3A_1928] {strides = array<i32>} : memref<128x256xf32, #tpu.memory_space<vmem>>, vector<1x16xf32>,
        %get3A_1930 = vector.shape_cast %get3A_1929 : vector<1x16xf32> to vector<16xf32>
        %max3A_1931 = arith.maximumf %get3A_1840, %get3A_1846 : vector<16xf32>
        %max3A_1932 = arith.maximumf %get3A_1852, %get3A_1858 : vector<16xf32>
        %max3A_1933 = arith.maximumf %get3A_1864, %get3A_1870 : vector<16xf32>
        %max3A_1934 = arith.maximumf %get3A_1876, %get3A_1882 : vector<16xf32>
        %max3A_1935 = arith.maximumf %get3A_1888, %get3A_1894 : vector<16xf32>
        %max3A_1936 = arith.maximumf %get3A_1900, %get3A_1906 : vector<16xf32>
        %max3A_1937 = arith.maximumf %get3A_1912, %get3A_1918 : vector<16xf32>
        %max3A_1938 = arith.maximumf %get3A_1924, %get3A_1930 : vector<16xf32>
        %max3A_1939 = arith.maximumf %max3A_1931, %max3A_1932 : vector<16xf32>
        %max3A_1940 = arith.maximumf %max3A_1933, %max3A_1934 : vector<16xf32>
        %max3A_1941 = arith.maximumf %max3A_1935, %max3A_1936 : vector<16xf32>
        %max3A_1942 = arith.maximumf %max3A_1937, %max3A_1938 : vector<16xf32>
        %max3A_1943 = arith.maximumf %max3A_1939, %max3A_1940 : vector<16xf32>
        %max3A_1944 = arith.maximumf %max3A_1941, %max3A_1942 : vector<16xf32>
        %max3A_1945 = arith.maximumf %max3A_1943, %max3A_1944 : vector<16xf32>
        %swap3A_1946 = arith.index_cast %scan3A_94 : i32 to index
        %swap3A_1947 = arith.constant 240 : index
        %swap3A_1948 = tpu.vector_load %arg8[%swap3A_1946, %swap3A_1947] {strides = array<i32>} : memref<8x256xf32, #tpu.memory_space<vmem>>, vector<1x16xf32>,
        %swap3A_1949 = vector.shape_cast %swap3A_1948 : vector<1x16xf32> to vector<16xf32>
        %swap3A_1950 = vector.shape_cast %max3A_1945 : vector<16xf32> to vector<1x16xf32>
        tpu.vector_store %arg8[%swap3A_1946, %swap3A_1947], %swap3A_1950 {strides = array<i32>} : memref<8x256xf32, #tpu.memory_space<vmem>>, vector<1x16xf32>,
        %scan3A_1951 = arith.constant 0 : i32
        scf.yield %scan3A_1951 : i32
      }
      %scan3A_48 = arith.constant 8 : i32
      %lt3A_49 = arith.constant 39 : i32
      %lt3A_50 = arith.cmpi slt, %add3A_36, %lt3A_49 : i32
      %lt3A_51 = arith.constant 2 : i32
      %lt3A_52 = arith.cmpi slt, %add3A, %lt3A_51 : i32
      %or3A = arith.ori %lt3A_50, %lt3A_52 : i1
      %convert_element_type3A = arith.extui %or3A : i1 to i32
      %cond3A = arith.constant 0 : i32
      %cond3A_53 = arith.cmpi ne, %convert_element_type3A, %cond3A : i32
      scf.if %cond3A_53 {
        %lt3A_94 = arith.constant 39 : i32
        %lt3A_95 = arith.cmpi slt, %add3A_36, %lt3A_94 : i32
        %mul3A_96 = arith.constant 39 : i32
        %mul3A_97 = arith.muli %add3A, %mul3A_96 : i32
        %add3A_98 = arith.addi %mul3A_97, %add3A_36 : i32
        %select_n3A_99 = arith.select %lt3A_95, %add3A_98, %add3A_13 : i32
        %mul3A_100 = arith.constant 8 : i32
        %mul3A_101 = arith.muli %select_n3A_99, %mul3A_100 : i32
        "tpu.region"() ({
          %run_scoped3A = tpu.sem_alloc : memref<!tpu.dma_semaphore, #tpu.memory_space<semaphore_mem>>
          %dma_start3A_102 = arith.constant 0 : i32
          %dma_start3A_103 = tpu.memref_slice %arg4[%mul3A_101, %dma_start3A_102] : memref<10000x256xf32, #tpu.memory_space<hbm>> -> memref<8x256xf32, #tpu.memory_space<hbm>>
          %dma_start3A_104 = arith.constant 0 : i32
          %dma_start3A_105 = tpu.memref_slice %arg4[%mul3A_101, %dma_start3A_104] : memref<10000x256xf32, #tpu.memory_space<hbm>> -> memref<8x256xf32, #tpu.memory_space<hbm>>
          tpu.enqueue_dma source(%arg8 : memref<8x256xf32, #tpu.memory_space<vmem>>) target(%dma_start3A_105 : memref<8x256xf32, #tpu.memory_space<hbm>>) target_semaphore(%run_scoped3A : memref<!tpu.dma_semaphore, #tpu.memory_space<semaphore_mem>>)
          %dma_wait3A_106 = arith.constant 0 : i32
          %dma_wait3A_107 = tpu.memref_slice %arg4[%mul3A_101, %dma_wait3A_106] : memref<10000x256xf32, #tpu.memory_space<hbm>> -> memref<8x256xf32, #tpu.memory_space<hbm>>
          %dma_wait3A_108 = arith.constant 0 : i32
          %dma_wait3A_109 = tpu.memref_slice %arg4[%mul3A_101, %dma_wait3A_108] : memref<10000x256xf32, #tpu.memory_space<hbm>> -> memref<8x256xf32, #tpu.memory_space<hbm>>
          tpu.wait_dma2 semaphore(%run_scoped3A : memref<!tpu.dma_semaphore, #tpu.memory_space<semaphore_mem>>) src(%arg8 : memref<8x256xf32, #tpu.memory_space<vmem>>) dst(%dma_wait3A_109 : memref<8x256xf32, #tpu.memory_space<hbm>>)
          tpu.yield
        }) : () -> ()
      } else {
      }
      %add3A_54 = arith.constant 2 : i32
      %add3A_55 = arith.addi %add3A_36, %add3A_54 : i32
      %lt3A_56 = arith.constant 40 : i32
      %lt3A_57 = arith.cmpi slt, %add3A_55, %lt3A_56 : i32
      %convert_element_type3A_58 = arith.extui %lt3A_57 : i1 to i32
      %cond3A_59 = arith.constant 0 : i32
      %cond3A_60 = arith.cmpi ne, %convert_element_type3A_58, %cond3A_59 : i32
      scf.if %cond3A_60 {
        %add3A_94 = arith.constant 2 : i32
        %add3A_95 = arith.addi %add3A_36, %add3A_94 : i32
        %mul3A_96 = arith.constant 128 : i32
        %mul3A_97 = arith.muli %add3A_95, %mul3A_96 : i32
        %dma_start3A_98 = tpu.memref_slice %arg5[%mul3A_97] : memref<5120xi32, #tpu.memory_space<vmem>> -> memref<128xi32, #tpu.memory_space<vmem>>
        %dma_start3A_99 = arith.constant 0 : i32
        %dma_start3A_100 = arith.constant 0 : i32
        %dma_start3A_101 = tpu.memref_slice %arg3[%dma_start3A_99, %dma_start3A_100] : memref<10000x256xf32, #tpu.memory_space<hbm>> -> memref<10000x256xf32, #tpu.memory_space<hbm>>
        tpu.enqueue_indirect_dma source(%dma_start3A_101 : memref<10000x256xf32, #tpu.memory_space<hbm>>) target(%arg6 : memref<128x256xf32, #tpu.memory_space<vmem>>) offsets(%dma_start3A_98 : memref<128xi32, #tpu.memory_space<vmem>>) semaphore(%arg9 : memref<!tpu.dma_semaphore, #tpu.memory_space<semaphore_mem>>)
      } else {
      }
      %mul3A_61 = arith.constant 2 : i32
      %mul3A_62 = arith.muli %scan3A_31, %mul3A_61 : i32
      %add3A_63 = arith.constant 1 : i32
      %add3A_64 = arith.addi %mul3A_62, %add3A_63 : i32
      %mul3A_65 = arith.constant 128 : i32
      %mul3A_66 = arith.muli %add3A_64, %mul3A_65 : i32
      %dma_wait3A_67 = tpu.memref_slice %arg5[%mul3A_66] : memref<5120xi32, #tpu.memory_space<vmem>> -> memref<128xi32, #tpu.memory_space<vmem>>
      %dma_wait3A_68 = arith.constant 0 : i32
      %dma_wait3A_69 = arith.constant 0 : i32
      %dma_wait3A_70 = tpu.memref_slice %arg3[%dma_wait3A_68, %dma_wait3A_69] : memref<10000x256xf32, #tpu.memory_space<hbm>> -> memref<10000x256xf32, #tpu.memory_space<hbm>>
      tpu.wait_indirect_dma semaphore(%arg10 : memref<!tpu.dma_semaphore, #tpu.memory_space<semaphore_mem>>) src(%dma_wait3A_70 : memref<10000x256xf32, #tpu.memory_space<hbm>>) dst(%arg7 : memref<128x256xf32, #tpu.memory_space<vmem>>)
      %scan3A_71 = arith.constant 0 : i32
      %scan3A_72 = arith.constant 0 : i32
      %scan3A_73 = arith.constant 8 : i32
      %scan3A_74 = arith.addi %scan3A_72, %scan3A_73 : i32
      %scan3A_75 = arith.constant 1 : i32
      %scan3A_76 = scf.for %scan3A_94 = %scan3A_72 to %scan3A_74 step %scan3A_75 iter_args(%scan3A_95 = %scan3A_71) -> (i32)  : i32 {
        %mul3A_96 = arith.constant 16 : i32
        %mul3A_97 = arith.muli %scan3A_94, %mul3A_96 : i32
        %add3A_98 = arith.constant 0 : i32
        %add3A_99 = arith.addi %mul3A_97, %add3A_98 : i32
        %get3A = arith.index_cast %add3A_99 : i32 to index
        %get3A_100 = arith.constant 0 : index
        %get3A_101 = tpu.vector_load %arg7[%get3A, %get3A_100] {strides = array<i32>} : memref<128x256xf32, #tpu.memory_space<vmem>>, vector<1x16xf32>,
        %get3A_102 = vector.shape_cast %get3A_101 : vector<1x16xf32> to vector<16xf32>
        %add3A_103 = arith.constant 1 : i32
        %add3A_104 = arith.addi %mul3A_97, %add3A_103 : i32
        %get3A_105 = arith.index_cast %add3A_104 : i32 to index
        %get3A_106 = arith.constant 0 : index
        %get3A_107 = tpu.vector_load %arg7[%get3A_105, %get3A_106] {strides = array<i32>} : memref<128x256xf32, #tpu.memory_space<vmem>>, vector<1x16xf32>,
        %get3A_108 = vector.shape_cast %get3A_107 : vector<1x16xf32> to vector<16xf32>
        %add3A_109 = arith.constant 2 : i32
        %add3A_110 = arith.addi %mul3A_97, %add3A_109 : i32
        %get3A_111 = arith.index_cast %add3A_110 : i32 to index
        %get3A_112 = arith.constant 0 : index
        %get3A_113 = tpu.vector_load %arg7[%get3A_111, %get3A_112] {strides = array<i32>} : memref<128x256xf32, #tpu.memory_space<vmem>>, vector<1x16xf32>,
        %get3A_114 = vector.shape_cast %get3A_113 : vector<1x16xf32> to vector<16xf32>
        %add3A_115 = arith.constant 3 : i32
        %add3A_116 = arith.addi %mul3A_97, %add3A_115 : i32
        %get3A_117 = arith.index_cast %add3A_116 : i32 to index
        %get3A_118 = arith.constant 0 : index
        %get3A_119 = tpu.vector_load %arg7[%get3A_117, %get3A_118] {strides = array<i32>} : memref<128x256xf32, #tpu.memory_space<vmem>>, vector<1x16xf32>,
        %get3A_120 = vector.shape_cast %get3A_119 : vector<1x16xf32> to vector<16xf32>
        %add3A_121 = arith.constant 4 : i32
        %add3A_122 = arith.addi %mul3A_97, %add3A_121 : i32
        %get3A_123 = arith.index_cast %add3A_122 : i32 to index
        %get3A_124 = arith.constant 0 : index
        %get3A_125 = tpu.vector_load %arg7[%get3A_123, %get3A_124] {strides = array<i32>} : memref<128x256xf32, #tpu.memory_space<vmem>>, vector<1x16xf32>,
        %get3A_126 = vector.shape_cast %get3A_125 : vector<1x16xf32> to vector<16xf32>
        %add3A_127 = arith.constant 5 : i32
        %add3A_128 = arith.addi %mul3A_97, %add3A_127 : i32
        %get3A_129 = arith.index_cast %add3A_128 : i32 to index
        %get3A_130 = arith.constant 0 : index
        %get3A_131 = tpu.vector_load %arg7[%get3A_129, %get3A_130] {strides = array<i32>} : memref<128x256xf32, #tpu.memory_space<vmem>>, vector<1x16xf32>,
        %get3A_132 = vector.shape_cast %get3A_131 : vector<1x16xf32> to vector<16xf32>
        %add3A_133 = arith.constant 6 : i32
        %add3A_134 = arith.addi %mul3A_97, %add3A_133 : i32
        %get3A_135 = arith.index_cast %add3A_134 : i32 to index
        %get3A_136 = arith.constant 0 : index
        %get3A_137 = tpu.vector_load %arg7[%get3A_135, %get3A_136] {strides = array<i32>} : memref<128x256xf32, #tpu.memory_space<vmem>>, vector<1x16xf32>,
        %get3A_138 = vector.shape_cast %get3A_137 : vector<1x16xf32> to vector<16xf32>
        %add3A_139 = arith.constant 7 : i32
        %add3A_140 = arith.addi %mul3A_97, %add3A_139 : i32
        %get3A_141 = arith.index_cast %add3A_140 : i32 to index
        %get3A_142 = arith.constant 0 : index
        %get3A_143 = tpu.vector_load %arg7[%get3A_141, %get3A_142] {strides = array<i32>} : memref<128x256xf32, #tpu.memory_space<vmem>>, vector<1x16xf32>,
        %get3A_144 = vector.shape_cast %get3A_143 : vector<1x16xf32> to vector<16xf32>
        %add3A_145 = arith.constant 8 : i32
        %add3A_146 = arith.addi %mul3A_97, %add3A_145 : i32
        %get3A_147 = arith.index_cast %add3A_146 : i32 to index
        %get3A_148 = arith.constant 0 : index
        %get3A_149 = tpu.vector_load %arg7[%get3A_147, %get3A_148] {strides = array<i32>} : memref<128x256xf32, #tpu.memory_space<vmem>>, vector<1x16xf32>,
        %get3A_150 = vector.shape_cast %get3A_149 : vector<1x16xf32> to vector<16xf32>
        %add3A_151 = arith.constant 9 : i32
        %add3A_152 = arith.addi %mul3A_97, %add3A_151 : i32
        %get3A_153 = arith.index_cast %add3A_152 : i32 to index
        %get3A_154 = arith.constant 0 : index
        %get3A_155 = tpu.vector_load %arg7[%get3A_153, %get3A_154] {strides = array<i32>} : memref<128x256xf32, #tpu.memory_space<vmem>>, vector<1x16xf32>,
        %get3A_156 = vector.shape_cast %get3A_155 : vector<1x16xf32> to vector<16xf32>
        %add3A_157 = arith.constant 10 : i32
        %add3A_158 = arith.addi %mul3A_97, %add3A_157 : i32
        %get3A_159 = arith.index_cast %add3A_158 : i32 to index
        %get3A_160 = arith.constant 0 : index
        %get3A_161 = tpu.vector_load %arg7[%get3A_159, %get3A_160] {strides = array<i32>} : memref<128x256xf32, #tpu.memory_space<vmem>>, vector<1x16xf32>,
        %get3A_162 = vector.shape_cast %get3A_161 : vector<1x16xf32> to vector<16xf32>
        %add3A_163 = arith.constant 11 : i32
        %add3A_164 = arith.addi %mul3A_97, %add3A_163 : i32
        %get3A_165 = arith.index_cast %add3A_164 : i32 to index
        %get3A_166 = arith.constant 0 : index
        %get3A_167 = tpu.vector_load %arg7[%get3A_165, %get3A_166] {strides = array<i32>} : memref<128x256xf32, #tpu.memory_space<vmem>>, vector<1x16xf32>,
        %get3A_168 = vector.shape_cast %get3A_167 : vector<1x16xf32> to vector<16xf32>
        %add3A_169 = arith.constant 12 : i32
        %add3A_170 = arith.addi %mul3A_97, %add3A_169 : i32
        %get3A_171 = arith.index_cast %add3A_170 : i32 to index
        %get3A_172 = arith.constant 0 : index
        %get3A_173 = tpu.vector_load %arg7[%get3A_171, %get3A_172] {strides = array<i32>} : memref<128x256xf32, #tpu.memory_space<vmem>>, vector<1x16xf32>,
        %get3A_174 = vector.shape_cast %get3A_173 : vector<1x16xf32> to vector<16xf32>
        %add3A_175 = arith.constant 13 : i32
        %add3A_176 = arith.addi %mul3A_97, %add3A_175 : i32
        %get3A_177 = arith.index_cast %add3A_176 : i32 to index
        %get3A_178 = arith.constant 0 : index
        %get3A_179 = tpu.vector_load %arg7[%get3A_177, %get3A_178] {strides = array<i32>} : memref<128x256xf32, #tpu.memory_space<vmem>>, vector<1x16xf32>,
        %get3A_180 = vector.shape_cast %get3A_179 : vector<1x16xf32> to vector<16xf32>
        %add3A_181 = arith.constant 14 : i32
        %add3A_182 = arith.addi %mul3A_97, %add3A_181 : i32
        %get3A_183 = arith.index_cast %add3A_182 : i32 to index
        %get3A_184 = arith.constant 0 : index
        %get3A_185 = tpu.vector_load %arg7[%get3A_183, %get3A_184] {strides = array<i32>} : memref<128x256xf32, #tpu.memory_space<vmem>>, vector<1x16xf32>,
        %get3A_186 = vector.shape_cast %get3A_185 : vector<1x16xf32> to vector<16xf32>
        %add3A_187 = arith.constant 15 : i32
        %add3A_188 = arith.addi %mul3A_97, %add3A_187 : i32
        %get3A_189 = arith.index_cast %add3A_188 : i32 to index
        %get3A_190 = arith.constant 0 : index
        %get3A_191 = tpu.vector_load %arg7[%get3A_189, %get3A_190] {strides = array<i32>} : memref<128x256xf32, #tpu.memory_space<vmem>>, vector<1x16xf32>,
        %get3A_192 = vector.shape_cast %get3A_191 : vector<1x16xf32> to vector<16xf32>
        %max3A = arith.maximumf %get3A_102, %get3A_108 : vector<16xf32>
        %max3A_193 = arith.maximumf %get3A_114, %get3A_120 : vector<16xf32>
        %max3A_194 = arith.maximumf %get3A_126, %get3A_132 : vector<16xf32>
        %max3A_195 = arith.maximumf %get3A_138, %get3A_144 : vector<16xf32>
        %max3A_196 = arith.maximumf %get3A_150, %get3A_156 : vector<16xf32>
        %max3A_197 = arith.maximumf %get3A_162, %get3A_168 : vector<16xf32>
        %max3A_198 = arith.maximumf %get3A_174, %get3A_180 : vector<16xf32>
        %max3A_199 = arith.maximumf %get3A_186, %get3A_192 : vector<16xf32>
        %max3A_200 = arith.maximumf %max3A, %max3A_193 : vector<16xf32>
        %max3A_201 = arith.maximumf %max3A_194, %max3A_195 : vector<16xf32>
        %max3A_202 = arith.maximumf %max3A_196, %max3A_197 : vector<16xf32>
        %max3A_203 = arith.maximumf %max3A_198, %max3A_199 : vector<16xf32>
        %max3A_204 = arith.maximumf %max3A_200, %max3A_201 : vector<16xf32>
        %max3A_205 = arith.maximumf %max3A_202, %max3A_203 : vector<16xf32>
        %max3A_206 = arith.maximumf %max3A_204, %max3A_205 : vector<16xf32>
        %swap3A = arith.index_cast %scan3A_94 : i32 to index
        %swap3A_207 = arith.constant 0 : index
        %swap3A_208 = tpu.vector_load %arg8[%swap3A, %swap3A_207] {strides = array<i32>} : memref<8x256xf32, #tpu.memory_space<vmem>>, vector<1x16xf32>,
        %swap3A_209 = vector.shape_cast %swap3A_208 : vector<1x16xf32> to vector<16xf32>
        %swap3A_210 = vector.shape_cast %max3A_206 : vector<16xf32> to vector<1x16xf32>
        tpu.vector_store %arg8[%swap3A, %swap3A_207], %swap3A_210 {strides = array<i32>} : memref<8x256xf32, #tpu.memory_space<vmem>>, vector<1x16xf32>,
        %add3A_211 = arith.constant 0 : i32
        %add3A_212 = arith.addi %mul3A_97, %add3A_211 : i32
        %get3A_213 = arith.index_cast %add3A_212 : i32 to index
        %get3A_214 = arith.constant 16 : index
        %get3A_215 = tpu.vector_load %arg7[%get3A_213, %get3A_214] {strides = array<i32>} : memref<128x256xf32, #tpu.memory_space<vmem>>, vector<1x16xf32>,
        %get3A_216 = vector.shape_cast %get3A_215 : vector<1x16xf32> to vector<16xf32>
        %add3A_217 = arith.constant 1 : i32
        %add3A_218 = arith.addi %mul3A_97, %add3A_217 : i32
        %get3A_219 = arith.index_cast %add3A_218 : i32 to index
        %get3A_220 = arith.constant 16 : index
        %get3A_221 = tpu.vector_load %arg7[%get3A_219, %get3A_220] {strides = array<i32>} : memref<128x256xf32, #tpu.memory_space<vmem>>, vector<1x16xf32>,
        %get3A_222 = vector.shape_cast %get3A_221 : vector<1x16xf32> to vector<16xf32>
        %add3A_223 = arith.constant 2 : i32
        %add3A_224 = arith.addi %mul3A_97, %add3A_223 : i32
        %get3A_225 = arith.index_cast %add3A_224 : i32 to index
        %get3A_226 = arith.constant 16 : index
        %get3A_227 = tpu.vector_load %arg7[%get3A_225, %get3A_226] {strides = array<i32>} : memref<128x256xf32, #tpu.memory_space<vmem>>, vector<1x16xf32>,
        %get3A_228 = vector.shape_cast %get3A_227 : vector<1x16xf32> to vector<16xf32>
        %add3A_229 = arith.constant 3 : i32
        %add3A_230 = arith.addi %mul3A_97, %add3A_229 : i32
        %get3A_231 = arith.index_cast %add3A_230 : i32 to index
        %get3A_232 = arith.constant 16 : index
        %get3A_233 = tpu.vector_load %arg7[%get3A_231, %get3A_232] {strides = array<i32>} : memref<128x256xf32, #tpu.memory_space<vmem>>, vector<1x16xf32>,
        %get3A_234 = vector.shape_cast %get3A_233 : vector<1x16xf32> to vector<16xf32>
        %add3A_235 = arith.constant 4 : i32
        %add3A_236 = arith.addi %mul3A_97, %add3A_235 : i32
        %get3A_237 = arith.index_cast %add3A_236 : i32 to index
        %get3A_238 = arith.constant 16 : index
        %get3A_239 = tpu.vector_load %arg7[%get3A_237, %get3A_238] {strides = array<i32>} : memref<128x256xf32, #tpu.memory_space<vmem>>, vector<1x16xf32>,
        %get3A_240 = vector.shape_cast %get3A_239 : vector<1x16xf32> to vector<16xf32>
        %add3A_241 = arith.constant 5 : i32
        %add3A_242 = arith.addi %mul3A_97, %add3A_241 : i32
        %get3A_243 = arith.index_cast %add3A_242 : i32 to index
        %get3A_244 = arith.constant 16 : index
        %get3A_245 = tpu.vector_load %arg7[%get3A_243, %get3A_244] {strides = array<i32>} : memref<128x256xf32, #tpu.memory_space<vmem>>, vector<1x16xf32>,
        %get3A_246 = vector.shape_cast %get3A_245 : vector<1x16xf32> to vector<16xf32>
        %add3A_247 = arith.constant 6 : i32
        %add3A_248 = arith.addi %mul3A_97, %add3A_247 : i32
        %get3A_249 = arith.index_cast %add3A_248 : i32 to index
        %get3A_250 = arith.constant 16 : index
        %get3A_251 = tpu.vector_load %arg7[%get3A_249, %get3A_250] {strides = array<i32>} : memref<128x256xf32, #tpu.memory_space<vmem>>, vector<1x16xf32>,
        %get3A_252 = vector.shape_cast %get3A_251 : vector<1x16xf32> to vector<16xf32>
        %add3A_253 = arith.constant 7 : i32
        %add3A_254 = arith.addi %mul3A_97, %add3A_253 : i32
        %get3A_255 = arith.index_cast %add3A_254 : i32 to index
        %get3A_256 = arith.constant 16 : index
        %get3A_257 = tpu.vector_load %arg7[%get3A_255, %get3A_256] {strides = array<i32>} : memref<128x256xf32, #tpu.memory_space<vmem>>, vector<1x16xf32>,
        %get3A_258 = vector.shape_cast %get3A_257 : vector<1x16xf32> to vector<16xf32>
        %add3A_259 = arith.constant 8 : i32
        %add3A_260 = arith.addi %mul3A_97, %add3A_259 : i32
        %get3A_261 = arith.index_cast %add3A_260 : i32 to index
        %get3A_262 = arith.constant 16 : index
        %get3A_263 = tpu.vector_load %arg7[%get3A_261, %get3A_262] {strides = array<i32>} : memref<128x256xf32, #tpu.memory_space<vmem>>, vector<1x16xf32>,
        %get3A_264 = vector.shape_cast %get3A_263 : vector<1x16xf32> to vector<16xf32>
        %add3A_265 = arith.constant 9 : i32
        %add3A_266 = arith.addi %mul3A_97, %add3A_265 : i32
        %get3A_267 = arith.index_cast %add3A_266 : i32 to index
        %get3A_268 = arith.constant 16 : index
        %get3A_269 = tpu.vector_load %arg7[%get3A_267, %get3A_268] {strides = array<i32>} : memref<128x256xf32, #tpu.memory_space<vmem>>, vector<1x16xf32>,
        %get3A_270 = vector.shape_cast %get3A_269 : vector<1x16xf32> to vector<16xf32>
        %add3A_271 = arith.constant 10 : i32
        %add3A_272 = arith.addi %mul3A_97, %add3A_271 : i32
        %get3A_273 = arith.index_cast %add3A_272 : i32 to index
        %get3A_274 = arith.constant 16 : index
        %get3A_275 = tpu.vector_load %arg7[%get3A_273, %get3A_274] {strides = array<i32>} : memref<128x256xf32, #tpu.memory_space<vmem>>, vector<1x16xf32>,
        %get3A_276 = vector.shape_cast %get3A_275 : vector<1x16xf32> to vector<16xf32>
        %add3A_277 = arith.constant 11 : i32
        %add3A_278 = arith.addi %mul3A_97, %add3A_277 : i32
        %get3A_279 = arith.index_cast %add3A_278 : i32 to index
        %get3A_280 = arith.constant 16 : index
        %get3A_281 = tpu.vector_load %arg7[%get3A_279, %get3A_280] {strides = array<i32>} : memref<128x256xf32, #tpu.memory_space<vmem>>, vector<1x16xf32>,
        %get3A_282 = vector.shape_cast %get3A_281 : vector<1x16xf32> to vector<16xf32>
        %add3A_283 = arith.constant 12 : i32
        %add3A_284 = arith.addi %mul3A_97, %add3A_283 : i32
        %get3A_285 = arith.index_cast %add3A_284 : i32 to index
        %get3A_286 = arith.constant 16 : index
        %get3A_287 = tpu.vector_load %arg7[%get3A_285, %get3A_286] {strides = array<i32>} : memref<128x256xf32, #tpu.memory_space<vmem>>, vector<1x16xf32>,
        %get3A_288 = vector.shape_cast %get3A_287 : vector<1x16xf32> to vector<16xf32>
        %add3A_289 = arith.constant 13 : i32
        %add3A_290 = arith.addi %mul3A_97, %add3A_289 : i32
        %get3A_291 = arith.index_cast %add3A_290 : i32 to index
        %get3A_292 = arith.constant 16 : index
        %get3A_293 = tpu.vector_load %arg7[%get3A_291, %get3A_292] {strides = array<i32>} : memref<128x256xf32, #tpu.memory_space<vmem>>, vector<1x16xf32>,
        %get3A_294 = vector.shape_cast %get3A_293 : vector<1x16xf32> to vector<16xf32>
        %add3A_295 = arith.constant 14 : i32
        %add3A_296 = arith.addi %mul3A_97, %add3A_295 : i32
        %get3A_297 = arith.index_cast %add3A_296 : i32 to index
        %get3A_298 = arith.constant 16 : index
        %get3A_299 = tpu.vector_load %arg7[%get3A_297, %get3A_298] {strides = array<i32>} : memref<128x256xf32, #tpu.memory_space<vmem>>, vector<1x16xf32>,
        %get3A_300 = vector.shape_cast %get3A_299 : vector<1x16xf32> to vector<16xf32>
        %add3A_301 = arith.constant 15 : i32
        %add3A_302 = arith.addi %mul3A_97, %add3A_301 : i32
        %get3A_303 = arith.index_cast %add3A_302 : i32 to index
        %get3A_304 = arith.constant 16 : index
        %get3A_305 = tpu.vector_load %arg7[%get3A_303, %get3A_304] {strides = array<i32>} : memref<128x256xf32, #tpu.memory_space<vmem>>, vector<1x16xf32>,
        %get3A_306 = vector.shape_cast %get3A_305 : vector<1x16xf32> to vector<16xf32>
        %max3A_307 = arith.maximumf %get3A_216, %get3A_222 : vector<16xf32>
        %max3A_308 = arith.maximumf %get3A_228, %get3A_234 : vector<16xf32>
        %max3A_309 = arith.maximumf %get3A_240, %get3A_246 : vector<16xf32>
        %max3A_310 = arith.maximumf %get3A_252, %get3A_258 : vector<16xf32>
        %max3A_311 = arith.maximumf %get3A_264, %get3A_270 : vector<16xf32>
        %max3A_312 = arith.maximumf %get3A_276, %get3A_282 : vector<16xf32>
        %max3A_313 = arith.maximumf %get3A_288, %get3A_294 : vector<16xf32>
        %max3A_314 = arith.maximumf %get3A_300, %get3A_306 : vector<16xf32>
        %max3A_315 = arith.maximumf %max3A_307, %max3A_308 : vector<16xf32>
        %max3A_316 = arith.maximumf %max3A_309, %max3A_310 : vector<16xf32>
        %max3A_317 = arith.maximumf %max3A_311, %max3A_312 : vector<16xf32>
        %max3A_318 = arith.maximumf %max3A_313, %max3A_314 : vector<16xf32>
        %max3A_319 = arith.maximumf %max3A_315, %max3A_316 : vector<16xf32>
        %max3A_320 = arith.maximumf %max3A_317, %max3A_318 : vector<16xf32>
        %max3A_321 = arith.maximumf %max3A_319, %max3A_320 : vector<16xf32>
        %swap3A_322 = arith.index_cast %scan3A_94 : i32 to index
        %swap3A_323 = arith.constant 16 : index
        %swap3A_324 = tpu.vector_load %arg8[%swap3A_322, %swap3A_323] {strides = array<i32>} : memref<8x256xf32, #tpu.memory_space<vmem>>, vector<1x16xf32>,
        %swap3A_325 = vector.shape_cast %swap3A_324 : vector<1x16xf32> to vector<16xf32>
        %swap3A_326 = vector.shape_cast %max3A_321 : vector<16xf32> to vector<1x16xf32>
        tpu.vector_store %arg8[%swap3A_322, %swap3A_323], %swap3A_326 {strides = array<i32>} : memref<8x256xf32, #tpu.memory_space<vmem>>, vector<1x16xf32>,
        %add3A_327 = arith.constant 0 : i32
        %add3A_328 = arith.addi %mul3A_97, %add3A_327 : i32
        %get3A_329 = arith.index_cast %add3A_328 : i32 to index
        %get3A_330 = arith.constant 32 : index
        %get3A_331 = tpu.vector_load %arg7[%get3A_329, %get3A_330] {strides = array<i32>} : memref<128x256xf32, #tpu.memory_space<vmem>>, vector<1x16xf32>,
        %get3A_332 = vector.shape_cast %get3A_331 : vector<1x16xf32> to vector<16xf32>
        %add3A_333 = arith.constant 1 : i32
        %add3A_334 = arith.addi %mul3A_97, %add3A_333 : i32
        %get3A_335 = arith.index_cast %add3A_334 : i32 to index
        %get3A_336 = arith.constant 32 : index
        %get3A_337 = tpu.vector_load %arg7[%get3A_335, %get3A_336] {strides = array<i32>} : memref<128x256xf32, #tpu.memory_space<vmem>>, vector<1x16xf32>,
        %get3A_338 = vector.shape_cast %get3A_337 : vector<1x16xf32> to vector<16xf32>
        %add3A_339 = arith.constant 2 : i32
        %add3A_340 = arith.addi %mul3A_97, %add3A_339 : i32
        %get3A_341 = arith.index_cast %add3A_340 : i32 to index
        %get3A_342 = arith.constant 32 : index
        %get3A_343 = tpu.vector_load %arg7[%get3A_341, %get3A_342] {strides = array<i32>} : memref<128x256xf32, #tpu.memory_space<vmem>>, vector<1x16xf32>,
        %get3A_344 = vector.shape_cast %get3A_343 : vector<1x16xf32> to vector<16xf32>
        %add3A_345 = arith.constant 3 : i32
        %add3A_346 = arith.addi %mul3A_97, %add3A_345 : i32
        %get3A_347 = arith.index_cast %add3A_346 : i32 to index
        %get3A_348 = arith.constant 32 : index
        %get3A_349 = tpu.vector_load %arg7[%get3A_347, %get3A_348] {strides = array<i32>} : memref<128x256xf32, #tpu.memory_space<vmem>>, vector<1x16xf32>,
        %get3A_350 = vector.shape_cast %get3A_349 : vector<1x16xf32> to vector<16xf32>
        %add3A_351 = arith.constant 4 : i32
        %add3A_352 = arith.addi %mul3A_97, %add3A_351 : i32
        %get3A_353 = arith.index_cast %add3A_352 : i32 to index
        %get3A_354 = arith.constant 32 : index
        %get3A_355 = tpu.vector_load %arg7[%get3A_353, %get3A_354] {strides = array<i32>} : memref<128x256xf32, #tpu.memory_space<vmem>>, vector<1x16xf32>,
        %get3A_356 = vector.shape_cast %get3A_355 : vector<1x16xf32> to vector<16xf32>
        %add3A_357 = arith.constant 5 : i32
        %add3A_358 = arith.addi %mul3A_97, %add3A_357 : i32
        %get3A_359 = arith.index_cast %add3A_358 : i32 to index
        %get3A_360 = arith.constant 32 : index
        %get3A_361 = tpu.vector_load %arg7[%get3A_359, %get3A_360] {strides = array<i32>} : memref<128x256xf32, #tpu.memory_space<vmem>>, vector<1x16xf32>,
        %get3A_362 = vector.shape_cast %get3A_361 : vector<1x16xf32> to vector<16xf32>
        %add3A_363 = arith.constant 6 : i32
        %add3A_364 = arith.addi %mul3A_97, %add3A_363 : i32
        %get3A_365 = arith.index_cast %add3A_364 : i32 to index
        %get3A_366 = arith.constant 32 : index
        %get3A_367 = tpu.vector_load %arg7[%get3A_365, %get3A_366] {strides = array<i32>} : memref<128x256xf32, #tpu.memory_space<vmem>>, vector<1x16xf32>,
        %get3A_368 = vector.shape_cast %get3A_367 : vector<1x16xf32> to vector<16xf32>
        %add3A_369 = arith.constant 7 : i32
        %add3A_370 = arith.addi %mul3A_97, %add3A_369 : i32
        %get3A_371 = arith.index_cast %add3A_370 : i32 to index
        %get3A_372 = arith.constant 32 : index
        %get3A_373 = tpu.vector_load %arg7[%get3A_371, %get3A_372] {strides = array<i32>} : memref<128x256xf32, #tpu.memory_space<vmem>>, vector<1x16xf32>,
        %get3A_374 = vector.shape_cast %get3A_373 : vector<1x16xf32> to vector<16xf32>
        %add3A_375 = arith.constant 8 : i32
        %add3A_376 = arith.addi %mul3A_97, %add3A_375 : i32
        %get3A_377 = arith.index_cast %add3A_376 : i32 to index
        %get3A_378 = arith.constant 32 : index
        %get3A_379 = tpu.vector_load %arg7[%get3A_377, %get3A_378] {strides = array<i32>} : memref<128x256xf32, #tpu.memory_space<vmem>>, vector<1x16xf32>,
        %get3A_380 = vector.shape_cast %get3A_379 : vector<1x16xf32> to vector<16xf32>
        %add3A_381 = arith.constant 9 : i32
        %add3A_382 = arith.addi %mul3A_97, %add3A_381 : i32
        %get3A_383 = arith.index_cast %add3A_382 : i32 to index
        %get3A_384 = arith.constant 32 : index
        %get3A_385 = tpu.vector_load %arg7[%get3A_383, %get3A_384] {strides = array<i32>} : memref<128x256xf32, #tpu.memory_space<vmem>>, vector<1x16xf32>,
        %get3A_386 = vector.shape_cast %get3A_385 : vector<1x16xf32> to vector<16xf32>
        %add3A_387 = arith.constant 10 : i32
        %add3A_388 = arith.addi %mul3A_97, %add3A_387 : i32
        %get3A_389 = arith.index_cast %add3A_388 : i32 to index
        %get3A_390 = arith.constant 32 : index
        %get3A_391 = tpu.vector_load %arg7[%get3A_389, %get3A_390] {strides = array<i32>} : memref<128x256xf32, #tpu.memory_space<vmem>>, vector<1x16xf32>,
        %get3A_392 = vector.shape_cast %get3A_391 : vector<1x16xf32> to vector<16xf32>
        %add3A_393 = arith.constant 11 : i32
        %add3A_394 = arith.addi %mul3A_97, %add3A_393 : i32
        %get3A_395 = arith.index_cast %add3A_394 : i32 to index
        %get3A_396 = arith.constant 32 : index
        %get3A_397 = tpu.vector_load %arg7[%get3A_395, %get3A_396] {strides = array<i32>} : memref<128x256xf32, #tpu.memory_space<vmem>>, vector<1x16xf32>,
        %get3A_398 = vector.shape_cast %get3A_397 : vector<1x16xf32> to vector<16xf32>
        %add3A_399 = arith.constant 12 : i32
        %add3A_400 = arith.addi %mul3A_97, %add3A_399 : i32
        %get3A_401 = arith.index_cast %add3A_400 : i32 to index
        %get3A_402 = arith.constant 32 : index
        %get3A_403 = tpu.vector_load %arg7[%get3A_401, %get3A_402] {strides = array<i32>} : memref<128x256xf32, #tpu.memory_space<vmem>>, vector<1x16xf32>,
        %get3A_404 = vector.shape_cast %get3A_403 : vector<1x16xf32> to vector<16xf32>
        %add3A_405 = arith.constant 13 : i32
        %add3A_406 = arith.addi %mul3A_97, %add3A_405 : i32
        %get3A_407 = arith.index_cast %add3A_406 : i32 to index
        %get3A_408 = arith.constant 32 : index
        %get3A_409 = tpu.vector_load %arg7[%get3A_407, %get3A_408] {strides = array<i32>} : memref<128x256xf32, #tpu.memory_space<vmem>>, vector<1x16xf32>,
        %get3A_410 = vector.shape_cast %get3A_409 : vector<1x16xf32> to vector<16xf32>
        %add3A_411 = arith.constant 14 : i32
        %add3A_412 = arith.addi %mul3A_97, %add3A_411 : i32
        %get3A_413 = arith.index_cast %add3A_412 : i32 to index
        %get3A_414 = arith.constant 32 : index
        %get3A_415 = tpu.vector_load %arg7[%get3A_413, %get3A_414] {strides = array<i32>} : memref<128x256xf32, #tpu.memory_space<vmem>>, vector<1x16xf32>,
        %get3A_416 = vector.shape_cast %get3A_415 : vector<1x16xf32> to vector<16xf32>
        %add3A_417 = arith.constant 15 : i32
        %add3A_418 = arith.addi %mul3A_97, %add3A_417 : i32
        %get3A_419 = arith.index_cast %add3A_418 : i32 to index
        %get3A_420 = arith.constant 32 : index
        %get3A_421 = tpu.vector_load %arg7[%get3A_419, %get3A_420] {strides = array<i32>} : memref<128x256xf32, #tpu.memory_space<vmem>>, vector<1x16xf32>,
        %get3A_422 = vector.shape_cast %get3A_421 : vector<1x16xf32> to vector<16xf32>
        %max3A_423 = arith.maximumf %get3A_332, %get3A_338 : vector<16xf32>
        %max3A_424 = arith.maximumf %get3A_344, %get3A_350 : vector<16xf32>
        %max3A_425 = arith.maximumf %get3A_356, %get3A_362 : vector<16xf32>
        %max3A_426 = arith.maximumf %get3A_368, %get3A_374 : vector<16xf32>
        %max3A_427 = arith.maximumf %get3A_380, %get3A_386 : vector<16xf32>
        %max3A_428 = arith.maximumf %get3A_392, %get3A_398 : vector<16xf32>
        %max3A_429 = arith.maximumf %get3A_404, %get3A_410 : vector<16xf32>
        %max3A_430 = arith.maximumf %get3A_416, %get3A_422 : vector<16xf32>
        %max3A_431 = arith.maximumf %max3A_423, %max3A_424 : vector<16xf32>
        %max3A_432 = arith.maximumf %max3A_425, %max3A_426 : vector<16xf32>
        %max3A_433 = arith.maximumf %max3A_427, %max3A_428 : vector<16xf32>
        %max3A_434 = arith.maximumf %max3A_429, %max3A_430 : vector<16xf32>
        %max3A_435 = arith.maximumf %max3A_431, %max3A_432 : vector<16xf32>
        %max3A_436 = arith.maximumf %max3A_433, %max3A_434 : vector<16xf32>
        %max3A_437 = arith.maximumf %max3A_435, %max3A_436 : vector<16xf32>
        %swap3A_438 = arith.index_cast %scan3A_94 : i32 to index
        %swap3A_439 = arith.constant 32 : index
        %swap3A_440 = tpu.vector_load %arg8[%swap3A_438, %swap3A_439] {strides = array<i32>} : memref<8x256xf32, #tpu.memory_space<vmem>>, vector<1x16xf32>,
        %swap3A_441 = vector.shape_cast %swap3A_440 : vector<1x16xf32> to vector<16xf32>
        %swap3A_442 = vector.shape_cast %max3A_437 : vector<16xf32> to vector<1x16xf32>
        tpu.vector_store %arg8[%swap3A_438, %swap3A_439], %swap3A_442 {strides = array<i32>} : memref<8x256xf32, #tpu.memory_space<vmem>>, vector<1x16xf32>,
        %add3A_443 = arith.constant 0 : i32
        %add3A_444 = arith.addi %mul3A_97, %add3A_443 : i32
        %get3A_445 = arith.index_cast %add3A_444 : i32 to index
        %get3A_446 = arith.constant 48 : index
        %get3A_447 = tpu.vector_load %arg7[%get3A_445, %get3A_446] {strides = array<i32>} : memref<128x256xf32, #tpu.memory_space<vmem>>, vector<1x16xf32>,
        %get3A_448 = vector.shape_cast %get3A_447 : vector<1x16xf32> to vector<16xf32>
        %add3A_449 = arith.constant 1 : i32
        %add3A_450 = arith.addi %mul3A_97, %add3A_449 : i32
        %get3A_451 = arith.index_cast %add3A_450 : i32 to index
        %get3A_452 = arith.constant 48 : index
        %get3A_453 = tpu.vector_load %arg7[%get3A_451, %get3A_452] {strides = array<i32>} : memref<128x256xf32, #tpu.memory_space<vmem>>, vector<1x16xf32>,
        %get3A_454 = vector.shape_cast %get3A_453 : vector<1x16xf32> to vector<16xf32>
        %add3A_455 = arith.constant 2 : i32
        %add3A_456 = arith.addi %mul3A_97, %add3A_455 : i32
        %get3A_457 = arith.index_cast %add3A_456 : i32 to index
        %get3A_458 = arith.constant 48 : index
        %get3A_459 = tpu.vector_load %arg7[%get3A_457, %get3A_458] {strides = array<i32>} : memref<128x256xf32, #tpu.memory_space<vmem>>, vector<1x16xf32>,
        %get3A_460 = vector.shape_cast %get3A_459 : vector<1x16xf32> to vector<16xf32>
        %add3A_461 = arith.constant 3 : i32
        %add3A_462 = arith.addi %mul3A_97, %add3A_461 : i32
        %get3A_463 = arith.index_cast %add3A_462 : i32 to index
        %get3A_464 = arith.constant 48 : index
        %get3A_465 = tpu.vector_load %arg7[%get3A_463, %get3A_464] {strides = array<i32>} : memref<128x256xf32, #tpu.memory_space<vmem>>, vector<1x16xf32>,
        %get3A_466 = vector.shape_cast %get3A_465 : vector<1x16xf32> to vector<16xf32>
        %add3A_467 = arith.constant 4 : i32
        %add3A_468 = arith.addi %mul3A_97, %add3A_467 : i32
        %get3A_469 = arith.index_cast %add3A_468 : i32 to index
        %get3A_470 = arith.constant 48 : index
        %get3A_471 = tpu.vector_load %arg7[%get3A_469, %get3A_470] {strides = array<i32>} : memref<128x256xf32, #tpu.memory_space<vmem>>, vector<1x16xf32>,
        %get3A_472 = vector.shape_cast %get3A_471 : vector<1x16xf32> to vector<16xf32>
        %add3A_473 = arith.constant 5 : i32
        %add3A_474 = arith.addi %mul3A_97, %add3A_473 : i32
        %get3A_475 = arith.index_cast %add3A_474 : i32 to index
        %get3A_476 = arith.constant 48 : index
        %get3A_477 = tpu.vector_load %arg7[%get3A_475, %get3A_476] {strides = array<i32>} : memref<128x256xf32, #tpu.memory_space<vmem>>, vector<1x16xf32>,
        %get3A_478 = vector.shape_cast %get3A_477 : vector<1x16xf32> to vector<16xf32>
        %add3A_479 = arith.constant 6 : i32
        %add3A_480 = arith.addi %mul3A_97, %add3A_479 : i32
        %get3A_481 = arith.index_cast %add3A_480 : i32 to index
        %get3A_482 = arith.constant 48 : index
        %get3A_483 = tpu.vector_load %arg7[%get3A_481, %get3A_482] {strides = array<i32>} : memref<128x256xf32, #tpu.memory_space<vmem>>, vector<1x16xf32>,
        %get3A_484 = vector.shape_cast %get3A_483 : vector<1x16xf32> to vector<16xf32>
        %add3A_485 = arith.constant 7 : i32
        %add3A_486 = arith.addi %mul3A_97, %add3A_485 : i32
        %get3A_487 = arith.index_cast %add3A_486 : i32 to index
        %get3A_488 = arith.constant 48 : index
        %get3A_489 = tpu.vector_load %arg7[%get3A_487, %get3A_488] {strides = array<i32>} : memref<128x256xf32, #tpu.memory_space<vmem>>, vector<1x16xf32>,
        %get3A_490 = vector.shape_cast %get3A_489 : vector<1x16xf32> to vector<16xf32>
        %add3A_491 = arith.constant 8 : i32
        %add3A_492 = arith.addi %mul3A_97, %add3A_491 : i32
        %get3A_493 = arith.index_cast %add3A_492 : i32 to index
        %get3A_494 = arith.constant 48 : index
        %get3A_495 = tpu.vector_load %arg7[%get3A_493, %get3A_494] {strides = array<i32>} : memref<128x256xf32, #tpu.memory_space<vmem>>, vector<1x16xf32>,
        %get3A_496 = vector.shape_cast %get3A_495 : vector<1x16xf32> to vector<16xf32>
        %add3A_497 = arith.constant 9 : i32
        %add3A_498 = arith.addi %mul3A_97, %add3A_497 : i32
        %get3A_499 = arith.index_cast %add3A_498 : i32 to index
        %get3A_500 = arith.constant 48 : index
        %get3A_501 = tpu.vector_load %arg7[%get3A_499, %get3A_500] {strides = array<i32>} : memref<128x256xf32, #tpu.memory_space<vmem>>, vector<1x16xf32>,
        %get3A_502 = vector.shape_cast %get3A_501 : vector<1x16xf32> to vector<16xf32>
        %add3A_503 = arith.constant 10 : i32
        %add3A_504 = arith.addi %mul3A_97, %add3A_503 : i32
        %get3A_505 = arith.index_cast %add3A_504 : i32 to index
        %get3A_506 = arith.constant 48 : index
        %get3A_507 = tpu.vector_load %arg7[%get3A_505, %get3A_506] {strides = array<i32>} : memref<128x256xf32, #tpu.memory_space<vmem>>, vector<1x16xf32>,
        %get3A_508 = vector.shape_cast %get3A_507 : vector<1x16xf32> to vector<16xf32>
        %add3A_509 = arith.constant 11 : i32
        %add3A_510 = arith.addi %mul3A_97, %add3A_509 : i32
        %get3A_511 = arith.index_cast %add3A_510 : i32 to index
        %get3A_512 = arith.constant 48 : index
        %get3A_513 = tpu.vector_load %arg7[%get3A_511, %get3A_512] {strides = array<i32>} : memref<128x256xf32, #tpu.memory_space<vmem>>, vector<1x16xf32>,
        %get3A_514 = vector.shape_cast %get3A_513 : vector<1x16xf32> to vector<16xf32>
        %add3A_515 = arith.constant 12 : i32
        %add3A_516 = arith.addi %mul3A_97, %add3A_515 : i32
        %get3A_517 = arith.index_cast %add3A_516 : i32 to index
        %get3A_518 = arith.constant 48 : index
        %get3A_519 = tpu.vector_load %arg7[%get3A_517, %get3A_518] {strides = array<i32>} : memref<128x256xf32, #tpu.memory_space<vmem>>, vector<1x16xf32>,
        %get3A_520 = vector.shape_cast %get3A_519 : vector<1x16xf32> to vector<16xf32>
        %add3A_521 = arith.constant 13 : i32
        %add3A_522 = arith.addi %mul3A_97, %add3A_521 : i32
        %get3A_523 = arith.index_cast %add3A_522 : i32 to index
        %get3A_524 = arith.constant 48 : index
        %get3A_525 = tpu.vector_load %arg7[%get3A_523, %get3A_524] {strides = array<i32>} : memref<128x256xf32, #tpu.memory_space<vmem>>, vector<1x16xf32>,
        %get3A_526 = vector.shape_cast %get3A_525 : vector<1x16xf32> to vector<16xf32>
        %add3A_527 = arith.constant 14 : i32
        %add3A_528 = arith.addi %mul3A_97, %add3A_527 : i32
        %get3A_529 = arith.index_cast %add3A_528 : i32 to index
        %get3A_530 = arith.constant 48 : index
        %get3A_531 = tpu.vector_load %arg7[%get3A_529, %get3A_530] {strides = array<i32>} : memref<128x256xf32, #tpu.memory_space<vmem>>, vector<1x16xf32>,
        %get3A_532 = vector.shape_cast %get3A_531 : vector<1x16xf32> to vector<16xf32>
        %add3A_533 = arith.constant 15 : i32
        %add3A_534 = arith.addi %mul3A_97, %add3A_533 : i32
        %get3A_535 = arith.index_cast %add3A_534 : i32 to index
        %get3A_536 = arith.constant 48 : index
        %get3A_537 = tpu.vector_load %arg7[%get3A_535, %get3A_536] {strides = array<i32>} : memref<128x256xf32, #tpu.memory_space<vmem>>, vector<1x16xf32>,
        %get3A_538 = vector.shape_cast %get3A_537 : vector<1x16xf32> to vector<16xf32>
        %max3A_539 = arith.maximumf %get3A_448, %get3A_454 : vector<16xf32>
        %max3A_540 = arith.maximumf %get3A_460, %get3A_466 : vector<16xf32>
        %max3A_541 = arith.maximumf %get3A_472, %get3A_478 : vector<16xf32>
        %max3A_542 = arith.maximumf %get3A_484, %get3A_490 : vector<16xf32>
        %max3A_543 = arith.maximumf %get3A_496, %get3A_502 : vector<16xf32>
        %max3A_544 = arith.maximumf %get3A_508, %get3A_514 : vector<16xf32>
        %max3A_545 = arith.maximumf %get3A_520, %get3A_526 : vector<16xf32>
        %max3A_546 = arith.maximumf %get3A_532, %get3A_538 : vector<16xf32>
        %max3A_547 = arith.maximumf %max3A_539, %max3A_540 : vector<16xf32>
        %max3A_548 = arith.maximumf %max3A_541, %max3A_542 : vector<16xf32>
        %max3A_549 = arith.maximumf %max3A_543, %max3A_544 : vector<16xf32>
        %max3A_550 = arith.maximumf %max3A_545, %max3A_546 : vector<16xf32>
        %max3A_551 = arith.maximumf %max3A_547, %max3A_548 : vector<16xf32>
        %max3A_552 = arith.maximumf %max3A_549, %max3A_550 : vector<16xf32>
        %max3A_553 = arith.maximumf %max3A_551, %max3A_552 : vector<16xf32>
        %swap3A_554 = arith.index_cast %scan3A_94 : i32 to index
        %swap3A_555 = arith.constant 48 : index
        %swap3A_556 = tpu.vector_load %arg8[%swap3A_554, %swap3A_555] {strides = array<i32>} : memref<8x256xf32, #tpu.memory_space<vmem>>, vector<1x16xf32>,
        %swap3A_557 = vector.shape_cast %swap3A_556 : vector<1x16xf32> to vector<16xf32>
        %swap3A_558 = vector.shape_cast %max3A_553 : vector<16xf32> to vector<1x16xf32>
        tpu.vector_store %arg8[%swap3A_554, %swap3A_555], %swap3A_558 {strides = array<i32>} : memref<8x256xf32, #tpu.memory_space<vmem>>, vector<1x16xf32>,
        %add3A_559 = arith.constant 0 : i32
        %add3A_560 = arith.addi %mul3A_97, %add3A_559 : i32
        %get3A_561 = arith.index_cast %add3A_560 : i32 to index
        %get3A_562 = arith.constant 64 : index
        %get3A_563 = tpu.vector_load %arg7[%get3A_561, %get3A_562] {strides = array<i32>} : memref<128x256xf32, #tpu.memory_space<vmem>>, vector<1x16xf32>,
        %get3A_564 = vector.shape_cast %get3A_563 : vector<1x16xf32> to vector<16xf32>
        %add3A_565 = arith.constant 1 : i32
        %add3A_566 = arith.addi %mul3A_97, %add3A_565 : i32
        %get3A_567 = arith.index_cast %add3A_566 : i32 to index
        %get3A_568 = arith.constant 64 : index
        %get3A_569 = tpu.vector_load %arg7[%get3A_567, %get3A_568] {strides = array<i32>} : memref<128x256xf32, #tpu.memory_space<vmem>>, vector<1x16xf32>,
        %get3A_570 = vector.shape_cast %get3A_569 : vector<1x16xf32> to vector<16xf32>
        %add3A_571 = arith.constant 2 : i32
        %add3A_572 = arith.addi %mul3A_97, %add3A_571 : i32
        %get3A_573 = arith.index_cast %add3A_572 : i32 to index
        %get3A_574 = arith.constant 64 : index
        %get3A_575 = tpu.vector_load %arg7[%get3A_573, %get3A_574] {strides = array<i32>} : memref<128x256xf32, #tpu.memory_space<vmem>>, vector<1x16xf32>,
        %get3A_576 = vector.shape_cast %get3A_575 : vector<1x16xf32> to vector<16xf32>
        %add3A_577 = arith.constant 3 : i32
        %add3A_578 = arith.addi %mul3A_97, %add3A_577 : i32
        %get3A_579 = arith.index_cast %add3A_578 : i32 to index
        %get3A_580 = arith.constant 64 : index
        %get3A_581 = tpu.vector_load %arg7[%get3A_579, %get3A_580] {strides = array<i32>} : memref<128x256xf32, #tpu.memory_space<vmem>>, vector<1x16xf32>,
        %get3A_582 = vector.shape_cast %get3A_581 : vector<1x16xf32> to vector<16xf32>
        %add3A_583 = arith.constant 4 : i32
        %add3A_584 = arith.addi %mul3A_97, %add3A_583 : i32
        %get3A_585 = arith.index_cast %add3A_584 : i32 to index
        %get3A_586 = arith.constant 64 : index
        %get3A_587 = tpu.vector_load %arg7[%get3A_585, %get3A_586] {strides = array<i32>} : memref<128x256xf32, #tpu.memory_space<vmem>>, vector<1x16xf32>,
        %get3A_588 = vector.shape_cast %get3A_587 : vector<1x16xf32> to vector<16xf32>
        %add3A_589 = arith.constant 5 : i32
        %add3A_590 = arith.addi %mul3A_97, %add3A_589 : i32
        %get3A_591 = arith.index_cast %add3A_590 : i32 to index
        %get3A_592 = arith.constant 64 : index
        %get3A_593 = tpu.vector_load %arg7[%get3A_591, %get3A_592] {strides = array<i32>} : memref<128x256xf32, #tpu.memory_space<vmem>>, vector<1x16xf32>,
        %get3A_594 = vector.shape_cast %get3A_593 : vector<1x16xf32> to vector<16xf32>
        %add3A_595 = arith.constant 6 : i32
        %add3A_596 = arith.addi %mul3A_97, %add3A_595 : i32
        %get3A_597 = arith.index_cast %add3A_596 : i32 to index
        %get3A_598 = arith.constant 64 : index
        %get3A_599 = tpu.vector_load %arg7[%get3A_597, %get3A_598] {strides = array<i32>} : memref<128x256xf32, #tpu.memory_space<vmem>>, vector<1x16xf32>,
        %get3A_600 = vector.shape_cast %get3A_599 : vector<1x16xf32> to vector<16xf32>
        %add3A_601 = arith.constant 7 : i32
        %add3A_602 = arith.addi %mul3A_97, %add3A_601 : i32
        %get3A_603 = arith.index_cast %add3A_602 : i32 to index
        %get3A_604 = arith.constant 64 : index
        %get3A_605 = tpu.vector_load %arg7[%get3A_603, %get3A_604] {strides = array<i32>} : memref<128x256xf32, #tpu.memory_space<vmem>>, vector<1x16xf32>,
        %get3A_606 = vector.shape_cast %get3A_605 : vector<1x16xf32> to vector<16xf32>
        %add3A_607 = arith.constant 8 : i32
        %add3A_608 = arith.addi %mul3A_97, %add3A_607 : i32
        %get3A_609 = arith.index_cast %add3A_608 : i32 to index
        %get3A_610 = arith.constant 64 : index
        %get3A_611 = tpu.vector_load %arg7[%get3A_609, %get3A_610] {strides = array<i32>} : memref<128x256xf32, #tpu.memory_space<vmem>>, vector<1x16xf32>,
        %get3A_612 = vector.shape_cast %get3A_611 : vector<1x16xf32> to vector<16xf32>
        %add3A_613 = arith.constant 9 : i32
        %add3A_614 = arith.addi %mul3A_97, %add3A_613 : i32
        %get3A_615 = arith.index_cast %add3A_614 : i32 to index
        %get3A_616 = arith.constant 64 : index
        %get3A_617 = tpu.vector_load %arg7[%get3A_615, %get3A_616] {strides = array<i32>} : memref<128x256xf32, #tpu.memory_space<vmem>>, vector<1x16xf32>,
        %get3A_618 = vector.shape_cast %get3A_617 : vector<1x16xf32> to vector<16xf32>
        %add3A_619 = arith.constant 10 : i32
        %add3A_620 = arith.addi %mul3A_97, %add3A_619 : i32
        %get3A_621 = arith.index_cast %add3A_620 : i32 to index
        %get3A_622 = arith.constant 64 : index
        %get3A_623 = tpu.vector_load %arg7[%get3A_621, %get3A_622] {strides = array<i32>} : memref<128x256xf32, #tpu.memory_space<vmem>>, vector<1x16xf32>,
        %get3A_624 = vector.shape_cast %get3A_623 : vector<1x16xf32> to vector<16xf32>
        %add3A_625 = arith.constant 11 : i32
        %add3A_626 = arith.addi %mul3A_97, %add3A_625 : i32
        %get3A_627 = arith.index_cast %add3A_626 : i32 to index
        %get3A_628 = arith.constant 64 : index
        %get3A_629 = tpu.vector_load %arg7[%get3A_627, %get3A_628] {strides = array<i32>} : memref<128x256xf32, #tpu.memory_space<vmem>>, vector<1x16xf32>,
        %get3A_630 = vector.shape_cast %get3A_629 : vector<1x16xf32> to vector<16xf32>
        %add3A_631 = arith.constant 12 : i32
        %add3A_632 = arith.addi %mul3A_97, %add3A_631 : i32
        %get3A_633 = arith.index_cast %add3A_632 : i32 to index
        %get3A_634 = arith.constant 64 : index
        %get3A_635 = tpu.vector_load %arg7[%get3A_633, %get3A_634] {strides = array<i32>} : memref<128x256xf32, #tpu.memory_space<vmem>>, vector<1x16xf32>,
        %get3A_636 = vector.shape_cast %get3A_635 : vector<1x16xf32> to vector<16xf32>
        %add3A_637 = arith.constant 13 : i32
        %add3A_638 = arith.addi %mul3A_97, %add3A_637 : i32
        %get3A_639 = arith.index_cast %add3A_638 : i32 to index
        %get3A_640 = arith.constant 64 : index
        %get3A_641 = tpu.vector_load %arg7[%get3A_639, %get3A_640] {strides = array<i32>} : memref<128x256xf32, #tpu.memory_space<vmem>>, vector<1x16xf32>,
        %get3A_642 = vector.shape_cast %get3A_641 : vector<1x16xf32> to vector<16xf32>
        %add3A_643 = arith.constant 14 : i32
        %add3A_644 = arith.addi %mul3A_97, %add3A_643 : i32
        %get3A_645 = arith.index_cast %add3A_644 : i32 to index
        %get3A_646 = arith.constant 64 : index
        %get3A_647 = tpu.vector_load %arg7[%get3A_645, %get3A_646] {strides = array<i32>} : memref<128x256xf32, #tpu.memory_space<vmem>>, vector<1x16xf32>,
        %get3A_648 = vector.shape_cast %get3A_647 : vector<1x16xf32> to vector<16xf32>
        %add3A_649 = arith.constant 15 : i32
        %add3A_650 = arith.addi %mul3A_97, %add3A_649 : i32
        %get3A_651 = arith.index_cast %add3A_650 : i32 to index
        %get3A_652 = arith.constant 64 : index
        %get3A_653 = tpu.vector_load %arg7[%get3A_651, %get3A_652] {strides = array<i32>} : memref<128x256xf32, #tpu.memory_space<vmem>>, vector<1x16xf32>,
        %get3A_654 = vector.shape_cast %get3A_653 : vector<1x16xf32> to vector<16xf32>
        %max3A_655 = arith.maximumf %get3A_564, %get3A_570 : vector<16xf32>
        %max3A_656 = arith.maximumf %get3A_576, %get3A_582 : vector<16xf32>
        %max3A_657 = arith.maximumf %get3A_588, %get3A_594 : vector<16xf32>
        %max3A_658 = arith.maximumf %get3A_600, %get3A_606 : vector<16xf32>
        %max3A_659 = arith.maximumf %get3A_612, %get3A_618 : vector<16xf32>
        %max3A_660 = arith.maximumf %get3A_624, %get3A_630 : vector<16xf32>
        %max3A_661 = arith.maximumf %get3A_636, %get3A_642 : vector<16xf32>
        %max3A_662 = arith.maximumf %get3A_648, %get3A_654 : vector<16xf32>
        %max3A_663 = arith.maximumf %max3A_655, %max3A_656 : vector<16xf32>
        %max3A_664 = arith.maximumf %max3A_657, %max3A_658 : vector<16xf32>
        %max3A_665 = arith.maximumf %max3A_659, %max3A_660 : vector<16xf32>
        %max3A_666 = arith.maximumf %max3A_661, %max3A_662 : vector<16xf32>
        %max3A_667 = arith.maximumf %max3A_663, %max3A_664 : vector<16xf32>
        %max3A_668 = arith.maximumf %max3A_665, %max3A_666 : vector<16xf32>
        %max3A_669 = arith.maximumf %max3A_667, %max3A_668 : vector<16xf32>
        %swap3A_670 = arith.index_cast %scan3A_94 : i32 to index
        %swap3A_671 = arith.constant 64 : index
        %swap3A_672 = tpu.vector_load %arg8[%swap3A_670, %swap3A_671] {strides = array<i32>} : memref<8x256xf32, #tpu.memory_space<vmem>>, vector<1x16xf32>,
        %swap3A_673 = vector.shape_cast %swap3A_672 : vector<1x16xf32> to vector<16xf32>
        %swap3A_674 = vector.shape_cast %max3A_669 : vector<16xf32> to vector<1x16xf32>
        tpu.vector_store %arg8[%swap3A_670, %swap3A_671], %swap3A_674 {strides = array<i32>} : memref<8x256xf32, #tpu.memory_space<vmem>>, vector<1x16xf32>,
        %add3A_675 = arith.constant 0 : i32
        %add3A_676 = arith.addi %mul3A_97, %add3A_675 : i32
        %get3A_677 = arith.index_cast %add3A_676 : i32 to index
        %get3A_678 = arith.constant 80 : index
        %get3A_679 = tpu.vector_load %arg7[%get3A_677, %get3A_678] {strides = array<i32>} : memref<128x256xf32, #tpu.memory_space<vmem>>, vector<1x16xf32>,
        %get3A_680 = vector.shape_cast %get3A_679 : vector<1x16xf32> to vector<16xf32>
        %add3A_681 = arith.constant 1 : i32
        %add3A_682 = arith.addi %mul3A_97, %add3A_681 : i32
        %get3A_683 = arith.index_cast %add3A_682 : i32 to index
        %get3A_684 = arith.constant 80 : index
        %get3A_685 = tpu.vector_load %arg7[%get3A_683, %get3A_684] {strides = array<i32>} : memref<128x256xf32, #tpu.memory_space<vmem>>, vector<1x16xf32>,
        %get3A_686 = vector.shape_cast %get3A_685 : vector<1x16xf32> to vector<16xf32>
        %add3A_687 = arith.constant 2 : i32
        %add3A_688 = arith.addi %mul3A_97, %add3A_687 : i32
        %get3A_689 = arith.index_cast %add3A_688 : i32 to index
        %get3A_690 = arith.constant 80 : index
        %get3A_691 = tpu.vector_load %arg7[%get3A_689, %get3A_690] {strides = array<i32>} : memref<128x256xf32, #tpu.memory_space<vmem>>, vector<1x16xf32>,
        %get3A_692 = vector.shape_cast %get3A_691 : vector<1x16xf32> to vector<16xf32>
        %add3A_693 = arith.constant 3 : i32
        %add3A_694 = arith.addi %mul3A_97, %add3A_693 : i32
        %get3A_695 = arith.index_cast %add3A_694 : i32 to index
        %get3A_696 = arith.constant 80 : index
        %get3A_697 = tpu.vector_load %arg7[%get3A_695, %get3A_696] {strides = array<i32>} : memref<128x256xf32, #tpu.memory_space<vmem>>, vector<1x16xf32>,
        %get3A_698 = vector.shape_cast %get3A_697 : vector<1x16xf32> to vector<16xf32>
        %add3A_699 = arith.constant 4 : i32
        %add3A_700 = arith.addi %mul3A_97, %add3A_699 : i32
        %get3A_701 = arith.index_cast %add3A_700 : i32 to index
        %get3A_702 = arith.constant 80 : index
        %get3A_703 = tpu.vector_load %arg7[%get3A_701, %get3A_702] {strides = array<i32>} : memref<128x256xf32, #tpu.memory_space<vmem>>, vector<1x16xf32>,
        %get3A_704 = vector.shape_cast %get3A_703 : vector<1x16xf32> to vector<16xf32>
        %add3A_705 = arith.constant 5 : i32
        %add3A_706 = arith.addi %mul3A_97, %add3A_705 : i32
        %get3A_707 = arith.index_cast %add3A_706 : i32 to index
        %get3A_708 = arith.constant 80 : index
        %get3A_709 = tpu.vector_load %arg7[%get3A_707, %get3A_708] {strides = array<i32>} : memref<128x256xf32, #tpu.memory_space<vmem>>, vector<1x16xf32>,
        %get3A_710 = vector.shape_cast %get3A_709 : vector<1x16xf32> to vector<16xf32>
        %add3A_711 = arith.constant 6 : i32
        %add3A_712 = arith.addi %mul3A_97, %add3A_711 : i32
        %get3A_713 = arith.index_cast %add3A_712 : i32 to index
        %get3A_714 = arith.constant 80 : index
        %get3A_715 = tpu.vector_load %arg7[%get3A_713, %get3A_714] {strides = array<i32>} : memref<128x256xf32, #tpu.memory_space<vmem>>, vector<1x16xf32>,
        %get3A_716 = vector.shape_cast %get3A_715 : vector<1x16xf32> to vector<16xf32>
        %add3A_717 = arith.constant 7 : i32
        %add3A_718 = arith.addi %mul3A_97, %add3A_717 : i32
        %get3A_719 = arith.index_cast %add3A_718 : i32 to index
        %get3A_720 = arith.constant 80 : index
        %get3A_721 = tpu.vector_load %arg7[%get3A_719, %get3A_720] {strides = array<i32>} : memref<128x256xf32, #tpu.memory_space<vmem>>, vector<1x16xf32>,
        %get3A_722 = vector.shape_cast %get3A_721 : vector<1x16xf32> to vector<16xf32>
        %add3A_723 = arith.constant 8 : i32
        %add3A_724 = arith.addi %mul3A_97, %add3A_723 : i32
        %get3A_725 = arith.index_cast %add3A_724 : i32 to index
        %get3A_726 = arith.constant 80 : index
        %get3A_727 = tpu.vector_load %arg7[%get3A_725, %get3A_726] {strides = array<i32>} : memref<128x256xf32, #tpu.memory_space<vmem>>, vector<1x16xf32>,
        %get3A_728 = vector.shape_cast %get3A_727 : vector<1x16xf32> to vector<16xf32>
        %add3A_729 = arith.constant 9 : i32
        %add3A_730 = arith.addi %mul3A_97, %add3A_729 : i32
        %get3A_731 = arith.index_cast %add3A_730 : i32 to index
        %get3A_732 = arith.constant 80 : index
        %get3A_733 = tpu.vector_load %arg7[%get3A_731, %get3A_732] {strides = array<i32>} : memref<128x256xf32, #tpu.memory_space<vmem>>, vector<1x16xf32>,
        %get3A_734 = vector.shape_cast %get3A_733 : vector<1x16xf32> to vector<16xf32>
        %add3A_735 = arith.constant 10 : i32
        %add3A_736 = arith.addi %mul3A_97, %add3A_735 : i32
        %get3A_737 = arith.index_cast %add3A_736 : i32 to index
        %get3A_738 = arith.constant 80 : index
        %get3A_739 = tpu.vector_load %arg7[%get3A_737, %get3A_738] {strides = array<i32>} : memref<128x256xf32, #tpu.memory_space<vmem>>, vector<1x16xf32>,
        %get3A_740 = vector.shape_cast %get3A_739 : vector<1x16xf32> to vector<16xf32>
        %add3A_741 = arith.constant 11 : i32
        %add3A_742 = arith.addi %mul3A_97, %add3A_741 : i32
        %get3A_743 = arith.index_cast %add3A_742 : i32 to index
        %get3A_744 = arith.constant 80 : index
        %get3A_745 = tpu.vector_load %arg7[%get3A_743, %get3A_744] {strides = array<i32>} : memref<128x256xf32, #tpu.memory_space<vmem>>, vector<1x16xf32>,
        %get3A_746 = vector.shape_cast %get3A_745 : vector<1x16xf32> to vector<16xf32>
        %add3A_747 = arith.constant 12 : i32
        %add3A_748 = arith.addi %mul3A_97, %add3A_747 : i32
        %get3A_749 = arith.index_cast %add3A_748 : i32 to index
        %get3A_750 = arith.constant 80 : index
        %get3A_751 = tpu.vector_load %arg7[%get3A_749, %get3A_750] {strides = array<i32>} : memref<128x256xf32, #tpu.memory_space<vmem>>, vector<1x16xf32>,
        %get3A_752 = vector.shape_cast %get3A_751 : vector<1x16xf32> to vector<16xf32>
        %add3A_753 = arith.constant 13 : i32
        %add3A_754 = arith.addi %mul3A_97, %add3A_753 : i32
        %get3A_755 = arith.index_cast %add3A_754 : i32 to index
        %get3A_756 = arith.constant 80 : index
        %get3A_757 = tpu.vector_load %arg7[%get3A_755, %get3A_756] {strides = array<i32>} : memref<128x256xf32, #tpu.memory_space<vmem>>, vector<1x16xf32>,
        %get3A_758 = vector.shape_cast %get3A_757 : vector<1x16xf32> to vector<16xf32>
        %add3A_759 = arith.constant 14 : i32
        %add3A_760 = arith.addi %mul3A_97, %add3A_759 : i32
        %get3A_761 = arith.index_cast %add3A_760 : i32 to index
        %get3A_762 = arith.constant 80 : index
        %get3A_763 = tpu.vector_load %arg7[%get3A_761, %get3A_762] {strides = array<i32>} : memref<128x256xf32, #tpu.memory_space<vmem>>, vector<1x16xf32>,
        %get3A_764 = vector.shape_cast %get3A_763 : vector<1x16xf32> to vector<16xf32>
        %add3A_765 = arith.constant 15 : i32
        %add3A_766 = arith.addi %mul3A_97, %add3A_765 : i32
        %get3A_767 = arith.index_cast %add3A_766 : i32 to index
        %get3A_768 = arith.constant 80 : index
        %get3A_769 = tpu.vector_load %arg7[%get3A_767, %get3A_768] {strides = array<i32>} : memref<128x256xf32, #tpu.memory_space<vmem>>, vector<1x16xf32>,
        %get3A_770 = vector.shape_cast %get3A_769 : vector<1x16xf32> to vector<16xf32>
        %max3A_771 = arith.maximumf %get3A_680, %get3A_686 : vector<16xf32>
        %max3A_772 = arith.maximumf %get3A_692, %get3A_698 : vector<16xf32>
        %max3A_773 = arith.maximumf %get3A_704, %get3A_710 : vector<16xf32>
        %max3A_774 = arith.maximumf %get3A_716, %get3A_722 : vector<16xf32>
        %max3A_775 = arith.maximumf %get3A_728, %get3A_734 : vector<16xf32>
        %max3A_776 = arith.maximumf %get3A_740, %get3A_746 : vector<16xf32>
        %max3A_777 = arith.maximumf %get3A_752, %get3A_758 : vector<16xf32>
        %max3A_778 = arith.maximumf %get3A_764, %get3A_770 : vector<16xf32>
        %max3A_779 = arith.maximumf %max3A_771, %max3A_772 : vector<16xf32>
        %max3A_780 = arith.maximumf %max3A_773, %max3A_774 : vector<16xf32>
        %max3A_781 = arith.maximumf %max3A_775, %max3A_776 : vector<16xf32>
        %max3A_782 = arith.maximumf %max3A_777, %max3A_778 : vector<16xf32>
        %max3A_783 = arith.maximumf %max3A_779, %max3A_780 : vector<16xf32>
        %max3A_784 = arith.maximumf %max3A_781, %max3A_782 : vector<16xf32>
        %max3A_785 = arith.maximumf %max3A_783, %max3A_784 : vector<16xf32>
        %swap3A_786 = arith.index_cast %scan3A_94 : i32 to index
        %swap3A_787 = arith.constant 80 : index
        %swap3A_788 = tpu.vector_load %arg8[%swap3A_786, %swap3A_787] {strides = array<i32>} : memref<8x256xf32, #tpu.memory_space<vmem>>, vector<1x16xf32>,
        %swap3A_789 = vector.shape_cast %swap3A_788 : vector<1x16xf32> to vector<16xf32>
        %swap3A_790 = vector.shape_cast %max3A_785 : vector<16xf32> to vector<1x16xf32>
        tpu.vector_store %arg8[%swap3A_786, %swap3A_787], %swap3A_790 {strides = array<i32>} : memref<8x256xf32, #tpu.memory_space<vmem>>, vector<1x16xf32>,
        %add3A_791 = arith.constant 0 : i32
        %add3A_792 = arith.addi %mul3A_97, %add3A_791 : i32
        %get3A_793 = arith.index_cast %add3A_792 : i32 to index
        %get3A_794 = arith.constant 96 : index
        %get3A_795 = tpu.vector_load %arg7[%get3A_793, %get3A_794] {strides = array<i32>} : memref<128x256xf32, #tpu.memory_space<vmem>>, vector<1x16xf32>,
        %get3A_796 = vector.shape_cast %get3A_795 : vector<1x16xf32> to vector<16xf32>
        %add3A_797 = arith.constant 1 : i32
        %add3A_798 = arith.addi %mul3A_97, %add3A_797 : i32
        %get3A_799 = arith.index_cast %add3A_798 : i32 to index
        %get3A_800 = arith.constant 96 : index
        %get3A_801 = tpu.vector_load %arg7[%get3A_799, %get3A_800] {strides = array<i32>} : memref<128x256xf32, #tpu.memory_space<vmem>>, vector<1x16xf32>,
        %get3A_802 = vector.shape_cast %get3A_801 : vector<1x16xf32> to vector<16xf32>
        %add3A_803 = arith.constant 2 : i32
        %add3A_804 = arith.addi %mul3A_97, %add3A_803 : i32
        %get3A_805 = arith.index_cast %add3A_804 : i32 to index
        %get3A_806 = arith.constant 96 : index
        %get3A_807 = tpu.vector_load %arg7[%get3A_805, %get3A_806] {strides = array<i32>} : memref<128x256xf32, #tpu.memory_space<vmem>>, vector<1x16xf32>,
        %get3A_808 = vector.shape_cast %get3A_807 : vector<1x16xf32> to vector<16xf32>
        %add3A_809 = arith.constant 3 : i32
        %add3A_810 = arith.addi %mul3A_97, %add3A_809 : i32
        %get3A_811 = arith.index_cast %add3A_810 : i32 to index
        %get3A_812 = arith.constant 96 : index
        %get3A_813 = tpu.vector_load %arg7[%get3A_811, %get3A_812] {strides = array<i32>} : memref<128x256xf32, #tpu.memory_space<vmem>>, vector<1x16xf32>,
        %get3A_814 = vector.shape_cast %get3A_813 : vector<1x16xf32> to vector<16xf32>
        %add3A_815 = arith.constant 4 : i32
        %add3A_816 = arith.addi %mul3A_97, %add3A_815 : i32
        %get3A_817 = arith.index_cast %add3A_816 : i32 to index
        %get3A_818 = arith.constant 96 : index
        %get3A_819 = tpu.vector_load %arg7[%get3A_817, %get3A_818] {strides = array<i32>} : memref<128x256xf32, #tpu.memory_space<vmem>>, vector<1x16xf32>,
        %get3A_820 = vector.shape_cast %get3A_819 : vector<1x16xf32> to vector<16xf32>
        %add3A_821 = arith.constant 5 : i32
        %add3A_822 = arith.addi %mul3A_97, %add3A_821 : i32
        %get3A_823 = arith.index_cast %add3A_822 : i32 to index
        %get3A_824 = arith.constant 96 : index
        %get3A_825 = tpu.vector_load %arg7[%get3A_823, %get3A_824] {strides = array<i32>} : memref<128x256xf32, #tpu.memory_space<vmem>>, vector<1x16xf32>,
        %get3A_826 = vector.shape_cast %get3A_825 : vector<1x16xf32> to vector<16xf32>
        %add3A_827 = arith.constant 6 : i32
        %add3A_828 = arith.addi %mul3A_97, %add3A_827 : i32
        %get3A_829 = arith.index_cast %add3A_828 : i32 to index
        %get3A_830 = arith.constant 96 : index
        %get3A_831 = tpu.vector_load %arg7[%get3A_829, %get3A_830] {strides = array<i32>} : memref<128x256xf32, #tpu.memory_space<vmem>>, vector<1x16xf32>,
        %get3A_832 = vector.shape_cast %get3A_831 : vector<1x16xf32> to vector<16xf32>
        %add3A_833 = arith.constant 7 : i32
        %add3A_834 = arith.addi %mul3A_97, %add3A_833 : i32
        %get3A_835 = arith.index_cast %add3A_834 : i32 to index
        %get3A_836 = arith.constant 96 : index
        %get3A_837 = tpu.vector_load %arg7[%get3A_835, %get3A_836] {strides = array<i32>} : memref<128x256xf32, #tpu.memory_space<vmem>>, vector<1x16xf32>,
        %get3A_838 = vector.shape_cast %get3A_837 : vector<1x16xf32> to vector<16xf32>
        %add3A_839 = arith.constant 8 : i32
        %add3A_840 = arith.addi %mul3A_97, %add3A_839 : i32
        %get3A_841 = arith.index_cast %add3A_840 : i32 to index
        %get3A_842 = arith.constant 96 : index
        %get3A_843 = tpu.vector_load %arg7[%get3A_841, %get3A_842] {strides = array<i32>} : memref<128x256xf32, #tpu.memory_space<vmem>>, vector<1x16xf32>,
        %get3A_844 = vector.shape_cast %get3A_843 : vector<1x16xf32> to vector<16xf32>
        %add3A_845 = arith.constant 9 : i32
        %add3A_846 = arith.addi %mul3A_97, %add3A_845 : i32
        %get3A_847 = arith.index_cast %add3A_846 : i32 to index
        %get3A_848 = arith.constant 96 : index
        %get3A_849 = tpu.vector_load %arg7[%get3A_847, %get3A_848] {strides = array<i32>} : memref<128x256xf32, #tpu.memory_space<vmem>>, vector<1x16xf32>,
        %get3A_850 = vector.shape_cast %get3A_849 : vector<1x16xf32> to vector<16xf32>
        %add3A_851 = arith.constant 10 : i32
        %add3A_852 = arith.addi %mul3A_97, %add3A_851 : i32
        %get3A_853 = arith.index_cast %add3A_852 : i32 to index
        %get3A_854 = arith.constant 96 : index
        %get3A_855 = tpu.vector_load %arg7[%get3A_853, %get3A_854] {strides = array<i32>} : memref<128x256xf32, #tpu.memory_space<vmem>>, vector<1x16xf32>,
        %get3A_856 = vector.shape_cast %get3A_855 : vector<1x16xf32> to vector<16xf32>
        %add3A_857 = arith.constant 11 : i32
        %add3A_858 = arith.addi %mul3A_97, %add3A_857 : i32
        %get3A_859 = arith.index_cast %add3A_858 : i32 to index
        %get3A_860 = arith.constant 96 : index
        %get3A_861 = tpu.vector_load %arg7[%get3A_859, %get3A_860] {strides = array<i32>} : memref<128x256xf32, #tpu.memory_space<vmem>>, vector<1x16xf32>,
        %get3A_862 = vector.shape_cast %get3A_861 : vector<1x16xf32> to vector<16xf32>
        %add3A_863 = arith.constant 12 : i32
        %add3A_864 = arith.addi %mul3A_97, %add3A_863 : i32
        %get3A_865 = arith.index_cast %add3A_864 : i32 to index
        %get3A_866 = arith.constant 96 : index
        %get3A_867 = tpu.vector_load %arg7[%get3A_865, %get3A_866] {strides = array<i32>} : memref<128x256xf32, #tpu.memory_space<vmem>>, vector<1x16xf32>,
        %get3A_868 = vector.shape_cast %get3A_867 : vector<1x16xf32> to vector<16xf32>
        %add3A_869 = arith.constant 13 : i32
        %add3A_870 = arith.addi %mul3A_97, %add3A_869 : i32
        %get3A_871 = arith.index_cast %add3A_870 : i32 to index
        %get3A_872 = arith.constant 96 : index
        %get3A_873 = tpu.vector_load %arg7[%get3A_871, %get3A_872] {strides = array<i32>} : memref<128x256xf32, #tpu.memory_space<vmem>>, vector<1x16xf32>,
        %get3A_874 = vector.shape_cast %get3A_873 : vector<1x16xf32> to vector<16xf32>
        %add3A_875 = arith.constant 14 : i32
        %add3A_876 = arith.addi %mul3A_97, %add3A_875 : i32
        %get3A_877 = arith.index_cast %add3A_876 : i32 to index
        %get3A_878 = arith.constant 96 : index
        %get3A_879 = tpu.vector_load %arg7[%get3A_877, %get3A_878] {strides = array<i32>} : memref<128x256xf32, #tpu.memory_space<vmem>>, vector<1x16xf32>,
        %get3A_880 = vector.shape_cast %get3A_879 : vector<1x16xf32> to vector<16xf32>
        %add3A_881 = arith.constant 15 : i32
        %add3A_882 = arith.addi %mul3A_97, %add3A_881 : i32
        %get3A_883 = arith.index_cast %add3A_882 : i32 to index
        %get3A_884 = arith.constant 96 : index
        %get3A_885 = tpu.vector_load %arg7[%get3A_883, %get3A_884] {strides = array<i32>} : memref<128x256xf32, #tpu.memory_space<vmem>>, vector<1x16xf32>,
        %get3A_886 = vector.shape_cast %get3A_885 : vector<1x16xf32> to vector<16xf32>
        %max3A_887 = arith.maximumf %get3A_796, %get3A_802 : vector<16xf32>
        %max3A_888 = arith.maximumf %get3A_808, %get3A_814 : vector<16xf32>
        %max3A_889 = arith.maximumf %get3A_820, %get3A_826 : vector<16xf32>
        %max3A_890 = arith.maximumf %get3A_832, %get3A_838 : vector<16xf32>
        %max3A_891 = arith.maximumf %get3A_844, %get3A_850 : vector<16xf32>
        %max3A_892 = arith.maximumf %get3A_856, %get3A_862 : vector<16xf32>
        %max3A_893 = arith.maximumf %get3A_868, %get3A_874 : vector<16xf32>
        %max3A_894 = arith.maximumf %get3A_880, %get3A_886 : vector<16xf32>
        %max3A_895 = arith.maximumf %max3A_887, %max3A_888 : vector<16xf32>
        %max3A_896 = arith.maximumf %max3A_889, %max3A_890 : vector<16xf32>
        %max3A_897 = arith.maximumf %max3A_891, %max3A_892 : vector<16xf32>
        %max3A_898 = arith.maximumf %max3A_893, %max3A_894 : vector<16xf32>
        %max3A_899 = arith.maximumf %max3A_895, %max3A_896 : vector<16xf32>
        %max3A_900 = arith.maximumf %max3A_897, %max3A_898 : vector<16xf32>
        %max3A_901 = arith.maximumf %max3A_899, %max3A_900 : vector<16xf32>
        %swap3A_902 = arith.index_cast %scan3A_94 : i32 to index
        %swap3A_903 = arith.constant 96 : index
        %swap3A_904 = tpu.vector_load %arg8[%swap3A_902, %swap3A_903] {strides = array<i32>} : memref<8x256xf32, #tpu.memory_space<vmem>>, vector<1x16xf32>,
        %swap3A_905 = vector.shape_cast %swap3A_904 : vector<1x16xf32> to vector<16xf32>
        %swap3A_906 = vector.shape_cast %max3A_901 : vector<16xf32> to vector<1x16xf32>
        tpu.vector_store %arg8[%swap3A_902, %swap3A_903], %swap3A_906 {strides = array<i32>} : memref<8x256xf32, #tpu.memory_space<vmem>>, vector<1x16xf32>,
        %add3A_907 = arith.constant 0 : i32
        %add3A_908 = arith.addi %mul3A_97, %add3A_907 : i32
        %get3A_909 = arith.index_cast %add3A_908 : i32 to index
        %get3A_910 = arith.constant 112 : index
        %get3A_911 = tpu.vector_load %arg7[%get3A_909, %get3A_910] {strides = array<i32>} : memref<128x256xf32, #tpu.memory_space<vmem>>, vector<1x16xf32>,
        %get3A_912 = vector.shape_cast %get3A_911 : vector<1x16xf32> to vector<16xf32>
        %add3A_913 = arith.constant 1 : i32
        %add3A_914 = arith.addi %mul3A_97, %add3A_913 : i32
        %get3A_915 = arith.index_cast %add3A_914 : i32 to index
        %get3A_916 = arith.constant 112 : index
        %get3A_917 = tpu.vector_load %arg7[%get3A_915, %get3A_916] {strides = array<i32>} : memref<128x256xf32, #tpu.memory_space<vmem>>, vector<1x16xf32>,
        %get3A_918 = vector.shape_cast %get3A_917 : vector<1x16xf32> to vector<16xf32>
        %add3A_919 = arith.constant 2 : i32
        %add3A_920 = arith.addi %mul3A_97, %add3A_919 : i32
        %get3A_921 = arith.index_cast %add3A_920 : i32 to index
        %get3A_922 = arith.constant 112 : index
        %get3A_923 = tpu.vector_load %arg7[%get3A_921, %get3A_922] {strides = array<i32>} : memref<128x256xf32, #tpu.memory_space<vmem>>, vector<1x16xf32>,
        %get3A_924 = vector.shape_cast %get3A_923 : vector<1x16xf32> to vector<16xf32>
        %add3A_925 = arith.constant 3 : i32
        %add3A_926 = arith.addi %mul3A_97, %add3A_925 : i32
        %get3A_927 = arith.index_cast %add3A_926 : i32 to index
        %get3A_928 = arith.constant 112 : index
        %get3A_929 = tpu.vector_load %arg7[%get3A_927, %get3A_928] {strides = array<i32>} : memref<128x256xf32, #tpu.memory_space<vmem>>, vector<1x16xf32>,
        %get3A_930 = vector.shape_cast %get3A_929 : vector<1x16xf32> to vector<16xf32>
        %add3A_931 = arith.constant 4 : i32
        %add3A_932 = arith.addi %mul3A_97, %add3A_931 : i32
        %get3A_933 = arith.index_cast %add3A_932 : i32 to index
        %get3A_934 = arith.constant 112 : index
        %get3A_935 = tpu.vector_load %arg7[%get3A_933, %get3A_934] {strides = array<i32>} : memref<128x256xf32, #tpu.memory_space<vmem>>, vector<1x16xf32>,
        %get3A_936 = vector.shape_cast %get3A_935 : vector<1x16xf32> to vector<16xf32>
        %add3A_937 = arith.constant 5 : i32
        %add3A_938 = arith.addi %mul3A_97, %add3A_937 : i32
        %get3A_939 = arith.index_cast %add3A_938 : i32 to index
        %get3A_940 = arith.constant 112 : index
        %get3A_941 = tpu.vector_load %arg7[%get3A_939, %get3A_940] {strides = array<i32>} : memref<128x256xf32, #tpu.memory_space<vmem>>, vector<1x16xf32>,
        %get3A_942 = vector.shape_cast %get3A_941 : vector<1x16xf32> to vector<16xf32>
        %add3A_943 = arith.constant 6 : i32
        %add3A_944 = arith.addi %mul3A_97, %add3A_943 : i32
        %get3A_945 = arith.index_cast %add3A_944 : i32 to index
        %get3A_946 = arith.constant 112 : index
        %get3A_947 = tpu.vector_load %arg7[%get3A_945, %get3A_946] {strides = array<i32>} : memref<128x256xf32, #tpu.memory_space<vmem>>, vector<1x16xf32>,
        %get3A_948 = vector.shape_cast %get3A_947 : vector<1x16xf32> to vector<16xf32>
        %add3A_949 = arith.constant 7 : i32
        %add3A_950 = arith.addi %mul3A_97, %add3A_949 : i32
        %get3A_951 = arith.index_cast %add3A_950 : i32 to index
        %get3A_952 = arith.constant 112 : index
        %get3A_953 = tpu.vector_load %arg7[%get3A_951, %get3A_952] {strides = array<i32>} : memref<128x256xf32, #tpu.memory_space<vmem>>, vector<1x16xf32>,
        %get3A_954 = vector.shape_cast %get3A_953 : vector<1x16xf32> to vector<16xf32>
        %add3A_955 = arith.constant 8 : i32
        %add3A_956 = arith.addi %mul3A_97, %add3A_955 : i32
        %get3A_957 = arith.index_cast %add3A_956 : i32 to index
        %get3A_958 = arith.constant 112 : index
        %get3A_959 = tpu.vector_load %arg7[%get3A_957, %get3A_958] {strides = array<i32>} : memref<128x256xf32, #tpu.memory_space<vmem>>, vector<1x16xf32>,
        %get3A_960 = vector.shape_cast %get3A_959 : vector<1x16xf32> to vector<16xf32>
        %add3A_961 = arith.constant 9 : i32
        %add3A_962 = arith.addi %mul3A_97, %add3A_961 : i32
        %get3A_963 = arith.index_cast %add3A_962 : i32 to index
        %get3A_964 = arith.constant 112 : index
        %get3A_965 = tpu.vector_load %arg7[%get3A_963, %get3A_964] {strides = array<i32>} : memref<128x256xf32, #tpu.memory_space<vmem>>, vector<1x16xf32>,
        %get3A_966 = vector.shape_cast %get3A_965 : vector<1x16xf32> to vector<16xf32>
        %add3A_967 = arith.constant 10 : i32
        %add3A_968 = arith.addi %mul3A_97, %add3A_967 : i32
        %get3A_969 = arith.index_cast %add3A_968 : i32 to index
        %get3A_970 = arith.constant 112 : index
        %get3A_971 = tpu.vector_load %arg7[%get3A_969, %get3A_970] {strides = array<i32>} : memref<128x256xf32, #tpu.memory_space<vmem>>, vector<1x16xf32>,
        %get3A_972 = vector.shape_cast %get3A_971 : vector<1x16xf32> to vector<16xf32>
        %add3A_973 = arith.constant 11 : i32
        %add3A_974 = arith.addi %mul3A_97, %add3A_973 : i32
        %get3A_975 = arith.index_cast %add3A_974 : i32 to index
        %get3A_976 = arith.constant 112 : index
        %get3A_977 = tpu.vector_load %arg7[%get3A_975, %get3A_976] {strides = array<i32>} : memref<128x256xf32, #tpu.memory_space<vmem>>, vector<1x16xf32>,
        %get3A_978 = vector.shape_cast %get3A_977 : vector<1x16xf32> to vector<16xf32>
        %add3A_979 = arith.constant 12 : i32
        %add3A_980 = arith.addi %mul3A_97, %add3A_979 : i32
        %get3A_981 = arith.index_cast %add3A_980 : i32 to index
        %get3A_982 = arith.constant 112 : index
        %get3A_983 = tpu.vector_load %arg7[%get3A_981, %get3A_982] {strides = array<i32>} : memref<128x256xf32, #tpu.memory_space<vmem>>, vector<1x16xf32>,
        %get3A_984 = vector.shape_cast %get3A_983 : vector<1x16xf32> to vector<16xf32>
        %add3A_985 = arith.constant 13 : i32
        %add3A_986 = arith.addi %mul3A_97, %add3A_985 : i32
        %get3A_987 = arith.index_cast %add3A_986 : i32 to index
        %get3A_988 = arith.constant 112 : index
        %get3A_989 = tpu.vector_load %arg7[%get3A_987, %get3A_988] {strides = array<i32>} : memref<128x256xf32, #tpu.memory_space<vmem>>, vector<1x16xf32>,
        %get3A_990 = vector.shape_cast %get3A_989 : vector<1x16xf32> to vector<16xf32>
        %add3A_991 = arith.constant 14 : i32
        %add3A_992 = arith.addi %mul3A_97, %add3A_991 : i32
        %get3A_993 = arith.index_cast %add3A_992 : i32 to index
        %get3A_994 = arith.constant 112 : index
        %get3A_995 = tpu.vector_load %arg7[%get3A_993, %get3A_994] {strides = array<i32>} : memref<128x256xf32, #tpu.memory_space<vmem>>, vector<1x16xf32>,
        %get3A_996 = vector.shape_cast %get3A_995 : vector<1x16xf32> to vector<16xf32>
        %add3A_997 = arith.constant 15 : i32
        %add3A_998 = arith.addi %mul3A_97, %add3A_997 : i32
        %get3A_999 = arith.index_cast %add3A_998 : i32 to index
        %get3A_1000 = arith.constant 112 : index
        %get3A_1001 = tpu.vector_load %arg7[%get3A_999, %get3A_1000] {strides = array<i32>} : memref<128x256xf32, #tpu.memory_space<vmem>>, vector<1x16xf32>,
        %get3A_1002 = vector.shape_cast %get3A_1001 : vector<1x16xf32> to vector<16xf32>
        %max3A_1003 = arith.maximumf %get3A_912, %get3A_918 : vector<16xf32>
        %max3A_1004 = arith.maximumf %get3A_924, %get3A_930 : vector<16xf32>
        %max3A_1005 = arith.maximumf %get3A_936, %get3A_942 : vector<16xf32>
        %max3A_1006 = arith.maximumf %get3A_948, %get3A_954 : vector<16xf32>
        %max3A_1007 = arith.maximumf %get3A_960, %get3A_966 : vector<16xf32>
        %max3A_1008 = arith.maximumf %get3A_972, %get3A_978 : vector<16xf32>
        %max3A_1009 = arith.maximumf %get3A_984, %get3A_990 : vector<16xf32>
        %max3A_1010 = arith.maximumf %get3A_996, %get3A_1002 : vector<16xf32>
        %max3A_1011 = arith.maximumf %max3A_1003, %max3A_1004 : vector<16xf32>
        %max3A_1012 = arith.maximumf %max3A_1005, %max3A_1006 : vector<16xf32>
        %max3A_1013 = arith.maximumf %max3A_1007, %max3A_1008 : vector<16xf32>
        %max3A_1014 = arith.maximumf %max3A_1009, %max3A_1010 : vector<16xf32>
        %max3A_1015 = arith.maximumf %max3A_1011, %max3A_1012 : vector<16xf32>
        %max3A_1016 = arith.maximumf %max3A_1013, %max3A_1014 : vector<16xf32>
        %max3A_1017 = arith.maximumf %max3A_1015, %max3A_1016 : vector<16xf32>
        %swap3A_1018 = arith.index_cast %scan3A_94 : i32 to index
        %swap3A_1019 = arith.constant 112 : index
        %swap3A_1020 = tpu.vector_load %arg8[%swap3A_1018, %swap3A_1019] {strides = array<i32>} : memref<8x256xf32, #tpu.memory_space<vmem>>, vector<1x16xf32>,
        %swap3A_1021 = vector.shape_cast %swap3A_1020 : vector<1x16xf32> to vector<16xf32>
        %swap3A_1022 = vector.shape_cast %max3A_1017 : vector<16xf32> to vector<1x16xf32>
        tpu.vector_store %arg8[%swap3A_1018, %swap3A_1019], %swap3A_1022 {strides = array<i32>} : memref<8x256xf32, #tpu.memory_space<vmem>>, vector<1x16xf32>,
        %add3A_1023 = arith.constant 0 : i32
        %add3A_1024 = arith.addi %mul3A_97, %add3A_1023 : i32
        %get3A_1025 = arith.index_cast %add3A_1024 : i32 to index
        %get3A_1026 = arith.constant 128 : index
        %get3A_1027 = tpu.vector_load %arg7[%get3A_1025, %get3A_1026] {strides = array<i32>} : memref<128x256xf32, #tpu.memory_space<vmem>>, vector<1x16xf32>,
        %get3A_1028 = vector.shape_cast %get3A_1027 : vector<1x16xf32> to vector<16xf32>
        %add3A_1029 = arith.constant 1 : i32
        %add3A_1030 = arith.addi %mul3A_97, %add3A_1029 : i32
        %get3A_1031 = arith.index_cast %add3A_1030 : i32 to index
        %get3A_1032 = arith.constant 128 : index
        %get3A_1033 = tpu.vector_load %arg7[%get3A_1031, %get3A_1032] {strides = array<i32>} : memref<128x256xf32, #tpu.memory_space<vmem>>, vector<1x16xf32>,
        %get3A_1034 = vector.shape_cast %get3A_1033 : vector<1x16xf32> to vector<16xf32>
        %add3A_1035 = arith.constant 2 : i32
        %add3A_1036 = arith.addi %mul3A_97, %add3A_1035 : i32
        %get3A_1037 = arith.index_cast %add3A_1036 : i32 to index
        %get3A_1038 = arith.constant 128 : index
        %get3A_1039 = tpu.vector_load %arg7[%get3A_1037, %get3A_1038] {strides = array<i32>} : memref<128x256xf32, #tpu.memory_space<vmem>>, vector<1x16xf32>,
        %get3A_1040 = vector.shape_cast %get3A_1039 : vector<1x16xf32> to vector<16xf32>
        %add3A_1041 = arith.constant 3 : i32
        %add3A_1042 = arith.addi %mul3A_97, %add3A_1041 : i32
        %get3A_1043 = arith.index_cast %add3A_1042 : i32 to index
        %get3A_1044 = arith.constant 128 : index
        %get3A_1045 = tpu.vector_load %arg7[%get3A_1043, %get3A_1044] {strides = array<i32>} : memref<128x256xf32, #tpu.memory_space<vmem>>, vector<1x16xf32>,
        %get3A_1046 = vector.shape_cast %get3A_1045 : vector<1x16xf32> to vector<16xf32>
        %add3A_1047 = arith.constant 4 : i32
        %add3A_1048 = arith.addi %mul3A_97, %add3A_1047 : i32
        %get3A_1049 = arith.index_cast %add3A_1048 : i32 to index
        %get3A_1050 = arith.constant 128 : index
        %get3A_1051 = tpu.vector_load %arg7[%get3A_1049, %get3A_1050] {strides = array<i32>} : memref<128x256xf32, #tpu.memory_space<vmem>>, vector<1x16xf32>,
        %get3A_1052 = vector.shape_cast %get3A_1051 : vector<1x16xf32> to vector<16xf32>
        %add3A_1053 = arith.constant 5 : i32
        %add3A_1054 = arith.addi %mul3A_97, %add3A_1053 : i32
        %get3A_1055 = arith.index_cast %add3A_1054 : i32 to index
        %get3A_1056 = arith.constant 128 : index
        %get3A_1057 = tpu.vector_load %arg7[%get3A_1055, %get3A_1056] {strides = array<i32>} : memref<128x256xf32, #tpu.memory_space<vmem>>, vector<1x16xf32>,
        %get3A_1058 = vector.shape_cast %get3A_1057 : vector<1x16xf32> to vector<16xf32>
        %add3A_1059 = arith.constant 6 : i32
        %add3A_1060 = arith.addi %mul3A_97, %add3A_1059 : i32
        %get3A_1061 = arith.index_cast %add3A_1060 : i32 to index
        %get3A_1062 = arith.constant 128 : index
        %get3A_1063 = tpu.vector_load %arg7[%get3A_1061, %get3A_1062] {strides = array<i32>} : memref<128x256xf32, #tpu.memory_space<vmem>>, vector<1x16xf32>,
        %get3A_1064 = vector.shape_cast %get3A_1063 : vector<1x16xf32> to vector<16xf32>
        %add3A_1065 = arith.constant 7 : i32
        %add3A_1066 = arith.addi %mul3A_97, %add3A_1065 : i32
        %get3A_1067 = arith.index_cast %add3A_1066 : i32 to index
        %get3A_1068 = arith.constant 128 : index
        %get3A_1069 = tpu.vector_load %arg7[%get3A_1067, %get3A_1068] {strides = array<i32>} : memref<128x256xf32, #tpu.memory_space<vmem>>, vector<1x16xf32>,
        %get3A_1070 = vector.shape_cast %get3A_1069 : vector<1x16xf32> to vector<16xf32>
        %add3A_1071 = arith.constant 8 : i32
        %add3A_1072 = arith.addi %mul3A_97, %add3A_1071 : i32
        %get3A_1073 = arith.index_cast %add3A_1072 : i32 to index
        %get3A_1074 = arith.constant 128 : index
        %get3A_1075 = tpu.vector_load %arg7[%get3A_1073, %get3A_1074] {strides = array<i32>} : memref<128x256xf32, #tpu.memory_space<vmem>>, vector<1x16xf32>,
        %get3A_1076 = vector.shape_cast %get3A_1075 : vector<1x16xf32> to vector<16xf32>
        %add3A_1077 = arith.constant 9 : i32
        %add3A_1078 = arith.addi %mul3A_97, %add3A_1077 : i32
        %get3A_1079 = arith.index_cast %add3A_1078 : i32 to index
        %get3A_1080 = arith.constant 128 : index
        %get3A_1081 = tpu.vector_load %arg7[%get3A_1079, %get3A_1080] {strides = array<i32>} : memref<128x256xf32, #tpu.memory_space<vmem>>, vector<1x16xf32>,
        %get3A_1082 = vector.shape_cast %get3A_1081 : vector<1x16xf32> to vector<16xf32>
        %add3A_1083 = arith.constant 10 : i32
        %add3A_1084 = arith.addi %mul3A_97, %add3A_1083 : i32
        %get3A_1085 = arith.index_cast %add3A_1084 : i32 to index
        %get3A_1086 = arith.constant 128 : index
        %get3A_1087 = tpu.vector_load %arg7[%get3A_1085, %get3A_1086] {strides = array<i32>} : memref<128x256xf32, #tpu.memory_space<vmem>>, vector<1x16xf32>,
        %get3A_1088 = vector.shape_cast %get3A_1087 : vector<1x16xf32> to vector<16xf32>
        %add3A_1089 = arith.constant 11 : i32
        %add3A_1090 = arith.addi %mul3A_97, %add3A_1089 : i32
        %get3A_1091 = arith.index_cast %add3A_1090 : i32 to index
        %get3A_1092 = arith.constant 128 : index
        %get3A_1093 = tpu.vector_load %arg7[%get3A_1091, %get3A_1092] {strides = array<i32>} : memref<128x256xf32, #tpu.memory_space<vmem>>, vector<1x16xf32>,
        %get3A_1094 = vector.shape_cast %get3A_1093 : vector<1x16xf32> to vector<16xf32>
        %add3A_1095 = arith.constant 12 : i32
        %add3A_1096 = arith.addi %mul3A_97, %add3A_1095 : i32
        %get3A_1097 = arith.index_cast %add3A_1096 : i32 to index
        %get3A_1098 = arith.constant 128 : index
        %get3A_1099 = tpu.vector_load %arg7[%get3A_1097, %get3A_1098] {strides = array<i32>} : memref<128x256xf32, #tpu.memory_space<vmem>>, vector<1x16xf32>,
        %get3A_1100 = vector.shape_cast %get3A_1099 : vector<1x16xf32> to vector<16xf32>
        %add3A_1101 = arith.constant 13 : i32
        %add3A_1102 = arith.addi %mul3A_97, %add3A_1101 : i32
        %get3A_1103 = arith.index_cast %add3A_1102 : i32 to index
        %get3A_1104 = arith.constant 128 : index
        %get3A_1105 = tpu.vector_load %arg7[%get3A_1103, %get3A_1104] {strides = array<i32>} : memref<128x256xf32, #tpu.memory_space<vmem>>, vector<1x16xf32>,
        %get3A_1106 = vector.shape_cast %get3A_1105 : vector<1x16xf32> to vector<16xf32>
        %add3A_1107 = arith.constant 14 : i32
        %add3A_1108 = arith.addi %mul3A_97, %add3A_1107 : i32
        %get3A_1109 = arith.index_cast %add3A_1108 : i32 to index
        %get3A_1110 = arith.constant 128 : index
        %get3A_1111 = tpu.vector_load %arg7[%get3A_1109, %get3A_1110] {strides = array<i32>} : memref<128x256xf32, #tpu.memory_space<vmem>>, vector<1x16xf32>,
        %get3A_1112 = vector.shape_cast %get3A_1111 : vector<1x16xf32> to vector<16xf32>
        %add3A_1113 = arith.constant 15 : i32
        %add3A_1114 = arith.addi %mul3A_97, %add3A_1113 : i32
        %get3A_1115 = arith.index_cast %add3A_1114 : i32 to index
        %get3A_1116 = arith.constant 128 : index
        %get3A_1117 = tpu.vector_load %arg7[%get3A_1115, %get3A_1116] {strides = array<i32>} : memref<128x256xf32, #tpu.memory_space<vmem>>, vector<1x16xf32>,
        %get3A_1118 = vector.shape_cast %get3A_1117 : vector<1x16xf32> to vector<16xf32>
        %max3A_1119 = arith.maximumf %get3A_1028, %get3A_1034 : vector<16xf32>
        %max3A_1120 = arith.maximumf %get3A_1040, %get3A_1046 : vector<16xf32>
        %max3A_1121 = arith.maximumf %get3A_1052, %get3A_1058 : vector<16xf32>
        %max3A_1122 = arith.maximumf %get3A_1064, %get3A_1070 : vector<16xf32>
        %max3A_1123 = arith.maximumf %get3A_1076, %get3A_1082 : vector<16xf32>
        %max3A_1124 = arith.maximumf %get3A_1088, %get3A_1094 : vector<16xf32>
        %max3A_1125 = arith.maximumf %get3A_1100, %get3A_1106 : vector<16xf32>
        %max3A_1126 = arith.maximumf %get3A_1112, %get3A_1118 : vector<16xf32>
        %max3A_1127 = arith.maximumf %max3A_1119, %max3A_1120 : vector<16xf32>
        %max3A_1128 = arith.maximumf %max3A_1121, %max3A_1122 : vector<16xf32>
        %max3A_1129 = arith.maximumf %max3A_1123, %max3A_1124 : vector<16xf32>
        %max3A_1130 = arith.maximumf %max3A_1125, %max3A_1126 : vector<16xf32>
        %max3A_1131 = arith.maximumf %max3A_1127, %max3A_1128 : vector<16xf32>
        %max3A_1132 = arith.maximumf %max3A_1129, %max3A_1130 : vector<16xf32>
        %max3A_1133 = arith.maximumf %max3A_1131, %max3A_1132 : vector<16xf32>
        %swap3A_1134 = arith.index_cast %scan3A_94 : i32 to index
        %swap3A_1135 = arith.constant 128 : index
        %swap3A_1136 = tpu.vector_load %arg8[%swap3A_1134, %swap3A_1135] {strides = array<i32>} : memref<8x256xf32, #tpu.memory_space<vmem>>, vector<1x16xf32>,
        %swap3A_1137 = vector.shape_cast %swap3A_1136 : vector<1x16xf32> to vector<16xf32>
        %swap3A_1138 = vector.shape_cast %max3A_1133 : vector<16xf32> to vector<1x16xf32>
        tpu.vector_store %arg8[%swap3A_1134, %swap3A_1135], %swap3A_1138 {strides = array<i32>} : memref<8x256xf32, #tpu.memory_space<vmem>>, vector<1x16xf32>,
        %add3A_1139 = arith.constant 0 : i32
        %add3A_1140 = arith.addi %mul3A_97, %add3A_1139 : i32
        %get3A_1141 = arith.index_cast %add3A_1140 : i32 to index
        %get3A_1142 = arith.constant 144 : index
        %get3A_1143 = tpu.vector_load %arg7[%get3A_1141, %get3A_1142] {strides = array<i32>} : memref<128x256xf32, #tpu.memory_space<vmem>>, vector<1x16xf32>,
        %get3A_1144 = vector.shape_cast %get3A_1143 : vector<1x16xf32> to vector<16xf32>
        %add3A_1145 = arith.constant 1 : i32
        %add3A_1146 = arith.addi %mul3A_97, %add3A_1145 : i32
        %get3A_1147 = arith.index_cast %add3A_1146 : i32 to index
        %get3A_1148 = arith.constant 144 : index
        %get3A_1149 = tpu.vector_load %arg7[%get3A_1147, %get3A_1148] {strides = array<i32>} : memref<128x256xf32, #tpu.memory_space<vmem>>, vector<1x16xf32>,
        %get3A_1150 = vector.shape_cast %get3A_1149 : vector<1x16xf32> to vector<16xf32>
        %add3A_1151 = arith.constant 2 : i32
        %add3A_1152 = arith.addi %mul3A_97, %add3A_1151 : i32
        %get3A_1153 = arith.index_cast %add3A_1152 : i32 to index
        %get3A_1154 = arith.constant 144 : index
        %get3A_1155 = tpu.vector_load %arg7[%get3A_1153, %get3A_1154] {strides = array<i32>} : memref<128x256xf32, #tpu.memory_space<vmem>>, vector<1x16xf32>,
        %get3A_1156 = vector.shape_cast %get3A_1155 : vector<1x16xf32> to vector<16xf32>
        %add3A_1157 = arith.constant 3 : i32
        %add3A_1158 = arith.addi %mul3A_97, %add3A_1157 : i32
        %get3A_1159 = arith.index_cast %add3A_1158 : i32 to index
        %get3A_1160 = arith.constant 144 : index
        %get3A_1161 = tpu.vector_load %arg7[%get3A_1159, %get3A_1160] {strides = array<i32>} : memref<128x256xf32, #tpu.memory_space<vmem>>, vector<1x16xf32>,
        %get3A_1162 = vector.shape_cast %get3A_1161 : vector<1x16xf32> to vector<16xf32>
        %add3A_1163 = arith.constant 4 : i32
        %add3A_1164 = arith.addi %mul3A_97, %add3A_1163 : i32
        %get3A_1165 = arith.index_cast %add3A_1164 : i32 to index
        %get3A_1166 = arith.constant 144 : index
        %get3A_1167 = tpu.vector_load %arg7[%get3A_1165, %get3A_1166] {strides = array<i32>} : memref<128x256xf32, #tpu.memory_space<vmem>>, vector<1x16xf32>,
        %get3A_1168 = vector.shape_cast %get3A_1167 : vector<1x16xf32> to vector<16xf32>
        %add3A_1169 = arith.constant 5 : i32
        %add3A_1170 = arith.addi %mul3A_97, %add3A_1169 : i32
        %get3A_1171 = arith.index_cast %add3A_1170 : i32 to index
        %get3A_1172 = arith.constant 144 : index
        %get3A_1173 = tpu.vector_load %arg7[%get3A_1171, %get3A_1172] {strides = array<i32>} : memref<128x256xf32, #tpu.memory_space<vmem>>, vector<1x16xf32>,
        %get3A_1174 = vector.shape_cast %get3A_1173 : vector<1x16xf32> to vector<16xf32>
        %add3A_1175 = arith.constant 6 : i32
        %add3A_1176 = arith.addi %mul3A_97, %add3A_1175 : i32
        %get3A_1177 = arith.index_cast %add3A_1176 : i32 to index
        %get3A_1178 = arith.constant 144 : index
        %get3A_1179 = tpu.vector_load %arg7[%get3A_1177, %get3A_1178] {strides = array<i32>} : memref<128x256xf32, #tpu.memory_space<vmem>>, vector<1x16xf32>,
        %get3A_1180 = vector.shape_cast %get3A_1179 : vector<1x16xf32> to vector<16xf32>
        %add3A_1181 = arith.constant 7 : i32
        %add3A_1182 = arith.addi %mul3A_97, %add3A_1181 : i32
        %get3A_1183 = arith.index_cast %add3A_1182 : i32 to index
        %get3A_1184 = arith.constant 144 : index
        %get3A_1185 = tpu.vector_load %arg7[%get3A_1183, %get3A_1184] {strides = array<i32>} : memref<128x256xf32, #tpu.memory_space<vmem>>, vector<1x16xf32>,
        %get3A_1186 = vector.shape_cast %get3A_1185 : vector<1x16xf32> to vector<16xf32>
        %add3A_1187 = arith.constant 8 : i32
        %add3A_1188 = arith.addi %mul3A_97, %add3A_1187 : i32
        %get3A_1189 = arith.index_cast %add3A_1188 : i32 to index
        %get3A_1190 = arith.constant 144 : index
        %get3A_1191 = tpu.vector_load %arg7[%get3A_1189, %get3A_1190] {strides = array<i32>} : memref<128x256xf32, #tpu.memory_space<vmem>>, vector<1x16xf32>,
        %get3A_1192 = vector.shape_cast %get3A_1191 : vector<1x16xf32> to vector<16xf32>
        %add3A_1193 = arith.constant 9 : i32
        %add3A_1194 = arith.addi %mul3A_97, %add3A_1193 : i32
        %get3A_1195 = arith.index_cast %add3A_1194 : i32 to index
        %get3A_1196 = arith.constant 144 : index
        %get3A_1197 = tpu.vector_load %arg7[%get3A_1195, %get3A_1196] {strides = array<i32>} : memref<128x256xf32, #tpu.memory_space<vmem>>, vector<1x16xf32>,
        %get3A_1198 = vector.shape_cast %get3A_1197 : vector<1x16xf32> to vector<16xf32>
        %add3A_1199 = arith.constant 10 : i32
        %add3A_1200 = arith.addi %mul3A_97, %add3A_1199 : i32
        %get3A_1201 = arith.index_cast %add3A_1200 : i32 to index
        %get3A_1202 = arith.constant 144 : index
        %get3A_1203 = tpu.vector_load %arg7[%get3A_1201, %get3A_1202] {strides = array<i32>} : memref<128x256xf32, #tpu.memory_space<vmem>>, vector<1x16xf32>,
        %get3A_1204 = vector.shape_cast %get3A_1203 : vector<1x16xf32> to vector<16xf32>
        %add3A_1205 = arith.constant 11 : i32
        %add3A_1206 = arith.addi %mul3A_97, %add3A_1205 : i32
        %get3A_1207 = arith.index_cast %add3A_1206 : i32 to index
        %get3A_1208 = arith.constant 144 : index
        %get3A_1209 = tpu.vector_load %arg7[%get3A_1207, %get3A_1208] {strides = array<i32>} : memref<128x256xf32, #tpu.memory_space<vmem>>, vector<1x16xf32>,
        %get3A_1210 = vector.shape_cast %get3A_1209 : vector<1x16xf32> to vector<16xf32>
        %add3A_1211 = arith.constant 12 : i32
        %add3A_1212 = arith.addi %mul3A_97, %add3A_1211 : i32
        %get3A_1213 = arith.index_cast %add3A_1212 : i32 to index
        %get3A_1214 = arith.constant 144 : index
        %get3A_1215 = tpu.vector_load %arg7[%get3A_1213, %get3A_1214] {strides = array<i32>} : memref<128x256xf32, #tpu.memory_space<vmem>>, vector<1x16xf32>,
        %get3A_1216 = vector.shape_cast %get3A_1215 : vector<1x16xf32> to vector<16xf32>
        %add3A_1217 = arith.constant 13 : i32
        %add3A_1218 = arith.addi %mul3A_97, %add3A_1217 : i32
        %get3A_1219 = arith.index_cast %add3A_1218 : i32 to index
        %get3A_1220 = arith.constant 144 : index
        %get3A_1221 = tpu.vector_load %arg7[%get3A_1219, %get3A_1220] {strides = array<i32>} : memref<128x256xf32, #tpu.memory_space<vmem>>, vector<1x16xf32>,
        %get3A_1222 = vector.shape_cast %get3A_1221 : vector<1x16xf32> to vector<16xf32>
        %add3A_1223 = arith.constant 14 : i32
        %add3A_1224 = arith.addi %mul3A_97, %add3A_1223 : i32
        %get3A_1225 = arith.index_cast %add3A_1224 : i32 to index
        %get3A_1226 = arith.constant 144 : index
        %get3A_1227 = tpu.vector_load %arg7[%get3A_1225, %get3A_1226] {strides = array<i32>} : memref<128x256xf32, #tpu.memory_space<vmem>>, vector<1x16xf32>,
        %get3A_1228 = vector.shape_cast %get3A_1227 : vector<1x16xf32> to vector<16xf32>
        %add3A_1229 = arith.constant 15 : i32
        %add3A_1230 = arith.addi %mul3A_97, %add3A_1229 : i32
        %get3A_1231 = arith.index_cast %add3A_1230 : i32 to index
        %get3A_1232 = arith.constant 144 : index
        %get3A_1233 = tpu.vector_load %arg7[%get3A_1231, %get3A_1232] {strides = array<i32>} : memref<128x256xf32, #tpu.memory_space<vmem>>, vector<1x16xf32>,
        %get3A_1234 = vector.shape_cast %get3A_1233 : vector<1x16xf32> to vector<16xf32>
        %max3A_1235 = arith.maximumf %get3A_1144, %get3A_1150 : vector<16xf32>
        %max3A_1236 = arith.maximumf %get3A_1156, %get3A_1162 : vector<16xf32>
        %max3A_1237 = arith.maximumf %get3A_1168, %get3A_1174 : vector<16xf32>
        %max3A_1238 = arith.maximumf %get3A_1180, %get3A_1186 : vector<16xf32>
        %max3A_1239 = arith.maximumf %get3A_1192, %get3A_1198 : vector<16xf32>
        %max3A_1240 = arith.maximumf %get3A_1204, %get3A_1210 : vector<16xf32>
        %max3A_1241 = arith.maximumf %get3A_1216, %get3A_1222 : vector<16xf32>
        %max3A_1242 = arith.maximumf %get3A_1228, %get3A_1234 : vector<16xf32>
        %max3A_1243 = arith.maximumf %max3A_1235, %max3A_1236 : vector<16xf32>
        %max3A_1244 = arith.maximumf %max3A_1237, %max3A_1238 : vector<16xf32>
        %max3A_1245 = arith.maximumf %max3A_1239, %max3A_1240 : vector<16xf32>
        %max3A_1246 = arith.maximumf %max3A_1241, %max3A_1242 : vector<16xf32>
        %max3A_1247 = arith.maximumf %max3A_1243, %max3A_1244 : vector<16xf32>
        %max3A_1248 = arith.maximumf %max3A_1245, %max3A_1246 : vector<16xf32>
        %max3A_1249 = arith.maximumf %max3A_1247, %max3A_1248 : vector<16xf32>
        %swap3A_1250 = arith.index_cast %scan3A_94 : i32 to index
        %swap3A_1251 = arith.constant 144 : index
        %swap3A_1252 = tpu.vector_load %arg8[%swap3A_1250, %swap3A_1251] {strides = array<i32>} : memref<8x256xf32, #tpu.memory_space<vmem>>, vector<1x16xf32>,
        %swap3A_1253 = vector.shape_cast %swap3A_1252 : vector<1x16xf32> to vector<16xf32>
        %swap3A_1254 = vector.shape_cast %max3A_1249 : vector<16xf32> to vector<1x16xf32>
        tpu.vector_store %arg8[%swap3A_1250, %swap3A_1251], %swap3A_1254 {strides = array<i32>} : memref<8x256xf32, #tpu.memory_space<vmem>>, vector<1x16xf32>,
        %add3A_1255 = arith.constant 0 : i32
        %add3A_1256 = arith.addi %mul3A_97, %add3A_1255 : i32
        %get3A_1257 = arith.index_cast %add3A_1256 : i32 to index
        %get3A_1258 = arith.constant 160 : index
        %get3A_1259 = tpu.vector_load %arg7[%get3A_1257, %get3A_1258] {strides = array<i32>} : memref<128x256xf32, #tpu.memory_space<vmem>>, vector<1x16xf32>,
        %get3A_1260 = vector.shape_cast %get3A_1259 : vector<1x16xf32> to vector<16xf32>
        %add3A_1261 = arith.constant 1 : i32
        %add3A_1262 = arith.addi %mul3A_97, %add3A_1261 : i32
        %get3A_1263 = arith.index_cast %add3A_1262 : i32 to index
        %get3A_1264 = arith.constant 160 : index
        %get3A_1265 = tpu.vector_load %arg7[%get3A_1263, %get3A_1264] {strides = array<i32>} : memref<128x256xf32, #tpu.memory_space<vmem>>, vector<1x16xf32>,
        %get3A_1266 = vector.shape_cast %get3A_1265 : vector<1x16xf32> to vector<16xf32>
        %add3A_1267 = arith.constant 2 : i32
        %add3A_1268 = arith.addi %mul3A_97, %add3A_1267 : i32
        %get3A_1269 = arith.index_cast %add3A_1268 : i32 to index
        %get3A_1270 = arith.constant 160 : index
        %get3A_1271 = tpu.vector_load %arg7[%get3A_1269, %get3A_1270] {strides = array<i32>} : memref<128x256xf32, #tpu.memory_space<vmem>>, vector<1x16xf32>,
        %get3A_1272 = vector.shape_cast %get3A_1271 : vector<1x16xf32> to vector<16xf32>
        %add3A_1273 = arith.constant 3 : i32
        %add3A_1274 = arith.addi %mul3A_97, %add3A_1273 : i32
        %get3A_1275 = arith.index_cast %add3A_1274 : i32 to index
        %get3A_1276 = arith.constant 160 : index
        %get3A_1277 = tpu.vector_load %arg7[%get3A_1275, %get3A_1276] {strides = array<i32>} : memref<128x256xf32, #tpu.memory_space<vmem>>, vector<1x16xf32>,
        %get3A_1278 = vector.shape_cast %get3A_1277 : vector<1x16xf32> to vector<16xf32>
        %add3A_1279 = arith.constant 4 : i32
        %add3A_1280 = arith.addi %mul3A_97, %add3A_1279 : i32
        %get3A_1281 = arith.index_cast %add3A_1280 : i32 to index
        %get3A_1282 = arith.constant 160 : index
        %get3A_1283 = tpu.vector_load %arg7[%get3A_1281, %get3A_1282] {strides = array<i32>} : memref<128x256xf32, #tpu.memory_space<vmem>>, vector<1x16xf32>,
        %get3A_1284 = vector.shape_cast %get3A_1283 : vector<1x16xf32> to vector<16xf32>
        %add3A_1285 = arith.constant 5 : i32
        %add3A_1286 = arith.addi %mul3A_97, %add3A_1285 : i32
        %get3A_1287 = arith.index_cast %add3A_1286 : i32 to index
        %get3A_1288 = arith.constant 160 : index
        %get3A_1289 = tpu.vector_load %arg7[%get3A_1287, %get3A_1288] {strides = array<i32>} : memref<128x256xf32, #tpu.memory_space<vmem>>, vector<1x16xf32>,
        %get3A_1290 = vector.shape_cast %get3A_1289 : vector<1x16xf32> to vector<16xf32>
        %add3A_1291 = arith.constant 6 : i32
        %add3A_1292 = arith.addi %mul3A_97, %add3A_1291 : i32
        %get3A_1293 = arith.index_cast %add3A_1292 : i32 to index
        %get3A_1294 = arith.constant 160 : index
        %get3A_1295 = tpu.vector_load %arg7[%get3A_1293, %get3A_1294] {strides = array<i32>} : memref<128x256xf32, #tpu.memory_space<vmem>>, vector<1x16xf32>,
        %get3A_1296 = vector.shape_cast %get3A_1295 : vector<1x16xf32> to vector<16xf32>
        %add3A_1297 = arith.constant 7 : i32
        %add3A_1298 = arith.addi %mul3A_97, %add3A_1297 : i32
        %get3A_1299 = arith.index_cast %add3A_1298 : i32 to index
        %get3A_1300 = arith.constant 160 : index
        %get3A_1301 = tpu.vector_load %arg7[%get3A_1299, %get3A_1300] {strides = array<i32>} : memref<128x256xf32, #tpu.memory_space<vmem>>, vector<1x16xf32>,
        %get3A_1302 = vector.shape_cast %get3A_1301 : vector<1x16xf32> to vector<16xf32>
        %add3A_1303 = arith.constant 8 : i32
        %add3A_1304 = arith.addi %mul3A_97, %add3A_1303 : i32
        %get3A_1305 = arith.index_cast %add3A_1304 : i32 to index
        %get3A_1306 = arith.constant 160 : index
        %get3A_1307 = tpu.vector_load %arg7[%get3A_1305, %get3A_1306] {strides = array<i32>} : memref<128x256xf32, #tpu.memory_space<vmem>>, vector<1x16xf32>,
        %get3A_1308 = vector.shape_cast %get3A_1307 : vector<1x16xf32> to vector<16xf32>
        %add3A_1309 = arith.constant 9 : i32
        %add3A_1310 = arith.addi %mul3A_97, %add3A_1309 : i32
        %get3A_1311 = arith.index_cast %add3A_1310 : i32 to index
        %get3A_1312 = arith.constant 160 : index
        %get3A_1313 = tpu.vector_load %arg7[%get3A_1311, %get3A_1312] {strides = array<i32>} : memref<128x256xf32, #tpu.memory_space<vmem>>, vector<1x16xf32>,
        %get3A_1314 = vector.shape_cast %get3A_1313 : vector<1x16xf32> to vector<16xf32>
        %add3A_1315 = arith.constant 10 : i32
        %add3A_1316 = arith.addi %mul3A_97, %add3A_1315 : i32
        %get3A_1317 = arith.index_cast %add3A_1316 : i32 to index
        %get3A_1318 = arith.constant 160 : index
        %get3A_1319 = tpu.vector_load %arg7[%get3A_1317, %get3A_1318] {strides = array<i32>} : memref<128x256xf32, #tpu.memory_space<vmem>>, vector<1x16xf32>,
        %get3A_1320 = vector.shape_cast %get3A_1319 : vector<1x16xf32> to vector<16xf32>
        %add3A_1321 = arith.constant 11 : i32
        %add3A_1322 = arith.addi %mul3A_97, %add3A_1321 : i32
        %get3A_1323 = arith.index_cast %add3A_1322 : i32 to index
        %get3A_1324 = arith.constant 160 : index
        %get3A_1325 = tpu.vector_load %arg7[%get3A_1323, %get3A_1324] {strides = array<i32>} : memref<128x256xf32, #tpu.memory_space<vmem>>, vector<1x16xf32>,
        %get3A_1326 = vector.shape_cast %get3A_1325 : vector<1x16xf32> to vector<16xf32>
        %add3A_1327 = arith.constant 12 : i32
        %add3A_1328 = arith.addi %mul3A_97, %add3A_1327 : i32
        %get3A_1329 = arith.index_cast %add3A_1328 : i32 to index
        %get3A_1330 = arith.constant 160 : index
        %get3A_1331 = tpu.vector_load %arg7[%get3A_1329, %get3A_1330] {strides = array<i32>} : memref<128x256xf32, #tpu.memory_space<vmem>>, vector<1x16xf32>,
        %get3A_1332 = vector.shape_cast %get3A_1331 : vector<1x16xf32> to vector<16xf32>
        %add3A_1333 = arith.constant 13 : i32
        %add3A_1334 = arith.addi %mul3A_97, %add3A_1333 : i32
        %get3A_1335 = arith.index_cast %add3A_1334 : i32 to index
        %get3A_1336 = arith.constant 160 : index
        %get3A_1337 = tpu.vector_load %arg7[%get3A_1335, %get3A_1336] {strides = array<i32>} : memref<128x256xf32, #tpu.memory_space<vmem>>, vector<1x16xf32>,
        %get3A_1338 = vector.shape_cast %get3A_1337 : vector<1x16xf32> to vector<16xf32>
        %add3A_1339 = arith.constant 14 : i32
        %add3A_1340 = arith.addi %mul3A_97, %add3A_1339 : i32
        %get3A_1341 = arith.index_cast %add3A_1340 : i32 to index
        %get3A_1342 = arith.constant 160 : index
        %get3A_1343 = tpu.vector_load %arg7[%get3A_1341, %get3A_1342] {strides = array<i32>} : memref<128x256xf32, #tpu.memory_space<vmem>>, vector<1x16xf32>,
        %get3A_1344 = vector.shape_cast %get3A_1343 : vector<1x16xf32> to vector<16xf32>
        %add3A_1345 = arith.constant 15 : i32
        %add3A_1346 = arith.addi %mul3A_97, %add3A_1345 : i32
        %get3A_1347 = arith.index_cast %add3A_1346 : i32 to index
        %get3A_1348 = arith.constant 160 : index
        %get3A_1349 = tpu.vector_load %arg7[%get3A_1347, %get3A_1348] {strides = array<i32>} : memref<128x256xf32, #tpu.memory_space<vmem>>, vector<1x16xf32>,
        %get3A_1350 = vector.shape_cast %get3A_1349 : vector<1x16xf32> to vector<16xf32>
        %max3A_1351 = arith.maximumf %get3A_1260, %get3A_1266 : vector<16xf32>
        %max3A_1352 = arith.maximumf %get3A_1272, %get3A_1278 : vector<16xf32>
        %max3A_1353 = arith.maximumf %get3A_1284, %get3A_1290 : vector<16xf32>
        %max3A_1354 = arith.maximumf %get3A_1296, %get3A_1302 : vector<16xf32>
        %max3A_1355 = arith.maximumf %get3A_1308, %get3A_1314 : vector<16xf32>
        %max3A_1356 = arith.maximumf %get3A_1320, %get3A_1326 : vector<16xf32>
        %max3A_1357 = arith.maximumf %get3A_1332, %get3A_1338 : vector<16xf32>
        %max3A_1358 = arith.maximumf %get3A_1344, %get3A_1350 : vector<16xf32>
        %max3A_1359 = arith.maximumf %max3A_1351, %max3A_1352 : vector<16xf32>
        %max3A_1360 = arith.maximumf %max3A_1353, %max3A_1354 : vector<16xf32>
        %max3A_1361 = arith.maximumf %max3A_1355, %max3A_1356 : vector<16xf32>
        %max3A_1362 = arith.maximumf %max3A_1357, %max3A_1358 : vector<16xf32>
        %max3A_1363 = arith.maximumf %max3A_1359, %max3A_1360 : vector<16xf32>
        %max3A_1364 = arith.maximumf %max3A_1361, %max3A_1362 : vector<16xf32>
        %max3A_1365 = arith.maximumf %max3A_1363, %max3A_1364 : vector<16xf32>
        %swap3A_1366 = arith.index_cast %scan3A_94 : i32 to index
        %swap3A_1367 = arith.constant 160 : index
        %swap3A_1368 = tpu.vector_load %arg8[%swap3A_1366, %swap3A_1367] {strides = array<i32>} : memref<8x256xf32, #tpu.memory_space<vmem>>, vector<1x16xf32>,
        %swap3A_1369 = vector.shape_cast %swap3A_1368 : vector<1x16xf32> to vector<16xf32>
        %swap3A_1370 = vector.shape_cast %max3A_1365 : vector<16xf32> to vector<1x16xf32>
        tpu.vector_store %arg8[%swap3A_1366, %swap3A_1367], %swap3A_1370 {strides = array<i32>} : memref<8x256xf32, #tpu.memory_space<vmem>>, vector<1x16xf32>,
        %add3A_1371 = arith.constant 0 : i32
        %add3A_1372 = arith.addi %mul3A_97, %add3A_1371 : i32
        %get3A_1373 = arith.index_cast %add3A_1372 : i32 to index
        %get3A_1374 = arith.constant 176 : index
        %get3A_1375 = tpu.vector_load %arg7[%get3A_1373, %get3A_1374] {strides = array<i32>} : memref<128x256xf32, #tpu.memory_space<vmem>>, vector<1x16xf32>,
        %get3A_1376 = vector.shape_cast %get3A_1375 : vector<1x16xf32> to vector<16xf32>
        %add3A_1377 = arith.constant 1 : i32
        %add3A_1378 = arith.addi %mul3A_97, %add3A_1377 : i32
        %get3A_1379 = arith.index_cast %add3A_1378 : i32 to index
        %get3A_1380 = arith.constant 176 : index
        %get3A_1381 = tpu.vector_load %arg7[%get3A_1379, %get3A_1380] {strides = array<i32>} : memref<128x256xf32, #tpu.memory_space<vmem>>, vector<1x16xf32>,
        %get3A_1382 = vector.shape_cast %get3A_1381 : vector<1x16xf32> to vector<16xf32>
        %add3A_1383 = arith.constant 2 : i32
        %add3A_1384 = arith.addi %mul3A_97, %add3A_1383 : i32
        %get3A_1385 = arith.index_cast %add3A_1384 : i32 to index
        %get3A_1386 = arith.constant 176 : index
        %get3A_1387 = tpu.vector_load %arg7[%get3A_1385, %get3A_1386] {strides = array<i32>} : memref<128x256xf32, #tpu.memory_space<vmem>>, vector<1x16xf32>,
        %get3A_1388 = vector.shape_cast %get3A_1387 : vector<1x16xf32> to vector<16xf32>
        %add3A_1389 = arith.constant 3 : i32
        %add3A_1390 = arith.addi %mul3A_97, %add3A_1389 : i32
        %get3A_1391 = arith.index_cast %add3A_1390 : i32 to index
        %get3A_1392 = arith.constant 176 : index
        %get3A_1393 = tpu.vector_load %arg7[%get3A_1391, %get3A_1392] {strides = array<i32>} : memref<128x256xf32, #tpu.memory_space<vmem>>, vector<1x16xf32>,
        %get3A_1394 = vector.shape_cast %get3A_1393 : vector<1x16xf32> to vector<16xf32>
        %add3A_1395 = arith.constant 4 : i32
        %add3A_1396 = arith.addi %mul3A_97, %add3A_1395 : i32
        %get3A_1397 = arith.index_cast %add3A_1396 : i32 to index
        %get3A_1398 = arith.constant 176 : index
        %get3A_1399 = tpu.vector_load %arg7[%get3A_1397, %get3A_1398] {strides = array<i32>} : memref<128x256xf32, #tpu.memory_space<vmem>>, vector<1x16xf32>,
        %get3A_1400 = vector.shape_cast %get3A_1399 : vector<1x16xf32> to vector<16xf32>
        %add3A_1401 = arith.constant 5 : i32
        %add3A_1402 = arith.addi %mul3A_97, %add3A_1401 : i32
        %get3A_1403 = arith.index_cast %add3A_1402 : i32 to index
        %get3A_1404 = arith.constant 176 : index
        %get3A_1405 = tpu.vector_load %arg7[%get3A_1403, %get3A_1404] {strides = array<i32>} : memref<128x256xf32, #tpu.memory_space<vmem>>, vector<1x16xf32>,
        %get3A_1406 = vector.shape_cast %get3A_1405 : vector<1x16xf32> to vector<16xf32>
        %add3A_1407 = arith.constant 6 : i32
        %add3A_1408 = arith.addi %mul3A_97, %add3A_1407 : i32
        %get3A_1409 = arith.index_cast %add3A_1408 : i32 to index
        %get3A_1410 = arith.constant 176 : index
        %get3A_1411 = tpu.vector_load %arg7[%get3A_1409, %get3A_1410] {strides = array<i32>} : memref<128x256xf32, #tpu.memory_space<vmem>>, vector<1x16xf32>,
        %get3A_1412 = vector.shape_cast %get3A_1411 : vector<1x16xf32> to vector<16xf32>
        %add3A_1413 = arith.constant 7 : i32
        %add3A_1414 = arith.addi %mul3A_97, %add3A_1413 : i32
        %get3A_1415 = arith.index_cast %add3A_1414 : i32 to index
        %get3A_1416 = arith.constant 176 : index
        %get3A_1417 = tpu.vector_load %arg7[%get3A_1415, %get3A_1416] {strides = array<i32>} : memref<128x256xf32, #tpu.memory_space<vmem>>, vector<1x16xf32>,
        %get3A_1418 = vector.shape_cast %get3A_1417 : vector<1x16xf32> to vector<16xf32>
        %add3A_1419 = arith.constant 8 : i32
        %add3A_1420 = arith.addi %mul3A_97, %add3A_1419 : i32
        %get3A_1421 = arith.index_cast %add3A_1420 : i32 to index
        %get3A_1422 = arith.constant 176 : index
        %get3A_1423 = tpu.vector_load %arg7[%get3A_1421, %get3A_1422] {strides = array<i32>} : memref<128x256xf32, #tpu.memory_space<vmem>>, vector<1x16xf32>,
        %get3A_1424 = vector.shape_cast %get3A_1423 : vector<1x16xf32> to vector<16xf32>
        %add3A_1425 = arith.constant 9 : i32
        %add3A_1426 = arith.addi %mul3A_97, %add3A_1425 : i32
        %get3A_1427 = arith.index_cast %add3A_1426 : i32 to index
        %get3A_1428 = arith.constant 176 : index
        %get3A_1429 = tpu.vector_load %arg7[%get3A_1427, %get3A_1428] {strides = array<i32>} : memref<128x256xf32, #tpu.memory_space<vmem>>, vector<1x16xf32>,
        %get3A_1430 = vector.shape_cast %get3A_1429 : vector<1x16xf32> to vector<16xf32>
        %add3A_1431 = arith.constant 10 : i32
        %add3A_1432 = arith.addi %mul3A_97, %add3A_1431 : i32
        %get3A_1433 = arith.index_cast %add3A_1432 : i32 to index
        %get3A_1434 = arith.constant 176 : index
        %get3A_1435 = tpu.vector_load %arg7[%get3A_1433, %get3A_1434] {strides = array<i32>} : memref<128x256xf32, #tpu.memory_space<vmem>>, vector<1x16xf32>,
        %get3A_1436 = vector.shape_cast %get3A_1435 : vector<1x16xf32> to vector<16xf32>
        %add3A_1437 = arith.constant 11 : i32
        %add3A_1438 = arith.addi %mul3A_97, %add3A_1437 : i32
        %get3A_1439 = arith.index_cast %add3A_1438 : i32 to index
        %get3A_1440 = arith.constant 176 : index
        %get3A_1441 = tpu.vector_load %arg7[%get3A_1439, %get3A_1440] {strides = array<i32>} : memref<128x256xf32, #tpu.memory_space<vmem>>, vector<1x16xf32>,
        %get3A_1442 = vector.shape_cast %get3A_1441 : vector<1x16xf32> to vector<16xf32>
        %add3A_1443 = arith.constant 12 : i32
        %add3A_1444 = arith.addi %mul3A_97, %add3A_1443 : i32
        %get3A_1445 = arith.index_cast %add3A_1444 : i32 to index
        %get3A_1446 = arith.constant 176 : index
        %get3A_1447 = tpu.vector_load %arg7[%get3A_1445, %get3A_1446] {strides = array<i32>} : memref<128x256xf32, #tpu.memory_space<vmem>>, vector<1x16xf32>,
        %get3A_1448 = vector.shape_cast %get3A_1447 : vector<1x16xf32> to vector<16xf32>
        %add3A_1449 = arith.constant 13 : i32
        %add3A_1450 = arith.addi %mul3A_97, %add3A_1449 : i32
        %get3A_1451 = arith.index_cast %add3A_1450 : i32 to index
        %get3A_1452 = arith.constant 176 : index
        %get3A_1453 = tpu.vector_load %arg7[%get3A_1451, %get3A_1452] {strides = array<i32>} : memref<128x256xf32, #tpu.memory_space<vmem>>, vector<1x16xf32>,
        %get3A_1454 = vector.shape_cast %get3A_1453 : vector<1x16xf32> to vector<16xf32>
        %add3A_1455 = arith.constant 14 : i32
        %add3A_1456 = arith.addi %mul3A_97, %add3A_1455 : i32
        %get3A_1457 = arith.index_cast %add3A_1456 : i32 to index
        %get3A_1458 = arith.constant 176 : index
        %get3A_1459 = tpu.vector_load %arg7[%get3A_1457, %get3A_1458] {strides = array<i32>} : memref<128x256xf32, #tpu.memory_space<vmem>>, vector<1x16xf32>,
        %get3A_1460 = vector.shape_cast %get3A_1459 : vector<1x16xf32> to vector<16xf32>
        %add3A_1461 = arith.constant 15 : i32
        %add3A_1462 = arith.addi %mul3A_97, %add3A_1461 : i32
        %get3A_1463 = arith.index_cast %add3A_1462 : i32 to index
        %get3A_1464 = arith.constant 176 : index
        %get3A_1465 = tpu.vector_load %arg7[%get3A_1463, %get3A_1464] {strides = array<i32>} : memref<128x256xf32, #tpu.memory_space<vmem>>, vector<1x16xf32>,
        %get3A_1466 = vector.shape_cast %get3A_1465 : vector<1x16xf32> to vector<16xf32>
        %max3A_1467 = arith.maximumf %get3A_1376, %get3A_1382 : vector<16xf32>
        %max3A_1468 = arith.maximumf %get3A_1388, %get3A_1394 : vector<16xf32>
        %max3A_1469 = arith.maximumf %get3A_1400, %get3A_1406 : vector<16xf32>
        %max3A_1470 = arith.maximumf %get3A_1412, %get3A_1418 : vector<16xf32>
        %max3A_1471 = arith.maximumf %get3A_1424, %get3A_1430 : vector<16xf32>
        %max3A_1472 = arith.maximumf %get3A_1436, %get3A_1442 : vector<16xf32>
        %max3A_1473 = arith.maximumf %get3A_1448, %get3A_1454 : vector<16xf32>
        %max3A_1474 = arith.maximumf %get3A_1460, %get3A_1466 : vector<16xf32>
        %max3A_1475 = arith.maximumf %max3A_1467, %max3A_1468 : vector<16xf32>
        %max3A_1476 = arith.maximumf %max3A_1469, %max3A_1470 : vector<16xf32>
        %max3A_1477 = arith.maximumf %max3A_1471, %max3A_1472 : vector<16xf32>
        %max3A_1478 = arith.maximumf %max3A_1473, %max3A_1474 : vector<16xf32>
        %max3A_1479 = arith.maximumf %max3A_1475, %max3A_1476 : vector<16xf32>
        %max3A_1480 = arith.maximumf %max3A_1477, %max3A_1478 : vector<16xf32>
        %max3A_1481 = arith.maximumf %max3A_1479, %max3A_1480 : vector<16xf32>
        %swap3A_1482 = arith.index_cast %scan3A_94 : i32 to index
        %swap3A_1483 = arith.constant 176 : index
        %swap3A_1484 = tpu.vector_load %arg8[%swap3A_1482, %swap3A_1483] {strides = array<i32>} : memref<8x256xf32, #tpu.memory_space<vmem>>, vector<1x16xf32>,
        %swap3A_1485 = vector.shape_cast %swap3A_1484 : vector<1x16xf32> to vector<16xf32>
        %swap3A_1486 = vector.shape_cast %max3A_1481 : vector<16xf32> to vector<1x16xf32>
        tpu.vector_store %arg8[%swap3A_1482, %swap3A_1483], %swap3A_1486 {strides = array<i32>} : memref<8x256xf32, #tpu.memory_space<vmem>>, vector<1x16xf32>,
        %add3A_1487 = arith.constant 0 : i32
        %add3A_1488 = arith.addi %mul3A_97, %add3A_1487 : i32
        %get3A_1489 = arith.index_cast %add3A_1488 : i32 to index
        %get3A_1490 = arith.constant 192 : index
        %get3A_1491 = tpu.vector_load %arg7[%get3A_1489, %get3A_1490] {strides = array<i32>} : memref<128x256xf32, #tpu.memory_space<vmem>>, vector<1x16xf32>,
        %get3A_1492 = vector.shape_cast %get3A_1491 : vector<1x16xf32> to vector<16xf32>
        %add3A_1493 = arith.constant 1 : i32
        %add3A_1494 = arith.addi %mul3A_97, %add3A_1493 : i32
        %get3A_1495 = arith.index_cast %add3A_1494 : i32 to index
        %get3A_1496 = arith.constant 192 : index
        %get3A_1497 = tpu.vector_load %arg7[%get3A_1495, %get3A_1496] {strides = array<i32>} : memref<128x256xf32, #tpu.memory_space<vmem>>, vector<1x16xf32>,
        %get3A_1498 = vector.shape_cast %get3A_1497 : vector<1x16xf32> to vector<16xf32>
        %add3A_1499 = arith.constant 2 : i32
        %add3A_1500 = arith.addi %mul3A_97, %add3A_1499 : i32
        %get3A_1501 = arith.index_cast %add3A_1500 : i32 to index
        %get3A_1502 = arith.constant 192 : index
        %get3A_1503 = tpu.vector_load %arg7[%get3A_1501, %get3A_1502] {strides = array<i32>} : memref<128x256xf32, #tpu.memory_space<vmem>>, vector<1x16xf32>,
        %get3A_1504 = vector.shape_cast %get3A_1503 : vector<1x16xf32> to vector<16xf32>
        %add3A_1505 = arith.constant 3 : i32
        %add3A_1506 = arith.addi %mul3A_97, %add3A_1505 : i32
        %get3A_1507 = arith.index_cast %add3A_1506 : i32 to index
        %get3A_1508 = arith.constant 192 : index
        %get3A_1509 = tpu.vector_load %arg7[%get3A_1507, %get3A_1508] {strides = array<i32>} : memref<128x256xf32, #tpu.memory_space<vmem>>, vector<1x16xf32>,
        %get3A_1510 = vector.shape_cast %get3A_1509 : vector<1x16xf32> to vector<16xf32>
        %add3A_1511 = arith.constant 4 : i32
        %add3A_1512 = arith.addi %mul3A_97, %add3A_1511 : i32
        %get3A_1513 = arith.index_cast %add3A_1512 : i32 to index
        %get3A_1514 = arith.constant 192 : index
        %get3A_1515 = tpu.vector_load %arg7[%get3A_1513, %get3A_1514] {strides = array<i32>} : memref<128x256xf32, #tpu.memory_space<vmem>>, vector<1x16xf32>,
        %get3A_1516 = vector.shape_cast %get3A_1515 : vector<1x16xf32> to vector<16xf32>
        %add3A_1517 = arith.constant 5 : i32
        %add3A_1518 = arith.addi %mul3A_97, %add3A_1517 : i32
        %get3A_1519 = arith.index_cast %add3A_1518 : i32 to index
        %get3A_1520 = arith.constant 192 : index
        %get3A_1521 = tpu.vector_load %arg7[%get3A_1519, %get3A_1520] {strides = array<i32>} : memref<128x256xf32, #tpu.memory_space<vmem>>, vector<1x16xf32>,
        %get3A_1522 = vector.shape_cast %get3A_1521 : vector<1x16xf32> to vector<16xf32>
        %add3A_1523 = arith.constant 6 : i32
        %add3A_1524 = arith.addi %mul3A_97, %add3A_1523 : i32
        %get3A_1525 = arith.index_cast %add3A_1524 : i32 to index
        %get3A_1526 = arith.constant 192 : index
        %get3A_1527 = tpu.vector_load %arg7[%get3A_1525, %get3A_1526] {strides = array<i32>} : memref<128x256xf32, #tpu.memory_space<vmem>>, vector<1x16xf32>,
        %get3A_1528 = vector.shape_cast %get3A_1527 : vector<1x16xf32> to vector<16xf32>
        %add3A_1529 = arith.constant 7 : i32
        %add3A_1530 = arith.addi %mul3A_97, %add3A_1529 : i32
        %get3A_1531 = arith.index_cast %add3A_1530 : i32 to index
        %get3A_1532 = arith.constant 192 : index
        %get3A_1533 = tpu.vector_load %arg7[%get3A_1531, %get3A_1532] {strides = array<i32>} : memref<128x256xf32, #tpu.memory_space<vmem>>, vector<1x16xf32>,
        %get3A_1534 = vector.shape_cast %get3A_1533 : vector<1x16xf32> to vector<16xf32>
        %add3A_1535 = arith.constant 8 : i32
        %add3A_1536 = arith.addi %mul3A_97, %add3A_1535 : i32
        %get3A_1537 = arith.index_cast %add3A_1536 : i32 to index
        %get3A_1538 = arith.constant 192 : index
        %get3A_1539 = tpu.vector_load %arg7[%get3A_1537, %get3A_1538] {strides = array<i32>} : memref<128x256xf32, #tpu.memory_space<vmem>>, vector<1x16xf32>,
        %get3A_1540 = vector.shape_cast %get3A_1539 : vector<1x16xf32> to vector<16xf32>
        %add3A_1541 = arith.constant 9 : i32
        %add3A_1542 = arith.addi %mul3A_97, %add3A_1541 : i32
        %get3A_1543 = arith.index_cast %add3A_1542 : i32 to index
        %get3A_1544 = arith.constant 192 : index
        %get3A_1545 = tpu.vector_load %arg7[%get3A_1543, %get3A_1544] {strides = array<i32>} : memref<128x256xf32, #tpu.memory_space<vmem>>, vector<1x16xf32>,
        %get3A_1546 = vector.shape_cast %get3A_1545 : vector<1x16xf32> to vector<16xf32>
        %add3A_1547 = arith.constant 10 : i32
        %add3A_1548 = arith.addi %mul3A_97, %add3A_1547 : i32
        %get3A_1549 = arith.index_cast %add3A_1548 : i32 to index
        %get3A_1550 = arith.constant 192 : index
        %get3A_1551 = tpu.vector_load %arg7[%get3A_1549, %get3A_1550] {strides = array<i32>} : memref<128x256xf32, #tpu.memory_space<vmem>>, vector<1x16xf32>,
        %get3A_1552 = vector.shape_cast %get3A_1551 : vector<1x16xf32> to vector<16xf32>
        %add3A_1553 = arith.constant 11 : i32
        %add3A_1554 = arith.addi %mul3A_97, %add3A_1553 : i32
        %get3A_1555 = arith.index_cast %add3A_1554 : i32 to index
        %get3A_1556 = arith.constant 192 : index
        %get3A_1557 = tpu.vector_load %arg7[%get3A_1555, %get3A_1556] {strides = array<i32>} : memref<128x256xf32, #tpu.memory_space<vmem>>, vector<1x16xf32>,
        %get3A_1558 = vector.shape_cast %get3A_1557 : vector<1x16xf32> to vector<16xf32>
        %add3A_1559 = arith.constant 12 : i32
        %add3A_1560 = arith.addi %mul3A_97, %add3A_1559 : i32
        %get3A_1561 = arith.index_cast %add3A_1560 : i32 to index
        %get3A_1562 = arith.constant 192 : index
        %get3A_1563 = tpu.vector_load %arg7[%get3A_1561, %get3A_1562] {strides = array<i32>} : memref<128x256xf32, #tpu.memory_space<vmem>>, vector<1x16xf32>,
        %get3A_1564 = vector.shape_cast %get3A_1563 : vector<1x16xf32> to vector<16xf32>
        %add3A_1565 = arith.constant 13 : i32
        %add3A_1566 = arith.addi %mul3A_97, %add3A_1565 : i32
        %get3A_1567 = arith.index_cast %add3A_1566 : i32 to index
        %get3A_1568 = arith.constant 192 : index
        %get3A_1569 = tpu.vector_load %arg7[%get3A_1567, %get3A_1568] {strides = array<i32>} : memref<128x256xf32, #tpu.memory_space<vmem>>, vector<1x16xf32>,
        %get3A_1570 = vector.shape_cast %get3A_1569 : vector<1x16xf32> to vector<16xf32>
        %add3A_1571 = arith.constant 14 : i32
        %add3A_1572 = arith.addi %mul3A_97, %add3A_1571 : i32
        %get3A_1573 = arith.index_cast %add3A_1572 : i32 to index
        %get3A_1574 = arith.constant 192 : index
        %get3A_1575 = tpu.vector_load %arg7[%get3A_1573, %get3A_1574] {strides = array<i32>} : memref<128x256xf32, #tpu.memory_space<vmem>>, vector<1x16xf32>,
        %get3A_1576 = vector.shape_cast %get3A_1575 : vector<1x16xf32> to vector<16xf32>
        %add3A_1577 = arith.constant 15 : i32
        %add3A_1578 = arith.addi %mul3A_97, %add3A_1577 : i32
        %get3A_1579 = arith.index_cast %add3A_1578 : i32 to index
        %get3A_1580 = arith.constant 192 : index
        %get3A_1581 = tpu.vector_load %arg7[%get3A_1579, %get3A_1580] {strides = array<i32>} : memref<128x256xf32, #tpu.memory_space<vmem>>, vector<1x16xf32>,
        %get3A_1582 = vector.shape_cast %get3A_1581 : vector<1x16xf32> to vector<16xf32>
        %max3A_1583 = arith.maximumf %get3A_1492, %get3A_1498 : vector<16xf32>
        %max3A_1584 = arith.maximumf %get3A_1504, %get3A_1510 : vector<16xf32>
        %max3A_1585 = arith.maximumf %get3A_1516, %get3A_1522 : vector<16xf32>
        %max3A_1586 = arith.maximumf %get3A_1528, %get3A_1534 : vector<16xf32>
        %max3A_1587 = arith.maximumf %get3A_1540, %get3A_1546 : vector<16xf32>
        %max3A_1588 = arith.maximumf %get3A_1552, %get3A_1558 : vector<16xf32>
        %max3A_1589 = arith.maximumf %get3A_1564, %get3A_1570 : vector<16xf32>
        %max3A_1590 = arith.maximumf %get3A_1576, %get3A_1582 : vector<16xf32>
        %max3A_1591 = arith.maximumf %max3A_1583, %max3A_1584 : vector<16xf32>
        %max3A_1592 = arith.maximumf %max3A_1585, %max3A_1586 : vector<16xf32>
        %max3A_1593 = arith.maximumf %max3A_1587, %max3A_1588 : vector<16xf32>
        %max3A_1594 = arith.maximumf %max3A_1589, %max3A_1590 : vector<16xf32>
        %max3A_1595 = arith.maximumf %max3A_1591, %max3A_1592 : vector<16xf32>
        %max3A_1596 = arith.maximumf %max3A_1593, %max3A_1594 : vector<16xf32>
        %max3A_1597 = arith.maximumf %max3A_1595, %max3A_1596 : vector<16xf32>
        %swap3A_1598 = arith.index_cast %scan3A_94 : i32 to index
        %swap3A_1599 = arith.constant 192 : index
        %swap3A_1600 = tpu.vector_load %arg8[%swap3A_1598, %swap3A_1599] {strides = array<i32>} : memref<8x256xf32, #tpu.memory_space<vmem>>, vector<1x16xf32>,
        %swap3A_1601 = vector.shape_cast %swap3A_1600 : vector<1x16xf32> to vector<16xf32>
        %swap3A_1602 = vector.shape_cast %max3A_1597 : vector<16xf32> to vector<1x16xf32>
        tpu.vector_store %arg8[%swap3A_1598, %swap3A_1599], %swap3A_1602 {strides = array<i32>} : memref<8x256xf32, #tpu.memory_space<vmem>>, vector<1x16xf32>,
        %add3A_1603 = arith.constant 0 : i32
        %add3A_1604 = arith.addi %mul3A_97, %add3A_1603 : i32
        %get3A_1605 = arith.index_cast %add3A_1604 : i32 to index
        %get3A_1606 = arith.constant 208 : index
        %get3A_1607 = tpu.vector_load %arg7[%get3A_1605, %get3A_1606] {strides = array<i32>} : memref<128x256xf32, #tpu.memory_space<vmem>>, vector<1x16xf32>,
        %get3A_1608 = vector.shape_cast %get3A_1607 : vector<1x16xf32> to vector<16xf32>
        %add3A_1609 = arith.constant 1 : i32
        %add3A_1610 = arith.addi %mul3A_97, %add3A_1609 : i32
        %get3A_1611 = arith.index_cast %add3A_1610 : i32 to index
        %get3A_1612 = arith.constant 208 : index
        %get3A_1613 = tpu.vector_load %arg7[%get3A_1611, %get3A_1612] {strides = array<i32>} : memref<128x256xf32, #tpu.memory_space<vmem>>, vector<1x16xf32>,
        %get3A_1614 = vector.shape_cast %get3A_1613 : vector<1x16xf32> to vector<16xf32>
        %add3A_1615 = arith.constant 2 : i32
        %add3A_1616 = arith.addi %mul3A_97, %add3A_1615 : i32
        %get3A_1617 = arith.index_cast %add3A_1616 : i32 to index
        %get3A_1618 = arith.constant 208 : index
        %get3A_1619 = tpu.vector_load %arg7[%get3A_1617, %get3A_1618] {strides = array<i32>} : memref<128x256xf32, #tpu.memory_space<vmem>>, vector<1x16xf32>,
        %get3A_1620 = vector.shape_cast %get3A_1619 : vector<1x16xf32> to vector<16xf32>
        %add3A_1621 = arith.constant 3 : i32
        %add3A_1622 = arith.addi %mul3A_97, %add3A_1621 : i32
        %get3A_1623 = arith.index_cast %add3A_1622 : i32 to index
        %get3A_1624 = arith.constant 208 : index
        %get3A_1625 = tpu.vector_load %arg7[%get3A_1623, %get3A_1624] {strides = array<i32>} : memref<128x256xf32, #tpu.memory_space<vmem>>, vector<1x16xf32>,
        %get3A_1626 = vector.shape_cast %get3A_1625 : vector<1x16xf32> to vector<16xf32>
        %add3A_1627 = arith.constant 4 : i32
        %add3A_1628 = arith.addi %mul3A_97, %add3A_1627 : i32
        %get3A_1629 = arith.index_cast %add3A_1628 : i32 to index
        %get3A_1630 = arith.constant 208 : index
        %get3A_1631 = tpu.vector_load %arg7[%get3A_1629, %get3A_1630] {strides = array<i32>} : memref<128x256xf32, #tpu.memory_space<vmem>>, vector<1x16xf32>,
        %get3A_1632 = vector.shape_cast %get3A_1631 : vector<1x16xf32> to vector<16xf32>
        %add3A_1633 = arith.constant 5 : i32
        %add3A_1634 = arith.addi %mul3A_97, %add3A_1633 : i32
        %get3A_1635 = arith.index_cast %add3A_1634 : i32 to index
        %get3A_1636 = arith.constant 208 : index
        %get3A_1637 = tpu.vector_load %arg7[%get3A_1635, %get3A_1636] {strides = array<i32>} : memref<128x256xf32, #tpu.memory_space<vmem>>, vector<1x16xf32>,
        %get3A_1638 = vector.shape_cast %get3A_1637 : vector<1x16xf32> to vector<16xf32>
        %add3A_1639 = arith.constant 6 : i32
        %add3A_1640 = arith.addi %mul3A_97, %add3A_1639 : i32
        %get3A_1641 = arith.index_cast %add3A_1640 : i32 to index
        %get3A_1642 = arith.constant 208 : index
        %get3A_1643 = tpu.vector_load %arg7[%get3A_1641, %get3A_1642] {strides = array<i32>} : memref<128x256xf32, #tpu.memory_space<vmem>>, vector<1x16xf32>,
        %get3A_1644 = vector.shape_cast %get3A_1643 : vector<1x16xf32> to vector<16xf32>
        %add3A_1645 = arith.constant 7 : i32
        %add3A_1646 = arith.addi %mul3A_97, %add3A_1645 : i32
        %get3A_1647 = arith.index_cast %add3A_1646 : i32 to index
        %get3A_1648 = arith.constant 208 : index
        %get3A_1649 = tpu.vector_load %arg7[%get3A_1647, %get3A_1648] {strides = array<i32>} : memref<128x256xf32, #tpu.memory_space<vmem>>, vector<1x16xf32>,
        %get3A_1650 = vector.shape_cast %get3A_1649 : vector<1x16xf32> to vector<16xf32>
        %add3A_1651 = arith.constant 8 : i32
        %add3A_1652 = arith.addi %mul3A_97, %add3A_1651 : i32
        %get3A_1653 = arith.index_cast %add3A_1652 : i32 to index
        %get3A_1654 = arith.constant 208 : index
        %get3A_1655 = tpu.vector_load %arg7[%get3A_1653, %get3A_1654] {strides = array<i32>} : memref<128x256xf32, #tpu.memory_space<vmem>>, vector<1x16xf32>,
        %get3A_1656 = vector.shape_cast %get3A_1655 : vector<1x16xf32> to vector<16xf32>
        %add3A_1657 = arith.constant 9 : i32
        %add3A_1658 = arith.addi %mul3A_97, %add3A_1657 : i32
        %get3A_1659 = arith.index_cast %add3A_1658 : i32 to index
        %get3A_1660 = arith.constant 208 : index
        %get3A_1661 = tpu.vector_load %arg7[%get3A_1659, %get3A_1660] {strides = array<i32>} : memref<128x256xf32, #tpu.memory_space<vmem>>, vector<1x16xf32>,
        %get3A_1662 = vector.shape_cast %get3A_1661 : vector<1x16xf32> to vector<16xf32>
        %add3A_1663 = arith.constant 10 : i32
        %add3A_1664 = arith.addi %mul3A_97, %add3A_1663 : i32
        %get3A_1665 = arith.index_cast %add3A_1664 : i32 to index
        %get3A_1666 = arith.constant 208 : index
        %get3A_1667 = tpu.vector_load %arg7[%get3A_1665, %get3A_1666] {strides = array<i32>} : memref<128x256xf32, #tpu.memory_space<vmem>>, vector<1x16xf32>,
        %get3A_1668 = vector.shape_cast %get3A_1667 : vector<1x16xf32> to vector<16xf32>
        %add3A_1669 = arith.constant 11 : i32
        %add3A_1670 = arith.addi %mul3A_97, %add3A_1669 : i32
        %get3A_1671 = arith.index_cast %add3A_1670 : i32 to index
        %get3A_1672 = arith.constant 208 : index
        %get3A_1673 = tpu.vector_load %arg7[%get3A_1671, %get3A_1672] {strides = array<i32>} : memref<128x256xf32, #tpu.memory_space<vmem>>, vector<1x16xf32>,
        %get3A_1674 = vector.shape_cast %get3A_1673 : vector<1x16xf32> to vector<16xf32>
        %add3A_1675 = arith.constant 12 : i32
        %add3A_1676 = arith.addi %mul3A_97, %add3A_1675 : i32
        %get3A_1677 = arith.index_cast %add3A_1676 : i32 to index
        %get3A_1678 = arith.constant 208 : index
        %get3A_1679 = tpu.vector_load %arg7[%get3A_1677, %get3A_1678] {strides = array<i32>} : memref<128x256xf32, #tpu.memory_space<vmem>>, vector<1x16xf32>,
        %get3A_1680 = vector.shape_cast %get3A_1679 : vector<1x16xf32> to vector<16xf32>
        %add3A_1681 = arith.constant 13 : i32
        %add3A_1682 = arith.addi %mul3A_97, %add3A_1681 : i32
        %get3A_1683 = arith.index_cast %add3A_1682 : i32 to index
        %get3A_1684 = arith.constant 208 : index
        %get3A_1685 = tpu.vector_load %arg7[%get3A_1683, %get3A_1684] {strides = array<i32>} : memref<128x256xf32, #tpu.memory_space<vmem>>, vector<1x16xf32>,
        %get3A_1686 = vector.shape_cast %get3A_1685 : vector<1x16xf32> to vector<16xf32>
        %add3A_1687 = arith.constant 14 : i32
        %add3A_1688 = arith.addi %mul3A_97, %add3A_1687 : i32
        %get3A_1689 = arith.index_cast %add3A_1688 : i32 to index
        %get3A_1690 = arith.constant 208 : index
        %get3A_1691 = tpu.vector_load %arg7[%get3A_1689, %get3A_1690] {strides = array<i32>} : memref<128x256xf32, #tpu.memory_space<vmem>>, vector<1x16xf32>,
        %get3A_1692 = vector.shape_cast %get3A_1691 : vector<1x16xf32> to vector<16xf32>
        %add3A_1693 = arith.constant 15 : i32
        %add3A_1694 = arith.addi %mul3A_97, %add3A_1693 : i32
        %get3A_1695 = arith.index_cast %add3A_1694 : i32 to index
        %get3A_1696 = arith.constant 208 : index
        %get3A_1697 = tpu.vector_load %arg7[%get3A_1695, %get3A_1696] {strides = array<i32>} : memref<128x256xf32, #tpu.memory_space<vmem>>, vector<1x16xf32>,
        %get3A_1698 = vector.shape_cast %get3A_1697 : vector<1x16xf32> to vector<16xf32>
        %max3A_1699 = arith.maximumf %get3A_1608, %get3A_1614 : vector<16xf32>
        %max3A_1700 = arith.maximumf %get3A_1620, %get3A_1626 : vector<16xf32>
        %max3A_1701 = arith.maximumf %get3A_1632, %get3A_1638 : vector<16xf32>
        %max3A_1702 = arith.maximumf %get3A_1644, %get3A_1650 : vector<16xf32>
        %max3A_1703 = arith.maximumf %get3A_1656, %get3A_1662 : vector<16xf32>
        %max3A_1704 = arith.maximumf %get3A_1668, %get3A_1674 : vector<16xf32>
        %max3A_1705 = arith.maximumf %get3A_1680, %get3A_1686 : vector<16xf32>
        %max3A_1706 = arith.maximumf %get3A_1692, %get3A_1698 : vector<16xf32>
        %max3A_1707 = arith.maximumf %max3A_1699, %max3A_1700 : vector<16xf32>
        %max3A_1708 = arith.maximumf %max3A_1701, %max3A_1702 : vector<16xf32>
        %max3A_1709 = arith.maximumf %max3A_1703, %max3A_1704 : vector<16xf32>
        %max3A_1710 = arith.maximumf %max3A_1705, %max3A_1706 : vector<16xf32>
        %max3A_1711 = arith.maximumf %max3A_1707, %max3A_1708 : vector<16xf32>
        %max3A_1712 = arith.maximumf %max3A_1709, %max3A_1710 : vector<16xf32>
        %max3A_1713 = arith.maximumf %max3A_1711, %max3A_1712 : vector<16xf32>
        %swap3A_1714 = arith.index_cast %scan3A_94 : i32 to index
        %swap3A_1715 = arith.constant 208 : index
        %swap3A_1716 = tpu.vector_load %arg8[%swap3A_1714, %swap3A_1715] {strides = array<i32>} : memref<8x256xf32, #tpu.memory_space<vmem>>, vector<1x16xf32>,
        %swap3A_1717 = vector.shape_cast %swap3A_1716 : vector<1x16xf32> to vector<16xf32>
        %swap3A_1718 = vector.shape_cast %max3A_1713 : vector<16xf32> to vector<1x16xf32>
        tpu.vector_store %arg8[%swap3A_1714, %swap3A_1715], %swap3A_1718 {strides = array<i32>} : memref<8x256xf32, #tpu.memory_space<vmem>>, vector<1x16xf32>,
        %add3A_1719 = arith.constant 0 : i32
        %add3A_1720 = arith.addi %mul3A_97, %add3A_1719 : i32
        %get3A_1721 = arith.index_cast %add3A_1720 : i32 to index
        %get3A_1722 = arith.constant 224 : index
        %get3A_1723 = tpu.vector_load %arg7[%get3A_1721, %get3A_1722] {strides = array<i32>} : memref<128x256xf32, #tpu.memory_space<vmem>>, vector<1x16xf32>,
        %get3A_1724 = vector.shape_cast %get3A_1723 : vector<1x16xf32> to vector<16xf32>
        %add3A_1725 = arith.constant 1 : i32
        %add3A_1726 = arith.addi %mul3A_97, %add3A_1725 : i32
        %get3A_1727 = arith.index_cast %add3A_1726 : i32 to index
        %get3A_1728 = arith.constant 224 : index
        %get3A_1729 = tpu.vector_load %arg7[%get3A_1727, %get3A_1728] {strides = array<i32>} : memref<128x256xf32, #tpu.memory_space<vmem>>, vector<1x16xf32>,
        %get3A_1730 = vector.shape_cast %get3A_1729 : vector<1x16xf32> to vector<16xf32>
        %add3A_1731 = arith.constant 2 : i32
        %add3A_1732 = arith.addi %mul3A_97, %add3A_1731 : i32
        %get3A_1733 = arith.index_cast %add3A_1732 : i32 to index
        %get3A_1734 = arith.constant 224 : index
        %get3A_1735 = tpu.vector_load %arg7[%get3A_1733, %get3A_1734] {strides = array<i32>} : memref<128x256xf32, #tpu.memory_space<vmem>>, vector<1x16xf32>,
        %get3A_1736 = vector.shape_cast %get3A_1735 : vector<1x16xf32> to vector<16xf32>
        %add3A_1737 = arith.constant 3 : i32
        %add3A_1738 = arith.addi %mul3A_97, %add3A_1737 : i32
        %get3A_1739 = arith.index_cast %add3A_1738 : i32 to index
        %get3A_1740 = arith.constant 224 : index
        %get3A_1741 = tpu.vector_load %arg7[%get3A_1739, %get3A_1740] {strides = array<i32>} : memref<128x256xf32, #tpu.memory_space<vmem>>, vector<1x16xf32>,
        %get3A_1742 = vector.shape_cast %get3A_1741 : vector<1x16xf32> to vector<16xf32>
        %add3A_1743 = arith.constant 4 : i32
        %add3A_1744 = arith.addi %mul3A_97, %add3A_1743 : i32
        %get3A_1745 = arith.index_cast %add3A_1744 : i32 to index
        %get3A_1746 = arith.constant 224 : index
        %get3A_1747 = tpu.vector_load %arg7[%get3A_1745, %get3A_1746] {strides = array<i32>} : memref<128x256xf32, #tpu.memory_space<vmem>>, vector<1x16xf32>,
        %get3A_1748 = vector.shape_cast %get3A_1747 : vector<1x16xf32> to vector<16xf32>
        %add3A_1749 = arith.constant 5 : i32
        %add3A_1750 = arith.addi %mul3A_97, %add3A_1749 : i32
        %get3A_1751 = arith.index_cast %add3A_1750 : i32 to index
        %get3A_1752 = arith.constant 224 : index
        %get3A_1753 = tpu.vector_load %arg7[%get3A_1751, %get3A_1752] {strides = array<i32>} : memref<128x256xf32, #tpu.memory_space<vmem>>, vector<1x16xf32>,
        %get3A_1754 = vector.shape_cast %get3A_1753 : vector<1x16xf32> to vector<16xf32>
        %add3A_1755 = arith.constant 6 : i32
        %add3A_1756 = arith.addi %mul3A_97, %add3A_1755 : i32
        %get3A_1757 = arith.index_cast %add3A_1756 : i32 to index
        %get3A_1758 = arith.constant 224 : index
        %get3A_1759 = tpu.vector_load %arg7[%get3A_1757, %get3A_1758] {strides = array<i32>} : memref<128x256xf32, #tpu.memory_space<vmem>>, vector<1x16xf32>,
        %get3A_1760 = vector.shape_cast %get3A_1759 : vector<1x16xf32> to vector<16xf32>
        %add3A_1761 = arith.constant 7 : i32
        %add3A_1762 = arith.addi %mul3A_97, %add3A_1761 : i32
        %get3A_1763 = arith.index_cast %add3A_1762 : i32 to index
        %get3A_1764 = arith.constant 224 : index
        %get3A_1765 = tpu.vector_load %arg7[%get3A_1763, %get3A_1764] {strides = array<i32>} : memref<128x256xf32, #tpu.memory_space<vmem>>, vector<1x16xf32>,
        %get3A_1766 = vector.shape_cast %get3A_1765 : vector<1x16xf32> to vector<16xf32>
        %add3A_1767 = arith.constant 8 : i32
        %add3A_1768 = arith.addi %mul3A_97, %add3A_1767 : i32
        %get3A_1769 = arith.index_cast %add3A_1768 : i32 to index
        %get3A_1770 = arith.constant 224 : index
        %get3A_1771 = tpu.vector_load %arg7[%get3A_1769, %get3A_1770] {strides = array<i32>} : memref<128x256xf32, #tpu.memory_space<vmem>>, vector<1x16xf32>,
        %get3A_1772 = vector.shape_cast %get3A_1771 : vector<1x16xf32> to vector<16xf32>
        %add3A_1773 = arith.constant 9 : i32
        %add3A_1774 = arith.addi %mul3A_97, %add3A_1773 : i32
        %get3A_1775 = arith.index_cast %add3A_1774 : i32 to index
        %get3A_1776 = arith.constant 224 : index
        %get3A_1777 = tpu.vector_load %arg7[%get3A_1775, %get3A_1776] {strides = array<i32>} : memref<128x256xf32, #tpu.memory_space<vmem>>, vector<1x16xf32>,
        %get3A_1778 = vector.shape_cast %get3A_1777 : vector<1x16xf32> to vector<16xf32>
        %add3A_1779 = arith.constant 10 : i32
        %add3A_1780 = arith.addi %mul3A_97, %add3A_1779 : i32
        %get3A_1781 = arith.index_cast %add3A_1780 : i32 to index
        %get3A_1782 = arith.constant 224 : index
        %get3A_1783 = tpu.vector_load %arg7[%get3A_1781, %get3A_1782] {strides = array<i32>} : memref<128x256xf32, #tpu.memory_space<vmem>>, vector<1x16xf32>,
        %get3A_1784 = vector.shape_cast %get3A_1783 : vector<1x16xf32> to vector<16xf32>
        %add3A_1785 = arith.constant 11 : i32
        %add3A_1786 = arith.addi %mul3A_97, %add3A_1785 : i32
        %get3A_1787 = arith.index_cast %add3A_1786 : i32 to index
        %get3A_1788 = arith.constant 224 : index
        %get3A_1789 = tpu.vector_load %arg7[%get3A_1787, %get3A_1788] {strides = array<i32>} : memref<128x256xf32, #tpu.memory_space<vmem>>, vector<1x16xf32>,
        %get3A_1790 = vector.shape_cast %get3A_1789 : vector<1x16xf32> to vector<16xf32>
        %add3A_1791 = arith.constant 12 : i32
        %add3A_1792 = arith.addi %mul3A_97, %add3A_1791 : i32
        %get3A_1793 = arith.index_cast %add3A_1792 : i32 to index
        %get3A_1794 = arith.constant 224 : index
        %get3A_1795 = tpu.vector_load %arg7[%get3A_1793, %get3A_1794] {strides = array<i32>} : memref<128x256xf32, #tpu.memory_space<vmem>>, vector<1x16xf32>,
        %get3A_1796 = vector.shape_cast %get3A_1795 : vector<1x16xf32> to vector<16xf32>
        %add3A_1797 = arith.constant 13 : i32
        %add3A_1798 = arith.addi %mul3A_97, %add3A_1797 : i32
        %get3A_1799 = arith.index_cast %add3A_1798 : i32 to index
        %get3A_1800 = arith.constant 224 : index
        %get3A_1801 = tpu.vector_load %arg7[%get3A_1799, %get3A_1800] {strides = array<i32>} : memref<128x256xf32, #tpu.memory_space<vmem>>, vector<1x16xf32>,
        %get3A_1802 = vector.shape_cast %get3A_1801 : vector<1x16xf32> to vector<16xf32>
        %add3A_1803 = arith.constant 14 : i32
        %add3A_1804 = arith.addi %mul3A_97, %add3A_1803 : i32
        %get3A_1805 = arith.index_cast %add3A_1804 : i32 to index
        %get3A_1806 = arith.constant 224 : index
        %get3A_1807 = tpu.vector_load %arg7[%get3A_1805, %get3A_1806] {strides = array<i32>} : memref<128x256xf32, #tpu.memory_space<vmem>>, vector<1x16xf32>,
        %get3A_1808 = vector.shape_cast %get3A_1807 : vector<1x16xf32> to vector<16xf32>
        %add3A_1809 = arith.constant 15 : i32
        %add3A_1810 = arith.addi %mul3A_97, %add3A_1809 : i32
        %get3A_1811 = arith.index_cast %add3A_1810 : i32 to index
        %get3A_1812 = arith.constant 224 : index
        %get3A_1813 = tpu.vector_load %arg7[%get3A_1811, %get3A_1812] {strides = array<i32>} : memref<128x256xf32, #tpu.memory_space<vmem>>, vector<1x16xf32>,
        %get3A_1814 = vector.shape_cast %get3A_1813 : vector<1x16xf32> to vector<16xf32>
        %max3A_1815 = arith.maximumf %get3A_1724, %get3A_1730 : vector<16xf32>
        %max3A_1816 = arith.maximumf %get3A_1736, %get3A_1742 : vector<16xf32>
        %max3A_1817 = arith.maximumf %get3A_1748, %get3A_1754 : vector<16xf32>
        %max3A_1818 = arith.maximumf %get3A_1760, %get3A_1766 : vector<16xf32>
        %max3A_1819 = arith.maximumf %get3A_1772, %get3A_1778 : vector<16xf32>
        %max3A_1820 = arith.maximumf %get3A_1784, %get3A_1790 : vector<16xf32>
        %max3A_1821 = arith.maximumf %get3A_1796, %get3A_1802 : vector<16xf32>
        %max3A_1822 = arith.maximumf %get3A_1808, %get3A_1814 : vector<16xf32>
        %max3A_1823 = arith.maximumf %max3A_1815, %max3A_1816 : vector<16xf32>
        %max3A_1824 = arith.maximumf %max3A_1817, %max3A_1818 : vector<16xf32>
        %max3A_1825 = arith.maximumf %max3A_1819, %max3A_1820 : vector<16xf32>
        %max3A_1826 = arith.maximumf %max3A_1821, %max3A_1822 : vector<16xf32>
        %max3A_1827 = arith.maximumf %max3A_1823, %max3A_1824 : vector<16xf32>
        %max3A_1828 = arith.maximumf %max3A_1825, %max3A_1826 : vector<16xf32>
        %max3A_1829 = arith.maximumf %max3A_1827, %max3A_1828 : vector<16xf32>
        %swap3A_1830 = arith.index_cast %scan3A_94 : i32 to index
        %swap3A_1831 = arith.constant 224 : index
        %swap3A_1832 = tpu.vector_load %arg8[%swap3A_1830, %swap3A_1831] {strides = array<i32>} : memref<8x256xf32, #tpu.memory_space<vmem>>, vector<1x16xf32>,
        %swap3A_1833 = vector.shape_cast %swap3A_1832 : vector<1x16xf32> to vector<16xf32>
        %swap3A_1834 = vector.shape_cast %max3A_1829 : vector<16xf32> to vector<1x16xf32>
        tpu.vector_store %arg8[%swap3A_1830, %swap3A_1831], %swap3A_1834 {strides = array<i32>} : memref<8x256xf32, #tpu.memory_space<vmem>>, vector<1x16xf32>,
        %add3A_1835 = arith.constant 0 : i32
        %add3A_1836 = arith.addi %mul3A_97, %add3A_1835 : i32
        %get3A_1837 = arith.index_cast %add3A_1836 : i32 to index
        %get3A_1838 = arith.constant 240 : index
        %get3A_1839 = tpu.vector_load %arg7[%get3A_1837, %get3A_1838] {strides = array<i32>} : memref<128x256xf32, #tpu.memory_space<vmem>>, vector<1x16xf32>,
        %get3A_1840 = vector.shape_cast %get3A_1839 : vector<1x16xf32> to vector<16xf32>
        %add3A_1841 = arith.constant 1 : i32
        %add3A_1842 = arith.addi %mul3A_97, %add3A_1841 : i32
        %get3A_1843 = arith.index_cast %add3A_1842 : i32 to index
        %get3A_1844 = arith.constant 240 : index
        %get3A_1845 = tpu.vector_load %arg7[%get3A_1843, %get3A_1844] {strides = array<i32>} : memref<128x256xf32, #tpu.memory_space<vmem>>, vector<1x16xf32>,
        %get3A_1846 = vector.shape_cast %get3A_1845 : vector<1x16xf32> to vector<16xf32>
        %add3A_1847 = arith.constant 2 : i32
        %add3A_1848 = arith.addi %mul3A_97, %add3A_1847 : i32
        %get3A_1849 = arith.index_cast %add3A_1848 : i32 to index
        %get3A_1850 = arith.constant 240 : index
        %get3A_1851 = tpu.vector_load %arg7[%get3A_1849, %get3A_1850] {strides = array<i32>} : memref<128x256xf32, #tpu.memory_space<vmem>>, vector<1x16xf32>,
        %get3A_1852 = vector.shape_cast %get3A_1851 : vector<1x16xf32> to vector<16xf32>
        %add3A_1853 = arith.constant 3 : i32
        %add3A_1854 = arith.addi %mul3A_97, %add3A_1853 : i32
        %get3A_1855 = arith.index_cast %add3A_1854 : i32 to index
        %get3A_1856 = arith.constant 240 : index
        %get3A_1857 = tpu.vector_load %arg7[%get3A_1855, %get3A_1856] {strides = array<i32>} : memref<128x256xf32, #tpu.memory_space<vmem>>, vector<1x16xf32>,
        %get3A_1858 = vector.shape_cast %get3A_1857 : vector<1x16xf32> to vector<16xf32>
        %add3A_1859 = arith.constant 4 : i32
        %add3A_1860 = arith.addi %mul3A_97, %add3A_1859 : i32
        %get3A_1861 = arith.index_cast %add3A_1860 : i32 to index
        %get3A_1862 = arith.constant 240 : index
        %get3A_1863 = tpu.vector_load %arg7[%get3A_1861, %get3A_1862] {strides = array<i32>} : memref<128x256xf32, #tpu.memory_space<vmem>>, vector<1x16xf32>,
        %get3A_1864 = vector.shape_cast %get3A_1863 : vector<1x16xf32> to vector<16xf32>
        %add3A_1865 = arith.constant 5 : i32
        %add3A_1866 = arith.addi %mul3A_97, %add3A_1865 : i32
        %get3A_1867 = arith.index_cast %add3A_1866 : i32 to index
        %get3A_1868 = arith.constant 240 : index
        %get3A_1869 = tpu.vector_load %arg7[%get3A_1867, %get3A_1868] {strides = array<i32>} : memref<128x256xf32, #tpu.memory_space<vmem>>, vector<1x16xf32>,
        %get3A_1870 = vector.shape_cast %get3A_1869 : vector<1x16xf32> to vector<16xf32>
        %add3A_1871 = arith.constant 6 : i32
        %add3A_1872 = arith.addi %mul3A_97, %add3A_1871 : i32
        %get3A_1873 = arith.index_cast %add3A_1872 : i32 to index
        %get3A_1874 = arith.constant 240 : index
        %get3A_1875 = tpu.vector_load %arg7[%get3A_1873, %get3A_1874] {strides = array<i32>} : memref<128x256xf32, #tpu.memory_space<vmem>>, vector<1x16xf32>,
        %get3A_1876 = vector.shape_cast %get3A_1875 : vector<1x16xf32> to vector<16xf32>
        %add3A_1877 = arith.constant 7 : i32
        %add3A_1878 = arith.addi %mul3A_97, %add3A_1877 : i32
        %get3A_1879 = arith.index_cast %add3A_1878 : i32 to index
        %get3A_1880 = arith.constant 240 : index
        %get3A_1881 = tpu.vector_load %arg7[%get3A_1879, %get3A_1880] {strides = array<i32>} : memref<128x256xf32, #tpu.memory_space<vmem>>, vector<1x16xf32>,
        %get3A_1882 = vector.shape_cast %get3A_1881 : vector<1x16xf32> to vector<16xf32>
        %add3A_1883 = arith.constant 8 : i32
        %add3A_1884 = arith.addi %mul3A_97, %add3A_1883 : i32
        %get3A_1885 = arith.index_cast %add3A_1884 : i32 to index
        %get3A_1886 = arith.constant 240 : index
        %get3A_1887 = tpu.vector_load %arg7[%get3A_1885, %get3A_1886] {strides = array<i32>} : memref<128x256xf32, #tpu.memory_space<vmem>>, vector<1x16xf32>,
        %get3A_1888 = vector.shape_cast %get3A_1887 : vector<1x16xf32> to vector<16xf32>
        %add3A_1889 = arith.constant 9 : i32
        %add3A_1890 = arith.addi %mul3A_97, %add3A_1889 : i32
        %get3A_1891 = arith.index_cast %add3A_1890 : i32 to index
        %get3A_1892 = arith.constant 240 : index
        %get3A_1893 = tpu.vector_load %arg7[%get3A_1891, %get3A_1892] {strides = array<i32>} : memref<128x256xf32, #tpu.memory_space<vmem>>, vector<1x16xf32>,
        %get3A_1894 = vector.shape_cast %get3A_1893 : vector<1x16xf32> to vector<16xf32>
        %add3A_1895 = arith.constant 10 : i32
        %add3A_1896 = arith.addi %mul3A_97, %add3A_1895 : i32
        %get3A_1897 = arith.index_cast %add3A_1896 : i32 to index
        %get3A_1898 = arith.constant 240 : index
        %get3A_1899 = tpu.vector_load %arg7[%get3A_1897, %get3A_1898] {strides = array<i32>} : memref<128x256xf32, #tpu.memory_space<vmem>>, vector<1x16xf32>,
        %get3A_1900 = vector.shape_cast %get3A_1899 : vector<1x16xf32> to vector<16xf32>
        %add3A_1901 = arith.constant 11 : i32
        %add3A_1902 = arith.addi %mul3A_97, %add3A_1901 : i32
        %get3A_1903 = arith.index_cast %add3A_1902 : i32 to index
        %get3A_1904 = arith.constant 240 : index
        %get3A_1905 = tpu.vector_load %arg7[%get3A_1903, %get3A_1904] {strides = array<i32>} : memref<128x256xf32, #tpu.memory_space<vmem>>, vector<1x16xf32>,
        %get3A_1906 = vector.shape_cast %get3A_1905 : vector<1x16xf32> to vector<16xf32>
        %add3A_1907 = arith.constant 12 : i32
        %add3A_1908 = arith.addi %mul3A_97, %add3A_1907 : i32
        %get3A_1909 = arith.index_cast %add3A_1908 : i32 to index
        %get3A_1910 = arith.constant 240 : index
        %get3A_1911 = tpu.vector_load %arg7[%get3A_1909, %get3A_1910] {strides = array<i32>} : memref<128x256xf32, #tpu.memory_space<vmem>>, vector<1x16xf32>,
        %get3A_1912 = vector.shape_cast %get3A_1911 : vector<1x16xf32> to vector<16xf32>
        %add3A_1913 = arith.constant 13 : i32
        %add3A_1914 = arith.addi %mul3A_97, %add3A_1913 : i32
        %get3A_1915 = arith.index_cast %add3A_1914 : i32 to index
        %get3A_1916 = arith.constant 240 : index
        %get3A_1917 = tpu.vector_load %arg7[%get3A_1915, %get3A_1916] {strides = array<i32>} : memref<128x256xf32, #tpu.memory_space<vmem>>, vector<1x16xf32>,
        %get3A_1918 = vector.shape_cast %get3A_1917 : vector<1x16xf32> to vector<16xf32>
        %add3A_1919 = arith.constant 14 : i32
        %add3A_1920 = arith.addi %mul3A_97, %add3A_1919 : i32
        %get3A_1921 = arith.index_cast %add3A_1920 : i32 to index
        %get3A_1922 = arith.constant 240 : index
        %get3A_1923 = tpu.vector_load %arg7[%get3A_1921, %get3A_1922] {strides = array<i32>} : memref<128x256xf32, #tpu.memory_space<vmem>>, vector<1x16xf32>,
        %get3A_1924 = vector.shape_cast %get3A_1923 : vector<1x16xf32> to vector<16xf32>
        %add3A_1925 = arith.constant 15 : i32
        %add3A_1926 = arith.addi %mul3A_97, %add3A_1925 : i32
        %get3A_1927 = arith.index_cast %add3A_1926 : i32 to index
        %get3A_1928 = arith.constant 240 : index
        %get3A_1929 = tpu.vector_load %arg7[%get3A_1927, %get3A_1928] {strides = array<i32>} : memref<128x256xf32, #tpu.memory_space<vmem>>, vector<1x16xf32>,
        %get3A_1930 = vector.shape_cast %get3A_1929 : vector<1x16xf32> to vector<16xf32>
        %max3A_1931 = arith.maximumf %get3A_1840, %get3A_1846 : vector<16xf32>
        %max3A_1932 = arith.maximumf %get3A_1852, %get3A_1858 : vector<16xf32>
        %max3A_1933 = arith.maximumf %get3A_1864, %get3A_1870 : vector<16xf32>
        %max3A_1934 = arith.maximumf %get3A_1876, %get3A_1882 : vector<16xf32>
        %max3A_1935 = arith.maximumf %get3A_1888, %get3A_1894 : vector<16xf32>
        %max3A_1936 = arith.maximumf %get3A_1900, %get3A_1906 : vector<16xf32>
        %max3A_1937 = arith.maximumf %get3A_1912, %get3A_1918 : vector<16xf32>
        %max3A_1938 = arith.maximumf %get3A_1924, %get3A_1930 : vector<16xf32>
        %max3A_1939 = arith.maximumf %max3A_1931, %max3A_1932 : vector<16xf32>
        %max3A_1940 = arith.maximumf %max3A_1933, %max3A_1934 : vector<16xf32>
        %max3A_1941 = arith.maximumf %max3A_1935, %max3A_1936 : vector<16xf32>
        %max3A_1942 = arith.maximumf %max3A_1937, %max3A_1938 : vector<16xf32>
        %max3A_1943 = arith.maximumf %max3A_1939, %max3A_1940 : vector<16xf32>
        %max3A_1944 = arith.maximumf %max3A_1941, %max3A_1942 : vector<16xf32>
        %max3A_1945 = arith.maximumf %max3A_1943, %max3A_1944 : vector<16xf32>
        %swap3A_1946 = arith.index_cast %scan3A_94 : i32 to index
        %swap3A_1947 = arith.constant 240 : index
        %swap3A_1948 = tpu.vector_load %arg8[%swap3A_1946, %swap3A_1947] {strides = array<i32>} : memref<8x256xf32, #tpu.memory_space<vmem>>, vector<1x16xf32>,
        %swap3A_1949 = vector.shape_cast %swap3A_1948 : vector<1x16xf32> to vector<16xf32>
        %swap3A_1950 = vector.shape_cast %max3A_1945 : vector<16xf32> to vector<1x16xf32>
        tpu.vector_store %arg8[%swap3A_1946, %swap3A_1947], %swap3A_1950 {strides = array<i32>} : memref<8x256xf32, #tpu.memory_space<vmem>>, vector<1x16xf32>,
        %scan3A_1951 = arith.constant 0 : i32
        scf.yield %scan3A_1951 : i32
      }
      %scan3A_77 = arith.constant 8 : i32
      %lt3A_78 = arith.constant 39 : i32
      %lt3A_79 = arith.cmpi slt, %add3A_64, %lt3A_78 : i32
      %lt3A_80 = arith.constant 2 : i32
      %lt3A_81 = arith.cmpi slt, %add3A, %lt3A_80 : i32
      %or3A_82 = arith.ori %lt3A_79, %lt3A_81 : i1
      %convert_element_type3A_83 = arith.extui %or3A_82 : i1 to i32
      %cond3A_84 = arith.constant 0 : i32
      %cond3A_85 = arith.cmpi ne, %convert_element_type3A_83, %cond3A_84 : i32
      scf.if %cond3A_85 {
        %lt3A_94 = arith.constant 39 : i32
        %lt3A_95 = arith.cmpi slt, %add3A_64, %lt3A_94 : i32
        %mul3A_96 = arith.constant 39 : i32
        %mul3A_97 = arith.muli %add3A, %mul3A_96 : i32
        %add3A_98 = arith.addi %mul3A_97, %add3A_64 : i32
        %select_n3A_99 = arith.select %lt3A_95, %add3A_98, %add3A_13 : i32
        %mul3A_100 = arith.constant 8 : i32
        %mul3A_101 = arith.muli %select_n3A_99, %mul3A_100 : i32
        "tpu.region"() ({
          %run_scoped3A = tpu.sem_alloc : memref<!tpu.dma_semaphore, #tpu.memory_space<semaphore_mem>>
          %dma_start3A_102 = arith.constant 0 : i32
          %dma_start3A_103 = tpu.memref_slice %arg4[%mul3A_101, %dma_start3A_102] : memref<10000x256xf32, #tpu.memory_space<hbm>> -> memref<8x256xf32, #tpu.memory_space<hbm>>
          %dma_start3A_104 = arith.constant 0 : i32
          %dma_start3A_105 = tpu.memref_slice %arg4[%mul3A_101, %dma_start3A_104] : memref<10000x256xf32, #tpu.memory_space<hbm>> -> memref<8x256xf32, #tpu.memory_space<hbm>>
          tpu.enqueue_dma source(%arg8 : memref<8x256xf32, #tpu.memory_space<vmem>>) target(%dma_start3A_105 : memref<8x256xf32, #tpu.memory_space<hbm>>) target_semaphore(%run_scoped3A : memref<!tpu.dma_semaphore, #tpu.memory_space<semaphore_mem>>)
          %dma_wait3A_106 = arith.constant 0 : i32
          %dma_wait3A_107 = tpu.memref_slice %arg4[%mul3A_101, %dma_wait3A_106] : memref<10000x256xf32, #tpu.memory_space<hbm>> -> memref<8x256xf32, #tpu.memory_space<hbm>>
          %dma_wait3A_108 = arith.constant 0 : i32
          %dma_wait3A_109 = tpu.memref_slice %arg4[%mul3A_101, %dma_wait3A_108] : memref<10000x256xf32, #tpu.memory_space<hbm>> -> memref<8x256xf32, #tpu.memory_space<hbm>>
          tpu.wait_dma2 semaphore(%run_scoped3A : memref<!tpu.dma_semaphore, #tpu.memory_space<semaphore_mem>>) src(%arg8 : memref<8x256xf32, #tpu.memory_space<vmem>>) dst(%dma_wait3A_109 : memref<8x256xf32, #tpu.memory_space<hbm>>)
          tpu.yield
        }) : () -> ()
      } else {
      }
      %add3A_86 = arith.constant 2 : i32
      %add3A_87 = arith.addi %add3A_64, %add3A_86 : i32
      %lt3A_88 = arith.constant 40 : i32
      %lt3A_89 = arith.cmpi slt, %add3A_87, %lt3A_88 : i32
      %convert_element_type3A_90 = arith.extui %lt3A_89 : i1 to i32
      %cond3A_91 = arith.constant 0 : i32
      %cond3A_92 = arith.cmpi ne, %convert_element_type3A_90, %cond3A_91 : i32
      scf.if %cond3A_92 {
        %add3A_94 = arith.constant 2 : i32
        %add3A_95 = arith.addi %add3A_64, %add3A_94 : i32
        %mul3A_96 = arith.constant 128 : i32
        %mul3A_97 = arith.muli %add3A_95, %mul3A_96 : i32
        %dma_start3A_98 = tpu.memref_slice %arg5[%mul3A_97] : memref<5120xi32, #tpu.memory_space<vmem>> -> memref<128xi32, #tpu.memory_space<vmem>>
        %dma_start3A_99 = arith.constant 0 : i32
        %dma_start3A_100 = arith.constant 0 : i32
        %dma_start3A_101 = tpu.memref_slice %arg3[%dma_start3A_99, %dma_start3A_100] : memref<10000x256xf32, #tpu.memory_space<hbm>> -> memref<10000x256xf32, #tpu.memory_space<hbm>>
        tpu.enqueue_indirect_dma source(%dma_start3A_101 : memref<10000x256xf32, #tpu.memory_space<hbm>>) target(%arg7 : memref<128x256xf32, #tpu.memory_space<vmem>>) offsets(%dma_start3A_98 : memref<128xi32, #tpu.memory_space<vmem>>) semaphore(%arg10 : memref<!tpu.dma_semaphore, #tpu.memory_space<semaphore_mem>>)
      } else {
      }
      %scan3A_93 = arith.constant 0 : i32
      scf.yield %scan3A_93 : i32
    }
    %scan3A_30 = arith.constant 20 : i32
    return
  }
}

</mosaic_0001>

<sc_bundles>
// kernel: kernel.3.cloned.1.call-start
scs
__scs_entry_jumppad:
0x0: {  	(pc) =	sbr.rel $0x88, $3  }
0x1: {  	(tag) =	ssettag $0x0;
	lr =	simm.s32 $0x1  }
0x2: {  	[smem:$0x3F9F] =	sst lr;
	_ =	strace $0xD0000000  }
0x3: {  	_ = 	snop  }
0x4: {  	_ = 	snop  }
0x5: {  	_ = 	snop  }
0x6: {  	_ = 	snop  }
0x7: {  	_ = 	snop  }
__scs_overlays_trampoline_lowered:
0x8: {  	[smem:$0x3FAE] =	sst s0  }
0x9: {  	[smem:$0x3FAF] =	sst s1  }
0xa: {  	[smem:$0x3FB0] =	sst s2  }
0xb: {  	[smem:$0x3FB1] =	sst s3  }
0xc: {  	[smem:$0x3FB2] =	sst s4  }
0xd: {  	[smem:$0x3FB3] =	sst s5  }
0xe: {  	[smem:$0x3FB4] =	sst s6  }
0xf: {  	[smem:$0x3FB5] =	sst s7  }
0x10: {  	[smem:$0x3FB6] =	sst s8  }
0x11: {  	[smem:$0x3FB7] =	sst s9;
	s0 =	simm.s32 @!p0 $0x0  }
0x12: {  	s1 =	sld [smem:$0x3F9D];
	s0 =	simm.s32 @p0 $0x1  }
0x13: {  	[smem:$0x3FB8] =	sst s0;
	s0 =	simm.s32 @!p1 $0x0  }
0x14: {  	s2 =	sld [smem:$0x3F9C];
	s0 =	simm.s32 @p1 $0x1  }
0x15: {  	[smem:$0x3FB9] =	sst s0;
	s0 =	simm.s32 @!p2 $0x0  }
0x16: {  	s3 =	sld [smem:$0x3FDB];
	s0 =	simm.s32 @p2 $0x1  }
0x17: {  	s4 =	simm.s32 $0x1BF5;
	[smem:$0x3FBB] =	sst s0  }
0x18: {  	s0 =	sld [smem:$0x3F9E];
	_ =	swait.ge [sflag:s4], $0x0  }
0x19: {  	s7 =	sld [smem:$0x3F9F]  }
0x1a: {  	s8 =	sadd.s32 $0xFFFFE003, lr  }
0x1b: {  	s9 =	sadd.s32 $0xFFFFFEF7, lr;
	s5 =	simm.s32 $0xFFFFFFFF;
	p2 =	slt.u32 s8, $0xFFFFF086  }
0x1c: {  	p1 =	slt.u32 s9, $0xF7A;
	s5 =	simm.s32 @!p2 $0x0  }
0x1d: {  	s5 =	simm.s32 @p1 $0x1;
	p0 =	seq.s32 s7, s2  }
0x1e: {  	s7 =	smul.u32 @!p0 $0xF7A, s2;
	p2 =	seq.s32 @!p0 s5, $0x0  }
0x1f: {  	s9 =	smul.u32 $0xF7A, s1;
	s8 =	simm.s32 @!p0 $0x1BF5;
	p2 =	por !p2, p0  }
0x20: {  	[sflag:s8] =	ssyncset.s32 @!p0 $0xFFFFF086;
	s6 =	sadd.s32 @!p0 s3, s7;
	s7 =	simm.s32 @!p0 $0x108  }
0x21: {  	s3 =	sadd.s32 s3, s9;
	s6 =	sadd.s32 @!p0 $0x88, s6;
	s7 =	simm.s32 @p2 $0x1082  }
0x22: {  	[simem:s7], [sflag:s8] =	dma.local @!p0 [hbm:s6], $0xF7A  }
0x23: {  	s9 =	sor.u32 $0xD0000000, s2;
	s6 =	simm.s32 $0x108;
	_ =	swait.ge @!p0 [sflag:s8], $0x0  }
0x24: {  	s3 =	sadd.s32 $0x88, s3;
	s6 =	simm.s32 @!p1 $0x1082;
	[sflag:s4] =	ssyncset.s32 $0xFFFFF086  }
0x25: {  	[simem:s6], [sflag:s4] =	dma.local [hbm:s3], $0xF7A  }
0x26: {  	[smem:$0x3F9F] =	sst s1;
	(tag) =	ssettag s2;
	_ =	strace s9  }
0x27: {  	s1 =	sld [smem:$0x3FAF]  }
0x28: {  	s2 =	sld [smem:$0x3FB0]  }
0x29: {  	s4 =	sld [smem:$0x3FB2]  }
0x2a: {  	p0 =	seq.s32 s5, $0x0;
	s5 =	sld [smem:$0x3FB3]  }
0x2b: {  	s6 =	sld [smem:$0x3FB4]  }
0x2c: {  	s7 =	sld [smem:$0x3FB5]  }
0x2d: {  	s3 =	simm.s32 $0x108;
	s8 =	sld [smem:$0x3FB6]  }
0x2e: {  	s3 =	simm.s32 @!p0 $0x1082;
	s9 =	sld [smem:$0x3FB7]  }
0x2f: {  	lr =	sadd.s32 s0, s3;
	s0 =	sld [smem:$0x3FAE]  }
0x30: {  	s3 =	sld [smem:$0x3FB1]  }
0x31: {  	[smem:$0x3FBA] =	sst s10  }
0x32: {  	s10 =	sld [smem:$0x3FB8];
	_ =	sdelay $0x3  }
0x33: {  	p0 =	seq.s32 s10, $0x1;
	s10 =	sld [smem:$0x3FBA];
	_ =	sdelay $0x3  }
0x34: {  	[smem:$0x3FBA] =	sst s10  }
0x35: {  	s10 =	sld [smem:$0x3FB9];
	_ =	sdelay $0x3  }
0x36: {  	p1 =	seq.s32 s10, $0x1;
	s10 =	sld [smem:$0x3FBA];
	_ =	sdelay $0x3  }
0x37: {  	[smem:$0x3FBA] =	sst s10  }
0x38: {  	s10 =	sld [smem:$0x3FBB]  }
0x39: {  	_ = 	snop;
	(pc) =	sbr.ind lr, $3  }
0x3a: {  	_ = 	snop  }
0x3b: {  	_ = 	snop  }
0x3c: {  	p2 =	seq.s32 s10, $0x1;
	s10 =	sld [smem:$0x3FBA]  }
0x3d: {  	_ =	shalt  }
0x3e: {  	_ =	shalt  }
0x3f: {  	_ =	shalt  }
0x40: {  	_ =	shalt  }
0x41: {  	_ =	shalt  }
0x42: {  	_ =	shalt  }
0x43: {  	_ =	shalt  }
0x44: {  	_ =	shalt  }
0x45: {  	_ =	shalt  }
0x46: {  	_ =	shalt  }
0x47: {  	_ =	shalt  }
0x48: {  	_ =	shalt  }
0x49: {  	_ =	shalt  }
0x4a: {  	_ =	shalt  }
0x4b: {  	_ =	shalt  }
0x4c: {  	_ =	shalt  }
0x4d: {  	_ =	shalt  }
0x4e: {  	_ =	shalt  }
0x4f: {  	_ =	shalt  }
0x50: {  	_ =	shalt  }
0x51: {  	_ =	shalt  }
0x52: {  	_ =	shalt  }
0x53: {  	_ =	shalt  }
0x54: {  	_ =	shalt  }
0x55: {  	_ =	shalt  }
0x56: {  	_ =	shalt  }
0x57: {  	_ =	shalt  }
0x58: {  	_ =	shalt  }
0x59: {  	_ =	shalt  }
0x5a: {  	_ =	shalt  }
0x5b: {  	_ =	shalt  }
0x5c: {  	_ =	shalt  }
0x5d: {  	_ =	shalt  }
0x5e: {  	_ =	shalt  }
0x5f: {  	_ =	shalt  }
0x60: {  	_ =	shalt  }
0x61: {  	_ =	shalt  }
0x62: {  	_ =	shalt  }
0x63: {  	_ =	shalt  }
0x64: {  	_ =	shalt  }
0x65: {  	_ =	shalt  }
0x66: {  	_ =	shalt  }
0x67: {  	_ =	shalt  }
0x68: {  	_ =	shalt  }
0x69: {  	_ =	shalt  }
0x6a: {  	_ =	shalt  }
0x6b: {  	_ =	shalt  }
0x6c: {  	_ =	shalt  }
0x6d: {  	_ =	shalt  }
0x6e: {  	_ =	shalt  }
0x6f: {  	_ =	shalt  }
0x70: {  	_ =	shalt  }
0x71: {  	_ =	shalt  }
0x72: {  	_ =	shalt  }
0x73: {  	_ =	shalt  }
0x74: {  	_ =	shalt  }
0x75: {  	_ =	shalt  }
0x76: {  	_ =	shalt  }
0x77: {  	_ =	shalt  }
0x78: {  	_ =	shalt  }
0x79: {  	_ =	shalt  }
0x7a: {  	_ =	shalt  }
0x7b: {  	_ =	shalt  }
0x7c: {  	_ =	shalt  }
0x7d: {  	_ =	shalt  }
0x7e: {  	_ =	shalt  }
0x7f: {  	_ =	shalt  }
0x80: {  	_ =	shalt  }
0x81: {  	_ =	shalt  }
0x82: {  	_ =	shalt  }
0x83: {  	_ =	shalt  }
0x84: {  	_ =	shalt  }
0x85: {  	_ =	shalt  }
0x86: {  	_ =	shalt  }
0x87: {  	_ =	shalt  }
.Lfunc_end0:
.L_simem_size_0:
called_computation_lowered:
.L_overlay_start_0:
0x88: {  	s2 =	sld [smem:$0x3FD9]  }
0x89: {  	s3 =	sld [smem:$0x3FFE];
	_ =	sdelay $0x1  }
0x8a: {  	s1 =	srdreg.scid  }
0x8b: {  	s0 =	sand.u32 $0x1, s1  }
0x8c: {  	s17 =	sshll.u32 s0, $0xA;
	s2 =	sadd.s32 s3, s2  }
0x8d: {  	s2 =	sadd.s32 s2, s17  }
0x8e: {  	[smem:$0x3FC6] =	sst s2  }
0x8f: {  	_ = 	snop  }
0x90: {  	s2 =	sld [smem:$0x3FC8]  }
0x91: {  	s18 =	sld [smem:$0x3FD0];
	(tm) =	ssettm $0x1  }
0x92: {  	s4 =	sld [smem:$0x3FFB];
	_ =	sdelay $0x3  }
0x93: {  	_ =	strace s4  }
0x94: {  	s4 =	sld [smem:$0x3FFC];
	_ =	sdelay $0x3  }
0x95: {  	_ =	strace s4  }
0x96: {  	s4 =	sld [smem:$0x3FFD];
	_ =	sdelay $0x3  }
0x97: {  	_ =	strace s4  }
0x98: {  	_ =	strace $0x8FFFFFFF  }
0x99: {  	s19 =	sld [smem:$0x3FDB];
	_ =	sdelay $0x1  }
0x9a: {  	s5 =	simm.s32 $_scs_section_size  }
0x9b: {  	s6 =	simm.s32 $_size__tile_overlayer_lowered;
	s7 =	simm.s32 $_tile_overlayer_lowered  }
0x9c: {  	s22 =	simm.s32 $0x1BFF;
	s21 =	sshll.u32 s7, $0x1;
	s4 =	sadd.s32 s5, s19  }
0x9d: {  	s8 =	simm.s32 $0x0;
	s20 =	sshll.u32 s6, $0x1;
	s6 =	sadd.s32 s21, s4  }
0x9e: {  	[timem:s8], [sflag:s22] =	dma.local [hbm:s6], s20  }
0x9f: {  	_ =	swait.ge [sflag:s22], s20  }
0xa0: {  	s5 =	ssub.s32 $0x0, s20;
	[sflag:s22] =	ssyncset.done $0x0  }
0xa1: {  	[sflag:s22] =	ssyncadd.s32 s5;
	_ =	sdelay $0x1  }
0xa2: {  	s23 =	simm.s32 $0x1B8B  }
0xa3: {  	_ =	swait.ge [sflag:s23], $0x1  }
0xa4: {  	[sflag:s23] =	ssyncset.done $0x0  }
0xa5: {  	s25 =	simm.s32 $0x1B8E;
	s24 =	sld [smem:$0x3FFE];
	[sflag:s23] =	ssyncadd.s32 $0xFFFFFFFF  }
0xa6: {  	s26 =	simm.s32 $execute0_lowered;
	[smem:$0x3FD2] =	sst s25  }
0xa7: {  	s6 =	sshll.u32 s26, $0x1;
	_ =	strace $0x80000046;
	[dreg:$0x1] =	wrdreg $0xFFFFFFFF  }
0xa8: {  	s28 =	simm.s32 $_size_execute0_lowered;
	s4 =	sadd.s32 s4, s6;
	[dreg:$0x0] =	wrdreg $0x0  }
0xa9: {  	s6 =	sshll.u32 s28, $0x1;
	[dreg:$0x2] =	wrdreg s4  }
0xaa: {  	[dreg:$0x3] =	wrdreg s6  }
0xab: {  	[dreg:$0x4] =	wrdreg $0xC0  }
0xac: {  	_ =	task [dreg:s8], $0x5FFFF  }
0xad: {  	[dreg:$0x1] =	wrdreg $0xFFFFFFFF  }
0xae: {  	[dreg:$0x0] =	wrdreg $0x60  }
0xaf: {  	[dreg:$0x2] =	wrdreg s24  }
0xb0: {  	[dreg:$0x3] =	wrdreg s2  }
0xb1: {  	[dreg:$0x4] =	wrdreg s18  }
0xb2: {  	[dreg:$0x5] =	wrdreg $0x9  }
0xb3: {  	_ =	task.clear_ibuf [dreg:s8], $0x6FFFF;
	_ =	strace $0x90000046  }
0xb4: {  	s29 =	simm.s32 $0x9;
	_ =	strace $0x80000048  }
0xb5: {  	_ =	swait.ge [sflag:s29], $0x1  }
0xb6: {  	[sflag:s29] =	ssyncadd.s32 $0xFFFFFFFF  }
0xb7: {  	_ =	strace $0x90000048  }
0xb8: {  	_ =	sfence  }
0xb9: {  	s30 =	sld [smem:$0x0];
	_ =	sdelay $0x2  }
0xba: {  	s31 =	sshll.u32 s1, $0xD;
	s1 =	sshrl.u32 s1, $0x2  }
0xbb: {  	s3 =	sand.u32 $0x4000, s31;
	s1 =	sadd.s32 s1, s30  }
0xbc: {  	s0 =	sor.u32 s3, s0;
	s1 =	sshll.u32 s1, $0x11  }
0xbd: {  	s0 =	sor.u32 s1, s0  }
0xbe: {  	s0 =	sadd.s32 $0x8F2B, s0  }
0xbf: {  	[sflag:s0] =	ssyncadd.remote.s32 $0x1  }
0xc0: {  	_ =	sfence.sel $0xFFFF  }
0xc1: {  	[dreg:$0x0] =	wrdreg $0xFFFFFFFF;
	(pc) =	sbr.abs _section_cstart, $3  }
0xc2: {  	[dreg:$0x1] =	wrdreg $0xFFFFFFFF  }
0xc3: {  	_ =	task.clear_ibuf [dreg:s8], $0x2FFFF;
	_ =	strace $0x9FFFFFFF  }
0xc4: {  	(tm) =	ssettm $0x7FFFFFFF  }
0xc5: {  	_ =	shalt  }
tec
execute0_lowered:
.L_overlay_start_1:
0x0: {  	(tag) =	ssettag $0x1  }
0x1: {  	s0 =	rddreg [dreg:$0x0]  }
0x2: {  	s1 =	rddreg [dreg:$0x1]  }
0x3: {  	s3 =	rddreg [dreg:$0x2];
	s2 =	srdreg.scid  }
0x4: {  	s11 =	stileid.u32;
	s4 =	simm.s32 $0x0;
	s10 =	simm.s32 $0x3  }
0x5: {  	s28 =	simm.s32 $0x8C00;
	s29 =	simm.s32 $0x9400;
	s30 =	simm.s32 $0x9C00  }
0x6: {  	s31 =	simm.s32 $0xA400;
	s12 =	simm.s32 $0xDC00;
	s13 =	simm.s32 $0xE400  }
0x7: {  	s14 =	simm.s32 $0xEC00;
	s15 =	simm.s32 $0xF400;
	s16 =	simm.s32 $0xFC00  }
0x8: {  	s17 =	simm.s32 $0x10400;
	s18 =	simm.s32 $0x10C00;
	s19 =	simm.s32 $0x1  }
0x9: {  	s20 =	simm.s32 $0x11400;
	s21 =	simm.s32 $0x2;
	s2 =	sand.u32 $0x1, s2  }
0xa: {  	s5 =	sshll.u32 s11, $0x1;
	[smem:$0x7FF] =	sst s4;
	s0 =	sadd.s32 $0x400, s0  }
0xb: {  	p0 =	seq.s32 s11, $0x0;
	s11 =	simm.s32 $0xBC00;
	s6 =	sor.u32 s2, s5  }
0xc: {  	_ =	strace $0x80000047;
	s7 =	ssub.s32 $0x2, s2;
	s5 =	sor.u32 $0x4E0, s2  }
0xd: {  	s2 =	simm.s32 $0xB400;
	s8 =	smul.u32 $0x270, s6;
	s9 =	sshrl.u32 s7, $0x1  }
.Ltmp0:
0xe: {  	s25 =	sshll.u32 s5, $0x4;
	s23 =	ssub.s32 s7, s9;
	(pc) =	sbr.rel .LBB2_1-.Ltmp0, $4  }
0xf: {  	s7 =	simm.s32 $0xCC00;
	s9 =	simm.s32 $0xD400;
	s24 =	sadd.s32 s0, s8  }
0x10: {  	v2 =	vlaneseq.u32;
	s0 =	sadd.s32 s0, s25;
	s8 =	smul.u32 $0x27, s6;
	[dreg:$0x4] =	wrdreg s24  }
0x11: {  	vm0 =	vmmov $0xffff;
	v1 =	vshrl.u32 v2, $0x3;
	s26 =	smax.u32 s23, $0x1;
	s6 =	simm.s32 $0xC400;
	[dreg:$0x5] =	wrdreg s0  }
0x12: {  	v0 =	vand.u32 $0x7, v2;
	v2 =	vor.u32 $0x8, v2;
	v1 =	vmul.u32 $0x8, v1;
	s23 =	simm.s32 $0x0;
	[dreg:$0x6] =	wrdreg s26;
	s0 =	simm.s32 $0xAC00  }
.LBB2_12:
0x13: {  	s23 =	rddreg [dreg:$0x7]  }
0x14: {  	s22 =	rddreg [dreg:$0x6];
	s23 =	sadd.s32 $0x1, s23  }
0x15: {  	p1 =	sne.s32 s23, s22  }
.Ltmp1:
0x16: {  	_ = 	snop;
	(pc) =	sbr.rel @!p1 .LBB2_13-.Ltmp1, $1  }
0x17: {  	_ =	sdelay $0x3  }
.LBB2_1:
0x18: {  	[dreg:$0x7] =	wrdreg s23  }
0x19: {  	s22 =	rddreg [dreg:$0x4]  }
0x1a: {  	[tilespmem:s4], [sflag:$0x3] =	stream.linear.gather [hbm4b:s22+s4], $0x1380, $0x38;
	[tilespmem:$0x11C00] =	vst v63  }
0x1b: {  	_ =	swait.ge [sflag:s10], $0x1380  }
0x1c: {  	[sflag:s10] =	ssyncset.done $0x0  }
0x1d: {  	s26 =	simm.s32 $0x1380;
	s25 =	rddreg [dreg:$0x5];
	[sflag:s10] =	ssyncadd.s32 $0xFFFFEC80  }
0x1e: {  	[tilespmem:s26], [sflag:$0x3] =	stream.linear.gather [hbm4b:s25+s4], $0x80, $0x38;
	[tilespmem:$0x11C00] =	vst v63  }
0x1f: {  	_ =	swait.ge [sflag:s10], $0x80  }
0x20: {  	[sflag:s10] =	ssyncset.done $0x0  }
0x21: {  	[sflag:s10] =	ssyncadd.s32 $0xFFFFFF80  }
0x22: {  	v3 =	vld [tilespmem:$0x0];
	_ =	sdelay $0x4  }
0x23: {  	v4 =	vshll.u32 v3, $0x1  }
0x24: {  	v3 =	vand.u32 $0x7, v3;
	v4 =	vand.u32 $0xFFFFFFF0, v4  }
0x25: {  	v3 =	vor.u32 v3, v4  }
0x26: {  	v4 =	vperm.xlane v3, v0;
	_ =	sdelay $0x1  }
0x27: {  	v3 =	vperm.xlane v3, v2;
	v4 =	vadd.s32 v1, v4;
	_ =	sdelay $0x1  }
0x28: {  	v3 =	vadd.s32 v1, v3;
	_ =	sdelay $0x1  }
0x29: {  	s24 =	simm.s32 $0x1400  }
0x2a: {  	[tilespmem:s24], [sflag:$0x1] =	stream.indirect_vreg.gather [hbm4b:s1+s4], $0x80, v4, vm0, $0xb8;
	[tilespmem:$0x11C00] =	vst v63  }
0x2b: {  	s25 =	simm.s32 $0x1C00  }
0x2c: {  	[tilespmem:s25], [sflag:$0x1] =	stream.indirect_vreg.gather [hbm4b:s1+s4], $0x80, v3, vm0, $0xb8;
	[tilespmem:$0x11C00] =	vst v63  }
0x2d: {  	v3 =	vld [tilespmem:$0x10];
	_ =	sdelay $0x4  }
0x2e: {  	v49 =	vshll.u32 v3, $0x1  }
0x2f: {  	v3 =	vand.u32 $0x7, v3;
	v4 =	vand.u32 $0xFFFFFFF0, v49  }
0x30: {  	v3 =	vor.u32 v3, v4  }
0x31: {  	v4 =	vperm.xlane v3, v0;
	_ =	sdelay $0x1  }
0x32: {  	v3 =	vperm.xlane v3, v2;
	v4 =	vadd.s32 v1, v4;
	_ =	sdelay $0x1  }
0x33: {  	v3 =	vadd.s32 v1, v3;
	_ =	sdelay $0x1  }
0x34: {  	s26 =	simm.s32 $0x2400  }
0x35: {  	[tilespmem:s26], [sflag:$0x1] =	stream.indirect_vreg.gather [hbm4b:s1+s4], $0x80, v4, vm0, $0xb8;
	[tilespmem:$0x11C00] =	vst v63  }
0x36: {  	s23 =	simm.s32 $0x2C00  }
0x37: {  	[tilespmem:s23], [sflag:$0x1] =	stream.indirect_vreg.gather [hbm4b:s1+s4], $0x80, v3, vm0, $0xb8;
	[tilespmem:$0x11C00] =	vst v63  }
0x38: {  	v3 =	vld [tilespmem:$0x20];
	_ =	sdelay $0x4  }
0x39: {  	v50 =	vshll.u32 v3, $0x1  }
0x3a: {  	v3 =	vand.u32 $0x7, v3;
	v4 =	vand.u32 $0xFFFFFFF0, v50  }
0x3b: {  	v3 =	vor.u32 v3, v4  }
0x3c: {  	v4 =	vperm.xlane v3, v0;
	_ =	sdelay $0x1  }
0x3d: {  	v3 =	vperm.xlane v3, v2;
	v4 =	vadd.s32 v1, v4;
	_ =	sdelay $0x1  }
0x3e: {  	v3 =	vadd.s32 v1, v3;
	_ =	sdelay $0x1  }
0x3f: {  	s24 =	simm.s32 $0x3400  }
0x40: {  	[tilespmem:s24], [sflag:$0x1] =	stream.indirect_vreg.gather [hbm4b:s1+s4], $0x80, v4, vm0, $0xb8;
	[tilespmem:$0x11C00] =	vst v63  }
0x41: {  	s25 =	simm.s32 $0x3C00  }
0x42: {  	[tilespmem:s25], [sflag:$0x1] =	stream.indirect_vreg.gather [hbm4b:s1+s4], $0x80, v3, vm0, $0xb8;
	[tilespmem:$0x11C00] =	vst v63  }
0x43: {  	v3 =	vld [tilespmem:$0x30];
	_ =	sdelay $0x4  }
0x44: {  	v51 =	vshll.u32 v3, $0x1  }
0x45: {  	v3 =	vand.u32 $0x7, v3;
	v4 =	vand.u32 $0xFFFFFFF0, v51  }
0x46: {  	v3 =	vor.u32 v3, v4  }
0x47: {  	v4 =	vperm.xlane v3, v0;
	_ =	sdelay $0x1  }
0x48: {  	v3 =	vperm.xlane v3, v2;
	v4 =	vadd.s32 v1, v4;
	_ =	sdelay $0x1  }
0x49: {  	v3 =	vadd.s32 v1, v3;
	_ =	sdelay $0x1  }
0x4a: {  	s26 =	simm.s32 $0x4400  }
0x4b: {  	[tilespmem:s26], [sflag:$0x1] =	stream.indirect_vreg.gather [hbm4b:s1+s4], $0x80, v4, vm0, $0xb8;
	[tilespmem:$0x11C00] =	vst v63  }
0x4c: {  	s23 =	simm.s32 $0x4C00  }
0x4d: {  	[tilespmem:s23], [sflag:$0x1] =	stream.indirect_vreg.gather [hbm4b:s1+s4], $0x80, v3, vm0, $0xb8;
	[tilespmem:$0x11C00] =	vst v63  }
0x4e: {  	v3 =	vld [tilespmem:$0x40];
	_ =	sdelay $0x4  }
0x4f: {  	v52 =	vshll.u32 v3, $0x1  }
0x50: {  	v3 =	vand.u32 $0x7, v3;
	v4 =	vand.u32 $0xFFFFFFF0, v52  }
0x51: {  	v3 =	vor.u32 v3, v4  }
0x52: {  	v4 =	vperm.xlane v3, v0;
	_ =	sdelay $0x1  }
0x53: {  	v3 =	vperm.xlane v3, v2;
	v4 =	vadd.s32 v1, v4;
	_ =	sdelay $0x1  }
0x54: {  	v3 =	vadd.s32 v1, v3;
	_ =	sdelay $0x1  }
0x55: {  	s24 =	simm.s32 $0x5400  }
0x56: {  	[tilespmem:s24], [sflag:$0x1] =	stream.indirect_vreg.gather [hbm4b:s1+s4], $0x80, v4, vm0, $0xb8;
	[tilespmem:$0x11C00] =	vst v63  }
0x57: {  	s25 =	simm.s32 $0x5C00  }
0x58: {  	[tilespmem:s25], [sflag:$0x1] =	stream.indirect_vreg.gather [hbm4b:s1+s4], $0x80, v3, vm0, $0xb8;
	[tilespmem:$0x11C00] =	vst v63  }
0x59: {  	v3 =	vld [tilespmem:$0x50];
	_ =	sdelay $0x4  }
0x5a: {  	v53 =	vshll.u32 v3, $0x1  }
0x5b: {  	v3 =	vand.u32 $0x7, v3;
	v4 =	vand.u32 $0xFFFFFFF0, v53  }
0x5c: {  	v3 =	vor.u32 v3, v4  }
0x5d: {  	v4 =	vperm.xlane v3, v0;
	_ =	sdelay $0x1  }
0x5e: {  	v3 =	vperm.xlane v3, v2;
	v4 =	vadd.s32 v1, v4;
	_ =	sdelay $0x1  }
0x5f: {  	v3 =	vadd.s32 v1, v3;
	_ =	sdelay $0x1  }
0x60: {  	s26 =	simm.s32 $0x6400  }
0x61: {  	[tilespmem:s26], [sflag:$0x1] =	stream.indirect_vreg.gather [hbm4b:s1+s4], $0x80, v4, vm0, $0xb8;
	[tilespmem:$0x11C00] =	vst v63  }
0x62: {  	s23 =	simm.s32 $0x6C00  }
0x63: {  	[tilespmem:s23], [sflag:$0x1] =	stream.indirect_vreg.gather [hbm4b:s1+s4], $0x80, v3, vm0, $0xb8;
	[tilespmem:$0x11C00] =	vst v63  }
0x64: {  	v3 =	vld [tilespmem:$0x60];
	_ =	sdelay $0x4  }
0x65: {  	v54 =	vshll.u32 v3, $0x1  }
0x66: {  	v3 =	vand.u32 $0x7, v3;
	v4 =	vand.u32 $0xFFFFFFF0, v54  }
0x67: {  	v3 =	vor.u32 v3, v4  }
0x68: {  	v4 =	vperm.xlane v3, v0;
	_ =	sdelay $0x1  }
0x69: {  	v3 =	vperm.xlane v3, v2;
	v4 =	vadd.s32 v1, v4;
	_ =	sdelay $0x1  }
0x6a: {  	v3 =	vadd.s32 v1, v3;
	_ =	sdelay $0x1  }
0x6b: {  	s24 =	simm.s32 $0x7400  }
0x6c: {  	[tilespmem:s24], [sflag:$0x1] =	stream.indirect_vreg.gather [hbm4b:s1+s4], $0x80, v4, vm0, $0xb8;
	[tilespmem:$0x11C00] =	vst v63  }
0x6d: {  	s25 =	simm.s32 $0x7C00  }
0x6e: {  	[tilespmem:s25], [sflag:$0x1] =	stream.indirect_vreg.gather [hbm4b:s1+s4], $0x80, v3, vm0, $0xb8;
	[tilespmem:$0x11C00] =	vst v63  }
0x6f: {  	v3 =	vld [tilespmem:$0x70];
	_ =	sdelay $0x4  }
0x70: {  	v55 =	vshll.u32 v3, $0x1  }
0x71: {  	v3 =	vand.u32 $0x7, v3;
	v4 =	vand.u32 $0xFFFFFFF0, v55  }
0x72: {  	v3 =	vor.u32 v3, v4  }
0x73: {  	v4 =	vperm.xlane v3, v0;
	_ =	sdelay $0x1  }
0x74: {  	v3 =	vperm.xlane v3, v2;
	v4 =	vadd.s32 v1, v4;
	_ =	sdelay $0x1  }
0x75: {  	v3 =	vadd.s32 v1, v3;
	_ =	sdelay $0x1  }
0x76: {  	s26 =	simm.s32 $0x8400  }
0x77: {  	[tilespmem:s26], [sflag:$0x1] =	stream.indirect_vreg.gather [hbm4b:s1+s4], $0x80, v4, vm0, $0xb8;
	[tilespmem:$0x11C00] =	vst v63  }
0x78: {  	_ = 	snop  }
0x79: {  	[tilespmem:s28], [sflag:$0x1] =	stream.indirect_vreg.gather [hbm4b:s1+s4], $0x80, v3, vm0, $0xb8;
	[tilespmem:$0x11C00] =	vst v63  }
0x7a: {  	v3 =	vld [tilespmem:$0x80];
	_ =	sdelay $0x4  }
0x7b: {  	v56 =	vshll.u32 v3, $0x1  }
0x7c: {  	v3 =	vand.u32 $0x7, v3;
	v4 =	vand.u32 $0xFFFFFFF0, v56  }
0x7d: {  	v3 =	vor.u32 v3, v4  }
0x7e: {  	v4 =	vperm.xlane v3, v0;
	_ =	sdelay $0x1  }
0x7f: {  	v3 =	vperm.xlane v3, v2;
	v4 =	vadd.s32 v1, v4;
	_ =	sdelay $0x1  }
0x80: {  	v3 =	vadd.s32 v1, v3;
	_ =	sdelay $0x2  }
0x81: {  	[tilespmem:s29], [sflag:$0x2] =	stream.indirect_vreg.gather [hbm4b:s1+s4], $0x80, v4, vm0, $0xb8;
	[tilespmem:$0x11C00] =	vst v63  }
0x82: {  	_ = 	snop  }
0x83: {  	[tilespmem:s30], [sflag:$0x2] =	stream.indirect_vreg.gather [hbm4b:s1+s4], $0x80, v3, vm0, $0xb8;
	[tilespmem:$0x11C00] =	vst v63  }
0x84: {  	v3 =	vld [tilespmem:$0x90];
	_ =	sdelay $0x4  }
0x85: {  	v57 =	vshll.u32 v3, $0x1  }
0x86: {  	v3 =	vand.u32 $0x7, v3;
	v4 =	vand.u32 $0xFFFFFFF0, v57  }
0x87: {  	v3 =	vor.u32 v3, v4  }
0x88: {  	v4 =	vperm.xlane v3, v0;
	_ =	sdelay $0x1  }
0x89: {  	v3 =	vperm.xlane v3, v2;
	v4 =	vadd.s32 v1, v4;
	_ =	sdelay $0x1  }
0x8a: {  	v3 =	vadd.s32 v1, v3;
	_ =	sdelay $0x2  }
0x8b: {  	[tilespmem:s31], [sflag:$0x2] =	stream.indirect_vreg.gather [hbm4b:s1+s4], $0x80, v4, vm0, $0xb8;
	[tilespmem:$0x11C00] =	vst v63  }
0x8c: {  	_ = 	snop  }
0x8d: {  	[tilespmem:s0], [sflag:$0x2] =	stream.indirect_vreg.gather [hbm4b:s1+s4], $0x80, v3, vm0, $0xb8;
	[tilespmem:$0x11C00] =	vst v63  }
0x8e: {  	v3 =	vld [tilespmem:$0xA0];
	_ =	sdelay $0x4  }
0x8f: {  	v58 =	vshll.u32 v3, $0x1  }
0x90: {  	v3 =	vand.u32 $0x7, v3;
	v4 =	vand.u32 $0xFFFFFFF0, v58  }
0x91: {  	v3 =	vor.u32 v3, v4  }
0x92: {  	v4 =	vperm.xlane v3, v0;
	_ =	sdelay $0x1  }
0x93: {  	v3 =	vperm.xlane v3, v2;
	v4 =	vadd.s32 v1, v4;
	_ =	sdelay $0x1  }
0x94: {  	v3 =	vadd.s32 v1, v3;
	_ =	sdelay $0x2  }
0x95: {  	[tilespmem:s2], [sflag:$0x2] =	stream.indirect_vreg.gather [hbm4b:s1+s4], $0x80, v4, vm0, $0xb8;
	[tilespmem:$0x11C00] =	vst v63  }
0x96: {  	_ = 	snop  }
0x97: {  	[tilespmem:s11], [sflag:$0x2] =	stream.indirect_vreg.gather [hbm4b:s1+s4], $0x80, v3, vm0, $0xb8;
	[tilespmem:$0x11C00] =	vst v63  }
0x98: {  	v3 =	vld [tilespmem:$0xB0];
	_ =	sdelay $0x4  }
0x99: {  	v59 =	vshll.u32 v3, $0x1  }
0x9a: {  	v3 =	vand.u32 $0x7, v3;
	v4 =	vand.u32 $0xFFFFFFF0, v59  }
0x9b: {  	v3 =	vor.u32 v3, v4  }
0x9c: {  	v4 =	vperm.xlane v3, v0;
	_ =	sdelay $0x1  }
0x9d: {  	v3 =	vperm.xlane v3, v2;
	v4 =	vadd.s32 v1, v4;
	_ =	sdelay $0x1  }
0x9e: {  	v3 =	vadd.s32 v1, v3;
	_ =	sdelay $0x2  }
0x9f: {  	[tilespmem:s6], [sflag:$0x2] =	stream.indirect_vreg.gather [hbm4b:s1+s4], $0x80, v4, vm0, $0xb8;
	[tilespmem:$0x11C00] =	vst v63  }
0xa0: {  	_ = 	snop  }
0xa1: {  	[tilespmem:s7], [sflag:$0x2] =	stream.indirect_vreg.gather [hbm4b:s1+s4], $0x80, v3, vm0, $0xb8;
	[tilespmem:$0x11C00] =	vst v63  }
0xa2: {  	v3 =	vld [tilespmem:$0xC0];
	_ =	sdelay $0x4  }
0xa3: {  	v60 =	vshll.u32 v3, $0x1  }
0xa4: {  	v3 =	vand.u32 $0x7, v3;
	v4 =	vand.u32 $0xFFFFFFF0, v60  }
0xa5: {  	v3 =	vor.u32 v3, v4  }
0xa6: {  	v4 =	vperm.xlane v3, v0;
	_ =	sdelay $0x1  }
0xa7: {  	v3 =	vperm.xlane v3, v2;
	v4 =	vadd.s32 v1, v4;
	_ =	sdelay $0x1  }
0xa8: {  	v3 =	vadd.s32 v1, v3;
	_ =	sdelay $0x2  }
0xa9: {  	[tilespmem:s9], [sflag:$0x2] =	stream.indirect_vreg.gather [hbm4b:s1+s4], $0x80, v4, vm0, $0xb8;
	[tilespmem:$0x11C00] =	vst v63  }
0xaa: {  	_ = 	snop  }
0xab: {  	[tilespmem:s12], [sflag:$0x2] =	stream.indirect_vreg.gather [hbm4b:s1+s4], $0x80, v3, vm0, $0xb8;
	[tilespmem:$0x11C00] =	vst v63  }
0xac: {  	v3 =	vld [tilespmem:$0xD0];
	_ =	sdelay $0x4  }
0xad: {  	v61 =	vshll.u32 v3, $0x1  }
0xae: {  	v3 =	vand.u32 $0x7, v3;
	v4 =	vand.u32 $0xFFFFFFF0, v61  }
0xaf: {  	v3 =	vor.u32 v3, v4  }
0xb0: {  	v4 =	vperm.xlane v3, v0;
	_ =	sdelay $0x1  }
0xb1: {  	v3 =	vperm.xlane v3, v2;
	v4 =	vadd.s32 v1, v4;
	_ =	sdelay $0x1  }
0xb2: {  	v3 =	vadd.s32 v1, v3;
	_ =	sdelay $0x2  }
0xb3: {  	[tilespmem:s13], [sflag:$0x2] =	stream.indirect_vreg.gather [hbm4b:s1+s4], $0x80, v4, vm0, $0xb8;
	[tilespmem:$0x11C00] =	vst v63  }
0xb4: {  	_ = 	snop  }
0xb5: {  	[tilespmem:s14], [sflag:$0x2] =	stream.indirect_vreg.gather [hbm4b:s1+s4], $0x80, v3, vm0, $0xb8;
	[tilespmem:$0x11C00] =	vst v63  }
0xb6: {  	v3 =	vld [tilespmem:$0xE0];
	_ =	sdelay $0x4  }
0xb7: {  	v62 =	vshll.u32 v3, $0x1  }
0xb8: {  	v3 =	vand.u32 $0x7, v3;
	v4 =	vand.u32 $0xFFFFFFF0, v62  }
0xb9: {  	v3 =	vor.u32 v3, v4  }
0xba: {  	v4 =	vperm.xlane v3, v0;
	_ =	sdelay $0x1  }
0xbb: {  	v3 =	vperm.xlane v3, v2;
	v4 =	vadd.s32 v1, v4;
	_ =	sdelay $0x1  }
0xbc: {  	v3 =	vadd.s32 v1, v3;
	_ =	sdelay $0x2  }
0xbd: {  	[tilespmem:s15], [sflag:$0x2] =	stream.indirect_vreg.gather [hbm4b:s1+s4], $0x80, v4, vm0, $0xb8;
	[tilespmem:$0x11C00] =	vst v63  }
0xbe: {  	_ = 	snop  }
0xbf: {  	[tilespmem:s16], [sflag:$0x2] =	stream.indirect_vreg.gather [hbm4b:s1+s4], $0x80, v3, vm0, $0xb8;
	[tilespmem:$0x11C00] =	vst v63  }
0xc0: {  	v3 =	vld [tilespmem:$0xF0];
	_ =	sdelay $0x4  }
0xc1: {  	v63 =	vshll.u32 v3, $0x1  }
0xc2: {  	v3 =	vand.u32 $0x7, v3;
	v4 =	vand.u32 $0xFFFFFFF0, v63  }
0xc3: {  	v3 =	vor.u32 v3, v4  }
0xc4: {  	v4 =	vperm.xlane v3, v0;
	_ =	sdelay $0x1  }
0xc5: {  	v3 =	vperm.xlane v3, v2;
	v4 =	vadd.s32 v1, v4;
	_ =	sdelay $0x1  }
0xc6: {  	v3 =	vadd.s32 v1, v3;
	_ =	sdelay $0x2  }
0xc7: {  	[tilespmem:s17], [sflag:$0x2] =	stream.indirect_vreg.gather [hbm4b:s1+s4], $0x80, v4, vm0, $0xb8;
	[tilespmem:$0x11C00] =	vst v63  }
0xc8: {  	s22 =	simm.s32 $0x0  }
0xc9: {  	[tilespmem:s18], [sflag:$0x2] =	stream.indirect_vreg.gather [hbm4b:s1+s4], $0x80, v3, vm0, $0xb8;
	[tilespmem:$0x11C00] =	vst v63  }
.LBB2_2:
0xca: {  	_ =	swait.ge [sflag:s19], $0x8000  }
0xcb: {  	[sflag:s19] =	ssyncset.done $0x0  }
0xcc: {  	s23 =	simm.s32 $0x0;
	[sflag:s19] =	ssyncadd.s32 $0xFFFF8000  }
.LBB2_3:
0xcd: {  	s24 =	sshll.u32 s23, $0xC  }
0xce: {  	s24 =	sand.u32 $0x3FFFF000, s24  }
0xcf: {  	v3 =	vld [tilespmem:s24+$0x1400]  }
0xd0: {  	v4 =	vld [tilespmem:s24+$0x1480]  }
0xd1: {  	v5 =	vld [tilespmem:s24+$0x1500]  }
0xd2: {  	v6 =	vld [tilespmem:s24+$0x1580]  }
0xd3: {  	v7 =	vld [tilespmem:s24+$0x1600]  }
0xd4: {  	v8 =	vld [tilespmem:s24+$0x1680]  }
0xd5: {  	v9 =	vld [tilespmem:s24+$0x1700]  }
0xd6: {  	v10 =	vld [tilespmem:s24+$0x1780]  }
0xd7: {  	v11 =	vld [tilespmem:s24+$0x1C00]  }
0xd8: {  	v12 =	vld [tilespmem:s24+$0x1C80]  }
0xd9: {  	v13 =	vld [tilespmem:s24+$0x1D00]  }
0xda: {  	v14 =	vld [tilespmem:s24+$0x1D80]  }
0xdb: {  	v15 =	vld [tilespmem:s24+$0x1E00]  }
0xdc: {  	v16 =	vld [tilespmem:s24+$0x1E80]  }
0xdd: {  	v17 =	vld [tilespmem:s24+$0x1F00]  }
0xde: {  	v18 =	vld [tilespmem:s24+$0x1F80];
	_ =	sdelay $0x2  }
0xdf: {  	v3 =	vmax.f32 v3, v4;
	v26 =	vmax.f32 v5, v6;
	v27 =	vmax.f32 v7, v8  }
0xe0: {  	v28 =	vmax.f32 v9, v10;
	v29 =	vmax.f32 v11, v12;
	v30 =	vmax.f32 v13, v14  }
0xe1: {  	v31 =	vmax.f32 v15, v16;
	v32 =	vmax.f32 v17, v18;
	v3 =	vmax.f32 v3, v26  }
0xe2: {  	v33 =	vmax.f32 v27, v28;
	v34 =	vmax.f32 v29, v30;
	v35 =	vmax.f32 v31, v32  }
0xe3: {  	s25 =	sshll.u32 s23, $0x7;
	v3 =	vmax.f32 v3, v33;
	v36 =	vmax.f32 v34, v35  }
0xe4: {  	s25 =	sand.u32 $0x3FFFFF80, s25;
	v3 =	vmax.f32 v3, v36  }
0xe5: {  	[tilespmem:s25+$0x11400] =	vst v3  }
0xe6: {  	v3 =	vld [tilespmem:s24+$0x1410]  }
0xe7: {  	v37 =	vld [tilespmem:s24+$0x1490]  }
0xe8: {  	v38 =	vld [tilespmem:s24+$0x1510]  }
0xe9: {  	v39 =	vld [tilespmem:s24+$0x1590]  }
0xea: {  	v40 =	vld [tilespmem:s24+$0x1610]  }
0xeb: {  	v41 =	vld [tilespmem:s24+$0x1690]  }
0xec: {  	v42 =	vld [tilespmem:s24+$0x1710]  }
0xed: {  	v43 =	vld [tilespmem:s24+$0x1790]  }
0xee: {  	v44 =	vld [tilespmem:s24+$0x1C10]  }
0xef: {  	v45 =	vld [tilespmem:s24+$0x1C90]  }
0xf0: {  	v46 =	vld [tilespmem:s24+$0x1D10]  }
0xf1: {  	v47 =	vld [tilespmem:s24+$0x1D90]  }
0xf2: {  	v48 =	vld [tilespmem:s24+$0x1E10]  }
0xf3: {  	v49 =	vld [tilespmem:s24+$0x1E90]  }
0xf4: {  	v50 =	vld [tilespmem:s24+$0x1F10]  }
0xf5: {  	v51 =	vld [tilespmem:s24+$0x1F90];
	_ =	sdelay $0x2  }
0xf6: {  	v3 =	vmax.f32 v3, v37;
	v52 =	vmax.f32 v38, v39;
	v53 =	vmax.f32 v40, v41  }
0xf7: {  	v54 =	vmax.f32 v42, v43;
	v55 =	vmax.f32 v44, v45;
	v56 =	vmax.f32 v46, v47  }
0xf8: {  	v57 =	vmax.f32 v48, v49;
	v58 =	vmax.f32 v50, v51;
	v3 =	vmax.f32 v3, v52  }
0xf9: {  	v59 =	vmax.f32 v53, v54;
	v60 =	vmax.f32 v55, v56;
	v61 =	vmax.f32 v57, v58  }
0xfa: {  	v3 =	vmax.f32 v3, v59;
	v62 =	vmax.f32 v60, v61  }
0xfb: {  	v3 =	vmax.f32 v3, v62  }
0xfc: {  	[tilespmem:s25+$0x11410] =	vst v3  }
0xfd: {  	v3 =	vld [tilespmem:s24+$0x1420]  }
0xfe: {  	v63 =	vld [tilespmem:s24+$0x14A0]  }
0xff: {  	v21 =	vld [tilespmem:s24+$0x1520]  }
0x100: {  	v22 =	vld [tilespmem:s24+$0x15A0]  }
0x101: {  	v23 =	vld [tilespmem:s24+$0x1620]  }
0x102: {  	v24 =	vld [tilespmem:s24+$0x16A0]  }
0x103: {  	v25 =	vld [tilespmem:s24+$0x1720]  }
0x104: {  	v26 =	vld [tilespmem:s24+$0x17A0]  }
0x105: {  	v27 =	vld [tilespmem:s24+$0x1C20]  }
0x106: {  	v28 =	vld [tilespmem:s24+$0x1CA0]  }
0x107: {  	v29 =	vld [tilespmem:s24+$0x1D20]  }
0x108: {  	v30 =	vld [tilespmem:s24+$0x1DA0]  }
0x109: {  	v31 =	vld [tilespmem:s24+$0x1E20]  }
0x10a: {  	v32 =	vld [tilespmem:s24+$0x1EA0]  }
0x10b: {  	v33 =	vld [tilespmem:s24+$0x1F20]  }
0x10c: {  	v34 =	vld [tilespmem:s24+$0x1FA0];
	_ =	sdelay $0x2  }
0x10d: {  	v3 =	vmax.f32 v3, v63;
	v35 =	vmax.f32 v21, v22;
	v36 =	vmax.f32 v23, v24  }
0x10e: {  	v37 =	vmax.f32 v25, v26;
	v38 =	vmax.f32 v27, v28;
	v39 =	vmax.f32 v29, v30  }
0x10f: {  	v40 =	vmax.f32 v31, v32;
	v41 =	vmax.f32 v33, v34;
	v3 =	vmax.f32 v3, v35  }
0x110: {  	v42 =	vmax.f32 v36, v37;
	v43 =	vmax.f32 v38, v39;
	v44 =	vmax.f32 v40, v41  }
0x111: {  	v3 =	vmax.f32 v3, v42;
	v45 =	vmax.f32 v43, v44  }
0x112: {  	v3 =	vmax.f32 v3, v45  }
0x113: {  	[tilespmem:s25+$0x11420] =	vst v3  }
0x114: {  	v3 =	vld [tilespmem:s24+$0x1430]  }
0x115: {  	v46 =	vld [tilespmem:s24+$0x14B0]  }
0x116: {  	v47 =	vld [tilespmem:s24+$0x1530]  }
0x117: {  	v48 =	vld [tilespmem:s24+$0x15B0]  }
0x118: {  	v49 =	vld [tilespmem:s24+$0x1630]  }
0x119: {  	v50 =	vld [tilespmem:s24+$0x16B0]  }
0x11a: {  	v51 =	vld [tilespmem:s24+$0x1730]  }
0x11b: {  	v52 =	vld [tilespmem:s24+$0x17B0]  }
0x11c: {  	v53 =	vld [tilespmem:s24+$0x1C30]  }
0x11d: {  	v54 =	vld [tilespmem:s24+$0x1CB0]  }
0x11e: {  	v55 =	vld [tilespmem:s24+$0x1D30]  }
0x11f: {  	v56 =	vld [tilespmem:s24+$0x1DB0]  }
0x120: {  	v57 =	vld [tilespmem:s24+$0x1E30]  }
0x121: {  	v58 =	vld [tilespmem:s24+$0x1EB0]  }
0x122: {  	v59 =	vld [tilespmem:s24+$0x1F30]  }
0x123: {  	v60 =	vld [tilespmem:s24+$0x1FB0];
	_ =	sdelay $0x2  }
0x124: {  	v3 =	vmax.f32 v3, v46;
	v61 =	vmax.f32 v47, v48;
	v62 =	vmax.f32 v49, v50  }
0x125: {  	v63 =	vmax.f32 v51, v52;
	v12 =	vmax.f32 v53, v54;
	v14 =	vmax.f32 v55, v56  }
0x126: {  	v15 =	vmax.f32 v57, v58;
	v16 =	vmax.f32 v59, v60;
	v3 =	vmax.f32 v3, v61  }
0x127: {  	v17 =	vmax.f32 v62, v63;
	v18 =	vmax.f32 v12, v14;
	v19 =	vmax.f32 v15, v16  }
0x128: {  	v3 =	vmax.f32 v3, v17;
	v20 =	vmax.f32 v18, v19  }
0x129: {  	v3 =	vmax.f32 v3, v20  }
0x12a: {  	[tilespmem:s25+$0x11430] =	vst v3  }
0x12b: {  	v3 =	vld [tilespmem:s24+$0x1440]  }
0x12c: {  	v21 =	vld [tilespmem:s24+$0x14C0]  }
0x12d: {  	v22 =	vld [tilespmem:s24+$0x1540]  }
0x12e: {  	v23 =	vld [tilespmem:s24+$0x15C0]  }
0x12f: {  	v24 =	vld [tilespmem:s24+$0x1640]  }
0x130: {  	v25 =	vld [tilespmem:s24+$0x16C0]  }
0x131: {  	v26 =	vld [tilespmem:s24+$0x1740]  }
0x132: {  	v27 =	vld [tilespmem:s24+$0x17C0]  }
0x133: {  	v28 =	vld [tilespmem:s24+$0x1C40]  }
0x134: {  	v29 =	vld [tilespmem:s24+$0x1CC0]  }
0x135: {  	v30 =	vld [tilespmem:s24+$0x1D40]  }
0x136: {  	v31 =	vld [tilespmem:s24+$0x1DC0]  }
0x137: {  	v32 =	vld [tilespmem:s24+$0x1E40]  }
0x138: {  	v33 =	vld [tilespmem:s24+$0x1EC0]  }
0x139: {  	v34 =	vld [tilespmem:s24+$0x1F40]  }
0x13a: {  	v35 =	vld [tilespmem:s24+$0x1FC0];
	_ =	sdelay $0x2  }
0x13b: {  	v3 =	vmax.f32 v3, v21;
	v36 =	vmax.f32 v22, v23;
	v37 =	vmax.f32 v24, v25  }
0x13c: {  	v38 =	vmax.f32 v26, v27;
	v39 =	vmax.f32 v28, v29;
	v40 =	vmax.f32 v30, v31  }
0x13d: {  	v41 =	vmax.f32 v32, v33;
	v42 =	vmax.f32 v34, v35;
	v3 =	vmax.f32 v3, v36  }
0x13e: {  	v43 =	vmax.f32 v37, v38;
	v44 =	vmax.f32 v39, v40;
	v45 =	vmax.f32 v41, v42  }
0x13f: {  	v3 =	vmax.f32 v3, v43;
	v46 =	vmax.f32 v44, v45  }
0x140: {  	v3 =	vmax.f32 v3, v46  }
0x141: {  	[tilespmem:s25+$0x11440] =	vst v3  }
0x142: {  	v3 =	vld [tilespmem:s24+$0x1450]  }
0x143: {  	v47 =	vld [tilespmem:s24+$0x14D0]  }
0x144: {  	v48 =	vld [tilespmem:s24+$0x1550]  }
0x145: {  	v49 =	vld [tilespmem:s24+$0x15D0]  }
0x146: {  	v50 =	vld [tilespmem:s24+$0x1650]  }
0x147: {  	v51 =	vld [tilespmem:s24+$0x16D0]  }
0x148: {  	v52 =	vld [tilespmem:s24+$0x1750]  }
0x149: {  	v53 =	vld [tilespmem:s24+$0x17D0]  }
0x14a: {  	v54 =	vld [tilespmem:s24+$0x1C50]  }
0x14b: {  	v55 =	vld [tilespmem:s24+$0x1CD0]  }
0x14c: {  	v56 =	vld [tilespmem:s24+$0x1D50]  }
0x14d: {  	v57 =	vld [tilespmem:s24+$0x1DD0]  }
0x14e: {  	v58 =	vld [tilespmem:s24+$0x1E50]  }
0x14f: {  	v59 =	vld [tilespmem:s24+$0x1ED0]  }
0x150: {  	v60 =	vld [tilespmem:s24+$0x1F50]  }
0x151: {  	v61 =	vld [tilespmem:s24+$0x1FD0];
	_ =	sdelay $0x2  }
0x152: {  	v3 =	vmax.f32 v3, v47;
	v62 =	vmax.f32 v48, v49;
	v63 =	vmax.f32 v50, v51  }
0x153: {  	v19 =	vmax.f32 v52, v53;
	v20 =	vmax.f32 v54, v55;
	v21 =	vmax.f32 v56, v57  }
0x154: {  	v22 =	vmax.f32 v58, v59;
	v23 =	vmax.f32 v60, v61;
	v3 =	vmax.f32 v3, v62  }
0x155: {  	v24 =	vmax.f32 v63, v19;
	v25 =	vmax.f32 v20, v21;
	v26 =	vmax.f32 v22, v23  }
0x156: {  	v3 =	vmax.f32 v3, v24;
	v27 =	vmax.f32 v25, v26  }
0x157: {  	v3 =	vmax.f32 v3, v27  }
0x158: {  	[tilespmem:s25+$0x11450] =	vst v3  }
0x159: {  	v3 =	vld [tilespmem:s24+$0x1460]  }
0x15a: {  	v28 =	vld [tilespmem:s24+$0x14E0]  }
0x15b: {  	v29 =	vld [tilespmem:s24+$0x1560]  }
0x15c: {  	v30 =	vld [tilespmem:s24+$0x15E0]  }
0x15d: {  	v31 =	vld [tilespmem:s24+$0x1660]  }
0x15e: {  	v32 =	vld [tilespmem:s24+$0x16E0]  }
0x15f: {  	v33 =	vld [tilespmem:s24+$0x1760]  }
0x160: {  	v34 =	vld [tilespmem:s24+$0x17E0]  }
0x161: {  	v35 =	vld [tilespmem:s24+$0x1C60]  }
0x162: {  	v36 =	vld [tilespmem:s24+$0x1CE0]  }
0x163: {  	v37 =	vld [tilespmem:s24+$0x1D60]  }
0x164: {  	v38 =	vld [tilespmem:s24+$0x1DE0]  }
0x165: {  	v39 =	vld [tilespmem:s24+$0x1E60]  }
0x166: {  	v40 =	vld [tilespmem:s24+$0x1EE0]  }
0x167: {  	v41 =	vld [tilespmem:s24+$0x1F60]  }
0x168: {  	v42 =	vld [tilespmem:s24+$0x1FE0];
	_ =	sdelay $0x2  }
0x169: {  	v3 =	vmax.f32 v3, v28;
	v43 =	vmax.f32 v29, v30;
	v44 =	vmax.f32 v31, v32  }
0x16a: {  	v45 =	vmax.f32 v33, v34;
	v46 =	vmax.f32 v35, v36;
	v47 =	vmax.f32 v37, v38  }
0x16b: {  	v48 =	vmax.f32 v39, v40;
	v49 =	vmax.f32 v41, v42;
	v3 =	vmax.f32 v3, v43  }
0x16c: {  	v50 =	vmax.f32 v44, v45;
	v51 =	vmax.f32 v46, v47;
	v52 =	vmax.f32 v48, v49  }
0x16d: {  	v3 =	vmax.f32 v3, v50;
	v53 =	vmax.f32 v51, v52  }
0x16e: {  	v3 =	vmax.f32 v3, v53  }
0x16f: {  	[tilespmem:s25+$0x11460] =	vst v3  }
0x170: {  	v3 =	vld [tilespmem:s24+$0x1470]  }
0x171: {  	v54 =	vld [tilespmem:s24+$0x14F0]  }
0x172: {  	v55 =	vld [tilespmem:s24+$0x1570]  }
0x173: {  	v56 =	vld [tilespmem:s24+$0x15F0]  }
0x174: {  	v57 =	vld [tilespmem:s24+$0x1670]  }
0x175: {  	v58 =	vld [tilespmem:s24+$0x16F0]  }
0x176: {  	v59 =	vld [tilespmem:s24+$0x1770]  }
0x177: {  	v60 =	vld [tilespmem:s24+$0x17F0]  }
0x178: {  	v61 =	vld [tilespmem:s24+$0x1C70]  }
0x179: {  	v62 =	vld [tilespmem:s24+$0x1CF0]  }
0x17a: {  	v63 =	vld [tilespmem:s24+$0x1D70]  }
0x17b: {  	v21 =	vld [tilespmem:s24+$0x1DF0]  }
0x17c: {  	v22 =	vld [tilespmem:s24+$0x1E70]  }
0x17d: {  	v23 =	vld [tilespmem:s24+$0x1EF0]  }
0x17e: {  	v24 =	vld [tilespmem:s24+$0x1F70]  }
0x17f: {  	v25 =	vld [tilespmem:s24+$0x1FF0];
	_ =	sdelay $0x2  }
0x180: {  	v3 =	vmax.f32 v3, v54;
	v26 =	vmax.f32 v55, v56;
	v27 =	vmax.f32 v57, v58  }
0x181: {  	v28 =	vmax.f32 v59, v60;
	v29 =	vmax.f32 v61, v62;
	v30 =	vmax.f32 v63, v21  }
0x182: {  	v31 =	vmax.f32 v22, v23;
	v32 =	vmax.f32 v24, v25;
	v3 =	vmax.f32 v3, v26  }
0x183: {  	v33 =	vmax.f32 v27, v28;
	v34 =	vmax.f32 v29, v30;
	v35 =	vmax.f32 v31, v32  }
0x184: {  	v3 =	vmax.f32 v3, v33;
	v36 =	vmax.f32 v34, v35  }
0x185: {  	v3 =	vmax.f32 v3, v36  }
0x186: {  	[tilespmem:s25+$0x11470] =	vst v3  }
0x187: {  	v3 =	vld [tilespmem:s24+$0x1800]  }
0x188: {  	v37 =	vld [tilespmem:s24+$0x1880]  }
0x189: {  	v38 =	vld [tilespmem:s24+$0x1900]  }
0x18a: {  	v39 =	vld [tilespmem:s24+$0x1980]  }
0x18b: {  	v40 =	vld [tilespmem:s24+$0x1A00]  }
0x18c: {  	v41 =	vld [tilespmem:s24+$0x1A80]  }
0x18d: {  	v42 =	vld [tilespmem:s24+$0x1B00]  }
0x18e: {  	v43 =	vld [tilespmem:s24+$0x1B80]  }
0x18f: {  	v44 =	vld [tilespmem:s24+$0x2000]  }
0x190: {  	v45 =	vld [tilespmem:s24+$0x2080]  }
0x191: {  	v46 =	vld [tilespmem:s24+$0x2100]  }
0x192: {  	v47 =	vld [tilespmem:s24+$0x2180]  }
0x193: {  	v48 =	vld [tilespmem:s24+$0x2200]  }
0x194: {  	v49 =	vld [tilespmem:s24+$0x2280]  }
0x195: {  	v50 =	vld [tilespmem:s24+$0x2300]  }
0x196: {  	v51 =	vld [tilespmem:s24+$0x2380];
	_ =	sdelay $0x2  }
0x197: {  	v3 =	vmax.f32 v3, v37;
	v52 =	vmax.f32 v38, v39;
	v53 =	vmax.f32 v40, v41  }
0x198: {  	v54 =	vmax.f32 v42, v43;
	v55 =	vmax.f32 v44, v45;
	v56 =	vmax.f32 v46, v47  }
0x199: {  	v57 =	vmax.f32 v48, v49;
	v58 =	vmax.f32 v50, v51;
	v3 =	vmax.f32 v3, v52  }
0x19a: {  	v59 =	vmax.f32 v53, v54;
	v60 =	vmax.f32 v55, v56;
	v61 =	vmax.f32 v57, v58  }
0x19b: {  	v3 =	vmax.f32 v3, v59;
	v62 =	vmax.f32 v60, v61  }
0x19c: {  	v3 =	vmax.f32 v3, v62  }
0x19d: {  	[tilespmem:s25+$0x11800] =	vst v3  }
0x19e: {  	v3 =	vld [tilespmem:s24+$0x1810]  }
0x19f: {  	v63 =	vld [tilespmem:s24+$0x1890]  }
0x1a0: {  	v21 =	vld [tilespmem:s24+$0x1910]  }
0x1a1: {  	v22 =	vld [tilespmem:s24+$0x1990]  }
0x1a2: {  	v23 =	vld [tilespmem:s24+$0x1A10]  }
0x1a3: {  	v24 =	vld [tilespmem:s24+$0x1A90]  }
0x1a4: {  	v25 =	vld [tilespmem:s24+$0x1B10]  }
0x1a5: {  	v26 =	vld [tilespmem:s24+$0x1B90]  }
0x1a6: {  	v27 =	vld [tilespmem:s24+$0x2010]  }
0x1a7: {  	v28 =	vld [tilespmem:s24+$0x2090]  }
0x1a8: {  	v29 =	vld [tilespmem:s24+$0x2110]  }
0x1a9: {  	v30 =	vld [tilespmem:s24+$0x2190]  }
0x1aa: {  	v31 =	vld [tilespmem:s24+$0x2210]  }
0x1ab: {  	v32 =	vld [tilespmem:s24+$0x2290]  }
0x1ac: {  	v33 =	vld [tilespmem:s24+$0x2310]  }
0x1ad: {  	v34 =	vld [tilespmem:s24+$0x2390];
	_ =	sdelay $0x2  }
0x1ae: {  	v3 =	vmax.f32 v3, v63;
	v35 =	vmax.f32 v21, v22;
	v36 =	vmax.f32 v23, v24  }
0x1af: {  	v37 =	vmax.f32 v25, v26;
	v38 =	vmax.f32 v27, v28;
	v39 =	vmax.f32 v29, v30  }
0x1b0: {  	v40 =	vmax.f32 v31, v32;
	v41 =	vmax.f32 v33, v34;
	v3 =	vmax.f32 v3, v35  }
0x1b1: {  	v42 =	vmax.f32 v36, v37;
	v43 =	vmax.f32 v38, v39;
	v44 =	vmax.f32 v40, v41  }
0x1b2: {  	v3 =	vmax.f32 v3, v42;
	v45 =	vmax.f32 v43, v44  }
0x1b3: {  	v3 =	vmax.f32 v3, v45  }
0x1b4: {  	[tilespmem:s25+$0x11810] =	vst v3  }
0x1b5: {  	v3 =	vld [tilespmem:s24+$0x1820]  }
0x1b6: {  	v46 =	vld [tilespmem:s24+$0x18A0]  }
0x1b7: {  	v47 =	vld [tilespmem:s24+$0x1920]  }
0x1b8: {  	v48 =	vld [tilespmem:s24+$0x19A0]  }
0x1b9: {  	v49 =	vld [tilespmem:s24+$0x1A20]  }
0x1ba: {  	v50 =	vld [tilespmem:s24+$0x1AA0]  }
0x1bb: {  	v51 =	vld [tilespmem:s24+$0x1B20]  }
0x1bc: {  	v52 =	vld [tilespmem:s24+$0x1BA0]  }
0x1bd: {  	v53 =	vld [tilespmem:s24+$0x2020]  }
0x1be: {  	v54 =	vld [tilespmem:s24+$0x20A0]  }
0x1bf: {  	v55 =	vld [tilespmem:s24+$0x2120]  }
0x1c0: {  	v56 =	vld [tilespmem:s24+$0x21A0]  }
0x1c1: {  	v57 =	vld [tilespmem:s24+$0x2220]  }
0x1c2: {  	v58 =	vld [tilespmem:s24+$0x22A0]  }
0x1c3: {  	v59 =	vld [tilespmem:s24+$0x2320]  }
0x1c4: {  	v60 =	vld [tilespmem:s24+$0x23A0];
	_ =	sdelay $0x2  }
0x1c5: {  	v3 =	vmax.f32 v3, v46;
	v61 =	vmax.f32 v47, v48;
	v62 =	vmax.f32 v49, v50  }
0x1c6: {  	v63 =	vmax.f32 v51, v52;
	v12 =	vmax.f32 v53, v54;
	v14 =	vmax.f32 v55, v56  }
0x1c7: {  	v16 =	vmax.f32 v57, v58;
	v17 =	vmax.f32 v59, v60;
	v3 =	vmax.f32 v3, v61  }
0x1c8: {  	v18 =	vmax.f32 v62, v63;
	v19 =	vmax.f32 v12, v14;
	v20 =	vmax.f32 v16, v17  }
0x1c9: {  	v3 =	vmax.f32 v3, v18;
	v21 =	vmax.f32 v19, v20  }
0x1ca: {  	v3 =	vmax.f32 v3, v21  }
0x1cb: {  	[tilespmem:s25+$0x11820] =	vst v3  }
0x1cc: {  	v3 =	vld [tilespmem:s24+$0x1830]  }
0x1cd: {  	v22 =	vld [tilespmem:s24+$0x18B0]  }
0x1ce: {  	v23 =	vld [tilespmem:s24+$0x1930]  }
0x1cf: {  	v24 =	vld [tilespmem:s24+$0x19B0]  }
0x1d0: {  	v25 =	vld [tilespmem:s24+$0x1A30]  }
0x1d1: {  	v26 =	vld [tilespmem:s24+$0x1AB0]  }
0x1d2: {  	v27 =	vld [tilespmem:s24+$0x1B30]  }
0x1d3: {  	v28 =	vld [tilespmem:s24+$0x1BB0]  }
0x1d4: {  	v29 =	vld [tilespmem:s24+$0x2030]  }
0x1d5: {  	v30 =	vld [tilespmem:s24+$0x20B0]  }
0x1d6: {  	v31 =	vld [tilespmem:s24+$0x2130]  }
0x1d7: {  	v32 =	vld [tilespmem:s24+$0x21B0]  }
0x1d8: {  	v33 =	vld [tilespmem:s24+$0x2230]  }
0x1d9: {  	v34 =	vld [tilespmem:s24+$0x22B0]  }
0x1da: {  	v35 =	vld [tilespmem:s24+$0x2330]  }
0x1db: {  	v36 =	vld [tilespmem:s24+$0x23B0];
	_ =	sdelay $0x2  }
0x1dc: {  	v3 =	vmax.f32 v3, v22;
	v37 =	vmax.f32 v23, v24;
	v38 =	vmax.f32 v25, v26  }
0x1dd: {  	v39 =	vmax.f32 v27, v28;
	v40 =	vmax.f32 v29, v30;
	v41 =	vmax.f32 v31, v32  }
0x1de: {  	v42 =	vmax.f32 v33, v34;
	v43 =	vmax.f32 v35, v36;
	v3 =	vmax.f32 v3, v37  }
0x1df: {  	v44 =	vmax.f32 v38, v39;
	v45 =	vmax.f32 v40, v41;
	v46 =	vmax.f32 v42, v43  }
0x1e0: {  	v3 =	vmax.f32 v3, v44;
	v47 =	vmax.f32 v45, v46  }
0x1e1: {  	v3 =	vmax.f32 v3, v47  }
0x1e2: {  	[tilespmem:s25+$0x11830] =	vst v3  }
0x1e3: {  	v3 =	vld [tilespmem:s24+$0x1840]  }
0x1e4: {  	v48 =	vld [tilespmem:s24+$0x18C0]  }
0x1e5: {  	v49 =	vld [tilespmem:s24+$0x1940]  }
0x1e6: {  	v50 =	vld [tilespmem:s24+$0x19C0]  }
0x1e7: {  	v51 =	vld [tilespmem:s24+$0x1A40]  }
0x1e8: {  	v52 =	vld [tilespmem:s24+$0x1AC0]  }
0x1e9: {  	v53 =	vld [tilespmem:s24+$0x1B40]  }
0x1ea: {  	v54 =	vld [tilespmem:s24+$0x1BC0]  }
0x1eb: {  	v55 =	vld [tilespmem:s24+$0x2040]  }
0x1ec: {  	v56 =	vld [tilespmem:s24+$0x20C0]  }
0x1ed: {  	v57 =	vld [tilespmem:s24+$0x2140]  }
0x1ee: {  	v58 =	vld [tilespmem:s24+$0x21C0]  }
0x1ef: {  	v59 =	vld [tilespmem:s24+$0x2240]  }
0x1f0: {  	v60 =	vld [tilespmem:s24+$0x22C0]  }
0x1f1: {  	v61 =	vld [tilespmem:s24+$0x2340]  }
0x1f2: {  	v62 =	vld [tilespmem:s24+$0x23C0];
	_ =	sdelay $0x2  }
0x1f3: {  	v3 =	vmax.f32 v3, v48;
	v63 =	vmax.f32 v49, v50;
	v19 =	vmax.f32 v51, v52  }
0x1f4: {  	v20 =	vmax.f32 v53, v54;
	v21 =	vmax.f32 v55, v56;
	v22 =	vmax.f32 v57, v58  }
0x1f5: {  	v23 =	vmax.f32 v59, v60;
	v24 =	vmax.f32 v61, v62;
	v3 =	vmax.f32 v3, v63  }
0x1f6: {  	v25 =	vmax.f32 v19, v20;
	v26 =	vmax.f32 v21, v22;
	v27 =	vmax.f32 v23, v24  }
0x1f7: {  	v3 =	vmax.f32 v3, v25;
	v28 =	vmax.f32 v26, v27  }
0x1f8: {  	v3 =	vmax.f32 v3, v28  }
0x1f9: {  	[tilespmem:s25+$0x11840] =	vst v3  }
0x1fa: {  	v3 =	vld [tilespmem:s24+$0x1850]  }
0x1fb: {  	v29 =	vld [tilespmem:s24+$0x18D0]  }
0x1fc: {  	v30 =	vld [tilespmem:s24+$0x1950]  }
0x1fd: {  	v31 =	vld [tilespmem:s24+$0x19D0]  }
0x1fe: {  	v32 =	vld [tilespmem:s24+$0x1A50]  }
0x1ff: {  	v33 =	vld [tilespmem:s24+$0x1AD0]  }
0x200: {  	v34 =	vld [tilespmem:s24+$0x1B50]  }
0x201: {  	v35 =	vld [tilespmem:s24+$0x1BD0]  }
0x202: {  	v36 =	vld [tilespmem:s24+$0x2050]  }
0x203: {  	v37 =	vld [tilespmem:s24+$0x20D0]  }
0x204: {  	v38 =	vld [tilespmem:s24+$0x2150]  }
0x205: {  	v39 =	vld [tilespmem:s24+$0x21D0]  }
0x206: {  	v40 =	vld [tilespmem:s24+$0x2250]  }
0x207: {  	v41 =	vld [tilespmem:s24+$0x22D0]  }
0x208: {  	v42 =	vld [tilespmem:s24+$0x2350]  }
0x209: {  	v43 =	vld [tilespmem:s24+$0x23D0];
	_ =	sdelay $0x2  }
0x20a: {  	v3 =	vmax.f32 v3, v29;
	v44 =	vmax.f32 v30, v31;
	v45 =	vmax.f32 v32, v33  }
0x20b: {  	v46 =	vmax.f32 v34, v35;
	v47 =	vmax.f32 v36, v37;
	v48 =	vmax.f32 v38, v39  }
0x20c: {  	v49 =	vmax.f32 v40, v41;
	v50 =	vmax.f32 v42, v43;
	v3 =	vmax.f32 v3, v44  }
0x20d: {  	v51 =	vmax.f32 v45, v46;
	v52 =	vmax.f32 v47, v48;
	v53 =	vmax.f32 v49, v50  }
0x20e: {  	v3 =	vmax.f32 v3, v51;
	v54 =	vmax.f32 v52, v53  }
0x20f: {  	v3 =	vmax.f32 v3, v54  }
0x210: {  	[tilespmem:s25+$0x11850] =	vst v3  }
0x211: {  	v3 =	vld [tilespmem:s24+$0x1860]  }
0x212: {  	v55 =	vld [tilespmem:s24+$0x18E0]  }
0x213: {  	v56 =	vld [tilespmem:s24+$0x1960]  }
0x214: {  	v57 =	vld [tilespmem:s24+$0x19E0]  }
0x215: {  	v58 =	vld [tilespmem:s24+$0x1A60]  }
0x216: {  	v59 =	vld [tilespmem:s24+$0x1AE0]  }
0x217: {  	v60 =	vld [tilespmem:s24+$0x1B60]  }
0x218: {  	v61 =	vld [tilespmem:s24+$0x1BE0]  }
0x219: {  	v62 =	vld [tilespmem:s24+$0x2060]  }
0x21a: {  	v63 =	vld [tilespmem:s24+$0x20E0]  }
0x21b: {  	v21 =	vld [tilespmem:s24+$0x2160]  }
0x21c: {  	v22 =	vld [tilespmem:s24+$0x21E0]  }
0x21d: {  	v23 =	vld [tilespmem:s24+$0x2260]  }
0x21e: {  	v24 =	vld [tilespmem:s24+$0x22E0]  }
0x21f: {  	v25 =	vld [tilespmem:s24+$0x2360]  }
0x220: {  	v26 =	vld [tilespmem:s24+$0x23E0];
	_ =	sdelay $0x2  }
0x221: {  	v3 =	vmax.f32 v3, v55;
	v27 =	vmax.f32 v56, v57;
	v28 =	vmax.f32 v58, v59  }
0x222: {  	v29 =	vmax.f32 v60, v61;
	v30 =	vmax.f32 v62, v63;
	v31 =	vmax.f32 v21, v22  }
0x223: {  	v32 =	vmax.f32 v23, v24;
	v33 =	vmax.f32 v25, v26;
	v3 =	vmax.f32 v3, v27  }
0x224: {  	v34 =	vmax.f32 v28, v29;
	v35 =	vmax.f32 v30, v31;
	v36 =	vmax.f32 v32, v33  }
0x225: {  	v3 =	vmax.f32 v3, v34;
	v37 =	vmax.f32 v35, v36  }
0x226: {  	v3 =	vmax.f32 v3, v37  }
0x227: {  	[tilespmem:s25+$0x11860] =	vst v3  }
0x228: {  	v3 =	vld [tilespmem:s24+$0x1870]  }
0x229: {  	v38 =	vld [tilespmem:s24+$0x18F0]  }
0x22a: {  	v39 =	vld [tilespmem:s24+$0x1970]  }
0x22b: {  	v40 =	vld [tilespmem:s24+$0x19F0]  }
0x22c: {  	v41 =	vld [tilespmem:s24+$0x1A70]  }
0x22d: {  	v42 =	vld [tilespmem:s24+$0x1AF0]  }
0x22e: {  	v43 =	vld [tilespmem:s24+$0x1B70]  }
0x22f: {  	v44 =	vld [tilespmem:s24+$0x1BF0]  }
0x230: {  	v45 =	vld [tilespmem:s24+$0x2070]  }
0x231: {  	v46 =	vld [tilespmem:s24+$0x20F0]  }
0x232: {  	v47 =	vld [tilespmem:s24+$0x2170]  }
0x233: {  	v48 =	vld [tilespmem:s24+$0x21F0]  }
0x234: {  	v49 =	vld [tilespmem:s24+$0x2270]  }
0x235: {  	v50 =	vld [tilespmem:s24+$0x22F0]  }
0x236: {  	v51 =	vld [tilespmem:s24+$0x2370]  }
0x237: {  	v52 =	vld [tilespmem:s24+$0x23F0];
	_ =	sdelay $0x2  }
0x238: {  	v3 =	vmax.f32 v3, v38;
	v53 =	vmax.f32 v39, v40;
	v54 =	vmax.f32 v41, v42  }
0x239: {  	p1 =	sne.s32 s23, $0x7;
	v55 =	vmax.f32 v43, v44;
	v56 =	vmax.f32 v45, v46;
	v57 =	vmax.f32 v47, v48  }
.Ltmp2:
0x23a: {  	v58 =	vmax.f32 v49, v50;
	v59 =	vmax.f32 v51, v52;
	v3 =	vmax.f32 v3, v53;
	(pc) =	sbr.rel @p1 .LBB2_3-.Ltmp2, $4  }
0x23b: {  	v60 =	vmax.f32 v54, v55;
	v61 =	vmax.f32 v56, v57;
	v62 =	vmax.f32 v58, v59  }
0x23c: {  	v3 =	vmax.f32 v3, v60;
	v63 =	vmax.f32 v61, v62  }
0x23d: {  	v3 =	vmax.f32 v3, v63  }
0x23e: {  	s23 =	sadd.s32 $0x1, s23;
	[tilespmem:s25+$0x11870] =	vst v3  }
0x23f: {  	s23 =	sshll.u32 s22, $0x1  }
0x240: {  	s24 =	sadd.s32 s8, s23  }
0x241: {  	p1 =	seq.s32 s22, $0x13;
	s24 =	sshll.u32 s24, $0x8  }
.Ltmp3:
0x242: {  	s24 =	sadd.s32 s3, s24;
	(pc) =	sbr.rel @p1 .LBB2_6-.Ltmp3, $4  }
0x243: {  	[hbm4b:s24+s4] =	stream.linear.scatter [tilespmem:s20], [sflag:$0x3], $0x800, $0x38;
	[tilespmem:$0x11C00] =	vst v63  }
0x244: {  	_ =	swait.ge [sflag:s10], $0x800  }
0x245: {  	[sflag:s10] =	ssyncset.done $0x0  }
0x246: {  	[sflag:s10] =	ssyncadd.s32 $0xFFFFF800  }
0x247: {  	s24 =	sshll.u32 s22, $0x8  }
0x248: {  	s24 =	sand.u32 $0x3FFFFF00, s24  }
0x249: {  	v3 =	vld [tilespmem:s24+$0x100];
	_ =	sdelay $0x4  }
0x24a: {  	v4 =	vshll.u32 v3, $0x1  }
0x24b: {  	v3 =	vand.u32 $0x7, v3;
	v4 =	vand.u32 $0xFFFFFFF0, v4  }
0x24c: {  	v3 =	vor.u32 v3, v4  }
0x24d: {  	v4 =	vperm.xlane v3, v0;
	_ =	sdelay $0x1  }
0x24e: {  	v3 =	vperm.xlane v3, v2;
	v4 =	vadd.s32 v1, v4;
	_ =	sdelay $0x1  }
0x24f: {  	v3 =	vadd.s32 v1, v3;
	_ =	sdelay $0x1  }
0x250: {  	s25 =	simm.s32 $0x1400  }
0x251: {  	[tilespmem:s25], [sflag:$0x1] =	stream.indirect_vreg.gather [hbm4b:s1+s4], $0x80, v4, vm0, $0xb8;
	[tilespmem:$0x11C00] =	vst v63  }
0x252: {  	s26 =	simm.s32 $0x1C00  }
0x253: {  	[tilespmem:s26], [sflag:$0x1] =	stream.indirect_vreg.gather [hbm4b:s1+s4], $0x80, v3, vm0, $0xb8;
	[tilespmem:$0x11C00] =	vst v63  }
0x254: {  	v3 =	vld [tilespmem:s24+$0x110];
	_ =	sdelay $0x4  }
0x255: {  	v57 =	vshll.u32 v3, $0x1  }
0x256: {  	v3 =	vand.u32 $0x7, v3;
	v4 =	vand.u32 $0xFFFFFFF0, v57  }
0x257: {  	v3 =	vor.u32 v3, v4  }
0x258: {  	v4 =	vperm.xlane v3, v0;
	_ =	sdelay $0x1  }
0x259: {  	v3 =	vperm.xlane v3, v2;
	v4 =	vadd.s32 v1, v4;
	_ =	sdelay $0x1  }
0x25a: {  	v3 =	vadd.s32 v1, v3;
	_ =	sdelay $0x1  }
0x25b: {  	s26 =	simm.s32 $0x2400  }
0x25c: {  	[tilespmem:s26], [sflag:$0x1] =	stream.indirect_vreg.gather [hbm4b:s1+s4], $0x80, v4, vm0, $0xb8;
	[tilespmem:$0x11C00] =	vst v63  }
0x25d: {  	s26 =	simm.s32 $0x2C00  }
0x25e: {  	[tilespmem:s26], [sflag:$0x1] =	stream.indirect_vreg.gather [hbm4b:s1+s4], $0x80, v3, vm0, $0xb8;
	[tilespmem:$0x11C00] =	vst v63  }
0x25f: {  	v3 =	vld [tilespmem:s24+$0x120];
	_ =	sdelay $0x4  }
0x260: {  	v58 =	vshll.u32 v3, $0x1  }
0x261: {  	v3 =	vand.u32 $0x7, v3;
	v4 =	vand.u32 $0xFFFFFFF0, v58  }
0x262: {  	v3 =	vor.u32 v3, v4  }
0x263: {  	v4 =	vperm.xlane v3, v0;
	_ =	sdelay $0x1  }
0x264: {  	v3 =	vperm.xlane v3, v2;
	v4 =	vadd.s32 v1, v4;
	_ =	sdelay $0x1  }
0x265: {  	v3 =	vadd.s32 v1, v3;
	_ =	sdelay $0x1  }
0x266: {  	s26 =	simm.s32 $0x3400  }
0x267: {  	[tilespmem:s26], [sflag:$0x1] =	stream.indirect_vreg.gather [hbm4b:s1+s4], $0x80, v4, vm0, $0xb8;
	[tilespmem:$0x11C00] =	vst v63  }
0x268: {  	s26 =	simm.s32 $0x3C00  }
0x269: {  	[tilespmem:s26], [sflag:$0x1] =	stream.indirect_vreg.gather [hbm4b:s1+s4], $0x80, v3, vm0, $0xb8;
	[tilespmem:$0x11C00] =	vst v63  }
0x26a: {  	v3 =	vld [tilespmem:s24+$0x130];
	_ =	sdelay $0x4  }
0x26b: {  	v59 =	vshll.u32 v3, $0x1  }
0x26c: {  	v3 =	vand.u32 $0x7, v3;
	v4 =	vand.u32 $0xFFFFFFF0, v59  }
0x26d: {  	v3 =	vor.u32 v3, v4  }
0x26e: {  	v4 =	vperm.xlane v3, v0;
	_ =	sdelay $0x1  }
0x26f: {  	v3 =	vperm.xlane v3, v2;
	v4 =	vadd.s32 v1, v4;
	_ =	sdelay $0x1  }
0x270: {  	v3 =	vadd.s32 v1, v3;
	_ =	sdelay $0x1  }
0x271: {  	s26 =	simm.s32 $0x4400  }
0x272: {  	[tilespmem:s26], [sflag:$0x1] =	stream.indirect_vreg.gather [hbm4b:s1+s4], $0x80, v4, vm0, $0xb8;
	[tilespmem:$0x11C00] =	vst v63  }
0x273: {  	s26 =	simm.s32 $0x4C00  }
0x274: {  	[tilespmem:s26], [sflag:$0x1] =	stream.indirect_vreg.gather [hbm4b:s1+s4], $0x80, v3, vm0, $0xb8;
	[tilespmem:$0x11C00] =	vst v63  }
0x275: {  	v3 =	vld [tilespmem:s24+$0x140];
	_ =	sdelay $0x4  }
0x276: {  	v60 =	vshll.u32 v3, $0x1  }
0x277: {  	v3 =	vand.u32 $0x7, v3;
	v4 =	vand.u32 $0xFFFFFFF0, v60  }
0x278: {  	v3 =	vor.u32 v3, v4  }
0x279: {  	v4 =	vperm.xlane v3, v0;
	_ =	sdelay $0x1  }
0x27a: {  	v3 =	vperm.xlane v3, v2;
	v4 =	vadd.s32 v1, v4;
	_ =	sdelay $0x1  }
0x27b: {  	v3 =	vadd.s32 v1, v3;
	_ =	sdelay $0x1  }
0x27c: {  	s26 =	simm.s32 $0x5400  }
0x27d: {  	[tilespmem:s26], [sflag:$0x1] =	stream.indirect_vreg.gather [hbm4b:s1+s4], $0x80, v4, vm0, $0xb8;
	[tilespmem:$0x11C00] =	vst v63  }
0x27e: {  	s26 =	simm.s32 $0x5C00  }
0x27f: {  	[tilespmem:s26], [sflag:$0x1] =	stream.indirect_vreg.gather [hbm4b:s1+s4], $0x80, v3, vm0, $0xb8;
	[tilespmem:$0x11C00] =	vst v63  }
0x280: {  	v3 =	vld [tilespmem:s24+$0x150];
	_ =	sdelay $0x4  }
0x281: {  	v61 =	vshll.u32 v3, $0x1  }
0x282: {  	v3 =	vand.u32 $0x7, v3;
	v4 =	vand.u32 $0xFFFFFFF0, v61  }
0x283: {  	v3 =	vor.u32 v3, v4  }
0x284: {  	v4 =	vperm.xlane v3, v0;
	_ =	sdelay $0x1  }
0x285: {  	v3 =	vperm.xlane v3, v2;
	v4 =	vadd.s32 v1, v4;
	_ =	sdelay $0x1  }
0x286: {  	v3 =	vadd.s32 v1, v3;
	_ =	sdelay $0x1  }
0x287: {  	s26 =	simm.s32 $0x6400  }
0x288: {  	[tilespmem:s26], [sflag:$0x1] =	stream.indirect_vreg.gather [hbm4b:s1+s4], $0x80, v4, vm0, $0xb8;
	[tilespmem:$0x11C00] =	vst v63  }
0x289: {  	s26 =	simm.s32 $0x6C00  }
0x28a: {  	[tilespmem:s26], [sflag:$0x1] =	stream.indirect_vreg.gather [hbm4b:s1+s4], $0x80, v3, vm0, $0xb8;
	[tilespmem:$0x11C00] =	vst v63  }
0x28b: {  	v3 =	vld [tilespmem:s24+$0x160];
	_ =	sdelay $0x4  }
0x28c: {  	v62 =	vshll.u32 v3, $0x1  }
0x28d: {  	v3 =	vand.u32 $0x7, v3;
	v4 =	vand.u32 $0xFFFFFFF0, v62  }
0x28e: {  	v3 =	vor.u32 v3, v4  }
0x28f: {  	v4 =	vperm.xlane v3, v0;
	_ =	sdelay $0x1  }
0x290: {  	v3 =	vperm.xlane v3, v2;
	v4 =	vadd.s32 v1, v4;
	_ =	sdelay $0x1  }
0x291: {  	v3 =	vadd.s32 v1, v3;
	_ =	sdelay $0x1  }
0x292: {  	s26 =	simm.s32 $0x7400  }
0x293: {  	[tilespmem:s26], [sflag:$0x1] =	stream.indirect_vreg.gather [hbm4b:s1+s4], $0x80, v4, vm0, $0xb8;
	[tilespmem:$0x11C00] =	vst v63  }
0x294: {  	s26 =	simm.s32 $0x7C00  }
0x295: {  	[tilespmem:s26], [sflag:$0x1] =	stream.indirect_vreg.gather [hbm4b:s1+s4], $0x80, v3, vm0, $0xb8;
	[tilespmem:$0x11C00] =	vst v63  }
0x296: {  	v3 =	vld [tilespmem:s24+$0x170];
	_ =	sdelay $0x4  }
0x297: {  	v63 =	vshll.u32 v3, $0x1  }
0x298: {  	v3 =	vand.u32 $0x7, v3;
	v4 =	vand.u32 $0xFFFFFFF0, v63  }
0x299: {  	v3 =	vor.u32 v3, v4  }
0x29a: {  	v4 =	vperm.xlane v3, v0;
	_ =	sdelay $0x1  }
0x29b: {  	v3 =	vperm.xlane v3, v2;
	v4 =	vadd.s32 v1, v4;
	_ =	sdelay $0x1  }
0x29c: {  	v3 =	vadd.s32 v1, v3;
	_ =	sdelay $0x1  }
0x29d: {  	s26 =	simm.s32 $0x8400  }
0x29e: {  	[tilespmem:s26], [sflag:$0x1] =	stream.indirect_vreg.gather [hbm4b:s1+s4], $0x80, v4, vm0, $0xb8;
	[tilespmem:$0x11C00] =	vst v63  }
0x29f: {  	_ = 	snop  }
0x2a0: {  	[tilespmem:s28], [sflag:$0x1] =	stream.indirect_vreg.gather [hbm4b:s1+s4], $0x80, v3, vm0, $0xb8;
	[tilespmem:$0x11C00] =	vst v63  }
.LBB2_6:
0x2a1: {  	_ =	swait.ge [sflag:s21], $0x8000  }
0x2a2: {  	[sflag:s21] =	ssyncset.done $0x0  }
0x2a3: {  	s24 =	simm.s32 $0x0;
	[sflag:s21] =	ssyncadd.s32 $0xFFFF8000  }
.LBB2_7:
0x2a4: {  	s25 =	sshll.u32 s24, $0xC  }
0x2a5: {  	s25 =	sand.u32 $0x3FFFF000, s25  }
0x2a6: {  	v3 =	vld [tilespmem:s25+$0x9400]  }
0x2a7: {  	v4 =	vld [tilespmem:s25+$0x9480]  }
0x2a8: {  	v5 =	vld [tilespmem:s25+$0x9500]  }
0x2a9: {  	v6 =	vld [tilespmem:s25+$0x9580]  }
0x2aa: {  	v7 =	vld [tilespmem:s25+$0x9600]  }
0x2ab: {  	v8 =	vld [tilespmem:s25+$0x9680]  }
0x2ac: {  	v9 =	vld [tilespmem:s25+$0x9700]  }
0x2ad: {  	v10 =	vld [tilespmem:s25+$0x9780]  }
0x2ae: {  	v11 =	vld [tilespmem:s25+$0x9C00]  }
0x2af: {  	v12 =	vld [tilespmem:s25+$0x9C80]  }
0x2b0: {  	v13 =	vld [tilespmem:s25+$0x9D00]  }
0x2b1: {  	v14 =	vld [tilespmem:s25+$0x9D80]  }
0x2b2: {  	v15 =	vld [tilespmem:s25+$0x9E00]  }
0x2b3: {  	v16 =	vld [tilespmem:s25+$0x9E80]  }
0x2b4: {  	v17 =	vld [tilespmem:s25+$0x9F00]  }
0x2b5: {  	v18 =	vld [tilespmem:s25+$0x9F80];
	_ =	sdelay $0x2  }
0x2b6: {  	v3 =	vmax.f32 v3, v4;
	v26 =	vmax.f32 v5, v6;
	v27 =	vmax.f32 v7, v8  }
0x2b7: {  	v28 =	vmax.f32 v9, v10;
	v29 =	vmax.f32 v11, v12;
	v30 =	vmax.f32 v13, v14  }
0x2b8: {  	v31 =	vmax.f32 v15, v16;
	v32 =	vmax.f32 v17, v18;
	v3 =	vmax.f32 v3, v26  }
0x2b9: {  	v33 =	vmax.f32 v27, v28;
	v34 =	vmax.f32 v29, v30;
	v35 =	vmax.f32 v31, v32  }
0x2ba: {  	s26 =	sshll.u32 s24, $0x7;
	v3 =	vmax.f32 v3, v33;
	v36 =	vmax.f32 v34, v35  }
0x2bb: {  	s26 =	sand.u32 $0x3FFFFF80, s26;
	v3 =	vmax.f32 v3, v36  }
0x2bc: {  	[tilespmem:s26+$0x11400] =	vst v3  }
0x2bd: {  	v3 =	vld [tilespmem:s25+$0x9410]  }
0x2be: {  	v37 =	vld [tilespmem:s25+$0x9490]  }
0x2bf: {  	v38 =	vld [tilespmem:s25+$0x9510]  }
0x2c0: {  	v39 =	vld [tilespmem:s25+$0x9590]  }
0x2c1: {  	v40 =	vld [tilespmem:s25+$0x9610]  }
0x2c2: {  	v41 =	vld [tilespmem:s25+$0x9690]  }
0x2c3: {  	v42 =	vld [tilespmem:s25+$0x9710]  }
0x2c4: {  	v43 =	vld [tilespmem:s25+$0x9790]  }
0x2c5: {  	v44 =	vld [tilespmem:s25+$0x9C10]  }
0x2c6: {  	v45 =	vld [tilespmem:s25+$0x9C90]  }
0x2c7: {  	v46 =	vld [tilespmem:s25+$0x9D10]  }
0x2c8: {  	v47 =	vld [tilespmem:s25+$0x9D90]  }
0x2c9: {  	v48 =	vld [tilespmem:s25+$0x9E10]  }
0x2ca: {  	v49 =	vld [tilespmem:s25+$0x9E90]  }
0x2cb: {  	v50 =	vld [tilespmem:s25+$0x9F10]  }
0x2cc: {  	v51 =	vld [tilespmem:s25+$0x9F90];
	_ =	sdelay $0x2  }
0x2cd: {  	v3 =	vmax.f32 v3, v37;
	v52 =	vmax.f32 v38, v39;
	v53 =	vmax.f32 v40, v41  }
0x2ce: {  	v54 =	vmax.f32 v42, v43;
	v55 =	vmax.f32 v44, v45;
	v56 =	vmax.f32 v46, v47  }
0x2cf: {  	v57 =	vmax.f32 v48, v49;
	v58 =	vmax.f32 v50, v51;
	v3 =	vmax.f32 v3, v52  }
0x2d0: {  	v59 =	vmax.f32 v53, v54;
	v60 =	vmax.f32 v55, v56;
	v61 =	vmax.f32 v57, v58  }
0x2d1: {  	v3 =	vmax.f32 v3, v59;
	v62 =	vmax.f32 v60, v61  }
0x2d2: {  	v3 =	vmax.f32 v3, v62  }
0x2d3: {  	[tilespmem:s26+$0x11410] =	vst v3  }
0x2d4: {  	v3 =	vld [tilespmem:s25+$0x9420]  }
0x2d5: {  	v63 =	vld [tilespmem:s25+$0x94A0]  }
0x2d6: {  	v21 =	vld [tilespmem:s25+$0x9520]  }
0x2d7: {  	v22 =	vld [tilespmem:s25+$0x95A0]  }
0x2d8: {  	v23 =	vld [tilespmem:s25+$0x9620]  }
0x2d9: {  	v24 =	vld [tilespmem:s25+$0x96A0]  }
0x2da: {  	v25 =	vld [tilespmem:s25+$0x9720]  }
0x2db: {  	v26 =	vld [tilespmem:s25+$0x97A0]  }
0x2dc: {  	v27 =	vld [tilespmem:s25+$0x9C20]  }
0x2dd: {  	v28 =	vld [tilespmem:s25+$0x9CA0]  }
0x2de: {  	v29 =	vld [tilespmem:s25+$0x9D20]  }
0x2df: {  	v30 =	vld [tilespmem:s25+$0x9DA0]  }
0x2e0: {  	v31 =	vld [tilespmem:s25+$0x9E20]  }
0x2e1: {  	v32 =	vld [tilespmem:s25+$0x9EA0]  }
0x2e2: {  	v33 =	vld [tilespmem:s25+$0x9F20]  }
0x2e3: {  	v34 =	vld [tilespmem:s25+$0x9FA0];
	_ =	sdelay $0x2  }
0x2e4: {  	v3 =	vmax.f32 v3, v63;
	v35 =	vmax.f32 v21, v22;
	v36 =	vmax.f32 v23, v24  }
0x2e5: {  	v37 =	vmax.f32 v25, v26;
	v38 =	vmax.f32 v27, v28;
	v39 =	vmax.f32 v29, v30  }
0x2e6: {  	v40 =	vmax.f32 v31, v32;
	v41 =	vmax.f32 v33, v34;
	v3 =	vmax.f32 v3, v35  }
0x2e7: {  	v42 =	vmax.f32 v36, v37;
	v43 =	vmax.f32 v38, v39;
	v44 =	vmax.f32 v40, v41  }
0x2e8: {  	v3 =	vmax.f32 v3, v42;
	v45 =	vmax.f32 v43, v44  }
0x2e9: {  	v3 =	vmax.f32 v3, v45  }
0x2ea: {  	[tilespmem:s26+$0x11420] =	vst v3  }
0x2eb: {  	v3 =	vld [tilespmem:s25+$0x9430]  }
0x2ec: {  	v46 =	vld [tilespmem:s25+$0x94B0]  }
0x2ed: {  	v47 =	vld [tilespmem:s25+$0x9530]  }
0x2ee: {  	v48 =	vld [tilespmem:s25+$0x95B0]  }
0x2ef: {  	v49 =	vld [tilespmem:s25+$0x9630]  }
0x2f0: {  	v50 =	vld [tilespmem:s25+$0x96B0]  }
0x2f1: {  	v51 =	vld [tilespmem:s25+$0x9730]  }
0x2f2: {  	v52 =	vld [tilespmem:s25+$0x97B0]  }
0x2f3: {  	v53 =	vld [tilespmem:s25+$0x9C30]  }
0x2f4: {  	v54 =	vld [tilespmem:s25+$0x9CB0]  }
0x2f5: {  	v55 =	vld [tilespmem:s25+$0x9D30]  }
0x2f6: {  	v56 =	vld [tilespmem:s25+$0x9DB0]  }
0x2f7: {  	v57 =	vld [tilespmem:s25+$0x9E30]  }
0x2f8: {  	v58 =	vld [tilespmem:s25+$0x9EB0]  }
0x2f9: {  	v59 =	vld [tilespmem:s25+$0x9F30]  }
0x2fa: {  	v60 =	vld [tilespmem:s25+$0x9FB0];
	_ =	sdelay $0x2  }
0x2fb: {  	v3 =	vmax.f32 v3, v46;
	v61 =	vmax.f32 v47, v48;
	v62 =	vmax.f32 v49, v50  }
0x2fc: {  	v63 =	vmax.f32 v51, v52;
	v12 =	vmax.f32 v53, v54;
	v14 =	vmax.f32 v55, v56  }
0x2fd: {  	v15 =	vmax.f32 v57, v58;
	v16 =	vmax.f32 v59, v60;
	v3 =	vmax.f32 v3, v61  }
0x2fe: {  	v17 =	vmax.f32 v62, v63;
	v18 =	vmax.f32 v12, v14;
	v19 =	vmax.f32 v15, v16  }
0x2ff: {  	v3 =	vmax.f32 v3, v17;
	v20 =	vmax.f32 v18, v19  }
0x300: {  	v3 =	vmax.f32 v3, v20  }
0x301: {  	[tilespmem:s26+$0x11430] =	vst v3  }
0x302: {  	v3 =	vld [tilespmem:s25+$0x9440]  }
0x303: {  	v21 =	vld [tilespmem:s25+$0x94C0]  }
0x304: {  	v22 =	vld [tilespmem:s25+$0x9540]  }
0x305: {  	v23 =	vld [tilespmem:s25+$0x95C0]  }
0x306: {  	v24 =	vld [tilespmem:s25+$0x9640]  }
0x307: {  	v25 =	vld [tilespmem:s25+$0x96C0]  }
0x308: {  	v26 =	vld [tilespmem:s25+$0x9740]  }
0x309: {  	v27 =	vld [tilespmem:s25+$0x97C0]  }
0x30a: {  	v28 =	vld [tilespmem:s25+$0x9C40]  }
0x30b: {  	v29 =	vld [tilespmem:s25+$0x9CC0]  }
0x30c: {  	v30 =	vld [tilespmem:s25+$0x9D40]  }
0x30d: {  	v31 =	vld [tilespmem:s25+$0x9DC0]  }
0x30e: {  	v32 =	vld [tilespmem:s25+$0x9E40]  }
0x30f: {  	v33 =	vld [tilespmem:s25+$0x9EC0]  }
0x310: {  	v34 =	vld [tilespmem:s25+$0x9F40]  }
0x311: {  	v35 =	vld [tilespmem:s25+$0x9FC0];
	_ =	sdelay $0x2  }
0x312: {  	v3 =	vmax.f32 v3, v21;
	v36 =	vmax.f32 v22, v23;
	v37 =	vmax.f32 v24, v25  }
0x313: {  	v38 =	vmax.f32 v26, v27;
	v39 =	vmax.f32 v28, v29;
	v40 =	vmax.f32 v30, v31  }
0x314: {  	v41 =	vmax.f32 v32, v33;
	v42 =	vmax.f32 v34, v35;
	v3 =	vmax.f32 v3, v36  }
0x315: {  	v43 =	vmax.f32 v37, v38;
	v44 =	vmax.f32 v39, v40;
	v45 =	vmax.f32 v41, v42  }
0x316: {  	v3 =	vmax.f32 v3, v43;
	v46 =	vmax.f32 v44, v45  }
0x317: {  	v3 =	vmax.f32 v3, v46  }
0x318: {  	[tilespmem:s26+$0x11440] =	vst v3  }
0x319: {  	v3 =	vld [tilespmem:s25+$0x9450]  }
0x31a: {  	v47 =	vld [tilespmem:s25+$0x94D0]  }
0x31b: {  	v48 =	vld [tilespmem:s25+$0x9550]  }
0x31c: {  	v49 =	vld [tilespmem:s25+$0x95D0]  }
0x31d: {  	v50 =	vld [tilespmem:s25+$0x9650]  }
0x31e: {  	v51 =	vld [tilespmem:s25+$0x96D0]  }
0x31f: {  	v52 =	vld [tilespmem:s25+$0x9750]  }
0x320: {  	v53 =	vld [tilespmem:s25+$0x97D0]  }
0x321: {  	v54 =	vld [tilespmem:s25+$0x9C50]  }
0x322: {  	v55 =	vld [tilespmem:s25+$0x9CD0]  }
0x323: {  	v56 =	vld [tilespmem:s25+$0x9D50]  }
0x324: {  	v57 =	vld [tilespmem:s25+$0x9DD0]  }
0x325: {  	v58 =	vld [tilespmem:s25+$0x9E50]  }
0x326: {  	v59 =	vld [tilespmem:s25+$0x9ED0]  }
0x327: {  	v60 =	vld [tilespmem:s25+$0x9F50]  }
0x328: {  	v61 =	vld [tilespmem:s25+$0x9FD0];
	_ =	sdelay $0x2  }
0x329: {  	v3 =	vmax.f32 v3, v47;
	v62 =	vmax.f32 v48, v49;
	v63 =	vmax.f32 v50, v51  }
0x32a: {  	v19 =	vmax.f32 v52, v53;
	v20 =	vmax.f32 v54, v55;
	v21 =	vmax.f32 v56, v57  }
0x32b: {  	v22 =	vmax.f32 v58, v59;
	v23 =	vmax.f32 v60, v61;
	v3 =	vmax.f32 v3, v62  }
0x32c: {  	v24 =	vmax.f32 v63, v19;
	v25 =	vmax.f32 v20, v21;
	v26 =	vmax.f32 v22, v23  }
0x32d: {  	v3 =	vmax.f32 v3, v24;
	v27 =	vmax.f32 v25, v26  }
0x32e: {  	v3 =	vmax.f32 v3, v27  }
0x32f: {  	[tilespmem:s26+$0x11450] =	vst v3  }
0x330: {  	v3 =	vld [tilespmem:s25+$0x9460]  }
0x331: {  	v28 =	vld [tilespmem:s25+$0x94E0]  }
0x332: {  	v29 =	vld [tilespmem:s25+$0x9560]  }
0x333: {  	v30 =	vld [tilespmem:s25+$0x95E0]  }
0x334: {  	v31 =	vld [tilespmem:s25+$0x9660]  }
0x335: {  	v32 =	vld [tilespmem:s25+$0x96E0]  }
0x336: {  	v33 =	vld [tilespmem:s25+$0x9760]  }
0x337: {  	v34 =	vld [tilespmem:s25+$0x97E0]  }
0x338: {  	v35 =	vld [tilespmem:s25+$0x9C60]  }
0x339: {  	v36 =	vld [tilespmem:s25+$0x9CE0]  }
0x33a: {  	v37 =	vld [tilespmem:s25+$0x9D60]  }
0x33b: {  	v38 =	vld [tilespmem:s25+$0x9DE0]  }
0x33c: {  	v39 =	vld [tilespmem:s25+$0x9E60]  }
0x33d: {  	v40 =	vld [tilespmem:s25+$0x9EE0]  }
0x33e: {  	v41 =	vld [tilespmem:s25+$0x9F60]  }
0x33f: {  	v42 =	vld [tilespmem:s25+$0x9FE0];
	_ =	sdelay $0x2  }
0x340: {  	v3 =	vmax.f32 v3, v28;
	v43 =	vmax.f32 v29, v30;
	v44 =	vmax.f32 v31, v32  }
0x341: {  	v45 =	vmax.f32 v33, v34;
	v46 =	vmax.f32 v35, v36;
	v47 =	vmax.f32 v37, v38  }
0x342: {  	v48 =	vmax.f32 v39, v40;
	v49 =	vmax.f32 v41, v42;
	v3 =	vmax.f32 v3, v43  }
0x343: {  	v50 =	vmax.f32 v44, v45;
	v51 =	vmax.f32 v46, v47;
	v52 =	vmax.f32 v48, v49  }
0x344: {  	v3 =	vmax.f32 v3, v50;
	v53 =	vmax.f32 v51, v52  }
0x345: {  	v3 =	vmax.f32 v3, v53  }
0x346: {  	[tilespmem:s26+$0x11460] =	vst v3  }
0x347: {  	v3 =	vld [tilespmem:s25+$0x9470]  }
0x348: {  	v54 =	vld [tilespmem:s25+$0x94F0]  }
0x349: {  	v55 =	vld [tilespmem:s25+$0x9570]  }
0x34a: {  	v56 =	vld [tilespmem:s25+$0x95F0]  }
0x34b: {  	v57 =	vld [tilespmem:s25+$0x9670]  }
0x34c: {  	v58 =	vld [tilespmem:s25+$0x96F0]  }
0x34d: {  	v59 =	vld [tilespmem:s25+$0x9770]  }
0x34e: {  	v60 =	vld [tilespmem:s25+$0x97F0]  }
0x34f: {  	v61 =	vld [tilespmem:s25+$0x9C70]  }
0x350: {  	v62 =	vld [tilespmem:s25+$0x9CF0]  }
0x351: {  	v63 =	vld [tilespmem:s25+$0x9D70]  }
0x352: {  	v21 =	vld [tilespmem:s25+$0x9DF0]  }
0x353: {  	v22 =	vld [tilespmem:s25+$0x9E70]  }
0x354: {  	v23 =	vld [tilespmem:s25+$0x9EF0]  }
0x355: {  	v24 =	vld [tilespmem:s25+$0x9F70]  }
0x356: {  	v25 =	vld [tilespmem:s25+$0x9FF0];
	_ =	sdelay $0x2  }
0x357: {  	v3 =	vmax.f32 v3, v54;
	v26 =	vmax.f32 v55, v56;
	v27 =	vmax.f32 v57, v58  }
0x358: {  	v28 =	vmax.f32 v59, v60;
	v29 =	vmax.f32 v61, v62;
	v30 =	vmax.f32 v63, v21  }
0x359: {  	v31 =	vmax.f32 v22, v23;
	v32 =	vmax.f32 v24, v25;
	v3 =	vmax.f32 v3, v26  }
0x35a: {  	v33 =	vmax.f32 v27, v28;
	v34 =	vmax.f32 v29, v30;
	v35 =	vmax.f32 v31, v32  }
0x35b: {  	v3 =	vmax.f32 v3, v33;
	v36 =	vmax.f32 v34, v35  }
0x35c: {  	v3 =	vmax.f32 v3, v36  }
0x35d: {  	[tilespmem:s26+$0x11470] =	vst v3  }
0x35e: {  	v3 =	vld [tilespmem:s25+$0x9800]  }
0x35f: {  	v37 =	vld [tilespmem:s25+$0x9880]  }
0x360: {  	v38 =	vld [tilespmem:s25+$0x9900]  }
0x361: {  	v39 =	vld [tilespmem:s25+$0x9980]  }
0x362: {  	v40 =	vld [tilespmem:s25+$0x9A00]  }
0x363: {  	v41 =	vld [tilespmem:s25+$0x9A80]  }
0x364: {  	v42 =	vld [tilespmem:s25+$0x9B00]  }
0x365: {  	v43 =	vld [tilespmem:s25+$0x9B80]  }
0x366: {  	v44 =	vld [tilespmem:s25+$0xA000]  }
0x367: {  	v45 =	vld [tilespmem:s25+$0xA080]  }
0x368: {  	v46 =	vld [tilespmem:s25+$0xA100]  }
0x369: {  	v47 =	vld [tilespmem:s25+$0xA180]  }
0x36a: {  	v48 =	vld [tilespmem:s25+$0xA200]  }
0x36b: {  	v49 =	vld [tilespmem:s25+$0xA280]  }
0x36c: {  	v50 =	vld [tilespmem:s25+$0xA300]  }
0x36d: {  	v51 =	vld [tilespmem:s25+$0xA380];
	_ =	sdelay $0x2  }
0x36e: {  	v3 =	vmax.f32 v3, v37;
	v52 =	vmax.f32 v38, v39;
	v53 =	vmax.f32 v40, v41  }
0x36f: {  	v54 =	vmax.f32 v42, v43;
	v55 =	vmax.f32 v44, v45;
	v56 =	vmax.f32 v46, v47  }
0x370: {  	v57 =	vmax.f32 v48, v49;
	v58 =	vmax.f32 v50, v51;
	v3 =	vmax.f32 v3, v52  }
0x371: {  	v59 =	vmax.f32 v53, v54;
	v60 =	vmax.f32 v55, v56;
	v61 =	vmax.f32 v57, v58  }
0x372: {  	v3 =	vmax.f32 v3, v59;
	v62 =	vmax.f32 v60, v61  }
0x373: {  	v3 =	vmax.f32 v3, v62  }
0x374: {  	[tilespmem:s26+$0x11800] =	vst v3  }
0x375: {  	v3 =	vld [tilespmem:s25+$0x9810]  }
0x376: {  	v63 =	vld [tilespmem:s25+$0x9890]  }
0x377: {  	v21 =	vld [tilespmem:s25+$0x9910]  }
0x378: {  	v22 =	vld [tilespmem:s25+$0x9990]  }
0x379: {  	v23 =	vld [tilespmem:s25+$0x9A10]  }
0x37a: {  	v24 =	vld [tilespmem:s25+$0x9A90]  }
0x37b: {  	v25 =	vld [tilespmem:s25+$0x9B10]  }
0x37c: {  	v26 =	vld [tilespmem:s25+$0x9B90]  }
0x37d: {  	v27 =	vld [tilespmem:s25+$0xA010]  }
0x37e: {  	v28 =	vld [tilespmem:s25+$0xA090]  }
0x37f: {  	v29 =	vld [tilespmem:s25+$0xA110]  }
0x380: {  	v30 =	vld [tilespmem:s25+$0xA190]  }
0x381: {  	v31 =	vld [tilespmem:s25+$0xA210]  }
0x382: {  	v32 =	vld [tilespmem:s25+$0xA290]  }
0x383: {  	v33 =	vld [tilespmem:s25+$0xA310]  }
0x384: {  	v34 =	vld [tilespmem:s25+$0xA390];
	_ =	sdelay $0x2  }
0x385: {  	v3 =	vmax.f32 v3, v63;
	v35 =	vmax.f32 v21, v22;
	v36 =	vmax.f32 v23, v24  }
0x386: {  	v37 =	vmax.f32 v25, v26;
	v38 =	vmax.f32 v27, v28;
	v39 =	vmax.f32 v29, v30  }
0x387: {  	v40 =	vmax.f32 v31, v32;
	v41 =	vmax.f32 v33, v34;
	v3 =	vmax.f32 v3, v35  }
0x388: {  	v42 =	vmax.f32 v36, v37;
	v43 =	vmax.f32 v38, v39;
	v44 =	vmax.f32 v40, v41  }
0x389: {  	v3 =	vmax.f32 v3, v42;
	v45 =	vmax.f32 v43, v44  }
0x38a: {  	v3 =	vmax.f32 v3, v45  }
0x38b: {  	[tilespmem:s26+$0x11810] =	vst v3  }
0x38c: {  	v3 =	vld [tilespmem:s25+$0x9820]  }
0x38d: {  	v46 =	vld [tilespmem:s25+$0x98A0]  }
0x38e: {  	v47 =	vld [tilespmem:s25+$0x9920]  }
0x38f: {  	v48 =	vld [tilespmem:s25+$0x99A0]  }
0x390: {  	v49 =	vld [tilespmem:s25+$0x9A20]  }
0x391: {  	v50 =	vld [tilespmem:s25+$0x9AA0]  }
0x392: {  	v51 =	vld [tilespmem:s25+$0x9B20]  }
0x393: {  	v52 =	vld [tilespmem:s25+$0x9BA0]  }
0x394: {  	v53 =	vld [tilespmem:s25+$0xA020]  }
0x395: {  	v54 =	vld [tilespmem:s25+$0xA0A0]  }
0x396: {  	v55 =	vld [tilespmem:s25+$0xA120]  }
0x397: {  	v56 =	vld [tilespmem:s25+$0xA1A0]  }
0x398: {  	v57 =	vld [tilespmem:s25+$0xA220]  }
0x399: {  	v58 =	vld [tilespmem:s25+$0xA2A0]  }
0x39a: {  	v59 =	vld [tilespmem:s25+$0xA320]  }
0x39b: {  	v60 =	vld [tilespmem:s25+$0xA3A0];
	_ =	sdelay $0x2  }
0x39c: {  	v3 =	vmax.f32 v3, v46;
	v61 =	vmax.f32 v47, v48;
	v62 =	vmax.f32 v49, v50  }
0x39d: {  	v63 =	vmax.f32 v51, v52;
	v12 =	vmax.f32 v53, v54;
	v14 =	vmax.f32 v55, v56  }
0x39e: {  	v16 =	vmax.f32 v57, v58;
	v17 =	vmax.f32 v59, v60;
	v3 =	vmax.f32 v3, v61  }
0x39f: {  	v18 =	vmax.f32 v62, v63;
	v19 =	vmax.f32 v12, v14;
	v20 =	vmax.f32 v16, v17  }
0x3a0: {  	v3 =	vmax.f32 v3, v18;
	v21 =	vmax.f32 v19, v20  }
0x3a1: {  	v3 =	vmax.f32 v3, v21  }
0x3a2: {  	[tilespmem:s26+$0x11820] =	vst v3  }
0x3a3: {  	v3 =	vld [tilespmem:s25+$0x9830]  }
0x3a4: {  	v22 =	vld [tilespmem:s25+$0x98B0]  }
0x3a5: {  	v23 =	vld [tilespmem:s25+$0x9930]  }
0x3a6: {  	v24 =	vld [tilespmem:s25+$0x99B0]  }
0x3a7: {  	v25 =	vld [tilespmem:s25+$0x9A30]  }
0x3a8: {  	v26 =	vld [tilespmem:s25+$0x9AB0]  }
0x3a9: {  	v27 =	vld [tilespmem:s25+$0x9B30]  }
0x3aa: {  	v28 =	vld [tilespmem:s25+$0x9BB0]  }
0x3ab: {  	v29 =	vld [tilespmem:s25+$0xA030]  }
0x3ac: {  	v30 =	vld [tilespmem:s25+$0xA0B0]  }
0x3ad: {  	v31 =	vld [tilespmem:s25+$0xA130]  }
0x3ae: {  	v32 =	vld [tilespmem:s25+$0xA1B0]  }
0x3af: {  	v33 =	vld [tilespmem:s25+$0xA230]  }
0x3b0: {  	v34 =	vld [tilespmem:s25+$0xA2B0]  }
0x3b1: {  	v35 =	vld [tilespmem:s25+$0xA330]  }
0x3b2: {  	v36 =	vld [tilespmem:s25+$0xA3B0];
	_ =	sdelay $0x2  }
0x3b3: {  	v3 =	vmax.f32 v3, v22;
	v37 =	vmax.f32 v23, v24;
	v38 =	vmax.f32 v25, v26  }
0x3b4: {  	v39 =	vmax.f32 v27, v28;
	v40 =	vmax.f32 v29, v30;
	v41 =	vmax.f32 v31, v32  }
0x3b5: {  	v42 =	vmax.f32 v33, v34;
	v43 =	vmax.f32 v35, v36;
	v3 =	vmax.f32 v3, v37  }
0x3b6: {  	v44 =	vmax.f32 v38, v39;
	v45 =	vmax.f32 v40, v41;
	v46 =	vmax.f32 v42, v43  }
0x3b7: {  	v3 =	vmax.f32 v3, v44;
	v47 =	vmax.f32 v45, v46  }
0x3b8: {  	v3 =	vmax.f32 v3, v47  }
0x3b9: {  	[tilespmem:s26+$0x11830] =	vst v3  }
0x3ba: {  	v3 =	vld [tilespmem:s25+$0x9840]  }
0x3bb: {  	v48 =	vld [tilespmem:s25+$0x98C0]  }
0x3bc: {  	v49 =	vld [tilespmem:s25+$0x9940]  }
0x3bd: {  	v50 =	vld [tilespmem:s25+$0x99C0]  }
0x3be: {  	v51 =	vld [tilespmem:s25+$0x9A40]  }
0x3bf: {  	v52 =	vld [tilespmem:s25+$0x9AC0]  }
0x3c0: {  	v53 =	vld [tilespmem:s25+$0x9B40]  }
0x3c1: {  	v54 =	vld [tilespmem:s25+$0x9BC0]  }
0x3c2: {  	v55 =	vld [tilespmem:s25+$0xA040]  }
0x3c3: {  	v56 =	vld [tilespmem:s25+$0xA0C0]  }
0x3c4: {  	v57 =	vld [tilespmem:s25+$0xA140]  }
0x3c5: {  	v58 =	vld [tilespmem:s25+$0xA1C0]  }
0x3c6: {  	v59 =	vld [tilespmem:s25+$0xA240]  }
0x3c7: {  	v60 =	vld [tilespmem:s25+$0xA2C0]  }
0x3c8: {  	v61 =	vld [tilespmem:s25+$0xA340]  }
0x3c9: {  	v62 =	vld [tilespmem:s25+$0xA3C0];
	_ =	sdelay $0x2  }
0x3ca: {  	v3 =	vmax.f32 v3, v48;
	v63 =	vmax.f32 v49, v50;
	v19 =	vmax.f32 v51, v52  }
0x3cb: {  	v20 =	vmax.f32 v53, v54;
	v21 =	vmax.f32 v55, v56;
	v22 =	vmax.f32 v57, v58  }
0x3cc: {  	v23 =	vmax.f32 v59, v60;
	v24 =	vmax.f32 v61, v62;
	v3 =	vmax.f32 v3, v63  }
0x3cd: {  	v25 =	vmax.f32 v19, v20;
	v26 =	vmax.f32 v21, v22;
	v27 =	vmax.f32 v23, v24  }
0x3ce: {  	v3 =	vmax.f32 v3, v25;
	v28 =	vmax.f32 v26, v27  }
0x3cf: {  	v3 =	vmax.f32 v3, v28  }
0x3d0: {  	[tilespmem:s26+$0x11840] =	vst v3  }
0x3d1: {  	v3 =	vld [tilespmem:s25+$0x9850]  }
0x3d2: {  	v29 =	vld [tilespmem:s25+$0x98D0]  }
0x3d3: {  	v30 =	vld [tilespmem:s25+$0x9950]  }
0x3d4: {  	v31 =	vld [tilespmem:s25+$0x99D0]  }
0x3d5: {  	v32 =	vld [tilespmem:s25+$0x9A50]  }
0x3d6: {  	v33 =	vld [tilespmem:s25+$0x9AD0]  }
0x3d7: {  	v34 =	vld [tilespmem:s25+$0x9B50]  }
0x3d8: {  	v35 =	vld [tilespmem:s25+$0x9BD0]  }
0x3d9: {  	v36 =	vld [tilespmem:s25+$0xA050]  }
0x3da: {  	v37 =	vld [tilespmem:s25+$0xA0D0]  }
0x3db: {  	v38 =	vld [tilespmem:s25+$0xA150]  }
0x3dc: {  	v39 =	vld [tilespmem:s25+$0xA1D0]  }
0x3dd: {  	v40 =	vld [tilespmem:s25+$0xA250]  }
0x3de: {  	v41 =	vld [tilespmem:s25+$0xA2D0]  }
0x3df: {  	v42 =	vld [tilespmem:s25+$0xA350]  }
0x3e0: {  	v43 =	vld [tilespmem:s25+$0xA3D0];
	_ =	sdelay $0x2  }
0x3e1: {  	v3 =	vmax.f32 v3, v29;
	v44 =	vmax.f32 v30, v31;
	v45 =	vmax.f32 v32, v33  }
0x3e2: {  	v46 =	vmax.f32 v34, v35;
	v47 =	vmax.f32 v36, v37;
	v48 =	vmax.f32 v38, v39  }
0x3e3: {  	v49 =	vmax.f32 v40, v41;
	v50 =	vmax.f32 v42, v43;
	v3 =	vmax.f32 v3, v44  }
0x3e4: {  	v51 =	vmax.f32 v45, v46;
	v52 =	vmax.f32 v47, v48;
	v53 =	vmax.f32 v49, v50  }
0x3e5: {  	v3 =	vmax.f32 v3, v51;
	v54 =	vmax.f32 v52, v53  }
0x3e6: {  	v3 =	vmax.f32 v3, v54  }
0x3e7: {  	[tilespmem:s26+$0x11850] =	vst v3  }
0x3e8: {  	v3 =	vld [tilespmem:s25+$0x9860]  }
0x3e9: {  	v55 =	vld [tilespmem:s25+$0x98E0]  }
0x3ea: {  	v56 =	vld [tilespmem:s25+$0x9960]  }
0x3eb: {  	v57 =	vld [tilespmem:s25+$0x99E0]  }
0x3ec: {  	v58 =	vld [tilespmem:s25+$0x9A60]  }
0x3ed: {  	v59 =	vld [tilespmem:s25+$0x9AE0]  }
0x3ee: {  	v60 =	vld [tilespmem:s25+$0x9B60]  }
0x3ef: {  	v61 =	vld [tilespmem:s25+$0x9BE0]  }
0x3f0: {  	v62 =	vld [tilespmem:s25+$0xA060]  }
0x3f1: {  	v63 =	vld [tilespmem:s25+$0xA0E0]  }
0x3f2: {  	v21 =	vld [tilespmem:s25+$0xA160]  }
0x3f3: {  	v22 =	vld [tilespmem:s25+$0xA1E0]  }
0x3f4: {  	v23 =	vld [tilespmem:s25+$0xA260]  }
0x3f5: {  	v24 =	vld [tilespmem:s25+$0xA2E0]  }
0x3f6: {  	v25 =	vld [tilespmem:s25+$0xA360]  }
0x3f7: {  	v26 =	vld [tilespmem:s25+$0xA3E0];
	_ =	sdelay $0x2  }
0x3f8: {  	v3 =	vmax.f32 v3, v55;
	v27 =	vmax.f32 v56, v57;
	v28 =	vmax.f32 v58, v59  }
0x3f9: {  	v29 =	vmax.f32 v60, v61;
	v30 =	vmax.f32 v62, v63;
	v31 =	vmax.f32 v21, v22  }
0x3fa: {  	v32 =	vmax.f32 v23, v24;
	v33 =	vmax.f32 v25, v26;
	v3 =	vmax.f32 v3, v27  }
0x3fb: {  	v34 =	vmax.f32 v28, v29;
	v35 =	vmax.f32 v30, v31;
	v36 =	vmax.f32 v32, v33  }
0x3fc: {  	v3 =	vmax.f32 v3, v34;
	v37 =	vmax.f32 v35, v36  }
0x3fd: {  	v3 =	vmax.f32 v3, v37  }
0x3fe: {  	[tilespmem:s26+$0x11860] =	vst v3  }
0x3ff: {  	v3 =	vld [tilespmem:s25+$0x9870]  }
0x400: {  	v38 =	vld [tilespmem:s25+$0x98F0]  }
0x401: {  	v39 =	vld [tilespmem:s25+$0x9970]  }
0x402: {  	v40 =	vld [tilespmem:s25+$0x99F0]  }
0x403: {  	v41 =	vld [tilespmem:s25+$0x9A70]  }
0x404: {  	v42 =	vld [tilespmem:s25+$0x9AF0]  }
0x405: {  	v43 =	vld [tilespmem:s25+$0x9B70]  }
0x406: {  	v44 =	vld [tilespmem:s25+$0x9BF0]  }
0x407: {  	v45 =	vld [tilespmem:s25+$0xA070]  }
0x408: {  	v46 =	vld [tilespmem:s25+$0xA0F0]  }
0x409: {  	v47 =	vld [tilespmem:s25+$0xA170]  }
0x40a: {  	v48 =	vld [tilespmem:s25+$0xA1F0]  }
0x40b: {  	v49 =	vld [tilespmem:s25+$0xA270]  }
0x40c: {  	v50 =	vld [tilespmem:s25+$0xA2F0]  }
0x40d: {  	v51 =	vld [tilespmem:s25+$0xA370]  }
0x40e: {  	v52 =	vld [tilespmem:s25+$0xA3F0];
	_ =	sdelay $0x2  }
0x40f: {  	v3 =	vmax.f32 v3, v38;
	v53 =	vmax.f32 v39, v40;
	v54 =	vmax.f32 v41, v42  }
0x410: {  	p2 =	sne.s32 s24, $0x7;
	v55 =	vmax.f32 v43, v44;
	v56 =	vmax.f32 v45, v46;
	v57 =	vmax.f32 v47, v48  }
.Ltmp4:
0x411: {  	v58 =	vmax.f32 v49, v50;
	v59 =	vmax.f32 v51, v52;
	v3 =	vmax.f32 v3, v53;
	(pc) =	sbr.rel @p2 .LBB2_7-.Ltmp4, $4  }
0x412: {  	v60 =	vmax.f32 v54, v55;
	v61 =	vmax.f32 v56, v57;
	v62 =	vmax.f32 v58, v59  }
0x413: {  	v3 =	vmax.f32 v3, v60;
	v63 =	vmax.f32 v61, v62  }
0x414: {  	v3 =	vmax.f32 v3, v63  }
0x415: {  	s24 =	sadd.s32 $0x1, s24;
	[tilespmem:s26+$0x11870] =	vst v3  }
0x416: {  	s23 =	sor.u32 $0x1, s23  }
0x417: {  	p2 =	sgt.u32 @!p0 s23, $0x26  }
0x418: {  	p2 =	por p0, !p2  }
.Ltmp5:
0x419: {  	_ = 	snop;
	(pc) =	sbr.rel @!p2 .LBB2_10-.Ltmp5, $1  }
0x41a: {  	_ =	sdelay $0x3  }
0x41b: {  	p2 =	slt.u32 s23, $0x27;
	s23 =	sadd.s32 s8, s23;
	s24 =	smov.u32 s5  }
0x41c: {  	s24 =	smov.u32 @p2 s23  }
0x41d: {  	s23 =	sshll.u32 s24, $0x8  }
0x41e: {  	s23 =	sand.u32 $0x1FFFFF00, s23  }
0x41f: {  	s23 =	sadd.s32 s3, s23  }
0x420: {  	[hbm4b:s23+s4] =	stream.linear.scatter [tilespmem:s20], [sflag:$0x3], $0x800, $0x38;
	[tilespmem:$0x11C00] =	vst v63  }
0x421: {  	_ =	swait.ge [sflag:s10], $0x800  }
0x422: {  	[sflag:s10] =	ssyncset.done $0x0  }
0x423: {  	[sflag:s10] =	ssyncadd.s32 $0xFFFFF800  }
.LBB2_10:
.Ltmp6:
0x424: {  	(pc) =	sbr.rel @p1 .LBB2_12-.Ltmp6, $1  }
0x425: {  	_ =	sdelay $0x3  }
0x426: {  	s23 =	sshll.u32 s22, $0x8  }
0x427: {  	s23 =	sand.u32 $0x3FFFFF00, s23  }
0x428: {  	v3 =	vld [tilespmem:s23+$0x180];
	_ =	sdelay $0x4  }
0x429: {  	v4 =	vshll.u32 v3, $0x1  }
0x42a: {  	v3 =	vand.u32 $0x7, v3;
	v4 =	vand.u32 $0xFFFFFFF0, v4  }
0x42b: {  	v3 =	vor.u32 v3, v4  }
0x42c: {  	v4 =	vperm.xlane v3, v0;
	_ =	sdelay $0x1  }
0x42d: {  	v3 =	vperm.xlane v3, v2;
	v4 =	vadd.s32 v1, v4;
	_ =	sdelay $0x1  }
0x42e: {  	v3 =	vadd.s32 v1, v3;
	_ =	sdelay $0x2  }
0x42f: {  	[tilespmem:s29], [sflag:$0x2] =	stream.indirect_vreg.gather [hbm4b:s1+s4], $0x80, v4, vm0, $0xb8;
	[tilespmem:$0x11C00] =	vst v63  }
0x430: {  	_ = 	snop  }
0x431: {  	[tilespmem:s30], [sflag:$0x2] =	stream.indirect_vreg.gather [hbm4b:s1+s4], $0x80, v3, vm0, $0xb8;
	[tilespmem:$0x11C00] =	vst v63  }
0x432: {  	v3 =	vld [tilespmem:s23+$0x190];
	_ =	sdelay $0x4  }
0x433: {  	v57 =	vshll.u32 v3, $0x1  }
0x434: {  	v3 =	vand.u32 $0x7, v3;
	v4 =	vand.u32 $0xFFFFFFF0, v57  }
0x435: {  	v3 =	vor.u32 v3, v4  }
0x436: {  	v4 =	vperm.xlane v3, v0;
	_ =	sdelay $0x1  }
0x437: {  	v3 =	vperm.xlane v3, v2;
	v4 =	vadd.s32 v1, v4;
	_ =	sdelay $0x1  }
0x438: {  	v3 =	vadd.s32 v1, v3;
	_ =	sdelay $0x2  }
0x439: {  	[tilespmem:s31], [sflag:$0x2] =	stream.indirect_vreg.gather [hbm4b:s1+s4], $0x80, v4, vm0, $0xb8;
	[tilespmem:$0x11C00] =	vst v63  }
0x43a: {  	_ = 	snop  }
0x43b: {  	[tilespmem:s0], [sflag:$0x2] =	stream.indirect_vreg.gather [hbm4b:s1+s4], $0x80, v3, vm0, $0xb8;
	[tilespmem:$0x11C00] =	vst v63  }
0x43c: {  	v3 =	vld [tilespmem:s23+$0x1A0];
	_ =	sdelay $0x4  }
0x43d: {  	v58 =	vshll.u32 v3, $0x1  }
0x43e: {  	v3 =	vand.u32 $0x7, v3;
	v4 =	vand.u32 $0xFFFFFFF0, v58  }
0x43f: {  	v3 =	vor.u32 v3, v4  }
0x440: {  	v4 =	vperm.xlane v3, v0;
	_ =	sdelay $0x1  }
0x441: {  	v3 =	vperm.xlane v3, v2;
	v4 =	vadd.s32 v1, v4;
	_ =	sdelay $0x1  }
0x442: {  	v3 =	vadd.s32 v1, v3;
	_ =	sdelay $0x2  }
0x443: {  	[tilespmem:s2], [sflag:$0x2] =	stream.indirect_vreg.gather [hbm4b:s1+s4], $0x80, v4, vm0, $0xb8;
	[tilespmem:$0x11C00] =	vst v63  }
0x444: {  	_ = 	snop  }
0x445: {  	[tilespmem:s11], [sflag:$0x2] =	stream.indirect_vreg.gather [hbm4b:s1+s4], $0x80, v3, vm0, $0xb8;
	[tilespmem:$0x11C00] =	vst v63  }
0x446: {  	v3 =	vld [tilespmem:s23+$0x1B0];
	_ =	sdelay $0x4  }
0x447: {  	v59 =	vshll.u32 v3, $0x1  }
0x448: {  	v3 =	vand.u32 $0x7, v3;
	v4 =	vand.u32 $0xFFFFFFF0, v59  }
0x449: {  	v3 =	vor.u32 v3, v4  }
0x44a: {  	v4 =	vperm.xlane v3, v0;
	_ =	sdelay $0x1  }
0x44b: {  	v3 =	vperm.xlane v3, v2;
	v4 =	vadd.s32 v1, v4;
	_ =	sdelay $0x1  }
0x44c: {  	v3 =	vadd.s32 v1, v3;
	_ =	sdelay $0x2  }
0x44d: {  	[tilespmem:s6], [sflag:$0x2] =	stream.indirect_vreg.gather [hbm4b:s1+s4], $0x80, v4, vm0, $0xb8;
	[tilespmem:$0x11C00] =	vst v63  }
0x44e: {  	_ = 	snop  }
0x44f: {  	[tilespmem:s7], [sflag:$0x2] =	stream.indirect_vreg.gather [hbm4b:s1+s4], $0x80, v3, vm0, $0xb8;
	[tilespmem:$0x11C00] =	vst v63  }
0x450: {  	v3 =	vld [tilespmem:s23+$0x1C0];
	_ =	sdelay $0x4  }
0x451: {  	v60 =	vshll.u32 v3, $0x1  }
0x452: {  	v3 =	vand.u32 $0x7, v3;
	v4 =	vand.u32 $0xFFFFFFF0, v60  }
0x453: {  	v3 =	vor.u32 v3, v4  }
0x454: {  	v4 =	vperm.xlane v3, v0;
	_ =	sdelay $0x1  }
0x455: {  	v3 =	vperm.xlane v3, v2;
	v4 =	vadd.s32 v1, v4;
	_ =	sdelay $0x1  }
0x456: {  	v3 =	vadd.s32 v1, v3;
	_ =	sdelay $0x2  }
0x457: {  	[tilespmem:s9], [sflag:$0x2] =	stream.indirect_vreg.gather [hbm4b:s1+s4], $0x80, v4, vm0, $0xb8;
	[tilespmem:$0x11C00] =	vst v63  }
0x458: {  	_ = 	snop  }
0x459: {  	[tilespmem:s12], [sflag:$0x2] =	stream.indirect_vreg.gather [hbm4b:s1+s4], $0x80, v3, vm0, $0xb8;
	[tilespmem:$0x11C00] =	vst v63  }
0x45a: {  	v3 =	vld [tilespmem:s23+$0x1D0];
	_ =	sdelay $0x4  }
0x45b: {  	v61 =	vshll.u32 v3, $0x1  }
0x45c: {  	v3 =	vand.u32 $0x7, v3;
	v4 =	vand.u32 $0xFFFFFFF0, v61  }
0x45d: {  	v3 =	vor.u32 v3, v4  }
0x45e: {  	v4 =	vperm.xlane v3, v0;
	_ =	sdelay $0x1  }
0x45f: {  	v3 =	vperm.xlane v3, v2;
	v4 =	vadd.s32 v1, v4;
	_ =	sdelay $0x1  }
0x460: {  	v3 =	vadd.s32 v1, v3;
	_ =	sdelay $0x2  }
0x461: {  	[tilespmem:s13], [sflag:$0x2] =	stream.indirect_vreg.gather [hbm4b:s1+s4], $0x80, v4, vm0, $0xb8;
	[tilespmem:$0x11C00] =	vst v63  }
0x462: {  	_ = 	snop  }
0x463: {  	[tilespmem:s14], [sflag:$0x2] =	stream.indirect_vreg.gather [hbm4b:s1+s4], $0x80, v3, vm0, $0xb8;
	[tilespmem:$0x11C00] =	vst v63  }
0x464: {  	v3 =	vld [tilespmem:s23+$0x1E0];
	_ =	sdelay $0x4  }
0x465: {  	v62 =	vshll.u32 v3, $0x1  }
0x466: {  	v3 =	vand.u32 $0x7, v3;
	v4 =	vand.u32 $0xFFFFFFF0, v62  }
0x467: {  	v3 =	vor.u32 v3, v4  }
0x468: {  	v4 =	vperm.xlane v3, v0;
	_ =	sdelay $0x1  }
0x469: {  	v3 =	vperm.xlane v3, v2;
	v4 =	vadd.s32 v1, v4;
	_ =	sdelay $0x1  }
0x46a: {  	v3 =	vadd.s32 v1, v3;
	_ =	sdelay $0x2  }
0x46b: {  	[tilespmem:s15], [sflag:$0x2] =	stream.indirect_vreg.gather [hbm4b:s1+s4], $0x80, v4, vm0, $0xb8;
	[tilespmem:$0x11C00] =	vst v63  }
0x46c: {  	_ = 	snop  }
0x46d: {  	[tilespmem:s16], [sflag:$0x2] =	stream.indirect_vreg.gather [hbm4b:s1+s4], $0x80, v3, vm0, $0xb8;
	[tilespmem:$0x11C00] =	vst v63  }
0x46e: {  	v3 =	vld [tilespmem:s23+$0x1F0];
	_ =	sdelay $0x4  }
0x46f: {  	v63 =	vshll.u32 v3, $0x1  }
0x470: {  	v3 =	vand.u32 $0x7, v3;
	v4 =	vand.u32 $0xFFFFFFF0, v63  }
0x471: {  	v3 =	vor.u32 v3, v4  }
0x472: {  	v4 =	vperm.xlane v3, v0;
	_ =	sdelay $0x1  }
0x473: {  	v3 =	vperm.xlane v3, v2;
	v4 =	vadd.s32 v1, v4;
	_ =	sdelay $0x1  }
0x474: {  	v3 =	vadd.s32 v1, v3  }
.Ltmp7:
0x475: {  	_ = 	snop;
	(pc) =	sbr.rel .LBB2_2-.Ltmp7, $4  }
0x476: {  	_ = 	snop  }
0x477: {  	[tilespmem:s17], [sflag:$0x2] =	stream.indirect_vreg.gather [hbm4b:s1+s4], $0x80, v4, vm0, $0xb8;
	[tilespmem:$0x11C00] =	vst v63  }
0x478: {  	s22 =	sadd.s32 $0x1, s22  }
0x479: {  	[tilespmem:s18], [sflag:$0x2] =	stream.indirect_vreg.gather [hbm4b:s1+s4], $0x80, v3, vm0, $0xb8;
	[tilespmem:$0x11C00] =	vst v63  }
.LBB2_13:
0x47a: {  	_ =	sfence.sel $0x180000  }
0x47b: {  	[bflag:$0x0] =	sbarrier.arrive $0xFFFF  }
0x47c: {  	_ =	strace $0x90000047  }
0x47d: {  	s0 =	stileid.u32;
	[bflag:$0x2] =	sbarrier.arrive $0xFFFF  }
0x47e: {  	p0 =	sne.s32 s0, $0x0;
	s0 =	rddreg [dreg:$0x3]  }
0x47f: {  	s0 =	sadd.s32 @!p0 $0x100000, s0  }
0x480: {  	[sflag:s0] =	ssyncadd.tile.s32 @!p0 $0x1;
	_ =	shalt  }
.Lfunc_end2:
_tile_overlayer_lowered:
.L_overlay_start_2:
0x481: {  	(tag) =	ssettag $0x2  }
0x482: {  	s0 =	rddreg [dreg:$0x0];
	s2 =	stileid.u32  }
0x483: {  	s1 =	rddreg [dreg:$0x1];
	p0 =	sne.s32 s2, $0x0  }
0x484: {  	s3 =	rddreg [dreg:$0x2];
	[bflag:$0x3] =	sbarrier.arrive $0xFFFF;
	s2 =	simm.s32 @!p0 $0x1C03  }
0x485: {  	[timem:s3], [sflag:s2] =	dma.local @!p0 [hbm:s0], s1  }
0x486: {  	s0 =	simm.s32 @!p0 $0x3  }
0x487: {  	_ =	swait.ge @!p0 [sflag:s0], s1  }
0x488: {  	s1 =	ssub.s32 @!p0 $0x0, s1;
	[sflag:s0] =	ssyncset.done @!p0 $0x0  }
0x489: {  	[sflag:s0] =	ssyncadd.s32 @!p0 s1  }
0x48a: {  	[bflag:$0x3] =	sbarrier.arrive $0xFFFF  }
0x48b: {  	_ =	shalt  }

</sc_bundles>
